<compile_context>
chip_gen: v7x
topology: tpu7x:2x2x1
jax: 0.10.2.dev20260603
libtpu: 0.0.44.dev20260713+nightly
codegen_flags: <defaults>
</compile_context>

<pallas_src>
import functools

import jax
import jax.numpy as jnp
from jax import lax
from jax.experimental import pallas as pl
from jax.experimental.pallas import tpu as pltpu
from jax.experimental.pallas import tpu_sc as plsc

NUM_BINS = 1000
OUT_DIM = 64
B, S = 4096, 200
TOTAL = B * S * 4
NC, NS = 2, 16
NW = NC * NS
PER_W = TOTAL // NW
G = 128
NBUF = 10
BLK = NBUF * G
NBLK = PER_W // BLK


def _body(idx_hbm, table_hbm, out_hbm, idx_v, rows_v, gsem, ssem, isem):
    wid = lax.axis_index("s") * NC + lax.axis_index("c")
    base = wid * PER_W
    offs = lax.rem(lax.iota(jnp.int32, 16), 4) * NUM_BINS

    def add_offsets(q):
        for m in range(BLK // 16):
            sl = pl.ds(q * BLK + m * 16, 16)
            idx_v[sl] = idx_v[sl] + offs

    pltpu.sync_copy(idx_hbm.at[pl.ds(base, BLK)], idx_v.at[pl.ds(0, BLK)])
    pltpu.sync_copy(idx_hbm.at[pl.ds(base + BLK, BLK)], idx_v.at[pl.ds(BLK, BLK)])

    def block(kb2, q):
        kb = 2 * kb2 + q

        @pl.when(kb2 > 0)
        def _idx_ready():
            pltpu.make_async_copy(idx_hbm.at[pl.ds(0, BLK)],
                                  idx_v.at[pl.ds(q * BLK, BLK)],
                                  isem.at[q]).wait()

        add_offsets(q)

        for j in range(NBUF):
            g0 = kb * NBUF + j

            def _store_gm4():
                s4 = (j + 5) % NBUF
                pltpu.make_async_copy(table_hbm.at[idx_v.at[pl.ds(0, G)]],
                                      rows_v.at[s4], gsem.at[s4]).wait()
                row0 = base + (g0 - 5) * G
                pltpu.async_copy(rows_v.at[s4], out_hbm.at[pl.ds(row0, G)],
                                 ssem.at[s4])
            if j >= 5:
                _store_gm4()
            elif q > 0:
                _store_gm4()
            else:
                pl.when(kb2 > 0)(_store_gm4)

            def _drain():
                pltpu.make_async_copy(rows_v.at[j], out_hbm.at[pl.ds(0, G)],
                                      ssem.at[j]).wait()
            if q > 0:
                _drain()
            else:
                pl.when(kb2 > 0)(_drain)

            src = table_hbm.at[idx_v.at[pl.ds(q * BLK + j * G, G)]]
            pltpu.async_copy(src, rows_v.at[j], gsem.at[j])

            if j == 4:
                def _prefetch():
                    pltpu.async_copy(
                        idx_hbm.at[pl.ds(base + (kb + 1) * BLK, BLK)],
                        idx_v.at[pl.ds((1 - q) * BLK, BLK)], isem.at[1 - q])
                if q == 1:
                    pl.when(kb2 < NBLK // 2 - 1)(_prefetch)
                else:
                    pl.when(kb2 > 0)(_prefetch)

    def step(kb2, carry):
        block(kb2, 0)
        block(kb2, 1)
        return carry

    lax.fori_loop(0, NBLK // 2, step, 0)

    for j in range(5):
        s4 = (j + 5) % NBUF
        pltpu.make_async_copy(table_hbm.at[idx_v.at[pl.ds(0, G)]],
                              rows_v.at[s4], gsem.at[s4]).wait()
        row0 = base + (NBLK * NBUF - 5 + j) * G
        pltpu.async_copy(rows_v.at[s4], out_hbm.at[pl.ds(row0, G)], ssem.at[s4])
    for j in range(NBUF):
        pltpu.make_async_copy(rows_v.at[j], out_hbm.at[pl.ds(0, G)],
                              ssem.at[j]).wait()


@functools.partial(jax.jit, donate_argnums=())
def _gather(idx, table):
    mesh = plsc.VectorSubcoreMesh(core_axis_name="c", subcore_axis_name="s")
    return pl.kernel(
        _body,
        out_type=jax.ShapeDtypeStruct((TOTAL, OUT_DIM), jnp.float32),
        mesh=mesh,
        compiler_params=pltpu.CompilerParams(use_tc_tiling_on_sc=False),
        scratch_types=[
            pltpu.VMEM((2 * BLK,), jnp.int32),
            pltpu.VMEM((NBUF, G, OUT_DIM), jnp.float32),
            pltpu.SemaphoreType.DMA((NBUF,)),
            pltpu.SemaphoreType.DMA((NBUF,)),
            pltpu.SemaphoreType.DMA((2,)),
        ],
    )(idx, table)


def kernel(bbox, x_emb, y_emb, w_emb, h_emb):
    table = jnp.concatenate([x_emb, y_emb, w_emb, h_emb], axis=0)
    idx = bbox.astype(jnp.int32).reshape(TOTAL)
    out = _gather(idx, table)
    return out.reshape(B, S, 4 * OUT_DIM)

# --- scband reference (transcript-rebuilt; emitter-appended) ---
"""Pipeline reference for scband-bbox-encoder-21208548507944 (READ-ONLY COPY).

The authoritative reference and input builder live on the scoring server;
editing this copy changes nothing except your own understanding.
"""

import jax, jax.numpy as jnp
import numpy as np

NUM_BINS = 1000
OUT_DIM = 64
B, S = 4096, 200

def setup_inputs(seed: int = 0) -> dict:
    key = jax.random.key(seed)
    k_bbox, k_x, k_y, k_w, k_h = jax.random.split(key, 5)
    bbox = jax.random.randint(k_bbox, (B, S, 4), 0, NUM_BINS, dtype=jnp.int64 if jax.config.jax_enable_x64 else jnp.int32)
    x_emb = jax.random.normal(k_x, (NUM_BINS, OUT_DIM), dtype=jnp.float32)
    y_emb = jax.random.normal(k_y, (NUM_BINS, OUT_DIM), dtype=jnp.float32)
    w_emb = jax.random.normal(k_w, (NUM_BINS, OUT_DIM), dtype=jnp.float32)
    h_emb = jax.random.normal(k_h, (NUM_BINS, OUT_DIM), dtype=jnp.float32)
    return {"bbox": bbox, "x_emb": x_emb, "y_emb": y_emb, "w_emb": w_emb, "h_emb": h_emb}

def reference(bbox, x_emb, y_emb, w_emb, h_emb):
    # fusion == 'emb_concat': per-coordinate embedding lookup, then concat on last dim
    tables = [x_emb, y_emb, w_emb, h_emb]
    embs = []
    for i, table in enumerate(tables):
        idx = bbox[..., i]  # [B, S]
        embs.append(jnp.take(table, idx, axis=0))  # [B, S, OUT_DIM]
    emb = jnp.concatenate(embs, axis=-1)  # [B, S, 4*OUT_DIM]
    return emb

if __name__ == "__main__":
    import jax
    _d = setup_inputs()
    print(jax.jit(kernel)(*tuple(_d.values())))

</pallas_src>

<mosaic_0001>
#map = affine_map<(d0, d1) -> (0)>
#map1 = affine_map<(d0, d1) -> (0, 0)>
module attributes {stable_mosaic.version = 14 : i64} {
  func.func @_body(%arg0: i32, %arg1: i32, %arg2: memref<3276800xi32, #tpu.memory_space<hbm>>, %arg3: memref<4000x64xf32, #tpu.memory_space<hbm>>, %arg4: memref<3276800x64xf32, #tpu.memory_space<hbm>>, %arg5: memref<2560xi32, #tpu.memory_space<vmem>>, %arg6: memref<10x128x64xf32, #tpu.memory_space<vmem>>, %arg7: memref<10x!tpu.dma_semaphore, #tpu.memory_space<semaphore_mem>>, %arg8: memref<10x!tpu.dma_semaphore, #tpu.memory_space<semaphore_mem>>, %arg9: memref<2x!tpu.dma_semaphore, #tpu.memory_space<semaphore_mem>>) attributes {dimension_semantics = [#tpu.dimension_semantics<core_parallel>, #tpu.dimension_semantics<subcore_parallel>], iteration_bounds = array<i64: 2, 16>, scalar_prefetch = 0 : i64, scratch_operands = 5 : i64, tpu.core_type = #tpu.core_type<sc_vector_subcore>, window_params = [{transform_indices = #map}, {transform_indices = #map1}, {transform_indices = #map1}]} {
    %mul3A = arith.constant 2 : i32
    %mul3A_0 = arith.muli %arg1, %mul3A : i32
    %add3A = arith.addi %mul3A_0, %arg0 : i32
    %mul3A_1 = arith.constant 102400 : i32
    %mul3A_2 = arith.muli %add3A, %mul3A_1 : i32
    %iota3A = tpu.iota {dimensions = array<i32: 0>} : vector<16xi32>
    %rem3A = arith.constant 4 : i32
    %rem3A_3 = vector.broadcast %rem3A : i32 to vector<16xi32>
    %rem3A_4 = arith.remsi %iota3A, %rem3A_3 : vector<16xi32>
    %mul3A_5 = arith.constant 1000 : i32
    %mul3A_6 = vector.broadcast %mul3A_5 : i32 to vector<16xi32>
    %mul3A_7 = arith.muli %rem3A_4, %mul3A_6 : vector<16xi32>
    "tpu.region"() ({
      %run_scoped3A = tpu.sem_alloc : memref<!tpu.dma_semaphore, #tpu.memory_space<semaphore_mem>>
      %dma_start3A_348 = arith.constant 0 : i32
      %dma_start3A_349 = tpu.memref_slice %arg5[%dma_start3A_348] : memref<2560xi32, #tpu.memory_space<vmem>> -> memref<1280xi32, #tpu.memory_space<vmem>>
      %dma_start3A_350 = tpu.memref_slice %arg2[%mul3A_2] : memref<3276800xi32, #tpu.memory_space<hbm>> -> memref<1280xi32, #tpu.memory_space<hbm>>
      %dma_start3A_351 = arith.constant 0 : i32
      %dma_start3A_352 = tpu.memref_slice %arg5[%dma_start3A_351] : memref<2560xi32, #tpu.memory_space<vmem>> -> memref<1280xi32, #tpu.memory_space<vmem>>
      %dma_start3A_353 = tpu.memref_slice %arg2[%mul3A_2] : memref<3276800xi32, #tpu.memory_space<hbm>> -> memref<1280xi32, #tpu.memory_space<hbm>>
      tpu.enqueue_dma source(%dma_start3A_353 : memref<1280xi32, #tpu.memory_space<hbm>>) target(%dma_start3A_352 : memref<1280xi32, #tpu.memory_space<vmem>>) target_semaphore(%run_scoped3A : memref<!tpu.dma_semaphore, #tpu.memory_space<semaphore_mem>>)
      %dma_wait3A_354 = arith.constant 0 : i32
      %dma_wait3A_355 = tpu.memref_slice %arg5[%dma_wait3A_354] : memref<2560xi32, #tpu.memory_space<vmem>> -> memref<1280xi32, #tpu.memory_space<vmem>>
      %dma_wait3A_356 = tpu.memref_slice %arg2[%mul3A_2] : memref<3276800xi32, #tpu.memory_space<hbm>> -> memref<1280xi32, #tpu.memory_space<hbm>>
      %dma_wait3A_357 = arith.constant 0 : i32
      %dma_wait3A_358 = tpu.memref_slice %arg5[%dma_wait3A_357] : memref<2560xi32, #tpu.memory_space<vmem>> -> memref<1280xi32, #tpu.memory_space<vmem>>
      %dma_wait3A_359 = tpu.memref_slice %arg2[%mul3A_2] : memref<3276800xi32, #tpu.memory_space<hbm>> -> memref<1280xi32, #tpu.memory_space<hbm>>
      tpu.wait_dma2 semaphore(%run_scoped3A : memref<!tpu.dma_semaphore, #tpu.memory_space<semaphore_mem>>) src(%dma_wait3A_359 : memref<1280xi32, #tpu.memory_space<hbm>>) dst(%dma_wait3A_358 : memref<1280xi32, #tpu.memory_space<vmem>>)
      tpu.yield
    }) : () -> ()
    %add3A_8 = arith.constant 1280 : i32
    %add3A_9 = arith.addi %mul3A_2, %add3A_8 : i32
    "tpu.region"() ({
      %run_scoped3A = tpu.sem_alloc : memref<!tpu.dma_semaphore, #tpu.memory_space<semaphore_mem>>
      %dma_start3A_348 = arith.constant 1280 : i32
      %dma_start3A_349 = tpu.memref_slice %arg5[%dma_start3A_348] : memref<2560xi32, #tpu.memory_space<vmem>> -> memref<1280xi32, #tpu.memory_space<vmem>>
      %dma_start3A_350 = tpu.memref_slice %arg2[%add3A_9] : memref<3276800xi32, #tpu.memory_space<hbm>> -> memref<1280xi32, #tpu.memory_space<hbm>>
      %dma_start3A_351 = arith.constant 1280 : i32
      %dma_start3A_352 = tpu.memref_slice %arg5[%dma_start3A_351] : memref<2560xi32, #tpu.memory_space<vmem>> -> memref<1280xi32, #tpu.memory_space<vmem>>
      %dma_start3A_353 = tpu.memref_slice %arg2[%add3A_9] : memref<3276800xi32, #tpu.memory_space<hbm>> -> memref<1280xi32, #tpu.memory_space<hbm>>
      tpu.enqueue_dma source(%dma_start3A_353 : memref<1280xi32, #tpu.memory_space<hbm>>) target(%dma_start3A_352 : memref<1280xi32, #tpu.memory_space<vmem>>) target_semaphore(%run_scoped3A : memref<!tpu.dma_semaphore, #tpu.memory_space<semaphore_mem>>)
      %dma_wait3A_354 = arith.constant 1280 : i32
      %dma_wait3A_355 = tpu.memref_slice %arg5[%dma_wait3A_354] : memref<2560xi32, #tpu.memory_space<vmem>> -> memref<1280xi32, #tpu.memory_space<vmem>>
      %dma_wait3A_356 = tpu.memref_slice %arg2[%add3A_9] : memref<3276800xi32, #tpu.memory_space<hbm>> -> memref<1280xi32, #tpu.memory_space<hbm>>
      %dma_wait3A_357 = arith.constant 1280 : i32
      %dma_wait3A_358 = tpu.memref_slice %arg5[%dma_wait3A_357] : memref<2560xi32, #tpu.memory_space<vmem>> -> memref<1280xi32, #tpu.memory_space<vmem>>
      %dma_wait3A_359 = tpu.memref_slice %arg2[%add3A_9] : memref<3276800xi32, #tpu.memory_space<hbm>> -> memref<1280xi32, #tpu.memory_space<hbm>>
      tpu.wait_dma2 semaphore(%run_scoped3A : memref<!tpu.dma_semaphore, #tpu.memory_space<semaphore_mem>>) src(%dma_wait3A_359 : memref<1280xi32, #tpu.memory_space<hbm>>) dst(%dma_wait3A_358 : memref<1280xi32, #tpu.memory_space<vmem>>)
      tpu.yield
    }) : () -> ()
    %scan3A = arith.constant 0 : i32
    %scan3A_10 = arith.constant 0 : i32
    %scan3A_11 = arith.constant 40 : i32
    %scan3A_12 = arith.addi %scan3A_10, %scan3A_11 : i32
    %scan3A_13 = arith.constant 1 : i32
    scf.for %scan3A_348 = %scan3A_10 to %scan3A_12 step %scan3A_13  : i32 {
      %mul3A_349 = arith.constant 2 : i32
      %mul3A_350 = arith.muli %mul3A_349, %scan3A_348 : i32
      %add3A_351 = arith.constant 0 : i32
      %add3A_352 = arith.addi %mul3A_350, %add3A_351 : i32
      %gt3A = arith.constant 0 : i32
      %gt3A_353 = arith.cmpi sgt, %scan3A_348, %gt3A : i32
      %convert_element_type3A = arith.extui %gt3A_353 : i1 to i32
      %cond3A = arith.constant 0 : i32
      %cond3A_354 = arith.cmpi ne, %convert_element_type3A, %cond3A : i32
      scf.if %cond3A_354 {
        %dma_wait3A_2755 = arith.constant 0 : i32
        %dma_wait3A_2756 = arith.constant 0 : i32
        %dma_wait3A_2757 = tpu.memref_slice %arg5[%dma_wait3A_2756] : memref<2560xi32, #tpu.memory_space<vmem>> -> memref<1280xi32, #tpu.memory_space<vmem>>
        %dma_wait3A_2758 = arith.constant 0 : i32
        %dma_wait3A_2759 = tpu.memref_slice %arg2[%dma_wait3A_2758] : memref<3276800xi32, #tpu.memory_space<hbm>> -> memref<1280xi32, #tpu.memory_space<hbm>>
        %dma_wait3A_2760 = tpu.memref_slice %arg9[%dma_wait3A_2755] : memref<2x!tpu.dma_semaphore, #tpu.memory_space<semaphore_mem>> -> memref<1x!tpu.dma_semaphore, #tpu.memory_space<semaphore_mem>>
        %dma_wait3A_2761 = tpu.memref_squeeze %dma_wait3A_2760 : memref<1x!tpu.dma_semaphore, #tpu.memory_space<semaphore_mem>> -> memref<!tpu.dma_semaphore, #tpu.memory_space<semaphore_mem>>
        %dma_wait3A_2762 = arith.constant 0 : i32
        %dma_wait3A_2763 = tpu.memref_slice %arg5[%dma_wait3A_2762] : memref<2560xi32, #tpu.memory_space<vmem>> -> memref<1280xi32, #tpu.memory_space<vmem>>
        %dma_wait3A_2764 = arith.constant 0 : i32
        %dma_wait3A_2765 = tpu.memref_slice %arg2[%dma_wait3A_2764] : memref<3276800xi32, #tpu.memory_space<hbm>> -> memref<1280xi32, #tpu.memory_space<hbm>>
        tpu.wait_dma2 semaphore(%dma_wait3A_2761 : memref<!tpu.dma_semaphore, #tpu.memory_space<semaphore_mem>>) src(%dma_wait3A_2765 : memref<1280xi32, #tpu.memory_space<hbm>>) dst(%dma_wait3A_2763 : memref<1280xi32, #tpu.memory_space<vmem>>)
      } else {
      }
      %get3A = arith.constant 0 : index
      %get3A_355 = tpu.vector_load %arg5[%get3A] {strides = array<i32>} : memref<2560xi32, #tpu.memory_space<vmem>>, vector<16xi32>,
      %get3A_356 = vector.shape_cast %get3A_355 : vector<16xi32> to vector<16xi32>
      %add3A_357 = arith.addi %get3A_356, %mul3A_7 : vector<16xi32>
      %swap3A = arith.constant 0 : index
      %swap3A_358 = tpu.vector_load %arg5[%swap3A] {strides = array<i32>} : memref<2560xi32, #tpu.memory_space<vmem>>, vector<16xi32>,
      %swap3A_359 = vector.shape_cast %swap3A_358 : vector<16xi32> to vector<16xi32>
      %swap3A_360 = vector.shape_cast %add3A_357 : vector<16xi32> to vector<16xi32>
      tpu.vector_store %arg5[%swap3A], %swap3A_360 {strides = array<i32>} : memref<2560xi32, #tpu.memory_space<vmem>>, vector<16xi32>,
      %get3A_361 = arith.constant 16 : index
      %get3A_362 = tpu.vector_load %arg5[%get3A_361] {strides = array<i32>} : memref<2560xi32, #tpu.memory_space<vmem>>, vector<16xi32>,
      %get3A_363 = vector.shape_cast %get3A_362 : vector<16xi32> to vector<16xi32>
      %add3A_364 = arith.addi %get3A_363, %mul3A_7 : vector<16xi32>
      %swap3A_365 = arith.constant 16 : index
      %swap3A_366 = tpu.vector_load %arg5[%swap3A_365] {strides = array<i32>} : memref<2560xi32, #tpu.memory_space<vmem>>, vector<16xi32>,
      %swap3A_367 = vector.shape_cast %swap3A_366 : vector<16xi32> to vector<16xi32>
      %swap3A_368 = vector.shape_cast %add3A_364 : vector<16xi32> to vector<16xi32>
      tpu.vector_store %arg5[%swap3A_365], %swap3A_368 {strides = array<i32>} : memref<2560xi32, #tpu.memory_space<vmem>>, vector<16xi32>,
      %get3A_369 = arith.constant 32 : index
      %get3A_370 = tpu.vector_load %arg5[%get3A_369] {strides = array<i32>} : memref<2560xi32, #tpu.memory_space<vmem>>, vector<16xi32>,
      %get3A_371 = vector.shape_cast %get3A_370 : vector<16xi32> to vector<16xi32>
      %add3A_372 = arith.addi %get3A_371, %mul3A_7 : vector<16xi32>
      %swap3A_373 = arith.constant 32 : index
      %swap3A_374 = tpu.vector_load %arg5[%swap3A_373] {strides = array<i32>} : memref<2560xi32, #tpu.memory_space<vmem>>, vector<16xi32>,
      %swap3A_375 = vector.shape_cast %swap3A_374 : vector<16xi32> to vector<16xi32>
      %swap3A_376 = vector.shape_cast %add3A_372 : vector<16xi32> to vector<16xi32>
      tpu.vector_store %arg5[%swap3A_373], %swap3A_376 {strides = array<i32>} : memref<2560xi32, #tpu.memory_space<vmem>>, vector<16xi32>,
      %get3A_377 = arith.constant 48 : index
      %get3A_378 = tpu.vector_load %arg5[%get3A_377] {strides = array<i32>} : memref<2560xi32, #tpu.memory_space<vmem>>, vector<16xi32>,
      %get3A_379 = vector.shape_cast %get3A_378 : vector<16xi32> to vector<16xi32>
      %add3A_380 = arith.addi %get3A_379, %mul3A_7 : vector<16xi32>
      %swap3A_381 = arith.constant 48 : index
      %swap3A_382 = tpu.vector_load %arg5[%swap3A_381] {strides = array<i32>} : memref<2560xi32, #tpu.memory_space<vmem>>, vector<16xi32>,
      %swap3A_383 = vector.shape_cast %swap3A_382 : vector<16xi32> to vector<16xi32>
      %swap3A_384 = vector.shape_cast %add3A_380 : vector<16xi32> to vector<16xi32>
      tpu.vector_store %arg5[%swap3A_381], %swap3A_384 {strides = array<i32>} : memref<2560xi32, #tpu.memory_space<vmem>>, vector<16xi32>,
      %get3A_385 = arith.constant 64 : index
      %get3A_386 = tpu.vector_load %arg5[%get3A_385] {strides = array<i32>} : memref<2560xi32, #tpu.memory_space<vmem>>, vector<16xi32>,
      %get3A_387 = vector.shape_cast %get3A_386 : vector<16xi32> to vector<16xi32>
      %add3A_388 = arith.addi %get3A_387, %mul3A_7 : vector<16xi32>
      %swap3A_389 = arith.constant 64 : index
      %swap3A_390 = tpu.vector_load %arg5[%swap3A_389] {strides = array<i32>} : memref<2560xi32, #tpu.memory_space<vmem>>, vector<16xi32>,
      %swap3A_391 = vector.shape_cast %swap3A_390 : vector<16xi32> to vector<16xi32>
      %swap3A_392 = vector.shape_cast %add3A_388 : vector<16xi32> to vector<16xi32>
      tpu.vector_store %arg5[%swap3A_389], %swap3A_392 {strides = array<i32>} : memref<2560xi32, #tpu.memory_space<vmem>>, vector<16xi32>,
      %get3A_393 = arith.constant 80 : index
      %get3A_394 = tpu.vector_load %arg5[%get3A_393] {strides = array<i32>} : memref<2560xi32, #tpu.memory_space<vmem>>, vector<16xi32>,
      %get3A_395 = vector.shape_cast %get3A_394 : vector<16xi32> to vector<16xi32>
      %add3A_396 = arith.addi %get3A_395, %mul3A_7 : vector<16xi32>
      %swap3A_397 = arith.constant 80 : index
      %swap3A_398 = tpu.vector_load %arg5[%swap3A_397] {strides = array<i32>} : memref<2560xi32, #tpu.memory_space<vmem>>, vector<16xi32>,
      %swap3A_399 = vector.shape_cast %swap3A_398 : vector<16xi32> to vector<16xi32>
      %swap3A_400 = vector.shape_cast %add3A_396 : vector<16xi32> to vector<16xi32>
      tpu.vector_store %arg5[%swap3A_397], %swap3A_400 {strides = array<i32>} : memref<2560xi32, #tpu.memory_space<vmem>>, vector<16xi32>,
      %get3A_401 = arith.constant 96 : index
      %get3A_402 = tpu.vector_load %arg5[%get3A_401] {strides = array<i32>} : memref<2560xi32, #tpu.memory_space<vmem>>, vector<16xi32>,
      %get3A_403 = vector.shape_cast %get3A_402 : vector<16xi32> to vector<16xi32>
      %add3A_404 = arith.addi %get3A_403, %mul3A_7 : vector<16xi32>
      %swap3A_405 = arith.constant 96 : index
      %swap3A_406 = tpu.vector_load %arg5[%swap3A_405] {strides = array<i32>} : memref<2560xi32, #tpu.memory_space<vmem>>, vector<16xi32>,
      %swap3A_407 = vector.shape_cast %swap3A_406 : vector<16xi32> to vector<16xi32>
      %swap3A_408 = vector.shape_cast %add3A_404 : vector<16xi32> to vector<16xi32>
      tpu.vector_store %arg5[%swap3A_405], %swap3A_408 {strides = array<i32>} : memref<2560xi32, #tpu.memory_space<vmem>>, vector<16xi32>,
      %get3A_409 = arith.constant 112 : index
      %get3A_410 = tpu.vector_load %arg5[%get3A_409] {strides = array<i32>} : memref<2560xi32, #tpu.memory_space<vmem>>, vector<16xi32>,
      %get3A_411 = vector.shape_cast %get3A_410 : vector<16xi32> to vector<16xi32>
      %add3A_412 = arith.addi %get3A_411, %mul3A_7 : vector<16xi32>
      %swap3A_413 = arith.constant 112 : index
      %swap3A_414 = tpu.vector_load %arg5[%swap3A_413] {strides = array<i32>} : memref<2560xi32, #tpu.memory_space<vmem>>, vector<16xi32>,
      %swap3A_415 = vector.shape_cast %swap3A_414 : vector<16xi32> to vector<16xi32>
      %swap3A_416 = vector.shape_cast %add3A_412 : vector<16xi32> to vector<16xi32>
      tpu.vector_store %arg5[%swap3A_413], %swap3A_416 {strides = array<i32>} : memref<2560xi32, #tpu.memory_space<vmem>>, vector<16xi32>,
      %get3A_417 = arith.constant 128 : index
      %get3A_418 = tpu.vector_load %arg5[%get3A_417] {strides = array<i32>} : memref<2560xi32, #tpu.memory_space<vmem>>, vector<16xi32>,
      %get3A_419 = vector.shape_cast %get3A_418 : vector<16xi32> to vector<16xi32>
      %add3A_420 = arith.addi %get3A_419, %mul3A_7 : vector<16xi32>
      %swap3A_421 = arith.constant 128 : index
      %swap3A_422 = tpu.vector_load %arg5[%swap3A_421] {strides = array<i32>} : memref<2560xi32, #tpu.memory_space<vmem>>, vector<16xi32>,
      %swap3A_423 = vector.shape_cast %swap3A_422 : vector<16xi32> to vector<16xi32>
      %swap3A_424 = vector.shape_cast %add3A_420 : vector<16xi32> to vector<16xi32>
      tpu.vector_store %arg5[%swap3A_421], %swap3A_424 {strides = array<i32>} : memref<2560xi32, #tpu.memory_space<vmem>>, vector<16xi32>,
      %get3A_425 = arith.constant 144 : index
      %get3A_426 = tpu.vector_load %arg5[%get3A_425] {strides = array<i32>} : memref<2560xi32, #tpu.memory_space<vmem>>, vector<16xi32>,
      %get3A_427 = vector.shape_cast %get3A_426 : vector<16xi32> to vector<16xi32>
      %add3A_428 = arith.addi %get3A_427, %mul3A_7 : vector<16xi32>
      %swap3A_429 = arith.constant 144 : index
      %swap3A_430 = tpu.vector_load %arg5[%swap3A_429] {strides = array<i32>} : memref<2560xi32, #tpu.memory_space<vmem>>, vector<16xi32>,
      %swap3A_431 = vector.shape_cast %swap3A_430 : vector<16xi32> to vector<16xi32>
      %swap3A_432 = vector.shape_cast %add3A_428 : vector<16xi32> to vector<16xi32>
      tpu.vector_store %arg5[%swap3A_429], %swap3A_432 {strides = array<i32>} : memref<2560xi32, #tpu.memory_space<vmem>>, vector<16xi32>,
      %get3A_433 = arith.constant 160 : index
      %get3A_434 = tpu.vector_load %arg5[%get3A_433] {strides = array<i32>} : memref<2560xi32, #tpu.memory_space<vmem>>, vector<16xi32>,
      %get3A_435 = vector.shape_cast %get3A_434 : vector<16xi32> to vector<16xi32>
      %add3A_436 = arith.addi %get3A_435, %mul3A_7 : vector<16xi32>
      %swap3A_437 = arith.constant 160 : index
      %swap3A_438 = tpu.vector_load %arg5[%swap3A_437] {strides = array<i32>} : memref<2560xi32, #tpu.memory_space<vmem>>, vector<16xi32>,
      %swap3A_439 = vector.shape_cast %swap3A_438 : vector<16xi32> to vector<16xi32>
      %swap3A_440 = vector.shape_cast %add3A_436 : vector<16xi32> to vector<16xi32>
      tpu.vector_store %arg5[%swap3A_437], %swap3A_440 {strides = array<i32>} : memref<2560xi32, #tpu.memory_space<vmem>>, vector<16xi32>,
      %get3A_441 = arith.constant 176 : index
      %get3A_442 = tpu.vector_load %arg5[%get3A_441] {strides = array<i32>} : memref<2560xi32, #tpu.memory_space<vmem>>, vector<16xi32>,
      %get3A_443 = vector.shape_cast %get3A_442 : vector<16xi32> to vector<16xi32>
      %add3A_444 = arith.addi %get3A_443, %mul3A_7 : vector<16xi32>
      %swap3A_445 = arith.constant 176 : index
      %swap3A_446 = tpu.vector_load %arg5[%swap3A_445] {strides = array<i32>} : memref<2560xi32, #tpu.memory_space<vmem>>, vector<16xi32>,
      %swap3A_447 = vector.shape_cast %swap3A_446 : vector<16xi32> to vector<16xi32>
      %swap3A_448 = vector.shape_cast %add3A_444 : vector<16xi32> to vector<16xi32>
      tpu.vector_store %arg5[%swap3A_445], %swap3A_448 {strides = array<i32>} : memref<2560xi32, #tpu.memory_space<vmem>>, vector<16xi32>,
      %get3A_449 = arith.constant 192 : index
      %get3A_450 = tpu.vector_load %arg5[%get3A_449] {strides = array<i32>} : memref<2560xi32, #tpu.memory_space<vmem>>, vector<16xi32>,
      %get3A_451 = vector.shape_cast %get3A_450 : vector<16xi32> to vector<16xi32>
      %add3A_452 = arith.addi %get3A_451, %mul3A_7 : vector<16xi32>
      %swap3A_453 = arith.constant 192 : index
      %swap3A_454 = tpu.vector_load %arg5[%swap3A_453] {strides = array<i32>} : memref<2560xi32, #tpu.memory_space<vmem>>, vector<16xi32>,
      %swap3A_455 = vector.shape_cast %swap3A_454 : vector<16xi32> to vector<16xi32>
      %swap3A_456 = vector.shape_cast %add3A_452 : vector<16xi32> to vector<16xi32>
      tpu.vector_store %arg5[%swap3A_453], %swap3A_456 {strides = array<i32>} : memref<2560xi32, #tpu.memory_space<vmem>>, vector<16xi32>,
      %get3A_457 = arith.constant 208 : index
      %get3A_458 = tpu.vector_load %arg5[%get3A_457] {strides = array<i32>} : memref<2560xi32, #tpu.memory_space<vmem>>, vector<16xi32>,
      %get3A_459 = vector.shape_cast %get3A_458 : vector<16xi32> to vector<16xi32>
      %add3A_460 = arith.addi %get3A_459, %mul3A_7 : vector<16xi32>
      %swap3A_461 = arith.constant 208 : index
      %swap3A_462 = tpu.vector_load %arg5[%swap3A_461] {strides = array<i32>} : memref<2560xi32, #tpu.memory_space<vmem>>, vector<16xi32>,
      %swap3A_463 = vector.shape_cast %swap3A_462 : vector<16xi32> to vector<16xi32>
      %swap3A_464 = vector.shape_cast %add3A_460 : vector<16xi32> to vector<16xi32>
      tpu.vector_store %arg5[%swap3A_461], %swap3A_464 {strides = array<i32>} : memref<2560xi32, #tpu.memory_space<vmem>>, vector<16xi32>,
      %get3A_465 = arith.constant 224 : index
      %get3A_466 = tpu.vector_load %arg5[%get3A_465] {strides = array<i32>} : memref<2560xi32, #tpu.memory_space<vmem>>, vector<16xi32>,
      %get3A_467 = vector.shape_cast %get3A_466 : vector<16xi32> to vector<16xi32>
      %add3A_468 = arith.addi %get3A_467, %mul3A_7 : vector<16xi32>
      %swap3A_469 = arith.constant 224 : index
      %swap3A_470 = tpu.vector_load %arg5[%swap3A_469] {strides = array<i32>} : memref<2560xi32, #tpu.memory_space<vmem>>, vector<16xi32>,
      %swap3A_471 = vector.shape_cast %swap3A_470 : vector<16xi32> to vector<16xi32>
      %swap3A_472 = vector.shape_cast %add3A_468 : vector<16xi32> to vector<16xi32>
      tpu.vector_store %arg5[%swap3A_469], %swap3A_472 {strides = array<i32>} : memref<2560xi32, #tpu.memory_space<vmem>>, vector<16xi32>,
      %get3A_473 = arith.constant 240 : index
      %get3A_474 = tpu.vector_load %arg5[%get3A_473] {strides = array<i32>} : memref<2560xi32, #tpu.memory_space<vmem>>, vector<16xi32>,
      %get3A_475 = vector.shape_cast %get3A_474 : vector<16xi32> to vector<16xi32>
      %add3A_476 = arith.addi %get3A_475, %mul3A_7 : vector<16xi32>
      %swap3A_477 = arith.constant 240 : index
      %swap3A_478 = tpu.vector_load %arg5[%swap3A_477] {strides = array<i32>} : memref<2560xi32, #tpu.memory_space<vmem>>, vector<16xi32>,
      %swap3A_479 = vector.shape_cast %swap3A_478 : vector<16xi32> to vector<16xi32>
      %swap3A_480 = vector.shape_cast %add3A_476 : vector<16xi32> to vector<16xi32>
      tpu.vector_store %arg5[%swap3A_477], %swap3A_480 {strides = array<i32>} : memref<2560xi32, #tpu.memory_space<vmem>>, vector<16xi32>,
      %get3A_481 = arith.constant 256 : index
      %get3A_482 = tpu.vector_load %arg5[%get3A_481] {strides = array<i32>} : memref<2560xi32, #tpu.memory_space<vmem>>, vector<16xi32>,
      %get3A_483 = vector.shape_cast %get3A_482 : vector<16xi32> to vector<16xi32>
      %add3A_484 = arith.addi %get3A_483, %mul3A_7 : vector<16xi32>
      %swap3A_485 = arith.constant 256 : index
      %swap3A_486 = tpu.vector_load %arg5[%swap3A_485] {strides = array<i32>} : memref<2560xi32, #tpu.memory_space<vmem>>, vector<16xi32>,
      %swap3A_487 = vector.shape_cast %swap3A_486 : vector<16xi32> to vector<16xi32>
      %swap3A_488 = vector.shape_cast %add3A_484 : vector<16xi32> to vector<16xi32>
      tpu.vector_store %arg5[%swap3A_485], %swap3A_488 {strides = array<i32>} : memref<2560xi32, #tpu.memory_space<vmem>>, vector<16xi32>,
      %get3A_489 = arith.constant 272 : index
      %get3A_490 = tpu.vector_load %arg5[%get3A_489] {strides = array<i32>} : memref<2560xi32, #tpu.memory_space<vmem>>, vector<16xi32>,
      %get3A_491 = vector.shape_cast %get3A_490 : vector<16xi32> to vector<16xi32>
      %add3A_492 = arith.addi %get3A_491, %mul3A_7 : vector<16xi32>
      %swap3A_493 = arith.constant 272 : index
      %swap3A_494 = tpu.vector_load %arg5[%swap3A_493] {strides = array<i32>} : memref<2560xi32, #tpu.memory_space<vmem>>, vector<16xi32>,
      %swap3A_495 = vector.shape_cast %swap3A_494 : vector<16xi32> to vector<16xi32>
      %swap3A_496 = vector.shape_cast %add3A_492 : vector<16xi32> to vector<16xi32>
      tpu.vector_store %arg5[%swap3A_493], %swap3A_496 {strides = array<i32>} : memref<2560xi32, #tpu.memory_space<vmem>>, vector<16xi32>,
      %get3A_497 = arith.constant 288 : index
      %get3A_498 = tpu.vector_load %arg5[%get3A_497] {strides = array<i32>} : memref<2560xi32, #tpu.memory_space<vmem>>, vector<16xi32>,
      %get3A_499 = vector.shape_cast %get3A_498 : vector<16xi32> to vector<16xi32>
      %add3A_500 = arith.addi %get3A_499, %mul3A_7 : vector<16xi32>
      %swap3A_501 = arith.constant 288 : index
      %swap3A_502 = tpu.vector_load %arg5[%swap3A_501] {strides = array<i32>} : memref<2560xi32, #tpu.memory_space<vmem>>, vector<16xi32>,
      %swap3A_503 = vector.shape_cast %swap3A_502 : vector<16xi32> to vector<16xi32>
      %swap3A_504 = vector.shape_cast %add3A_500 : vector<16xi32> to vector<16xi32>
      tpu.vector_store %arg5[%swap3A_501], %swap3A_504 {strides = array<i32>} : memref<2560xi32, #tpu.memory_space<vmem>>, vector<16xi32>,
      %get3A_505 = arith.constant 304 : index
      %get3A_506 = tpu.vector_load %arg5[%get3A_505] {strides = array<i32>} : memref<2560xi32, #tpu.memory_space<vmem>>, vector<16xi32>,
      %get3A_507 = vector.shape_cast %get3A_506 : vector<16xi32> to vector<16xi32>
      %add3A_508 = arith.addi %get3A_507, %mul3A_7 : vector<16xi32>
      %swap3A_509 = arith.constant 304 : index
      %swap3A_510 = tpu.vector_load %arg5[%swap3A_509] {strides = array<i32>} : memref<2560xi32, #tpu.memory_space<vmem>>, vector<16xi32>,
      %swap3A_511 = vector.shape_cast %swap3A_510 : vector<16xi32> to vector<16xi32>
      %swap3A_512 = vector.shape_cast %add3A_508 : vector<16xi32> to vector<16xi32>
      tpu.vector_store %arg5[%swap3A_509], %swap3A_512 {strides = array<i32>} : memref<2560xi32, #tpu.memory_space<vmem>>, vector<16xi32>,
      %get3A_513 = arith.constant 320 : index
      %get3A_514 = tpu.vector_load %arg5[%get3A_513] {strides = array<i32>} : memref<2560xi32, #tpu.memory_space<vmem>>, vector<16xi32>,
      %get3A_515 = vector.shape_cast %get3A_514 : vector<16xi32> to vector<16xi32>
      %add3A_516 = arith.addi %get3A_515, %mul3A_7 : vector<16xi32>
      %swap3A_517 = arith.constant 320 : index
      %swap3A_518 = tpu.vector_load %arg5[%swap3A_517] {strides = array<i32>} : memref<2560xi32, #tpu.memory_space<vmem>>, vector<16xi32>,
      %swap3A_519 = vector.shape_cast %swap3A_518 : vector<16xi32> to vector<16xi32>
      %swap3A_520 = vector.shape_cast %add3A_516 : vector<16xi32> to vector<16xi32>
      tpu.vector_store %arg5[%swap3A_517], %swap3A_520 {strides = array<i32>} : memref<2560xi32, #tpu.memory_space<vmem>>, vector<16xi32>,
      %get3A_521 = arith.constant 336 : index
      %get3A_522 = tpu.vector_load %arg5[%get3A_521] {strides = array<i32>} : memref<2560xi32, #tpu.memory_space<vmem>>, vector<16xi32>,
      %get3A_523 = vector.shape_cast %get3A_522 : vector<16xi32> to vector<16xi32>
      %add3A_524 = arith.addi %get3A_523, %mul3A_7 : vector<16xi32>
      %swap3A_525 = arith.constant 336 : index
      %swap3A_526 = tpu.vector_load %arg5[%swap3A_525] {strides = array<i32>} : memref<2560xi32, #tpu.memory_space<vmem>>, vector<16xi32>,
      %swap3A_527 = vector.shape_cast %swap3A_526 : vector<16xi32> to vector<16xi32>
      %swap3A_528 = vector.shape_cast %add3A_524 : vector<16xi32> to vector<16xi32>
      tpu.vector_store %arg5[%swap3A_525], %swap3A_528 {strides = array<i32>} : memref<2560xi32, #tpu.memory_space<vmem>>, vector<16xi32>,
      %get3A_529 = arith.constant 352 : index
      %get3A_530 = tpu.vector_load %arg5[%get3A_529] {strides = array<i32>} : memref<2560xi32, #tpu.memory_space<vmem>>, vector<16xi32>,
      %get3A_531 = vector.shape_cast %get3A_530 : vector<16xi32> to vector<16xi32>
      %add3A_532 = arith.addi %get3A_531, %mul3A_7 : vector<16xi32>
      %swap3A_533 = arith.constant 352 : index
      %swap3A_534 = tpu.vector_load %arg5[%swap3A_533] {strides = array<i32>} : memref<2560xi32, #tpu.memory_space<vmem>>, vector<16xi32>,
      %swap3A_535 = vector.shape_cast %swap3A_534 : vector<16xi32> to vector<16xi32>
      %swap3A_536 = vector.shape_cast %add3A_532 : vector<16xi32> to vector<16xi32>
      tpu.vector_store %arg5[%swap3A_533], %swap3A_536 {strides = array<i32>} : memref<2560xi32, #tpu.memory_space<vmem>>, vector<16xi32>,
      %get3A_537 = arith.constant 368 : index
      %get3A_538 = tpu.vector_load %arg5[%get3A_537] {strides = array<i32>} : memref<2560xi32, #tpu.memory_space<vmem>>, vector<16xi32>,
      %get3A_539 = vector.shape_cast %get3A_538 : vector<16xi32> to vector<16xi32>
      %add3A_540 = arith.addi %get3A_539, %mul3A_7 : vector<16xi32>
      %swap3A_541 = arith.constant 368 : index
      %swap3A_542 = tpu.vector_load %arg5[%swap3A_541] {strides = array<i32>} : memref<2560xi32, #tpu.memory_space<vmem>>, vector<16xi32>,
      %swap3A_543 = vector.shape_cast %swap3A_542 : vector<16xi32> to vector<16xi32>
      %swap3A_544 = vector.shape_cast %add3A_540 : vector<16xi32> to vector<16xi32>
      tpu.vector_store %arg5[%swap3A_541], %swap3A_544 {strides = array<i32>} : memref<2560xi32, #tpu.memory_space<vmem>>, vector<16xi32>,
      %get3A_545 = arith.constant 384 : index
      %get3A_546 = tpu.vector_load %arg5[%get3A_545] {strides = array<i32>} : memref<2560xi32, #tpu.memory_space<vmem>>, vector<16xi32>,
      %get3A_547 = vector.shape_cast %get3A_546 : vector<16xi32> to vector<16xi32>
      %add3A_548 = arith.addi %get3A_547, %mul3A_7 : vector<16xi32>
      %swap3A_549 = arith.constant 384 : index
      %swap3A_550 = tpu.vector_load %arg5[%swap3A_549] {strides = array<i32>} : memref<2560xi32, #tpu.memory_space<vmem>>, vector<16xi32>,
      %swap3A_551 = vector.shape_cast %swap3A_550 : vector<16xi32> to vector<16xi32>
      %swap3A_552 = vector.shape_cast %add3A_548 : vector<16xi32> to vector<16xi32>
      tpu.vector_store %arg5[%swap3A_549], %swap3A_552 {strides = array<i32>} : memref<2560xi32, #tpu.memory_space<vmem>>, vector<16xi32>,
      %get3A_553 = arith.constant 400 : index
      %get3A_554 = tpu.vector_load %arg5[%get3A_553] {strides = array<i32>} : memref<2560xi32, #tpu.memory_space<vmem>>, vector<16xi32>,
      %get3A_555 = vector.shape_cast %get3A_554 : vector<16xi32> to vector<16xi32>
      %add3A_556 = arith.addi %get3A_555, %mul3A_7 : vector<16xi32>
      %swap3A_557 = arith.constant 400 : index
      %swap3A_558 = tpu.vector_load %arg5[%swap3A_557] {strides = array<i32>} : memref<2560xi32, #tpu.memory_space<vmem>>, vector<16xi32>,
      %swap3A_559 = vector.shape_cast %swap3A_558 : vector<16xi32> to vector<16xi32>
      %swap3A_560 = vector.shape_cast %add3A_556 : vector<16xi32> to vector<16xi32>
      tpu.vector_store %arg5[%swap3A_557], %swap3A_560 {strides = array<i32>} : memref<2560xi32, #tpu.memory_space<vmem>>, vector<16xi32>,
      %get3A_561 = arith.constant 416 : index
      %get3A_562 = tpu.vector_load %arg5[%get3A_561] {strides = array<i32>} : memref<2560xi32, #tpu.memory_space<vmem>>, vector<16xi32>,
      %get3A_563 = vector.shape_cast %get3A_562 : vector<16xi32> to vector<16xi32>
      %add3A_564 = arith.addi %get3A_563, %mul3A_7 : vector<16xi32>
      %swap3A_565 = arith.constant 416 : index
      %swap3A_566 = tpu.vector_load %arg5[%swap3A_565] {strides = array<i32>} : memref<2560xi32, #tpu.memory_space<vmem>>, vector<16xi32>,
      %swap3A_567 = vector.shape_cast %swap3A_566 : vector<16xi32> to vector<16xi32>
      %swap3A_568 = vector.shape_cast %add3A_564 : vector<16xi32> to vector<16xi32>
      tpu.vector_store %arg5[%swap3A_565], %swap3A_568 {strides = array<i32>} : memref<2560xi32, #tpu.memory_space<vmem>>, vector<16xi32>,
      %get3A_569 = arith.constant 432 : index
      %get3A_570 = tpu.vector_load %arg5[%get3A_569] {strides = array<i32>} : memref<2560xi32, #tpu.memory_space<vmem>>, vector<16xi32>,
      %get3A_571 = vector.shape_cast %get3A_570 : vector<16xi32> to vector<16xi32>
      %add3A_572 = arith.addi %get3A_571, %mul3A_7 : vector<16xi32>
      %swap3A_573 = arith.constant 432 : index
      %swap3A_574 = tpu.vector_load %arg5[%swap3A_573] {strides = array<i32>} : memref<2560xi32, #tpu.memory_space<vmem>>, vector<16xi32>,
      %swap3A_575 = vector.shape_cast %swap3A_574 : vector<16xi32> to vector<16xi32>
      %swap3A_576 = vector.shape_cast %add3A_572 : vector<16xi32> to vector<16xi32>
      tpu.vector_store %arg5[%swap3A_573], %swap3A_576 {strides = array<i32>} : memref<2560xi32, #tpu.memory_space<vmem>>, vector<16xi32>,
      %get3A_577 = arith.constant 448 : index
      %get3A_578 = tpu.vector_load %arg5[%get3A_577] {strides = array<i32>} : memref<2560xi32, #tpu.memory_space<vmem>>, vector<16xi32>,
      %get3A_579 = vector.shape_cast %get3A_578 : vector<16xi32> to vector<16xi32>
      %add3A_580 = arith.addi %get3A_579, %mul3A_7 : vector<16xi32>
      %swap3A_581 = arith.constant 448 : index
      %swap3A_582 = tpu.vector_load %arg5[%swap3A_581] {strides = array<i32>} : memref<2560xi32, #tpu.memory_space<vmem>>, vector<16xi32>,
      %swap3A_583 = vector.shape_cast %swap3A_582 : vector<16xi32> to vector<16xi32>
      %swap3A_584 = vector.shape_cast %add3A_580 : vector<16xi32> to vector<16xi32>
      tpu.vector_store %arg5[%swap3A_581], %swap3A_584 {strides = array<i32>} : memref<2560xi32, #tpu.memory_space<vmem>>, vector<16xi32>,
      %get3A_585 = arith.constant 464 : index
      %get3A_586 = tpu.vector_load %arg5[%get3A_585] {strides = array<i32>} : memref<2560xi32, #tpu.memory_space<vmem>>, vector<16xi32>,
      %get3A_587 = vector.shape_cast %get3A_586 : vector<16xi32> to vector<16xi32>
      %add3A_588 = arith.addi %get3A_587, %mul3A_7 : vector<16xi32>
      %swap3A_589 = arith.constant 464 : index
      %swap3A_590 = tpu.vector_load %arg5[%swap3A_589] {strides = array<i32>} : memref<2560xi32, #tpu.memory_space<vmem>>, vector<16xi32>,
      %swap3A_591 = vector.shape_cast %swap3A_590 : vector<16xi32> to vector<16xi32>
      %swap3A_592 = vector.shape_cast %add3A_588 : vector<16xi32> to vector<16xi32>
      tpu.vector_store %arg5[%swap3A_589], %swap3A_592 {strides = array<i32>} : memref<2560xi32, #tpu.memory_space<vmem>>, vector<16xi32>,
      %get3A_593 = arith.constant 480 : index
      %get3A_594 = tpu.vector_load %arg5[%get3A_593] {strides = array<i32>} : memref<2560xi32, #tpu.memory_space<vmem>>, vector<16xi32>,
      %get3A_595 = vector.shape_cast %get3A_594 : vector<16xi32> to vector<16xi32>
      %add3A_596 = arith.addi %get3A_595, %mul3A_7 : vector<16xi32>
      %swap3A_597 = arith.constant 480 : index
      %swap3A_598 = tpu.vector_load %arg5[%swap3A_597] {strides = array<i32>} : memref<2560xi32, #tpu.memory_space<vmem>>, vector<16xi32>,
      %swap3A_599 = vector.shape_cast %swap3A_598 : vector<16xi32> to vector<16xi32>
      %swap3A_600 = vector.shape_cast %add3A_596 : vector<16xi32> to vector<16xi32>
      tpu.vector_store %arg5[%swap3A_597], %swap3A_600 {strides = array<i32>} : memref<2560xi32, #tpu.memory_space<vmem>>, vector<16xi32>,
      %get3A_601 = arith.constant 496 : index
      %get3A_602 = tpu.vector_load %arg5[%get3A_601] {strides = array<i32>} : memref<2560xi32, #tpu.memory_space<vmem>>, vector<16xi32>,
      %get3A_603 = vector.shape_cast %get3A_602 : vector<16xi32> to vector<16xi32>
      %add3A_604 = arith.addi %get3A_603, %mul3A_7 : vector<16xi32>
      %swap3A_605 = arith.constant 496 : index
      %swap3A_606 = tpu.vector_load %arg5[%swap3A_605] {strides = array<i32>} : memref<2560xi32, #tpu.memory_space<vmem>>, vector<16xi32>,
      %swap3A_607 = vector.shape_cast %swap3A_606 : vector<16xi32> to vector<16xi32>
      %swap3A_608 = vector.shape_cast %add3A_604 : vector<16xi32> to vector<16xi32>
      tpu.vector_store %arg5[%swap3A_605], %swap3A_608 {strides = array<i32>} : memref<2560xi32, #tpu.memory_space<vmem>>, vector<16xi32>,
      %get3A_609 = arith.constant 512 : index
      %get3A_610 = tpu.vector_load %arg5[%get3A_609] {strides = array<i32>} : memref<2560xi32, #tpu.memory_space<vmem>>, vector<16xi32>,
      %get3A_611 = vector.shape_cast %get3A_610 : vector<16xi32> to vector<16xi32>
      %add3A_612 = arith.addi %get3A_611, %mul3A_7 : vector<16xi32>
      %swap3A_613 = arith.constant 512 : index
      %swap3A_614 = tpu.vector_load %arg5[%swap3A_613] {strides = array<i32>} : memref<2560xi32, #tpu.memory_space<vmem>>, vector<16xi32>,
      %swap3A_615 = vector.shape_cast %swap3A_614 : vector<16xi32> to vector<16xi32>
      %swap3A_616 = vector.shape_cast %add3A_612 : vector<16xi32> to vector<16xi32>
      tpu.vector_store %arg5[%swap3A_613], %swap3A_616 {strides = array<i32>} : memref<2560xi32, #tpu.memory_space<vmem>>, vector<16xi32>,
      %get3A_617 = arith.constant 528 : index
      %get3A_618 = tpu.vector_load %arg5[%get3A_617] {strides = array<i32>} : memref<2560xi32, #tpu.memory_space<vmem>>, vector<16xi32>,
      %get3A_619 = vector.shape_cast %get3A_618 : vector<16xi32> to vector<16xi32>
      %add3A_620 = arith.addi %get3A_619, %mul3A_7 : vector<16xi32>
      %swap3A_621 = arith.constant 528 : index
      %swap3A_622 = tpu.vector_load %arg5[%swap3A_621] {strides = array<i32>} : memref<2560xi32, #tpu.memory_space<vmem>>, vector<16xi32>,
      %swap3A_623 = vector.shape_cast %swap3A_622 : vector<16xi32> to vector<16xi32>
      %swap3A_624 = vector.shape_cast %add3A_620 : vector<16xi32> to vector<16xi32>
      tpu.vector_store %arg5[%swap3A_621], %swap3A_624 {strides = array<i32>} : memref<2560xi32, #tpu.memory_space<vmem>>, vector<16xi32>,
      %get3A_625 = arith.constant 544 : index
      %get3A_626 = tpu.vector_load %arg5[%get3A_625] {strides = array<i32>} : memref<2560xi32, #tpu.memory_space<vmem>>, vector<16xi32>,
      %get3A_627 = vector.shape_cast %get3A_626 : vector<16xi32> to vector<16xi32>
      %add3A_628 = arith.addi %get3A_627, %mul3A_7 : vector<16xi32>
      %swap3A_629 = arith.constant 544 : index
      %swap3A_630 = tpu.vector_load %arg5[%swap3A_629] {strides = array<i32>} : memref<2560xi32, #tpu.memory_space<vmem>>, vector<16xi32>,
      %swap3A_631 = vector.shape_cast %swap3A_630 : vector<16xi32> to vector<16xi32>
      %swap3A_632 = vector.shape_cast %add3A_628 : vector<16xi32> to vector<16xi32>
      tpu.vector_store %arg5[%swap3A_629], %swap3A_632 {strides = array<i32>} : memref<2560xi32, #tpu.memory_space<vmem>>, vector<16xi32>,
      %get3A_633 = arith.constant 560 : index
      %get3A_634 = tpu.vector_load %arg5[%get3A_633] {strides = array<i32>} : memref<2560xi32, #tpu.memory_space<vmem>>, vector<16xi32>,
      %get3A_635 = vector.shape_cast %get3A_634 : vector<16xi32> to vector<16xi32>
      %add3A_636 = arith.addi %get3A_635, %mul3A_7 : vector<16xi32>
      %swap3A_637 = arith.constant 560 : index
      %swap3A_638 = tpu.vector_load %arg5[%swap3A_637] {strides = array<i32>} : memref<2560xi32, #tpu.memory_space<vmem>>, vector<16xi32>,
      %swap3A_639 = vector.shape_cast %swap3A_638 : vector<16xi32> to vector<16xi32>
      %swap3A_640 = vector.shape_cast %add3A_636 : vector<16xi32> to vector<16xi32>
      tpu.vector_store %arg5[%swap3A_637], %swap3A_640 {strides = array<i32>} : memref<2560xi32, #tpu.memory_space<vmem>>, vector<16xi32>,
      %get3A_641 = arith.constant 576 : index
      %get3A_642 = tpu.vector_load %arg5[%get3A_641] {strides = array<i32>} : memref<2560xi32, #tpu.memory_space<vmem>>, vector<16xi32>,
      %get3A_643 = vector.shape_cast %get3A_642 : vector<16xi32> to vector<16xi32>
      %add3A_644 = arith.addi %get3A_643, %mul3A_7 : vector<16xi32>
      %swap3A_645 = arith.constant 576 : index
      %swap3A_646 = tpu.vector_load %arg5[%swap3A_645] {strides = array<i32>} : memref<2560xi32, #tpu.memory_space<vmem>>, vector<16xi32>,
      %swap3A_647 = vector.shape_cast %swap3A_646 : vector<16xi32> to vector<16xi32>
      %swap3A_648 = vector.shape_cast %add3A_644 : vector<16xi32> to vector<16xi32>
      tpu.vector_store %arg5[%swap3A_645], %swap3A_648 {strides = array<i32>} : memref<2560xi32, #tpu.memory_space<vmem>>, vector<16xi32>,
      %get3A_649 = arith.constant 592 : index
      %get3A_650 = tpu.vector_load %arg5[%get3A_649] {strides = array<i32>} : memref<2560xi32, #tpu.memory_space<vmem>>, vector<16xi32>,
      %get3A_651 = vector.shape_cast %get3A_650 : vector<16xi32> to vector<16xi32>
      %add3A_652 = arith.addi %get3A_651, %mul3A_7 : vector<16xi32>
      %swap3A_653 = arith.constant 592 : index
      %swap3A_654 = tpu.vector_load %arg5[%swap3A_653] {strides = array<i32>} : memref<2560xi32, #tpu.memory_space<vmem>>, vector<16xi32>,
      %swap3A_655 = vector.shape_cast %swap3A_654 : vector<16xi32> to vector<16xi32>
      %swap3A_656 = vector.shape_cast %add3A_652 : vector<16xi32> to vector<16xi32>
      tpu.vector_store %arg5[%swap3A_653], %swap3A_656 {strides = array<i32>} : memref<2560xi32, #tpu.memory_space<vmem>>, vector<16xi32>,
      %get3A_657 = arith.constant 608 : index
      %get3A_658 = tpu.vector_load %arg5[%get3A_657] {strides = array<i32>} : memref<2560xi32, #tpu.memory_space<vmem>>, vector<16xi32>,
      %get3A_659 = vector.shape_cast %get3A_658 : vector<16xi32> to vector<16xi32>
      %add3A_660 = arith.addi %get3A_659, %mul3A_7 : vector<16xi32>
      %swap3A_661 = arith.constant 608 : index
      %swap3A_662 = tpu.vector_load %arg5[%swap3A_661] {strides = array<i32>} : memref<2560xi32, #tpu.memory_space<vmem>>, vector<16xi32>,
      %swap3A_663 = vector.shape_cast %swap3A_662 : vector<16xi32> to vector<16xi32>
      %swap3A_664 = vector.shape_cast %add3A_660 : vector<16xi32> to vector<16xi32>
      tpu.vector_store %arg5[%swap3A_661], %swap3A_664 {strides = array<i32>} : memref<2560xi32, #tpu.memory_space<vmem>>, vector<16xi32>,
      %get3A_665 = arith.constant 624 : index
      %get3A_666 = tpu.vector_load %arg5[%get3A_665] {strides = array<i32>} : memref<2560xi32, #tpu.memory_space<vmem>>, vector<16xi32>,
      %get3A_667 = vector.shape_cast %get3A_666 : vector<16xi32> to vector<16xi32>
      %add3A_668 = arith.addi %get3A_667, %mul3A_7 : vector<16xi32>
      %swap3A_669 = arith.constant 624 : index
      %swap3A_670 = tpu.vector_load %arg5[%swap3A_669] {strides = array<i32>} : memref<2560xi32, #tpu.memory_space<vmem>>, vector<16xi32>,
      %swap3A_671 = vector.shape_cast %swap3A_670 : vector<16xi32> to vector<16xi32>
      %swap3A_672 = vector.shape_cast %add3A_668 : vector<16xi32> to vector<16xi32>
      tpu.vector_store %arg5[%swap3A_669], %swap3A_672 {strides = array<i32>} : memref<2560xi32, #tpu.memory_space<vmem>>, vector<16xi32>,
      %get3A_673 = arith.constant 640 : index
      %get3A_674 = tpu.vector_load %arg5[%get3A_673] {strides = array<i32>} : memref<2560xi32, #tpu.memory_space<vmem>>, vector<16xi32>,
      %get3A_675 = vector.shape_cast %get3A_674 : vector<16xi32> to vector<16xi32>
      %add3A_676 = arith.addi %get3A_675, %mul3A_7 : vector<16xi32>
      %swap3A_677 = arith.constant 640 : index
      %swap3A_678 = tpu.vector_load %arg5[%swap3A_677] {strides = array<i32>} : memref<2560xi32, #tpu.memory_space<vmem>>, vector<16xi32>,
      %swap3A_679 = vector.shape_cast %swap3A_678 : vector<16xi32> to vector<16xi32>
      %swap3A_680 = vector.shape_cast %add3A_676 : vector<16xi32> to vector<16xi32>
      tpu.vector_store %arg5[%swap3A_677], %swap3A_680 {strides = array<i32>} : memref<2560xi32, #tpu.memory_space<vmem>>, vector<16xi32>,
      %get3A_681 = arith.constant 656 : index
      %get3A_682 = tpu.vector_load %arg5[%get3A_681] {strides = array<i32>} : memref<2560xi32, #tpu.memory_space<vmem>>, vector<16xi32>,
      %get3A_683 = vector.shape_cast %get3A_682 : vector<16xi32> to vector<16xi32>
      %add3A_684 = arith.addi %get3A_683, %mul3A_7 : vector<16xi32>
      %swap3A_685 = arith.constant 656 : index
      %swap3A_686 = tpu.vector_load %arg5[%swap3A_685] {strides = array<i32>} : memref<2560xi32, #tpu.memory_space<vmem>>, vector<16xi32>,
      %swap3A_687 = vector.shape_cast %swap3A_686 : vector<16xi32> to vector<16xi32>
      %swap3A_688 = vector.shape_cast %add3A_684 : vector<16xi32> to vector<16xi32>
      tpu.vector_store %arg5[%swap3A_685], %swap3A_688 {strides = array<i32>} : memref<2560xi32, #tpu.memory_space<vmem>>, vector<16xi32>,
      %get3A_689 = arith.constant 672 : index
      %get3A_690 = tpu.vector_load %arg5[%get3A_689] {strides = array<i32>} : memref<2560xi32, #tpu.memory_space<vmem>>, vector<16xi32>,
      %get3A_691 = vector.shape_cast %get3A_690 : vector<16xi32> to vector<16xi32>
      %add3A_692 = arith.addi %get3A_691, %mul3A_7 : vector<16xi32>
      %swap3A_693 = arith.constant 672 : index
      %swap3A_694 = tpu.vector_load %arg5[%swap3A_693] {strides = array<i32>} : memref<2560xi32, #tpu.memory_space<vmem>>, vector<16xi32>,
      %swap3A_695 = vector.shape_cast %swap3A_694 : vector<16xi32> to vector<16xi32>
      %swap3A_696 = vector.shape_cast %add3A_692 : vector<16xi32> to vector<16xi32>
      tpu.vector_store %arg5[%swap3A_693], %swap3A_696 {strides = array<i32>} : memref<2560xi32, #tpu.memory_space<vmem>>, vector<16xi32>,
      %get3A_697 = arith.constant 688 : index
      %get3A_698 = tpu.vector_load %arg5[%get3A_697] {strides = array<i32>} : memref<2560xi32, #tpu.memory_space<vmem>>, vector<16xi32>,
      %get3A_699 = vector.shape_cast %get3A_698 : vector<16xi32> to vector<16xi32>
      %add3A_700 = arith.addi %get3A_699, %mul3A_7 : vector<16xi32>
      %swap3A_701 = arith.constant 688 : index
      %swap3A_702 = tpu.vector_load %arg5[%swap3A_701] {strides = array<i32>} : memref<2560xi32, #tpu.memory_space<vmem>>, vector<16xi32>,
      %swap3A_703 = vector.shape_cast %swap3A_702 : vector<16xi32> to vector<16xi32>
      %swap3A_704 = vector.shape_cast %add3A_700 : vector<16xi32> to vector<16xi32>
      tpu.vector_store %arg5[%swap3A_701], %swap3A_704 {strides = array<i32>} : memref<2560xi32, #tpu.memory_space<vmem>>, vector<16xi32>,
      %get3A_705 = arith.constant 704 : index
      %get3A_706 = tpu.vector_load %arg5[%get3A_705] {strides = array<i32>} : memref<2560xi32, #tpu.memory_space<vmem>>, vector<16xi32>,
      %get3A_707 = vector.shape_cast %get3A_706 : vector<16xi32> to vector<16xi32>
      %add3A_708 = arith.addi %get3A_707, %mul3A_7 : vector<16xi32>
      %swap3A_709 = arith.constant 704 : index
      %swap3A_710 = tpu.vector_load %arg5[%swap3A_709] {strides = array<i32>} : memref<2560xi32, #tpu.memory_space<vmem>>, vector<16xi32>,
      %swap3A_711 = vector.shape_cast %swap3A_710 : vector<16xi32> to vector<16xi32>
      %swap3A_712 = vector.shape_cast %add3A_708 : vector<16xi32> to vector<16xi32>
      tpu.vector_store %arg5[%swap3A_709], %swap3A_712 {strides = array<i32>} : memref<2560xi32, #tpu.memory_space<vmem>>, vector<16xi32>,
      %get3A_713 = arith.constant 720 : index
      %get3A_714 = tpu.vector_load %arg5[%get3A_713] {strides = array<i32>} : memref<2560xi32, #tpu.memory_space<vmem>>, vector<16xi32>,
      %get3A_715 = vector.shape_cast %get3A_714 : vector<16xi32> to vector<16xi32>
      %add3A_716 = arith.addi %get3A_715, %mul3A_7 : vector<16xi32>
      %swap3A_717 = arith.constant 720 : index
      %swap3A_718 = tpu.vector_load %arg5[%swap3A_717] {strides = array<i32>} : memref<2560xi32, #tpu.memory_space<vmem>>, vector<16xi32>,
      %swap3A_719 = vector.shape_cast %swap3A_718 : vector<16xi32> to vector<16xi32>
      %swap3A_720 = vector.shape_cast %add3A_716 : vector<16xi32> to vector<16xi32>
      tpu.vector_store %arg5[%swap3A_717], %swap3A_720 {strides = array<i32>} : memref<2560xi32, #tpu.memory_space<vmem>>, vector<16xi32>,
      %get3A_721 = arith.constant 736 : index
      %get3A_722 = tpu.vector_load %arg5[%get3A_721] {strides = array<i32>} : memref<2560xi32, #tpu.memory_space<vmem>>, vector<16xi32>,
      %get3A_723 = vector.shape_cast %get3A_722 : vector<16xi32> to vector<16xi32>
      %add3A_724 = arith.addi %get3A_723, %mul3A_7 : vector<16xi32>
      %swap3A_725 = arith.constant 736 : index
      %swap3A_726 = tpu.vector_load %arg5[%swap3A_725] {strides = array<i32>} : memref<2560xi32, #tpu.memory_space<vmem>>, vector<16xi32>,
      %swap3A_727 = vector.shape_cast %swap3A_726 : vector<16xi32> to vector<16xi32>
      %swap3A_728 = vector.shape_cast %add3A_724 : vector<16xi32> to vector<16xi32>
      tpu.vector_store %arg5[%swap3A_725], %swap3A_728 {strides = array<i32>} : memref<2560xi32, #tpu.memory_space<vmem>>, vector<16xi32>,
      %get3A_729 = arith.constant 752 : index
      %get3A_730 = tpu.vector_load %arg5[%get3A_729] {strides = array<i32>} : memref<2560xi32, #tpu.memory_space<vmem>>, vector<16xi32>,
      %get3A_731 = vector.shape_cast %get3A_730 : vector<16xi32> to vector<16xi32>
      %add3A_732 = arith.addi %get3A_731, %mul3A_7 : vector<16xi32>
      %swap3A_733 = arith.constant 752 : index
      %swap3A_734 = tpu.vector_load %arg5[%swap3A_733] {strides = array<i32>} : memref<2560xi32, #tpu.memory_space<vmem>>, vector<16xi32>,
      %swap3A_735 = vector.shape_cast %swap3A_734 : vector<16xi32> to vector<16xi32>
      %swap3A_736 = vector.shape_cast %add3A_732 : vector<16xi32> to vector<16xi32>
      tpu.vector_store %arg5[%swap3A_733], %swap3A_736 {strides = array<i32>} : memref<2560xi32, #tpu.memory_space<vmem>>, vector<16xi32>,
      %get3A_737 = arith.constant 768 : index
      %get3A_738 = tpu.vector_load %arg5[%get3A_737] {strides = array<i32>} : memref<2560xi32, #tpu.memory_space<vmem>>, vector<16xi32>,
      %get3A_739 = vector.shape_cast %get3A_738 : vector<16xi32> to vector<16xi32>
      %add3A_740 = arith.addi %get3A_739, %mul3A_7 : vector<16xi32>
      %swap3A_741 = arith.constant 768 : index
      %swap3A_742 = tpu.vector_load %arg5[%swap3A_741] {strides = array<i32>} : memref<2560xi32, #tpu.memory_space<vmem>>, vector<16xi32>,
      %swap3A_743 = vector.shape_cast %swap3A_742 : vector<16xi32> to vector<16xi32>
      %swap3A_744 = vector.shape_cast %add3A_740 : vector<16xi32> to vector<16xi32>
      tpu.vector_store %arg5[%swap3A_741], %swap3A_744 {strides = array<i32>} : memref<2560xi32, #tpu.memory_space<vmem>>, vector<16xi32>,
      %get3A_745 = arith.constant 784 : index
      %get3A_746 = tpu.vector_load %arg5[%get3A_745] {strides = array<i32>} : memref<2560xi32, #tpu.memory_space<vmem>>, vector<16xi32>,
      %get3A_747 = vector.shape_cast %get3A_746 : vector<16xi32> to vector<16xi32>
      %add3A_748 = arith.addi %get3A_747, %mul3A_7 : vector<16xi32>
      %swap3A_749 = arith.constant 784 : index
      %swap3A_750 = tpu.vector_load %arg5[%swap3A_749] {strides = array<i32>} : memref<2560xi32, #tpu.memory_space<vmem>>, vector<16xi32>,
      %swap3A_751 = vector.shape_cast %swap3A_750 : vector<16xi32> to vector<16xi32>
      %swap3A_752 = vector.shape_cast %add3A_748 : vector<16xi32> to vector<16xi32>
      tpu.vector_store %arg5[%swap3A_749], %swap3A_752 {strides = array<i32>} : memref<2560xi32, #tpu.memory_space<vmem>>, vector<16xi32>,
      %get3A_753 = arith.constant 800 : index
      %get3A_754 = tpu.vector_load %arg5[%get3A_753] {strides = array<i32>} : memref<2560xi32, #tpu.memory_space<vmem>>, vector<16xi32>,
      %get3A_755 = vector.shape_cast %get3A_754 : vector<16xi32> to vector<16xi32>
      %add3A_756 = arith.addi %get3A_755, %mul3A_7 : vector<16xi32>
      %swap3A_757 = arith.constant 800 : index
      %swap3A_758 = tpu.vector_load %arg5[%swap3A_757] {strides = array<i32>} : memref<2560xi32, #tpu.memory_space<vmem>>, vector<16xi32>,
      %swap3A_759 = vector.shape_cast %swap3A_758 : vector<16xi32> to vector<16xi32>
      %swap3A_760 = vector.shape_cast %add3A_756 : vector<16xi32> to vector<16xi32>
      tpu.vector_store %arg5[%swap3A_757], %swap3A_760 {strides = array<i32>} : memref<2560xi32, #tpu.memory_space<vmem>>, vector<16xi32>,
      %get3A_761 = arith.constant 816 : index
      %get3A_762 = tpu.vector_load %arg5[%get3A_761] {strides = array<i32>} : memref<2560xi32, #tpu.memory_space<vmem>>, vector<16xi32>,
      %get3A_763 = vector.shape_cast %get3A_762 : vector<16xi32> to vector<16xi32>
      %add3A_764 = arith.addi %get3A_763, %mul3A_7 : vector<16xi32>
      %swap3A_765 = arith.constant 816 : index
      %swap3A_766 = tpu.vector_load %arg5[%swap3A_765] {strides = array<i32>} : memref<2560xi32, #tpu.memory_space<vmem>>, vector<16xi32>,
      %swap3A_767 = vector.shape_cast %swap3A_766 : vector<16xi32> to vector<16xi32>
      %swap3A_768 = vector.shape_cast %add3A_764 : vector<16xi32> to vector<16xi32>
      tpu.vector_store %arg5[%swap3A_765], %swap3A_768 {strides = array<i32>} : memref<2560xi32, #tpu.memory_space<vmem>>, vector<16xi32>,
      %get3A_769 = arith.constant 832 : index
      %get3A_770 = tpu.vector_load %arg5[%get3A_769] {strides = array<i32>} : memref<2560xi32, #tpu.memory_space<vmem>>, vector<16xi32>,
      %get3A_771 = vector.shape_cast %get3A_770 : vector<16xi32> to vector<16xi32>
      %add3A_772 = arith.addi %get3A_771, %mul3A_7 : vector<16xi32>
      %swap3A_773 = arith.constant 832 : index
      %swap3A_774 = tpu.vector_load %arg5[%swap3A_773] {strides = array<i32>} : memref<2560xi32, #tpu.memory_space<vmem>>, vector<16xi32>,
      %swap3A_775 = vector.shape_cast %swap3A_774 : vector<16xi32> to vector<16xi32>
      %swap3A_776 = vector.shape_cast %add3A_772 : vector<16xi32> to vector<16xi32>
      tpu.vector_store %arg5[%swap3A_773], %swap3A_776 {strides = array<i32>} : memref<2560xi32, #tpu.memory_space<vmem>>, vector<16xi32>,
      %get3A_777 = arith.constant 848 : index
      %get3A_778 = tpu.vector_load %arg5[%get3A_777] {strides = array<i32>} : memref<2560xi32, #tpu.memory_space<vmem>>, vector<16xi32>,
      %get3A_779 = vector.shape_cast %get3A_778 : vector<16xi32> to vector<16xi32>
      %add3A_780 = arith.addi %get3A_779, %mul3A_7 : vector<16xi32>
      %swap3A_781 = arith.constant 848 : index
      %swap3A_782 = tpu.vector_load %arg5[%swap3A_781] {strides = array<i32>} : memref<2560xi32, #tpu.memory_space<vmem>>, vector<16xi32>,
      %swap3A_783 = vector.shape_cast %swap3A_782 : vector<16xi32> to vector<16xi32>
      %swap3A_784 = vector.shape_cast %add3A_780 : vector<16xi32> to vector<16xi32>
      tpu.vector_store %arg5[%swap3A_781], %swap3A_784 {strides = array<i32>} : memref<2560xi32, #tpu.memory_space<vmem>>, vector<16xi32>,
      %get3A_785 = arith.constant 864 : index
      %get3A_786 = tpu.vector_load %arg5[%get3A_785] {strides = array<i32>} : memref<2560xi32, #tpu.memory_space<vmem>>, vector<16xi32>,
      %get3A_787 = vector.shape_cast %get3A_786 : vector<16xi32> to vector<16xi32>
      %add3A_788 = arith.addi %get3A_787, %mul3A_7 : vector<16xi32>
      %swap3A_789 = arith.constant 864 : index
      %swap3A_790 = tpu.vector_load %arg5[%swap3A_789] {strides = array<i32>} : memref<2560xi32, #tpu.memory_space<vmem>>, vector<16xi32>,
      %swap3A_791 = vector.shape_cast %swap3A_790 : vector<16xi32> to vector<16xi32>
      %swap3A_792 = vector.shape_cast %add3A_788 : vector<16xi32> to vector<16xi32>
      tpu.vector_store %arg5[%swap3A_789], %swap3A_792 {strides = array<i32>} : memref<2560xi32, #tpu.memory_space<vmem>>, vector<16xi32>,
      %get3A_793 = arith.constant 880 : index
      %get3A_794 = tpu.vector_load %arg5[%get3A_793] {strides = array<i32>} : memref<2560xi32, #tpu.memory_space<vmem>>, vector<16xi32>,
      %get3A_795 = vector.shape_cast %get3A_794 : vector<16xi32> to vector<16xi32>
      %add3A_796 = arith.addi %get3A_795, %mul3A_7 : vector<16xi32>
      %swap3A_797 = arith.constant 880 : index
      %swap3A_798 = tpu.vector_load %arg5[%swap3A_797] {strides = array<i32>} : memref<2560xi32, #tpu.memory_space<vmem>>, vector<16xi32>,
      %swap3A_799 = vector.shape_cast %swap3A_798 : vector<16xi32> to vector<16xi32>
      %swap3A_800 = vector.shape_cast %add3A_796 : vector<16xi32> to vector<16xi32>
      tpu.vector_store %arg5[%swap3A_797], %swap3A_800 {strides = array<i32>} : memref<2560xi32, #tpu.memory_space<vmem>>, vector<16xi32>,
      %get3A_801 = arith.constant 896 : index
      %get3A_802 = tpu.vector_load %arg5[%get3A_801] {strides = array<i32>} : memref<2560xi32, #tpu.memory_space<vmem>>, vector<16xi32>,
      %get3A_803 = vector.shape_cast %get3A_802 : vector<16xi32> to vector<16xi32>
      %add3A_804 = arith.addi %get3A_803, %mul3A_7 : vector<16xi32>
      %swap3A_805 = arith.constant 896 : index
      %swap3A_806 = tpu.vector_load %arg5[%swap3A_805] {strides = array<i32>} : memref<2560xi32, #tpu.memory_space<vmem>>, vector<16xi32>,
      %swap3A_807 = vector.shape_cast %swap3A_806 : vector<16xi32> to vector<16xi32>
      %swap3A_808 = vector.shape_cast %add3A_804 : vector<16xi32> to vector<16xi32>
      tpu.vector_store %arg5[%swap3A_805], %swap3A_808 {strides = array<i32>} : memref<2560xi32, #tpu.memory_space<vmem>>, vector<16xi32>,
      %get3A_809 = arith.constant 912 : index
      %get3A_810 = tpu.vector_load %arg5[%get3A_809] {strides = array<i32>} : memref<2560xi32, #tpu.memory_space<vmem>>, vector<16xi32>,
      %get3A_811 = vector.shape_cast %get3A_810 : vector<16xi32> to vector<16xi32>
      %add3A_812 = arith.addi %get3A_811, %mul3A_7 : vector<16xi32>
      %swap3A_813 = arith.constant 912 : index
      %swap3A_814 = tpu.vector_load %arg5[%swap3A_813] {strides = array<i32>} : memref<2560xi32, #tpu.memory_space<vmem>>, vector<16xi32>,
      %swap3A_815 = vector.shape_cast %swap3A_814 : vector<16xi32> to vector<16xi32>
      %swap3A_816 = vector.shape_cast %add3A_812 : vector<16xi32> to vector<16xi32>
      tpu.vector_store %arg5[%swap3A_813], %swap3A_816 {strides = array<i32>} : memref<2560xi32, #tpu.memory_space<vmem>>, vector<16xi32>,
      %get3A_817 = arith.constant 928 : index
      %get3A_818 = tpu.vector_load %arg5[%get3A_817] {strides = array<i32>} : memref<2560xi32, #tpu.memory_space<vmem>>, vector<16xi32>,
      %get3A_819 = vector.shape_cast %get3A_818 : vector<16xi32> to vector<16xi32>
      %add3A_820 = arith.addi %get3A_819, %mul3A_7 : vector<16xi32>
      %swap3A_821 = arith.constant 928 : index
      %swap3A_822 = tpu.vector_load %arg5[%swap3A_821] {strides = array<i32>} : memref<2560xi32, #tpu.memory_space<vmem>>, vector<16xi32>,
      %swap3A_823 = vector.shape_cast %swap3A_822 : vector<16xi32> to vector<16xi32>
      %swap3A_824 = vector.shape_cast %add3A_820 : vector<16xi32> to vector<16xi32>
      tpu.vector_store %arg5[%swap3A_821], %swap3A_824 {strides = array<i32>} : memref<2560xi32, #tpu.memory_space<vmem>>, vector<16xi32>,
      %get3A_825 = arith.constant 944 : index
      %get3A_826 = tpu.vector_load %arg5[%get3A_825] {strides = array<i32>} : memref<2560xi32, #tpu.memory_space<vmem>>, vector<16xi32>,
      %get3A_827 = vector.shape_cast %get3A_826 : vector<16xi32> to vector<16xi32>
      %add3A_828 = arith.addi %get3A_827, %mul3A_7 : vector<16xi32>
      %swap3A_829 = arith.constant 944 : index
      %swap3A_830 = tpu.vector_load %arg5[%swap3A_829] {strides = array<i32>} : memref<2560xi32, #tpu.memory_space<vmem>>, vector<16xi32>,
      %swap3A_831 = vector.shape_cast %swap3A_830 : vector<16xi32> to vector<16xi32>
      %swap3A_832 = vector.shape_cast %add3A_828 : vector<16xi32> to vector<16xi32>
      tpu.vector_store %arg5[%swap3A_829], %swap3A_832 {strides = array<i32>} : memref<2560xi32, #tpu.memory_space<vmem>>, vector<16xi32>,
      %get3A_833 = arith.constant 960 : index
      %get3A_834 = tpu.vector_load %arg5[%get3A_833] {strides = array<i32>} : memref<2560xi32, #tpu.memory_space<vmem>>, vector<16xi32>,
      %get3A_835 = vector.shape_cast %get3A_834 : vector<16xi32> to vector<16xi32>
      %add3A_836 = arith.addi %get3A_835, %mul3A_7 : vector<16xi32>
      %swap3A_837 = arith.constant 960 : index
      %swap3A_838 = tpu.vector_load %arg5[%swap3A_837] {strides = array<i32>} : memref<2560xi32, #tpu.memory_space<vmem>>, vector<16xi32>,
      %swap3A_839 = vector.shape_cast %swap3A_838 : vector<16xi32> to vector<16xi32>
      %swap3A_840 = vector.shape_cast %add3A_836 : vector<16xi32> to vector<16xi32>
      tpu.vector_store %arg5[%swap3A_837], %swap3A_840 {strides = array<i32>} : memref<2560xi32, #tpu.memory_space<vmem>>, vector<16xi32>,
      %get3A_841 = arith.constant 976 : index
      %get3A_842 = tpu.vector_load %arg5[%get3A_841] {strides = array<i32>} : memref<2560xi32, #tpu.memory_space<vmem>>, vector<16xi32>,
      %get3A_843 = vector.shape_cast %get3A_842 : vector<16xi32> to vector<16xi32>
      %add3A_844 = arith.addi %get3A_843, %mul3A_7 : vector<16xi32>
      %swap3A_845 = arith.constant 976 : index
      %swap3A_846 = tpu.vector_load %arg5[%swap3A_845] {strides = array<i32>} : memref<2560xi32, #tpu.memory_space<vmem>>, vector<16xi32>,
      %swap3A_847 = vector.shape_cast %swap3A_846 : vector<16xi32> to vector<16xi32>
      %swap3A_848 = vector.shape_cast %add3A_844 : vector<16xi32> to vector<16xi32>
      tpu.vector_store %arg5[%swap3A_845], %swap3A_848 {strides = array<i32>} : memref<2560xi32, #tpu.memory_space<vmem>>, vector<16xi32>,
      %get3A_849 = arith.constant 992 : index
      %get3A_850 = tpu.vector_load %arg5[%get3A_849] {strides = array<i32>} : memref<2560xi32, #tpu.memory_space<vmem>>, vector<16xi32>,
      %get3A_851 = vector.shape_cast %get3A_850 : vector<16xi32> to vector<16xi32>
      %add3A_852 = arith.addi %get3A_851, %mul3A_7 : vector<16xi32>
      %swap3A_853 = arith.constant 992 : index
      %swap3A_854 = tpu.vector_load %arg5[%swap3A_853] {strides = array<i32>} : memref<2560xi32, #tpu.memory_space<vmem>>, vector<16xi32>,
      %swap3A_855 = vector.shape_cast %swap3A_854 : vector<16xi32> to vector<16xi32>
      %swap3A_856 = vector.shape_cast %add3A_852 : vector<16xi32> to vector<16xi32>
      tpu.vector_store %arg5[%swap3A_853], %swap3A_856 {strides = array<i32>} : memref<2560xi32, #tpu.memory_space<vmem>>, vector<16xi32>,
      %get3A_857 = arith.constant 1008 : index
      %get3A_858 = tpu.vector_load %arg5[%get3A_857] {strides = array<i32>} : memref<2560xi32, #tpu.memory_space<vmem>>, vector<16xi32>,
      %get3A_859 = vector.shape_cast %get3A_858 : vector<16xi32> to vector<16xi32>
      %add3A_860 = arith.addi %get3A_859, %mul3A_7 : vector<16xi32>
      %swap3A_861 = arith.constant 1008 : index
      %swap3A_862 = tpu.vector_load %arg5[%swap3A_861] {strides = array<i32>} : memref<2560xi32, #tpu.memory_space<vmem>>, vector<16xi32>,
      %swap3A_863 = vector.shape_cast %swap3A_862 : vector<16xi32> to vector<16xi32>
      %swap3A_864 = vector.shape_cast %add3A_860 : vector<16xi32> to vector<16xi32>
      tpu.vector_store %arg5[%swap3A_861], %swap3A_864 {strides = array<i32>} : memref<2560xi32, #tpu.memory_space<vmem>>, vector<16xi32>,
      %get3A_865 = arith.constant 1024 : index
      %get3A_866 = tpu.vector_load %arg5[%get3A_865] {strides = array<i32>} : memref<2560xi32, #tpu.memory_space<vmem>>, vector<16xi32>,
      %get3A_867 = vector.shape_cast %get3A_866 : vector<16xi32> to vector<16xi32>
      %add3A_868 = arith.addi %get3A_867, %mul3A_7 : vector<16xi32>
      %swap3A_869 = arith.constant 1024 : index
      %swap3A_870 = tpu.vector_load %arg5[%swap3A_869] {strides = array<i32>} : memref<2560xi32, #tpu.memory_space<vmem>>, vector<16xi32>,
      %swap3A_871 = vector.shape_cast %swap3A_870 : vector<16xi32> to vector<16xi32>
      %swap3A_872 = vector.shape_cast %add3A_868 : vector<16xi32> to vector<16xi32>
      tpu.vector_store %arg5[%swap3A_869], %swap3A_872 {strides = array<i32>} : memref<2560xi32, #tpu.memory_space<vmem>>, vector<16xi32>,
      %get3A_873 = arith.constant 1040 : index
      %get3A_874 = tpu.vector_load %arg5[%get3A_873] {strides = array<i32>} : memref<2560xi32, #tpu.memory_space<vmem>>, vector<16xi32>,
      %get3A_875 = vector.shape_cast %get3A_874 : vector<16xi32> to vector<16xi32>
      %add3A_876 = arith.addi %get3A_875, %mul3A_7 : vector<16xi32>
      %swap3A_877 = arith.constant 1040 : index
      %swap3A_878 = tpu.vector_load %arg5[%swap3A_877] {strides = array<i32>} : memref<2560xi32, #tpu.memory_space<vmem>>, vector<16xi32>,
      %swap3A_879 = vector.shape_cast %swap3A_878 : vector<16xi32> to vector<16xi32>
      %swap3A_880 = vector.shape_cast %add3A_876 : vector<16xi32> to vector<16xi32>
      tpu.vector_store %arg5[%swap3A_877], %swap3A_880 {strides = array<i32>} : memref<2560xi32, #tpu.memory_space<vmem>>, vector<16xi32>,
      %get3A_881 = arith.constant 1056 : index
      %get3A_882 = tpu.vector_load %arg5[%get3A_881] {strides = array<i32>} : memref<2560xi32, #tpu.memory_space<vmem>>, vector<16xi32>,
      %get3A_883 = vector.shape_cast %get3A_882 : vector<16xi32> to vector<16xi32>
      %add3A_884 = arith.addi %get3A_883, %mul3A_7 : vector<16xi32>
      %swap3A_885 = arith.constant 1056 : index
      %swap3A_886 = tpu.vector_load %arg5[%swap3A_885] {strides = array<i32>} : memref<2560xi32, #tpu.memory_space<vmem>>, vector<16xi32>,
      %swap3A_887 = vector.shape_cast %swap3A_886 : vector<16xi32> to vector<16xi32>
      %swap3A_888 = vector.shape_cast %add3A_884 : vector<16xi32> to vector<16xi32>
      tpu.vector_store %arg5[%swap3A_885], %swap3A_888 {strides = array<i32>} : memref<2560xi32, #tpu.memory_space<vmem>>, vector<16xi32>,
      %get3A_889 = arith.constant 1072 : index
      %get3A_890 = tpu.vector_load %arg5[%get3A_889] {strides = array<i32>} : memref<2560xi32, #tpu.memory_space<vmem>>, vector<16xi32>,
      %get3A_891 = vector.shape_cast %get3A_890 : vector<16xi32> to vector<16xi32>
      %add3A_892 = arith.addi %get3A_891, %mul3A_7 : vector<16xi32>
      %swap3A_893 = arith.constant 1072 : index
      %swap3A_894 = tpu.vector_load %arg5[%swap3A_893] {strides = array<i32>} : memref<2560xi32, #tpu.memory_space<vmem>>, vector<16xi32>,
      %swap3A_895 = vector.shape_cast %swap3A_894 : vector<16xi32> to vector<16xi32>
      %swap3A_896 = vector.shape_cast %add3A_892 : vector<16xi32> to vector<16xi32>
      tpu.vector_store %arg5[%swap3A_893], %swap3A_896 {strides = array<i32>} : memref<2560xi32, #tpu.memory_space<vmem>>, vector<16xi32>,
      %get3A_897 = arith.constant 1088 : index
      %get3A_898 = tpu.vector_load %arg5[%get3A_897] {strides = array<i32>} : memref<2560xi32, #tpu.memory_space<vmem>>, vector<16xi32>,
      %get3A_899 = vector.shape_cast %get3A_898 : vector<16xi32> to vector<16xi32>
      %add3A_900 = arith.addi %get3A_899, %mul3A_7 : vector<16xi32>
      %swap3A_901 = arith.constant 1088 : index
      %swap3A_902 = tpu.vector_load %arg5[%swap3A_901] {strides = array<i32>} : memref<2560xi32, #tpu.memory_space<vmem>>, vector<16xi32>,
      %swap3A_903 = vector.shape_cast %swap3A_902 : vector<16xi32> to vector<16xi32>
      %swap3A_904 = vector.shape_cast %add3A_900 : vector<16xi32> to vector<16xi32>
      tpu.vector_store %arg5[%swap3A_901], %swap3A_904 {strides = array<i32>} : memref<2560xi32, #tpu.memory_space<vmem>>, vector<16xi32>,
      %get3A_905 = arith.constant 1104 : index
      %get3A_906 = tpu.vector_load %arg5[%get3A_905] {strides = array<i32>} : memref<2560xi32, #tpu.memory_space<vmem>>, vector<16xi32>,
      %get3A_907 = vector.shape_cast %get3A_906 : vector<16xi32> to vector<16xi32>
      %add3A_908 = arith.addi %get3A_907, %mul3A_7 : vector<16xi32>
      %swap3A_909 = arith.constant 1104 : index
      %swap3A_910 = tpu.vector_load %arg5[%swap3A_909] {strides = array<i32>} : memref<2560xi32, #tpu.memory_space<vmem>>, vector<16xi32>,
      %swap3A_911 = vector.shape_cast %swap3A_910 : vector<16xi32> to vector<16xi32>
      %swap3A_912 = vector.shape_cast %add3A_908 : vector<16xi32> to vector<16xi32>
      tpu.vector_store %arg5[%swap3A_909], %swap3A_912 {strides = array<i32>} : memref<2560xi32, #tpu.memory_space<vmem>>, vector<16xi32>,
      %get3A_913 = arith.constant 1120 : index
      %get3A_914 = tpu.vector_load %arg5[%get3A_913] {strides = array<i32>} : memref<2560xi32, #tpu.memory_space<vmem>>, vector<16xi32>,
      %get3A_915 = vector.shape_cast %get3A_914 : vector<16xi32> to vector<16xi32>
      %add3A_916 = arith.addi %get3A_915, %mul3A_7 : vector<16xi32>
      %swap3A_917 = arith.constant 1120 : index
      %swap3A_918 = tpu.vector_load %arg5[%swap3A_917] {strides = array<i32>} : memref<2560xi32, #tpu.memory_space<vmem>>, vector<16xi32>,
      %swap3A_919 = vector.shape_cast %swap3A_918 : vector<16xi32> to vector<16xi32>
      %swap3A_920 = vector.shape_cast %add3A_916 : vector<16xi32> to vector<16xi32>
      tpu.vector_store %arg5[%swap3A_917], %swap3A_920 {strides = array<i32>} : memref<2560xi32, #tpu.memory_space<vmem>>, vector<16xi32>,
      %get3A_921 = arith.constant 1136 : index
      %get3A_922 = tpu.vector_load %arg5[%get3A_921] {strides = array<i32>} : memref<2560xi32, #tpu.memory_space<vmem>>, vector<16xi32>,
      %get3A_923 = vector.shape_cast %get3A_922 : vector<16xi32> to vector<16xi32>
      %add3A_924 = arith.addi %get3A_923, %mul3A_7 : vector<16xi32>
      %swap3A_925 = arith.constant 1136 : index
      %swap3A_926 = tpu.vector_load %arg5[%swap3A_925] {strides = array<i32>} : memref<2560xi32, #tpu.memory_space<vmem>>, vector<16xi32>,
      %swap3A_927 = vector.shape_cast %swap3A_926 : vector<16xi32> to vector<16xi32>
      %swap3A_928 = vector.shape_cast %add3A_924 : vector<16xi32> to vector<16xi32>
      tpu.vector_store %arg5[%swap3A_925], %swap3A_928 {strides = array<i32>} : memref<2560xi32, #tpu.memory_space<vmem>>, vector<16xi32>,
      %get3A_929 = arith.constant 1152 : index
      %get3A_930 = tpu.vector_load %arg5[%get3A_929] {strides = array<i32>} : memref<2560xi32, #tpu.memory_space<vmem>>, vector<16xi32>,
      %get3A_931 = vector.shape_cast %get3A_930 : vector<16xi32> to vector<16xi32>
      %add3A_932 = arith.addi %get3A_931, %mul3A_7 : vector<16xi32>
      %swap3A_933 = arith.constant 1152 : index
      %swap3A_934 = tpu.vector_load %arg5[%swap3A_933] {strides = array<i32>} : memref<2560xi32, #tpu.memory_space<vmem>>, vector<16xi32>,
      %swap3A_935 = vector.shape_cast %swap3A_934 : vector<16xi32> to vector<16xi32>
      %swap3A_936 = vector.shape_cast %add3A_932 : vector<16xi32> to vector<16xi32>
      tpu.vector_store %arg5[%swap3A_933], %swap3A_936 {strides = array<i32>} : memref<2560xi32, #tpu.memory_space<vmem>>, vector<16xi32>,
      %get3A_937 = arith.constant 1168 : index
      %get3A_938 = tpu.vector_load %arg5[%get3A_937] {strides = array<i32>} : memref<2560xi32, #tpu.memory_space<vmem>>, vector<16xi32>,
      %get3A_939 = vector.shape_cast %get3A_938 : vector<16xi32> to vector<16xi32>
      %add3A_940 = arith.addi %get3A_939, %mul3A_7 : vector<16xi32>
      %swap3A_941 = arith.constant 1168 : index
      %swap3A_942 = tpu.vector_load %arg5[%swap3A_941] {strides = array<i32>} : memref<2560xi32, #tpu.memory_space<vmem>>, vector<16xi32>,
      %swap3A_943 = vector.shape_cast %swap3A_942 : vector<16xi32> to vector<16xi32>
      %swap3A_944 = vector.shape_cast %add3A_940 : vector<16xi32> to vector<16xi32>
      tpu.vector_store %arg5[%swap3A_941], %swap3A_944 {strides = array<i32>} : memref<2560xi32, #tpu.memory_space<vmem>>, vector<16xi32>,
      %get3A_945 = arith.constant 1184 : index
      %get3A_946 = tpu.vector_load %arg5[%get3A_945] {strides = array<i32>} : memref<2560xi32, #tpu.memory_space<vmem>>, vector<16xi32>,
      %get3A_947 = vector.shape_cast %get3A_946 : vector<16xi32> to vector<16xi32>
      %add3A_948 = arith.addi %get3A_947, %mul3A_7 : vector<16xi32>
      %swap3A_949 = arith.constant 1184 : index
      %swap3A_950 = tpu.vector_load %arg5[%swap3A_949] {strides = array<i32>} : memref<2560xi32, #tpu.memory_space<vmem>>, vector<16xi32>,
      %swap3A_951 = vector.shape_cast %swap3A_950 : vector<16xi32> to vector<16xi32>
      %swap3A_952 = vector.shape_cast %add3A_948 : vector<16xi32> to vector<16xi32>
      tpu.vector_store %arg5[%swap3A_949], %swap3A_952 {strides = array<i32>} : memref<2560xi32, #tpu.memory_space<vmem>>, vector<16xi32>,
      %get3A_953 = arith.constant 1200 : index
      %get3A_954 = tpu.vector_load %arg5[%get3A_953] {strides = array<i32>} : memref<2560xi32, #tpu.memory_space<vmem>>, vector<16xi32>,
      %get3A_955 = vector.shape_cast %get3A_954 : vector<16xi32> to vector<16xi32>
      %add3A_956 = arith.addi %get3A_955, %mul3A_7 : vector<16xi32>
      %swap3A_957 = arith.constant 1200 : index
      %swap3A_958 = tpu.vector_load %arg5[%swap3A_957] {strides = array<i32>} : memref<2560xi32, #tpu.memory_space<vmem>>, vector<16xi32>,
      %swap3A_959 = vector.shape_cast %swap3A_958 : vector<16xi32> to vector<16xi32>
      %swap3A_960 = vector.shape_cast %add3A_956 : vector<16xi32> to vector<16xi32>
      tpu.vector_store %arg5[%swap3A_957], %swap3A_960 {strides = array<i32>} : memref<2560xi32, #tpu.memory_space<vmem>>, vector<16xi32>,
      %get3A_961 = arith.constant 1216 : index
      %get3A_962 = tpu.vector_load %arg5[%get3A_961] {strides = array<i32>} : memref<2560xi32, #tpu.memory_space<vmem>>, vector<16xi32>,
      %get3A_963 = vector.shape_cast %get3A_962 : vector<16xi32> to vector<16xi32>
      %add3A_964 = arith.addi %get3A_963, %mul3A_7 : vector<16xi32>
      %swap3A_965 = arith.constant 1216 : index
      %swap3A_966 = tpu.vector_load %arg5[%swap3A_965] {strides = array<i32>} : memref<2560xi32, #tpu.memory_space<vmem>>, vector<16xi32>,
      %swap3A_967 = vector.shape_cast %swap3A_966 : vector<16xi32> to vector<16xi32>
      %swap3A_968 = vector.shape_cast %add3A_964 : vector<16xi32> to vector<16xi32>
      tpu.vector_store %arg5[%swap3A_965], %swap3A_968 {strides = array<i32>} : memref<2560xi32, #tpu.memory_space<vmem>>, vector<16xi32>,
      %get3A_969 = arith.constant 1232 : index
      %get3A_970 = tpu.vector_load %arg5[%get3A_969] {strides = array<i32>} : memref<2560xi32, #tpu.memory_space<vmem>>, vector<16xi32>,
      %get3A_971 = vector.shape_cast %get3A_970 : vector<16xi32> to vector<16xi32>
      %add3A_972 = arith.addi %get3A_971, %mul3A_7 : vector<16xi32>
      %swap3A_973 = arith.constant 1232 : index
      %swap3A_974 = tpu.vector_load %arg5[%swap3A_973] {strides = array<i32>} : memref<2560xi32, #tpu.memory_space<vmem>>, vector<16xi32>,
      %swap3A_975 = vector.shape_cast %swap3A_974 : vector<16xi32> to vector<16xi32>
      %swap3A_976 = vector.shape_cast %add3A_972 : vector<16xi32> to vector<16xi32>
      tpu.vector_store %arg5[%swap3A_973], %swap3A_976 {strides = array<i32>} : memref<2560xi32, #tpu.memory_space<vmem>>, vector<16xi32>,
      %get3A_977 = arith.constant 1248 : index
      %get3A_978 = tpu.vector_load %arg5[%get3A_977] {strides = array<i32>} : memref<2560xi32, #tpu.memory_space<vmem>>, vector<16xi32>,
      %get3A_979 = vector.shape_cast %get3A_978 : vector<16xi32> to vector<16xi32>
      %add3A_980 = arith.addi %get3A_979, %mul3A_7 : vector<16xi32>
      %swap3A_981 = arith.constant 1248 : index
      %swap3A_982 = tpu.vector_load %arg5[%swap3A_981] {strides = array<i32>} : memref<2560xi32, #tpu.memory_space<vmem>>, vector<16xi32>,
      %swap3A_983 = vector.shape_cast %swap3A_982 : vector<16xi32> to vector<16xi32>
      %swap3A_984 = vector.shape_cast %add3A_980 : vector<16xi32> to vector<16xi32>
      tpu.vector_store %arg5[%swap3A_981], %swap3A_984 {strides = array<i32>} : memref<2560xi32, #tpu.memory_space<vmem>>, vector<16xi32>,
      %get3A_985 = arith.constant 1264 : index
      %get3A_986 = tpu.vector_load %arg5[%get3A_985] {strides = array<i32>} : memref<2560xi32, #tpu.memory_space<vmem>>, vector<16xi32>,
      %get3A_987 = vector.shape_cast %get3A_986 : vector<16xi32> to vector<16xi32>
      %add3A_988 = arith.addi %get3A_987, %mul3A_7 : vector<16xi32>
      %swap3A_989 = arith.constant 1264 : index
      %swap3A_990 = tpu.vector_load %arg5[%swap3A_989] {strides = array<i32>} : memref<2560xi32, #tpu.memory_space<vmem>>, vector<16xi32>,
      %swap3A_991 = vector.shape_cast %swap3A_990 : vector<16xi32> to vector<16xi32>
      %swap3A_992 = vector.shape_cast %add3A_988 : vector<16xi32> to vector<16xi32>
      tpu.vector_store %arg5[%swap3A_989], %swap3A_992 {strides = array<i32>} : memref<2560xi32, #tpu.memory_space<vmem>>, vector<16xi32>,
      %mul3A_993 = arith.constant 10 : i32
      %mul3A_994 = arith.muli %add3A_352, %mul3A_993 : i32
      %add3A_995 = arith.constant 0 : i32
      %add3A_996 = arith.addi %mul3A_994, %add3A_995 : i32
      %gt3A_997 = arith.constant 0 : i32
      %gt3A_998 = arith.cmpi sgt, %scan3A_348, %gt3A_997 : i32
      %convert_element_type3A_999 = arith.extui %gt3A_998 : i1 to i32
      %cond3A_1000 = arith.constant 0 : i32
      %cond3A_1001 = arith.cmpi ne, %convert_element_type3A_999, %cond3A_1000 : i32
      scf.if %cond3A_1001 {
        %dma_wait3A_2755 = arith.constant 5 : i32
        %dma_wait3A_2756 = arith.constant 5 : i32
        %dma_wait3A_2757 = arith.constant 0 : i32
        %dma_wait3A_2758 = arith.constant 0 : i32
        %dma_wait3A_2759 = tpu.memref_slice %arg6[%dma_wait3A_2755, %dma_wait3A_2757, %dma_wait3A_2758] : memref<10x128x64xf32, #tpu.memory_space<vmem>> -> memref<1x128x64xf32, #tpu.memory_space<vmem>>
        %dma_wait3A_2760 = tpu.memref_squeeze %dma_wait3A_2759 : memref<1x128x64xf32, #tpu.memory_space<vmem>> -> memref<128x64xf32, #tpu.memory_space<vmem>>
        %dma_wait3A_2761 = arith.constant 0 : i32
        %dma_wait3A_2762 = tpu.memref_slice %arg5[%dma_wait3A_2761] : memref<2560xi32, #tpu.memory_space<vmem>> -> memref<128xi32, #tpu.memory_space<vmem>>
        %dma_wait3A_2763 = arith.constant 0 : i32
        %dma_wait3A_2764 = arith.constant 0 : i32
        %dma_wait3A_2765 = tpu.memref_slice %arg3[%dma_wait3A_2763, %dma_wait3A_2764] : memref<4000x64xf32, #tpu.memory_space<hbm>> -> memref<4000x64xf32, #tpu.memory_space<hbm>>
        %dma_wait3A_2766 = tpu.memref_slice %arg7[%dma_wait3A_2756] : memref<10x!tpu.dma_semaphore, #tpu.memory_space<semaphore_mem>> -> memref<1x!tpu.dma_semaphore, #tpu.memory_space<semaphore_mem>>
        %dma_wait3A_2767 = tpu.memref_squeeze %dma_wait3A_2766 : memref<1x!tpu.dma_semaphore, #tpu.memory_space<semaphore_mem>> -> memref<!tpu.dma_semaphore, #tpu.memory_space<semaphore_mem>>
        tpu.wait_indirect_dma semaphore(%dma_wait3A_2767 : memref<!tpu.dma_semaphore, #tpu.memory_space<semaphore_mem>>) src(%dma_wait3A_2765 : memref<4000x64xf32, #tpu.memory_space<hbm>>) dst(%dma_wait3A_2760 : memref<128x64xf32, #tpu.memory_space<vmem>>)
        %sub3A_2768 = arith.constant 5 : i32
        %sub3A_2769 = arith.subi %add3A_996, %sub3A_2768 : i32
        %mul3A_2770 = arith.constant 128 : i32
        %mul3A_2771 = arith.muli %sub3A_2769, %mul3A_2770 : i32
        %add3A_2772 = arith.addi %mul3A_2, %mul3A_2771 : i32
        %dma_start3A_2773 = arith.constant 5 : i32
        %dma_start3A_2774 = arith.constant 5 : i32
        %dma_start3A_2775 = arith.constant 0 : i32
        %dma_start3A_2776 = arith.constant 0 : i32
        %dma_start3A_2777 = tpu.memref_slice %arg6[%dma_start3A_2773, %dma_start3A_2775, %dma_start3A_2776] : memref<10x128x64xf32, #tpu.memory_space<vmem>> -> memref<1x128x64xf32, #tpu.memory_space<vmem>>
        %dma_start3A_2778 = tpu.memref_squeeze %dma_start3A_2777 : memref<1x128x64xf32, #tpu.memory_space<vmem>> -> memref<128x64xf32, #tpu.memory_space<vmem>>
        %dma_start3A_2779 = arith.constant 0 : i32
        %dma_start3A_2780 = tpu.memref_slice %arg4[%add3A_2772, %dma_start3A_2779] : memref<3276800x64xf32, #tpu.memory_space<hbm>> -> memref<128x64xf32, #tpu.memory_space<hbm>>
        %dma_start3A_2781 = tpu.memref_slice %arg8[%dma_start3A_2774] : memref<10x!tpu.dma_semaphore, #tpu.memory_space<semaphore_mem>> -> memref<1x!tpu.dma_semaphore, #tpu.memory_space<semaphore_mem>>
        %dma_start3A_2782 = tpu.memref_squeeze %dma_start3A_2781 : memref<1x!tpu.dma_semaphore, #tpu.memory_space<semaphore_mem>> -> memref<!tpu.dma_semaphore, #tpu.memory_space<semaphore_mem>>
        %dma_start3A_2783 = arith.constant 0 : i32
        %dma_start3A_2784 = tpu.memref_slice %arg4[%add3A_2772, %dma_start3A_2783] : memref<3276800x64xf32, #tpu.memory_space<hbm>> -> memref<128x64xf32, #tpu.memory_space<hbm>>
        %dma_start3A_2785 = arith.constant 0 : i32
        %dma_start3A_2786 = arith.constant 0 : i32
        %dma_start3A_2787 = tpu.memref_slice %arg6[%dma_start3A_2773, %dma_start3A_2785, %dma_start3A_2786] : memref<10x128x64xf32, #tpu.memory_space<vmem>> -> memref<1x128x64xf32, #tpu.memory_space<vmem>>
        %dma_start3A_2788 = tpu.memref_squeeze %dma_start3A_2787 : memref<1x128x64xf32, #tpu.memory_space<vmem>> -> memref<128x64xf32, #tpu.memory_space<vmem>>
        tpu.enqueue_dma source(%dma_start3A_2788 : memref<128x64xf32, #tpu.memory_space<vmem>>) target(%dma_start3A_2784 : memref<128x64xf32, #tpu.memory_space<hbm>>) target_semaphore(%dma_start3A_2782 : memref<!tpu.dma_semaphore, #tpu.memory_space<semaphore_mem>>)
      } else {
      }
      %gt3A_1002 = arith.constant 0 : i32
      %gt3A_1003 = arith.cmpi sgt, %scan3A_348, %gt3A_1002 : i32
      %convert_element_type3A_1004 = arith.extui %gt3A_1003 : i1 to i32
      %cond3A_1005 = arith.constant 0 : i32
      %cond3A_1006 = arith.cmpi ne, %convert_element_type3A_1004, %cond3A_1005 : i32
      scf.if %cond3A_1006 {
        %dma_wait3A_2755 = arith.constant 0 : i32
        %dma_wait3A_2756 = arith.constant 0 : i32
        %dma_wait3A_2757 = arith.constant 0 : i32
        %dma_wait3A_2758 = arith.constant 0 : i32
        %dma_wait3A_2759 = tpu.memref_slice %arg6[%dma_wait3A_2755, %dma_wait3A_2757, %dma_wait3A_2758] : memref<10x128x64xf32, #tpu.memory_space<vmem>> -> memref<1x128x64xf32, #tpu.memory_space<vmem>>
        %dma_wait3A_2760 = tpu.memref_squeeze %dma_wait3A_2759 : memref<1x128x64xf32, #tpu.memory_space<vmem>> -> memref<128x64xf32, #tpu.memory_space<vmem>>
        %dma_wait3A_2761 = arith.constant 0 : i32
        %dma_wait3A_2762 = arith.constant 0 : i32
        %dma_wait3A_2763 = tpu.memref_slice %arg4[%dma_wait3A_2761, %dma_wait3A_2762] : memref<3276800x64xf32, #tpu.memory_space<hbm>> -> memref<128x64xf32, #tpu.memory_space<hbm>>
        %dma_wait3A_2764 = tpu.memref_slice %arg8[%dma_wait3A_2756] : memref<10x!tpu.dma_semaphore, #tpu.memory_space<semaphore_mem>> -> memref<1x!tpu.dma_semaphore, #tpu.memory_space<semaphore_mem>>
        %dma_wait3A_2765 = tpu.memref_squeeze %dma_wait3A_2764 : memref<1x!tpu.dma_semaphore, #tpu.memory_space<semaphore_mem>> -> memref<!tpu.dma_semaphore, #tpu.memory_space<semaphore_mem>>
        %dma_wait3A_2766 = arith.constant 0 : i32
        %dma_wait3A_2767 = arith.constant 0 : i32
        %dma_wait3A_2768 = tpu.memref_slice %arg4[%dma_wait3A_2766, %dma_wait3A_2767] : memref<3276800x64xf32, #tpu.memory_space<hbm>> -> memref<128x64xf32, #tpu.memory_space<hbm>>
        %dma_wait3A_2769 = arith.constant 0 : i32
        %dma_wait3A_2770 = arith.constant 0 : i32
        %dma_wait3A_2771 = tpu.memref_slice %arg6[%dma_wait3A_2755, %dma_wait3A_2769, %dma_wait3A_2770] : memref<10x128x64xf32, #tpu.memory_space<vmem>> -> memref<1x128x64xf32, #tpu.memory_space<vmem>>
        %dma_wait3A_2772 = tpu.memref_squeeze %dma_wait3A_2771 : memref<1x128x64xf32, #tpu.memory_space<vmem>> -> memref<128x64xf32, #tpu.memory_space<vmem>>
        tpu.wait_dma2 semaphore(%dma_wait3A_2765 : memref<!tpu.dma_semaphore, #tpu.memory_space<semaphore_mem>>) src(%dma_wait3A_2772 : memref<128x64xf32, #tpu.memory_space<vmem>>) dst(%dma_wait3A_2768 : memref<128x64xf32, #tpu.memory_space<hbm>>)
      } else {
      }
      %dma_start3A_1007 = arith.constant 0 : i32
      %dma_start3A_1008 = arith.constant 0 : i32
      %dma_start3A_1009 = arith.constant 0 : i32
      %dma_start3A_1010 = arith.constant 0 : i32
      %dma_start3A_1011 = tpu.memref_slice %arg6[%dma_start3A_1007, %dma_start3A_1009, %dma_start3A_1010] : memref<10x128x64xf32, #tpu.memory_space<vmem>> -> memref<1x128x64xf32, #tpu.memory_space<vmem>>
      %dma_start3A_1012 = tpu.memref_squeeze %dma_start3A_1011 : memref<1x128x64xf32, #tpu.memory_space<vmem>> -> memref<128x64xf32, #tpu.memory_space<vmem>>
      %dma_start3A_1013 = arith.constant 0 : i32
      %dma_start3A_1014 = tpu.memref_slice %arg5[%dma_start3A_1013] : memref<2560xi32, #tpu.memory_space<vmem>> -> memref<128xi32, #tpu.memory_space<vmem>>
      %dma_start3A_1015 = arith.constant 0 : i32
      %dma_start3A_1016 = arith.constant 0 : i32
      %dma_start3A_1017 = tpu.memref_slice %arg3[%dma_start3A_1015, %dma_start3A_1016] : memref<4000x64xf32, #tpu.memory_space<hbm>> -> memref<4000x64xf32, #tpu.memory_space<hbm>>
      %dma_start3A_1018 = tpu.memref_slice %arg7[%dma_start3A_1008] : memref<10x!tpu.dma_semaphore, #tpu.memory_space<semaphore_mem>> -> memref<1x!tpu.dma_semaphore, #tpu.memory_space<semaphore_mem>>
      %dma_start3A_1019 = tpu.memref_squeeze %dma_start3A_1018 : memref<1x!tpu.dma_semaphore, #tpu.memory_space<semaphore_mem>> -> memref<!tpu.dma_semaphore, #tpu.memory_space<semaphore_mem>>
      tpu.enqueue_indirect_dma source(%dma_start3A_1017 : memref<4000x64xf32, #tpu.memory_space<hbm>>) target(%dma_start3A_1012 : memref<128x64xf32, #tpu.memory_space<vmem>>) offsets(%dma_start3A_1014 : memref<128xi32, #tpu.memory_space<vmem>>) semaphore(%dma_start3A_1019 : memref<!tpu.dma_semaphore, #tpu.memory_space<semaphore_mem>>)
      %mul3A_1020 = arith.constant 10 : i32
      %mul3A_1021 = arith.muli %add3A_352, %mul3A_1020 : i32
      %add3A_1022 = arith.constant 1 : i32
      %add3A_1023 = arith.addi %mul3A_1021, %add3A_1022 : i32
      %gt3A_1024 = arith.constant 0 : i32
      %gt3A_1025 = arith.cmpi sgt, %scan3A_348, %gt3A_1024 : i32
      %convert_element_type3A_1026 = arith.extui %gt3A_1025 : i1 to i32
      %cond3A_1027 = arith.constant 0 : i32
      %cond3A_1028 = arith.cmpi ne, %convert_element_type3A_1026, %cond3A_1027 : i32
      scf.if %cond3A_1028 {
        %dma_wait3A_2755 = arith.constant 6 : i32
        %dma_wait3A_2756 = arith.constant 6 : i32
        %dma_wait3A_2757 = arith.constant 0 : i32
        %dma_wait3A_2758 = arith.constant 0 : i32
        %dma_wait3A_2759 = tpu.memref_slice %arg6[%dma_wait3A_2755, %dma_wait3A_2757, %dma_wait3A_2758] : memref<10x128x64xf32, #tpu.memory_space<vmem>> -> memref<1x128x64xf32, #tpu.memory_space<vmem>>
        %dma_wait3A_2760 = tpu.memref_squeeze %dma_wait3A_2759 : memref<1x128x64xf32, #tpu.memory_space<vmem>> -> memref<128x64xf32, #tpu.memory_space<vmem>>
        %dma_wait3A_2761 = arith.constant 0 : i32
        %dma_wait3A_2762 = tpu.memref_slice %arg5[%dma_wait3A_2761] : memref<2560xi32, #tpu.memory_space<vmem>> -> memref<128xi32, #tpu.memory_space<vmem>>
        %dma_wait3A_2763 = arith.constant 0 : i32
        %dma_wait3A_2764 = arith.constant 0 : i32
        %dma_wait3A_2765 = tpu.memref_slice %arg3[%dma_wait3A_2763, %dma_wait3A_2764] : memref<4000x64xf32, #tpu.memory_space<hbm>> -> memref<4000x64xf32, #tpu.memory_space<hbm>>
        %dma_wait3A_2766 = tpu.memref_slice %arg7[%dma_wait3A_2756] : memref<10x!tpu.dma_semaphore, #tpu.memory_space<semaphore_mem>> -> memref<1x!tpu.dma_semaphore, #tpu.memory_space<semaphore_mem>>
        %dma_wait3A_2767 = tpu.memref_squeeze %dma_wait3A_2766 : memref<1x!tpu.dma_semaphore, #tpu.memory_space<semaphore_mem>> -> memref<!tpu.dma_semaphore, #tpu.memory_space<semaphore_mem>>
        tpu.wait_indirect_dma semaphore(%dma_wait3A_2767 : memref<!tpu.dma_semaphore, #tpu.memory_space<semaphore_mem>>) src(%dma_wait3A_2765 : memref<4000x64xf32, #tpu.memory_space<hbm>>) dst(%dma_wait3A_2760 : memref<128x64xf32, #tpu.memory_space<vmem>>)
        %sub3A_2768 = arith.constant 5 : i32
        %sub3A_2769 = arith.subi %add3A_1023, %sub3A_2768 : i32
        %mul3A_2770 = arith.constant 128 : i32
        %mul3A_2771 = arith.muli %sub3A_2769, %mul3A_2770 : i32
        %add3A_2772 = arith.addi %mul3A_2, %mul3A_2771 : i32
        %dma_start3A_2773 = arith.constant 6 : i32
        %dma_start3A_2774 = arith.constant 6 : i32
        %dma_start3A_2775 = arith.constant 0 : i32
        %dma_start3A_2776 = arith.constant 0 : i32
        %dma_start3A_2777 = tpu.memref_slice %arg6[%dma_start3A_2773, %dma_start3A_2775, %dma_start3A_2776] : memref<10x128x64xf32, #tpu.memory_space<vmem>> -> memref<1x128x64xf32, #tpu.memory_space<vmem>>
        %dma_start3A_2778 = tpu.memref_squeeze %dma_start3A_2777 : memref<1x128x64xf32, #tpu.memory_space<vmem>> -> memref<128x64xf32, #tpu.memory_space<vmem>>
        %dma_start3A_2779 = arith.constant 0 : i32
        %dma_start3A_2780 = tpu.memref_slice %arg4[%add3A_2772, %dma_start3A_2779] : memref<3276800x64xf32, #tpu.memory_space<hbm>> -> memref<128x64xf32, #tpu.memory_space<hbm>>
        %dma_start3A_2781 = tpu.memref_slice %arg8[%dma_start3A_2774] : memref<10x!tpu.dma_semaphore, #tpu.memory_space<semaphore_mem>> -> memref<1x!tpu.dma_semaphore, #tpu.memory_space<semaphore_mem>>
        %dma_start3A_2782 = tpu.memref_squeeze %dma_start3A_2781 : memref<1x!tpu.dma_semaphore, #tpu.memory_space<semaphore_mem>> -> memref<!tpu.dma_semaphore, #tpu.memory_space<semaphore_mem>>
        %dma_start3A_2783 = arith.constant 0 : i32
        %dma_start3A_2784 = tpu.memref_slice %arg4[%add3A_2772, %dma_start3A_2783] : memref<3276800x64xf32, #tpu.memory_space<hbm>> -> memref<128x64xf32, #tpu.memory_space<hbm>>
        %dma_start3A_2785 = arith.constant 0 : i32
        %dma_start3A_2786 = arith.constant 0 : i32
        %dma_start3A_2787 = tpu.memref_slice %arg6[%dma_start3A_2773, %dma_start3A_2785, %dma_start3A_2786] : memref<10x128x64xf32, #tpu.memory_space<vmem>> -> memref<1x128x64xf32, #tpu.memory_space<vmem>>
        %dma_start3A_2788 = tpu.memref_squeeze %dma_start3A_2787 : memref<1x128x64xf32, #tpu.memory_space<vmem>> -> memref<128x64xf32, #tpu.memory_space<vmem>>
        tpu.enqueue_dma source(%dma_start3A_2788 : memref<128x64xf32, #tpu.memory_space<vmem>>) target(%dma_start3A_2784 : memref<128x64xf32, #tpu.memory_space<hbm>>) target_semaphore(%dma_start3A_2782 : memref<!tpu.dma_semaphore, #tpu.memory_space<semaphore_mem>>)
      } else {
      }
      %gt3A_1029 = arith.constant 0 : i32
      %gt3A_1030 = arith.cmpi sgt, %scan3A_348, %gt3A_1029 : i32
      %convert_element_type3A_1031 = arith.extui %gt3A_1030 : i1 to i32
      %cond3A_1032 = arith.constant 0 : i32
      %cond3A_1033 = arith.cmpi ne, %convert_element_type3A_1031, %cond3A_1032 : i32
      scf.if %cond3A_1033 {
        %dma_wait3A_2755 = arith.constant 1 : i32
        %dma_wait3A_2756 = arith.constant 1 : i32
        %dma_wait3A_2757 = arith.constant 0 : i32
        %dma_wait3A_2758 = arith.constant 0 : i32
        %dma_wait3A_2759 = tpu.memref_slice %arg6[%dma_wait3A_2755, %dma_wait3A_2757, %dma_wait3A_2758] : memref<10x128x64xf32, #tpu.memory_space<vmem>> -> memref<1x128x64xf32, #tpu.memory_space<vmem>>
        %dma_wait3A_2760 = tpu.memref_squeeze %dma_wait3A_2759 : memref<1x128x64xf32, #tpu.memory_space<vmem>> -> memref<128x64xf32, #tpu.memory_space<vmem>>
        %dma_wait3A_2761 = arith.constant 0 : i32
        %dma_wait3A_2762 = arith.constant 0 : i32
        %dma_wait3A_2763 = tpu.memref_slice %arg4[%dma_wait3A_2761, %dma_wait3A_2762] : memref<3276800x64xf32, #tpu.memory_space<hbm>> -> memref<128x64xf32, #tpu.memory_space<hbm>>
        %dma_wait3A_2764 = tpu.memref_slice %arg8[%dma_wait3A_2756] : memref<10x!tpu.dma_semaphore, #tpu.memory_space<semaphore_mem>> -> memref<1x!tpu.dma_semaphore, #tpu.memory_space<semaphore_mem>>
        %dma_wait3A_2765 = tpu.memref_squeeze %dma_wait3A_2764 : memref<1x!tpu.dma_semaphore, #tpu.memory_space<semaphore_mem>> -> memref<!tpu.dma_semaphore, #tpu.memory_space<semaphore_mem>>
        %dma_wait3A_2766 = arith.constant 0 : i32
        %dma_wait3A_2767 = arith.constant 0 : i32
        %dma_wait3A_2768 = tpu.memref_slice %arg4[%dma_wait3A_2766, %dma_wait3A_2767] : memref<3276800x64xf32, #tpu.memory_space<hbm>> -> memref<128x64xf32, #tpu.memory_space<hbm>>
        %dma_wait3A_2769 = arith.constant 0 : i32
        %dma_wait3A_2770 = arith.constant 0 : i32
        %dma_wait3A_2771 = tpu.memref_slice %arg6[%dma_wait3A_2755, %dma_wait3A_2769, %dma_wait3A_2770] : memref<10x128x64xf32, #tpu.memory_space<vmem>> -> memref<1x128x64xf32, #tpu.memory_space<vmem>>
        %dma_wait3A_2772 = tpu.memref_squeeze %dma_wait3A_2771 : memref<1x128x64xf32, #tpu.memory_space<vmem>> -> memref<128x64xf32, #tpu.memory_space<vmem>>
        tpu.wait_dma2 semaphore(%dma_wait3A_2765 : memref<!tpu.dma_semaphore, #tpu.memory_space<semaphore_mem>>) src(%dma_wait3A_2772 : memref<128x64xf32, #tpu.memory_space<vmem>>) dst(%dma_wait3A_2768 : memref<128x64xf32, #tpu.memory_space<hbm>>)
      } else {
      }
      %dma_start3A_1034 = arith.constant 1 : i32
      %dma_start3A_1035 = arith.constant 1 : i32
      %dma_start3A_1036 = arith.constant 0 : i32
      %dma_start3A_1037 = arith.constant 0 : i32
      %dma_start3A_1038 = tpu.memref_slice %arg6[%dma_start3A_1034, %dma_start3A_1036, %dma_start3A_1037] : memref<10x128x64xf32, #tpu.memory_space<vmem>> -> memref<1x128x64xf32, #tpu.memory_space<vmem>>
      %dma_start3A_1039 = tpu.memref_squeeze %dma_start3A_1038 : memref<1x128x64xf32, #tpu.memory_space<vmem>> -> memref<128x64xf32, #tpu.memory_space<vmem>>
      %dma_start3A_1040 = arith.constant 128 : i32
      %dma_start3A_1041 = tpu.memref_slice %arg5[%dma_start3A_1040] : memref<2560xi32, #tpu.memory_space<vmem>> -> memref<128xi32, #tpu.memory_space<vmem>>
      %dma_start3A_1042 = arith.constant 0 : i32
      %dma_start3A_1043 = arith.constant 0 : i32
      %dma_start3A_1044 = tpu.memref_slice %arg3[%dma_start3A_1042, %dma_start3A_1043] : memref<4000x64xf32, #tpu.memory_space<hbm>> -> memref<4000x64xf32, #tpu.memory_space<hbm>>
      %dma_start3A_1045 = tpu.memref_slice %arg7[%dma_start3A_1035] : memref<10x!tpu.dma_semaphore, #tpu.memory_space<semaphore_mem>> -> memref<1x!tpu.dma_semaphore, #tpu.memory_space<semaphore_mem>>
      %dma_start3A_1046 = tpu.memref_squeeze %dma_start3A_1045 : memref<1x!tpu.dma_semaphore, #tpu.memory_space<semaphore_mem>> -> memref<!tpu.dma_semaphore, #tpu.memory_space<semaphore_mem>>
      tpu.enqueue_indirect_dma source(%dma_start3A_1044 : memref<4000x64xf32, #tpu.memory_space<hbm>>) target(%dma_start3A_1039 : memref<128x64xf32, #tpu.memory_space<vmem>>) offsets(%dma_start3A_1041 : memref<128xi32, #tpu.memory_space<vmem>>) semaphore(%dma_start3A_1046 : memref<!tpu.dma_semaphore, #tpu.memory_space<semaphore_mem>>)
      %mul3A_1047 = arith.constant 10 : i32
      %mul3A_1048 = arith.muli %add3A_352, %mul3A_1047 : i32
      %add3A_1049 = arith.constant 2 : i32
      %add3A_1050 = arith.addi %mul3A_1048, %add3A_1049 : i32
      %gt3A_1051 = arith.constant 0 : i32
      %gt3A_1052 = arith.cmpi sgt, %scan3A_348, %gt3A_1051 : i32
      %convert_element_type3A_1053 = arith.extui %gt3A_1052 : i1 to i32
      %cond3A_1054 = arith.constant 0 : i32
      %cond3A_1055 = arith.cmpi ne, %convert_element_type3A_1053, %cond3A_1054 : i32
      scf.if %cond3A_1055 {
        %dma_wait3A_2755 = arith.constant 7 : i32
        %dma_wait3A_2756 = arith.constant 7 : i32
        %dma_wait3A_2757 = arith.constant 0 : i32
        %dma_wait3A_2758 = arith.constant 0 : i32
        %dma_wait3A_2759 = tpu.memref_slice %arg6[%dma_wait3A_2755, %dma_wait3A_2757, %dma_wait3A_2758] : memref<10x128x64xf32, #tpu.memory_space<vmem>> -> memref<1x128x64xf32, #tpu.memory_space<vmem>>
        %dma_wait3A_2760 = tpu.memref_squeeze %dma_wait3A_2759 : memref<1x128x64xf32, #tpu.memory_space<vmem>> -> memref<128x64xf32, #tpu.memory_space<vmem>>
        %dma_wait3A_2761 = arith.constant 0 : i32
        %dma_wait3A_2762 = tpu.memref_slice %arg5[%dma_wait3A_2761] : memref<2560xi32, #tpu.memory_space<vmem>> -> memref<128xi32, #tpu.memory_space<vmem>>
        %dma_wait3A_2763 = arith.constant 0 : i32
        %dma_wait3A_2764 = arith.constant 0 : i32
        %dma_wait3A_2765 = tpu.memref_slice %arg3[%dma_wait3A_2763, %dma_wait3A_2764] : memref<4000x64xf32, #tpu.memory_space<hbm>> -> memref<4000x64xf32, #tpu.memory_space<hbm>>
        %dma_wait3A_2766 = tpu.memref_slice %arg7[%dma_wait3A_2756] : memref<10x!tpu.dma_semaphore, #tpu.memory_space<semaphore_mem>> -> memref<1x!tpu.dma_semaphore, #tpu.memory_space<semaphore_mem>>
        %dma_wait3A_2767 = tpu.memref_squeeze %dma_wait3A_2766 : memref<1x!tpu.dma_semaphore, #tpu.memory_space<semaphore_mem>> -> memref<!tpu.dma_semaphore, #tpu.memory_space<semaphore_mem>>
        tpu.wait_indirect_dma semaphore(%dma_wait3A_2767 : memref<!tpu.dma_semaphore, #tpu.memory_space<semaphore_mem>>) src(%dma_wait3A_2765 : memref<4000x64xf32, #tpu.memory_space<hbm>>) dst(%dma_wait3A_2760 : memref<128x64xf32, #tpu.memory_space<vmem>>)
        %sub3A_2768 = arith.constant 5 : i32
        %sub3A_2769 = arith.subi %add3A_1050, %sub3A_2768 : i32
        %mul3A_2770 = arith.constant 128 : i32
        %mul3A_2771 = arith.muli %sub3A_2769, %mul3A_2770 : i32
        %add3A_2772 = arith.addi %mul3A_2, %mul3A_2771 : i32
        %dma_start3A_2773 = arith.constant 7 : i32
        %dma_start3A_2774 = arith.constant 7 : i32
        %dma_start3A_2775 = arith.constant 0 : i32
        %dma_start3A_2776 = arith.constant 0 : i32
        %dma_start3A_2777 = tpu.memref_slice %arg6[%dma_start3A_2773, %dma_start3A_2775, %dma_start3A_2776] : memref<10x128x64xf32, #tpu.memory_space<vmem>> -> memref<1x128x64xf32, #tpu.memory_space<vmem>>
        %dma_start3A_2778 = tpu.memref_squeeze %dma_start3A_2777 : memref<1x128x64xf32, #tpu.memory_space<vmem>> -> memref<128x64xf32, #tpu.memory_space<vmem>>
        %dma_start3A_2779 = arith.constant 0 : i32
        %dma_start3A_2780 = tpu.memref_slice %arg4[%add3A_2772, %dma_start3A_2779] : memref<3276800x64xf32, #tpu.memory_space<hbm>> -> memref<128x64xf32, #tpu.memory_space<hbm>>
        %dma_start3A_2781 = tpu.memref_slice %arg8[%dma_start3A_2774] : memref<10x!tpu.dma_semaphore, #tpu.memory_space<semaphore_mem>> -> memref<1x!tpu.dma_semaphore, #tpu.memory_space<semaphore_mem>>
        %dma_start3A_2782 = tpu.memref_squeeze %dma_start3A_2781 : memref<1x!tpu.dma_semaphore, #tpu.memory_space<semaphore_mem>> -> memref<!tpu.dma_semaphore, #tpu.memory_space<semaphore_mem>>
        %dma_start3A_2783 = arith.constant 0 : i32
        %dma_start3A_2784 = tpu.memref_slice %arg4[%add3A_2772, %dma_start3A_2783] : memref<3276800x64xf32, #tpu.memory_space<hbm>> -> memref<128x64xf32, #tpu.memory_space<hbm>>
        %dma_start3A_2785 = arith.constant 0 : i32
        %dma_start3A_2786 = arith.constant 0 : i32
        %dma_start3A_2787 = tpu.memref_slice %arg6[%dma_start3A_2773, %dma_start3A_2785, %dma_start3A_2786] : memref<10x128x64xf32, #tpu.memory_space<vmem>> -> memref<1x128x64xf32, #tpu.memory_space<vmem>>
        %dma_start3A_2788 = tpu.memref_squeeze %dma_start3A_2787 : memref<1x128x64xf32, #tpu.memory_space<vmem>> -> memref<128x64xf32, #tpu.memory_space<vmem>>
        tpu.enqueue_dma source(%dma_start3A_2788 : memref<128x64xf32, #tpu.memory_space<vmem>>) target(%dma_start3A_2784 : memref<128x64xf32, #tpu.memory_space<hbm>>) target_semaphore(%dma_start3A_2782 : memref<!tpu.dma_semaphore, #tpu.memory_space<semaphore_mem>>)
      } else {
      }
      %gt3A_1056 = arith.constant 0 : i32
      %gt3A_1057 = arith.cmpi sgt, %scan3A_348, %gt3A_1056 : i32
      %convert_element_type3A_1058 = arith.extui %gt3A_1057 : i1 to i32
      %cond3A_1059 = arith.constant 0 : i32
      %cond3A_1060 = arith.cmpi ne, %convert_element_type3A_1058, %cond3A_1059 : i32
      scf.if %cond3A_1060 {
        %dma_wait3A_2755 = arith.constant 2 : i32
        %dma_wait3A_2756 = arith.constant 2 : i32
        %dma_wait3A_2757 = arith.constant 0 : i32
        %dma_wait3A_2758 = arith.constant 0 : i32
        %dma_wait3A_2759 = tpu.memref_slice %arg6[%dma_wait3A_2755, %dma_wait3A_2757, %dma_wait3A_2758] : memref<10x128x64xf32, #tpu.memory_space<vmem>> -> memref<1x128x64xf32, #tpu.memory_space<vmem>>
        %dma_wait3A_2760 = tpu.memref_squeeze %dma_wait3A_2759 : memref<1x128x64xf32, #tpu.memory_space<vmem>> -> memref<128x64xf32, #tpu.memory_space<vmem>>
        %dma_wait3A_2761 = arith.constant 0 : i32
        %dma_wait3A_2762 = arith.constant 0 : i32
        %dma_wait3A_2763 = tpu.memref_slice %arg4[%dma_wait3A_2761, %dma_wait3A_2762] : memref<3276800x64xf32, #tpu.memory_space<hbm>> -> memref<128x64xf32, #tpu.memory_space<hbm>>
        %dma_wait3A_2764 = tpu.memref_slice %arg8[%dma_wait3A_2756] : memref<10x!tpu.dma_semaphore, #tpu.memory_space<semaphore_mem>> -> memref<1x!tpu.dma_semaphore, #tpu.memory_space<semaphore_mem>>
        %dma_wait3A_2765 = tpu.memref_squeeze %dma_wait3A_2764 : memref<1x!tpu.dma_semaphore, #tpu.memory_space<semaphore_mem>> -> memref<!tpu.dma_semaphore, #tpu.memory_space<semaphore_mem>>
        %dma_wait3A_2766 = arith.constant 0 : i32
        %dma_wait3A_2767 = arith.constant 0 : i32
        %dma_wait3A_2768 = tpu.memref_slice %arg4[%dma_wait3A_2766, %dma_wait3A_2767] : memref<3276800x64xf32, #tpu.memory_space<hbm>> -> memref<128x64xf32, #tpu.memory_space<hbm>>
        %dma_wait3A_2769 = arith.constant 0 : i32
        %dma_wait3A_2770 = arith.constant 0 : i32
        %dma_wait3A_2771 = tpu.memref_slice %arg6[%dma_wait3A_2755, %dma_wait3A_2769, %dma_wait3A_2770] : memref<10x128x64xf32, #tpu.memory_space<vmem>> -> memref<1x128x64xf32, #tpu.memory_space<vmem>>
        %dma_wait3A_2772 = tpu.memref_squeeze %dma_wait3A_2771 : memref<1x128x64xf32, #tpu.memory_space<vmem>> -> memref<128x64xf32, #tpu.memory_space<vmem>>
        tpu.wait_dma2 semaphore(%dma_wait3A_2765 : memref<!tpu.dma_semaphore, #tpu.memory_space<semaphore_mem>>) src(%dma_wait3A_2772 : memref<128x64xf32, #tpu.memory_space<vmem>>) dst(%dma_wait3A_2768 : memref<128x64xf32, #tpu.memory_space<hbm>>)
      } else {
      }
      %dma_start3A_1061 = arith.constant 2 : i32
      %dma_start3A_1062 = arith.constant 2 : i32
      %dma_start3A_1063 = arith.constant 0 : i32
      %dma_start3A_1064 = arith.constant 0 : i32
      %dma_start3A_1065 = tpu.memref_slice %arg6[%dma_start3A_1061, %dma_start3A_1063, %dma_start3A_1064] : memref<10x128x64xf32, #tpu.memory_space<vmem>> -> memref<1x128x64xf32, #tpu.memory_space<vmem>>
      %dma_start3A_1066 = tpu.memref_squeeze %dma_start3A_1065 : memref<1x128x64xf32, #tpu.memory_space<vmem>> -> memref<128x64xf32, #tpu.memory_space<vmem>>
      %dma_start3A_1067 = arith.constant 256 : i32
      %dma_start3A_1068 = tpu.memref_slice %arg5[%dma_start3A_1067] : memref<2560xi32, #tpu.memory_space<vmem>> -> memref<128xi32, #tpu.memory_space<vmem>>
      %dma_start3A_1069 = arith.constant 0 : i32
      %dma_start3A_1070 = arith.constant 0 : i32
      %dma_start3A_1071 = tpu.memref_slice %arg3[%dma_start3A_1069, %dma_start3A_1070] : memref<4000x64xf32, #tpu.memory_space<hbm>> -> memref<4000x64xf32, #tpu.memory_space<hbm>>
      %dma_start3A_1072 = tpu.memref_slice %arg7[%dma_start3A_1062] : memref<10x!tpu.dma_semaphore, #tpu.memory_space<semaphore_mem>> -> memref<1x!tpu.dma_semaphore, #tpu.memory_space<semaphore_mem>>
      %dma_start3A_1073 = tpu.memref_squeeze %dma_start3A_1072 : memref<1x!tpu.dma_semaphore, #tpu.memory_space<semaphore_mem>> -> memref<!tpu.dma_semaphore, #tpu.memory_space<semaphore_mem>>
      tpu.enqueue_indirect_dma source(%dma_start3A_1071 : memref<4000x64xf32, #tpu.memory_space<hbm>>) target(%dma_start3A_1066 : memref<128x64xf32, #tpu.memory_space<vmem>>) offsets(%dma_start3A_1068 : memref<128xi32, #tpu.memory_space<vmem>>) semaphore(%dma_start3A_1073 : memref<!tpu.dma_semaphore, #tpu.memory_space<semaphore_mem>>)
      %mul3A_1074 = arith.constant 10 : i32
      %mul3A_1075 = arith.muli %add3A_352, %mul3A_1074 : i32
      %add3A_1076 = arith.constant 3 : i32
      %add3A_1077 = arith.addi %mul3A_1075, %add3A_1076 : i32
      %gt3A_1078 = arith.constant 0 : i32
      %gt3A_1079 = arith.cmpi sgt, %scan3A_348, %gt3A_1078 : i32
      %convert_element_type3A_1080 = arith.extui %gt3A_1079 : i1 to i32
      %cond3A_1081 = arith.constant 0 : i32
      %cond3A_1082 = arith.cmpi ne, %convert_element_type3A_1080, %cond3A_1081 : i32
      scf.if %cond3A_1082 {
        %dma_wait3A_2755 = arith.constant 8 : i32
        %dma_wait3A_2756 = arith.constant 8 : i32
        %dma_wait3A_2757 = arith.constant 0 : i32
        %dma_wait3A_2758 = arith.constant 0 : i32
        %dma_wait3A_2759 = tpu.memref_slice %arg6[%dma_wait3A_2755, %dma_wait3A_2757, %dma_wait3A_2758] : memref<10x128x64xf32, #tpu.memory_space<vmem>> -> memref<1x128x64xf32, #tpu.memory_space<vmem>>
        %dma_wait3A_2760 = tpu.memref_squeeze %dma_wait3A_2759 : memref<1x128x64xf32, #tpu.memory_space<vmem>> -> memref<128x64xf32, #tpu.memory_space<vmem>>
        %dma_wait3A_2761 = arith.constant 0 : i32
        %dma_wait3A_2762 = tpu.memref_slice %arg5[%dma_wait3A_2761] : memref<2560xi32, #tpu.memory_space<vmem>> -> memref<128xi32, #tpu.memory_space<vmem>>
        %dma_wait3A_2763 = arith.constant 0 : i32
        %dma_wait3A_2764 = arith.constant 0 : i32
        %dma_wait3A_2765 = tpu.memref_slice %arg3[%dma_wait3A_2763, %dma_wait3A_2764] : memref<4000x64xf32, #tpu.memory_space<hbm>> -> memref<4000x64xf32, #tpu.memory_space<hbm>>
        %dma_wait3A_2766 = tpu.memref_slice %arg7[%dma_wait3A_2756] : memref<10x!tpu.dma_semaphore, #tpu.memory_space<semaphore_mem>> -> memref<1x!tpu.dma_semaphore, #tpu.memory_space<semaphore_mem>>
        %dma_wait3A_2767 = tpu.memref_squeeze %dma_wait3A_2766 : memref<1x!tpu.dma_semaphore, #tpu.memory_space<semaphore_mem>> -> memref<!tpu.dma_semaphore, #tpu.memory_space<semaphore_mem>>
        tpu.wait_indirect_dma semaphore(%dma_wait3A_2767 : memref<!tpu.dma_semaphore, #tpu.memory_space<semaphore_mem>>) src(%dma_wait3A_2765 : memref<4000x64xf32, #tpu.memory_space<hbm>>) dst(%dma_wait3A_2760 : memref<128x64xf32, #tpu.memory_space<vmem>>)
        %sub3A_2768 = arith.constant 5 : i32
        %sub3A_2769 = arith.subi %add3A_1077, %sub3A_2768 : i32
        %mul3A_2770 = arith.constant 128 : i32
        %mul3A_2771 = arith.muli %sub3A_2769, %mul3A_2770 : i32
        %add3A_2772 = arith.addi %mul3A_2, %mul3A_2771 : i32
        %dma_start3A_2773 = arith.constant 8 : i32
        %dma_start3A_2774 = arith.constant 8 : i32
        %dma_start3A_2775 = arith.constant 0 : i32
        %dma_start3A_2776 = arith.constant 0 : i32
        %dma_start3A_2777 = tpu.memref_slice %arg6[%dma_start3A_2773, %dma_start3A_2775, %dma_start3A_2776] : memref<10x128x64xf32, #tpu.memory_space<vmem>> -> memref<1x128x64xf32, #tpu.memory_space<vmem>>
        %dma_start3A_2778 = tpu.memref_squeeze %dma_start3A_2777 : memref<1x128x64xf32, #tpu.memory_space<vmem>> -> memref<128x64xf32, #tpu.memory_space<vmem>>
        %dma_start3A_2779 = arith.constant 0 : i32
        %dma_start3A_2780 = tpu.memref_slice %arg4[%add3A_2772, %dma_start3A_2779] : memref<3276800x64xf32, #tpu.memory_space<hbm>> -> memref<128x64xf32, #tpu.memory_space<hbm>>
        %dma_start3A_2781 = tpu.memref_slice %arg8[%dma_start3A_2774] : memref<10x!tpu.dma_semaphore, #tpu.memory_space<semaphore_mem>> -> memref<1x!tpu.dma_semaphore, #tpu.memory_space<semaphore_mem>>
        %dma_start3A_2782 = tpu.memref_squeeze %dma_start3A_2781 : memref<1x!tpu.dma_semaphore, #tpu.memory_space<semaphore_mem>> -> memref<!tpu.dma_semaphore, #tpu.memory_space<semaphore_mem>>
        %dma_start3A_2783 = arith.constant 0 : i32
        %dma_start3A_2784 = tpu.memref_slice %arg4[%add3A_2772, %dma_start3A_2783] : memref<3276800x64xf32, #tpu.memory_space<hbm>> -> memref<128x64xf32, #tpu.memory_space<hbm>>
        %dma_start3A_2785 = arith.constant 0 : i32
        %dma_start3A_2786 = arith.constant 0 : i32
        %dma_start3A_2787 = tpu.memref_slice %arg6[%dma_start3A_2773, %dma_start3A_2785, %dma_start3A_2786] : memref<10x128x64xf32, #tpu.memory_space<vmem>> -> memref<1x128x64xf32, #tpu.memory_space<vmem>>
        %dma_start3A_2788 = tpu.memref_squeeze %dma_start3A_2787 : memref<1x128x64xf32, #tpu.memory_space<vmem>> -> memref<128x64xf32, #tpu.memory_space<vmem>>
        tpu.enqueue_dma source(%dma_start3A_2788 : memref<128x64xf32, #tpu.memory_space<vmem>>) target(%dma_start3A_2784 : memref<128x64xf32, #tpu.memory_space<hbm>>) target_semaphore(%dma_start3A_2782 : memref<!tpu.dma_semaphore, #tpu.memory_space<semaphore_mem>>)
      } else {
      }
      %gt3A_1083 = arith.constant 0 : i32
      %gt3A_1084 = arith.cmpi sgt, %scan3A_348, %gt3A_1083 : i32
      %convert_element_type3A_1085 = arith.extui %gt3A_1084 : i1 to i32
      %cond3A_1086 = arith.constant 0 : i32
      %cond3A_1087 = arith.cmpi ne, %convert_element_type3A_1085, %cond3A_1086 : i32
      scf.if %cond3A_1087 {
        %dma_wait3A_2755 = arith.constant 3 : i32
        %dma_wait3A_2756 = arith.constant 3 : i32
        %dma_wait3A_2757 = arith.constant 0 : i32
        %dma_wait3A_2758 = arith.constant 0 : i32
        %dma_wait3A_2759 = tpu.memref_slice %arg6[%dma_wait3A_2755, %dma_wait3A_2757, %dma_wait3A_2758] : memref<10x128x64xf32, #tpu.memory_space<vmem>> -> memref<1x128x64xf32, #tpu.memory_space<vmem>>
        %dma_wait3A_2760 = tpu.memref_squeeze %dma_wait3A_2759 : memref<1x128x64xf32, #tpu.memory_space<vmem>> -> memref<128x64xf32, #tpu.memory_space<vmem>>
        %dma_wait3A_2761 = arith.constant 0 : i32
        %dma_wait3A_2762 = arith.constant 0 : i32
        %dma_wait3A_2763 = tpu.memref_slice %arg4[%dma_wait3A_2761, %dma_wait3A_2762] : memref<3276800x64xf32, #tpu.memory_space<hbm>> -> memref<128x64xf32, #tpu.memory_space<hbm>>
        %dma_wait3A_2764 = tpu.memref_slice %arg8[%dma_wait3A_2756] : memref<10x!tpu.dma_semaphore, #tpu.memory_space<semaphore_mem>> -> memref<1x!tpu.dma_semaphore, #tpu.memory_space<semaphore_mem>>
        %dma_wait3A_2765 = tpu.memref_squeeze %dma_wait3A_2764 : memref<1x!tpu.dma_semaphore, #tpu.memory_space<semaphore_mem>> -> memref<!tpu.dma_semaphore, #tpu.memory_space<semaphore_mem>>
        %dma_wait3A_2766 = arith.constant 0 : i32
        %dma_wait3A_2767 = arith.constant 0 : i32
        %dma_wait3A_2768 = tpu.memref_slice %arg4[%dma_wait3A_2766, %dma_wait3A_2767] : memref<3276800x64xf32, #tpu.memory_space<hbm>> -> memref<128x64xf32, #tpu.memory_space<hbm>>
        %dma_wait3A_2769 = arith.constant 0 : i32
        %dma_wait3A_2770 = arith.constant 0 : i32
        %dma_wait3A_2771 = tpu.memref_slice %arg6[%dma_wait3A_2755, %dma_wait3A_2769, %dma_wait3A_2770] : memref<10x128x64xf32, #tpu.memory_space<vmem>> -> memref<1x128x64xf32, #tpu.memory_space<vmem>>
        %dma_wait3A_2772 = tpu.memref_squeeze %dma_wait3A_2771 : memref<1x128x64xf32, #tpu.memory_space<vmem>> -> memref<128x64xf32, #tpu.memory_space<vmem>>
        tpu.wait_dma2 semaphore(%dma_wait3A_2765 : memref<!tpu.dma_semaphore, #tpu.memory_space<semaphore_mem>>) src(%dma_wait3A_2772 : memref<128x64xf32, #tpu.memory_space<vmem>>) dst(%dma_wait3A_2768 : memref<128x64xf32, #tpu.memory_space<hbm>>)
      } else {
      }
      %dma_start3A_1088 = arith.constant 3 : i32
      %dma_start3A_1089 = arith.constant 3 : i32
      %dma_start3A_1090 = arith.constant 0 : i32
      %dma_start3A_1091 = arith.constant 0 : i32
      %dma_start3A_1092 = tpu.memref_slice %arg6[%dma_start3A_1088, %dma_start3A_1090, %dma_start3A_1091] : memref<10x128x64xf32, #tpu.memory_space<vmem>> -> memref<1x128x64xf32, #tpu.memory_space<vmem>>
      %dma_start3A_1093 = tpu.memref_squeeze %dma_start3A_1092 : memref<1x128x64xf32, #tpu.memory_space<vmem>> -> memref<128x64xf32, #tpu.memory_space<vmem>>
      %dma_start3A_1094 = arith.constant 384 : i32
      %dma_start3A_1095 = tpu.memref_slice %arg5[%dma_start3A_1094] : memref<2560xi32, #tpu.memory_space<vmem>> -> memref<128xi32, #tpu.memory_space<vmem>>
      %dma_start3A_1096 = arith.constant 0 : i32
      %dma_start3A_1097 = arith.constant 0 : i32
      %dma_start3A_1098 = tpu.memref_slice %arg3[%dma_start3A_1096, %dma_start3A_1097] : memref<4000x64xf32, #tpu.memory_space<hbm>> -> memref<4000x64xf32, #tpu.memory_space<hbm>>
      %dma_start3A_1099 = tpu.memref_slice %arg7[%dma_start3A_1089] : memref<10x!tpu.dma_semaphore, #tpu.memory_space<semaphore_mem>> -> memref<1x!tpu.dma_semaphore, #tpu.memory_space<semaphore_mem>>
      %dma_start3A_1100 = tpu.memref_squeeze %dma_start3A_1099 : memref<1x!tpu.dma_semaphore, #tpu.memory_space<semaphore_mem>> -> memref<!tpu.dma_semaphore, #tpu.memory_space<semaphore_mem>>
      tpu.enqueue_indirect_dma source(%dma_start3A_1098 : memref<4000x64xf32, #tpu.memory_space<hbm>>) target(%dma_start3A_1093 : memref<128x64xf32, #tpu.memory_space<vmem>>) offsets(%dma_start3A_1095 : memref<128xi32, #tpu.memory_space<vmem>>) semaphore(%dma_start3A_1100 : memref<!tpu.dma_semaphore, #tpu.memory_space<semaphore_mem>>)
      %mul3A_1101 = arith.constant 10 : i32
      %mul3A_1102 = arith.muli %add3A_352, %mul3A_1101 : i32
      %add3A_1103 = arith.constant 4 : i32
      %add3A_1104 = arith.addi %mul3A_1102, %add3A_1103 : i32
      %gt3A_1105 = arith.constant 0 : i32
      %gt3A_1106 = arith.cmpi sgt, %scan3A_348, %gt3A_1105 : i32
      %convert_element_type3A_1107 = arith.extui %gt3A_1106 : i1 to i32
      %cond3A_1108 = arith.constant 0 : i32
      %cond3A_1109 = arith.cmpi ne, %convert_element_type3A_1107, %cond3A_1108 : i32
      scf.if %cond3A_1109 {
        %dma_wait3A_2755 = arith.constant 9 : i32
        %dma_wait3A_2756 = arith.constant 9 : i32
        %dma_wait3A_2757 = arith.constant 0 : i32
        %dma_wait3A_2758 = arith.constant 0 : i32
        %dma_wait3A_2759 = tpu.memref_slice %arg6[%dma_wait3A_2755, %dma_wait3A_2757, %dma_wait3A_2758] : memref<10x128x64xf32, #tpu.memory_space<vmem>> -> memref<1x128x64xf32, #tpu.memory_space<vmem>>
        %dma_wait3A_2760 = tpu.memref_squeeze %dma_wait3A_2759 : memref<1x128x64xf32, #tpu.memory_space<vmem>> -> memref<128x64xf32, #tpu.memory_space<vmem>>
        %dma_wait3A_2761 = arith.constant 0 : i32
        %dma_wait3A_2762 = tpu.memref_slice %arg5[%dma_wait3A_2761] : memref<2560xi32, #tpu.memory_space<vmem>> -> memref<128xi32, #tpu.memory_space<vmem>>
        %dma_wait3A_2763 = arith.constant 0 : i32
        %dma_wait3A_2764 = arith.constant 0 : i32
        %dma_wait3A_2765 = tpu.memref_slice %arg3[%dma_wait3A_2763, %dma_wait3A_2764] : memref<4000x64xf32, #tpu.memory_space<hbm>> -> memref<4000x64xf32, #tpu.memory_space<hbm>>
        %dma_wait3A_2766 = tpu.memref_slice %arg7[%dma_wait3A_2756] : memref<10x!tpu.dma_semaphore, #tpu.memory_space<semaphore_mem>> -> memref<1x!tpu.dma_semaphore, #tpu.memory_space<semaphore_mem>>
        %dma_wait3A_2767 = tpu.memref_squeeze %dma_wait3A_2766 : memref<1x!tpu.dma_semaphore, #tpu.memory_space<semaphore_mem>> -> memref<!tpu.dma_semaphore, #tpu.memory_space<semaphore_mem>>
        tpu.wait_indirect_dma semaphore(%dma_wait3A_2767 : memref<!tpu.dma_semaphore, #tpu.memory_space<semaphore_mem>>) src(%dma_wait3A_2765 : memref<4000x64xf32, #tpu.memory_space<hbm>>) dst(%dma_wait3A_2760 : memref<128x64xf32, #tpu.memory_space<vmem>>)
        %sub3A_2768 = arith.constant 5 : i32
        %sub3A_2769 = arith.subi %add3A_1104, %sub3A_2768 : i32
        %mul3A_2770 = arith.constant 128 : i32
        %mul3A_2771 = arith.muli %sub3A_2769, %mul3A_2770 : i32
        %add3A_2772 = arith.addi %mul3A_2, %mul3A_2771 : i32
        %dma_start3A_2773 = arith.constant 9 : i32
        %dma_start3A_2774 = arith.constant 9 : i32
        %dma_start3A_2775 = arith.constant 0 : i32
        %dma_start3A_2776 = arith.constant 0 : i32
        %dma_start3A_2777 = tpu.memref_slice %arg6[%dma_start3A_2773, %dma_start3A_2775, %dma_start3A_2776] : memref<10x128x64xf32, #tpu.memory_space<vmem>> -> memref<1x128x64xf32, #tpu.memory_space<vmem>>
        %dma_start3A_2778 = tpu.memref_squeeze %dma_start3A_2777 : memref<1x128x64xf32, #tpu.memory_space<vmem>> -> memref<128x64xf32, #tpu.memory_space<vmem>>
        %dma_start3A_2779 = arith.constant 0 : i32
        %dma_start3A_2780 = tpu.memref_slice %arg4[%add3A_2772, %dma_start3A_2779] : memref<3276800x64xf32, #tpu.memory_space<hbm>> -> memref<128x64xf32, #tpu.memory_space<hbm>>
        %dma_start3A_2781 = tpu.memref_slice %arg8[%dma_start3A_2774] : memref<10x!tpu.dma_semaphore, #tpu.memory_space<semaphore_mem>> -> memref<1x!tpu.dma_semaphore, #tpu.memory_space<semaphore_mem>>
        %dma_start3A_2782 = tpu.memref_squeeze %dma_start3A_2781 : memref<1x!tpu.dma_semaphore, #tpu.memory_space<semaphore_mem>> -> memref<!tpu.dma_semaphore, #tpu.memory_space<semaphore_mem>>
        %dma_start3A_2783 = arith.constant 0 : i32
        %dma_start3A_2784 = tpu.memref_slice %arg4[%add3A_2772, %dma_start3A_2783] : memref<3276800x64xf32, #tpu.memory_space<hbm>> -> memref<128x64xf32, #tpu.memory_space<hbm>>
        %dma_start3A_2785 = arith.constant 0 : i32
        %dma_start3A_2786 = arith.constant 0 : i32
        %dma_start3A_2787 = tpu.memref_slice %arg6[%dma_start3A_2773, %dma_start3A_2785, %dma_start3A_2786] : memref<10x128x64xf32, #tpu.memory_space<vmem>> -> memref<1x128x64xf32, #tpu.memory_space<vmem>>
        %dma_start3A_2788 = tpu.memref_squeeze %dma_start3A_2787 : memref<1x128x64xf32, #tpu.memory_space<vmem>> -> memref<128x64xf32, #tpu.memory_space<vmem>>
        tpu.enqueue_dma source(%dma_start3A_2788 : memref<128x64xf32, #tpu.memory_space<vmem>>) target(%dma_start3A_2784 : memref<128x64xf32, #tpu.memory_space<hbm>>) target_semaphore(%dma_start3A_2782 : memref<!tpu.dma_semaphore, #tpu.memory_space<semaphore_mem>>)
      } else {
      }
      %gt3A_1110 = arith.constant 0 : i32
      %gt3A_1111 = arith.cmpi sgt, %scan3A_348, %gt3A_1110 : i32
      %convert_element_type3A_1112 = arith.extui %gt3A_1111 : i1 to i32
      %cond3A_1113 = arith.constant 0 : i32
      %cond3A_1114 = arith.cmpi ne, %convert_element_type3A_1112, %cond3A_1113 : i32
      scf.if %cond3A_1114 {
        %dma_wait3A_2755 = arith.constant 4 : i32
        %dma_wait3A_2756 = arith.constant 4 : i32
        %dma_wait3A_2757 = arith.constant 0 : i32
        %dma_wait3A_2758 = arith.constant 0 : i32
        %dma_wait3A_2759 = tpu.memref_slice %arg6[%dma_wait3A_2755, %dma_wait3A_2757, %dma_wait3A_2758] : memref<10x128x64xf32, #tpu.memory_space<vmem>> -> memref<1x128x64xf32, #tpu.memory_space<vmem>>
        %dma_wait3A_2760 = tpu.memref_squeeze %dma_wait3A_2759 : memref<1x128x64xf32, #tpu.memory_space<vmem>> -> memref<128x64xf32, #tpu.memory_space<vmem>>
        %dma_wait3A_2761 = arith.constant 0 : i32
        %dma_wait3A_2762 = arith.constant 0 : i32
        %dma_wait3A_2763 = tpu.memref_slice %arg4[%dma_wait3A_2761, %dma_wait3A_2762] : memref<3276800x64xf32, #tpu.memory_space<hbm>> -> memref<128x64xf32, #tpu.memory_space<hbm>>
        %dma_wait3A_2764 = tpu.memref_slice %arg8[%dma_wait3A_2756] : memref<10x!tpu.dma_semaphore, #tpu.memory_space<semaphore_mem>> -> memref<1x!tpu.dma_semaphore, #tpu.memory_space<semaphore_mem>>
        %dma_wait3A_2765 = tpu.memref_squeeze %dma_wait3A_2764 : memref<1x!tpu.dma_semaphore, #tpu.memory_space<semaphore_mem>> -> memref<!tpu.dma_semaphore, #tpu.memory_space<semaphore_mem>>
        %dma_wait3A_2766 = arith.constant 0 : i32
        %dma_wait3A_2767 = arith.constant 0 : i32
        %dma_wait3A_2768 = tpu.memref_slice %arg4[%dma_wait3A_2766, %dma_wait3A_2767] : memref<3276800x64xf32, #tpu.memory_space<hbm>> -> memref<128x64xf32, #tpu.memory_space<hbm>>
        %dma_wait3A_2769 = arith.constant 0 : i32
        %dma_wait3A_2770 = arith.constant 0 : i32
        %dma_wait3A_2771 = tpu.memref_slice %arg6[%dma_wait3A_2755, %dma_wait3A_2769, %dma_wait3A_2770] : memref<10x128x64xf32, #tpu.memory_space<vmem>> -> memref<1x128x64xf32, #tpu.memory_space<vmem>>
        %dma_wait3A_2772 = tpu.memref_squeeze %dma_wait3A_2771 : memref<1x128x64xf32, #tpu.memory_space<vmem>> -> memref<128x64xf32, #tpu.memory_space<vmem>>
        tpu.wait_dma2 semaphore(%dma_wait3A_2765 : memref<!tpu.dma_semaphore, #tpu.memory_space<semaphore_mem>>) src(%dma_wait3A_2772 : memref<128x64xf32, #tpu.memory_space<vmem>>) dst(%dma_wait3A_2768 : memref<128x64xf32, #tpu.memory_space<hbm>>)
      } else {
      }
      %dma_start3A_1115 = arith.constant 4 : i32
      %dma_start3A_1116 = arith.constant 4 : i32
      %dma_start3A_1117 = arith.constant 0 : i32
      %dma_start3A_1118 = arith.constant 0 : i32
      %dma_start3A_1119 = tpu.memref_slice %arg6[%dma_start3A_1115, %dma_start3A_1117, %dma_start3A_1118] : memref<10x128x64xf32, #tpu.memory_space<vmem>> -> memref<1x128x64xf32, #tpu.memory_space<vmem>>
      %dma_start3A_1120 = tpu.memref_squeeze %dma_start3A_1119 : memref<1x128x64xf32, #tpu.memory_space<vmem>> -> memref<128x64xf32, #tpu.memory_space<vmem>>
      %dma_start3A_1121 = arith.constant 512 : i32
      %dma_start3A_1122 = tpu.memref_slice %arg5[%dma_start3A_1121] : memref<2560xi32, #tpu.memory_space<vmem>> -> memref<128xi32, #tpu.memory_space<vmem>>
      %dma_start3A_1123 = arith.constant 0 : i32
      %dma_start3A_1124 = arith.constant 0 : i32
      %dma_start3A_1125 = tpu.memref_slice %arg3[%dma_start3A_1123, %dma_start3A_1124] : memref<4000x64xf32, #tpu.memory_space<hbm>> -> memref<4000x64xf32, #tpu.memory_space<hbm>>
      %dma_start3A_1126 = tpu.memref_slice %arg7[%dma_start3A_1116] : memref<10x!tpu.dma_semaphore, #tpu.memory_space<semaphore_mem>> -> memref<1x!tpu.dma_semaphore, #tpu.memory_space<semaphore_mem>>
      %dma_start3A_1127 = tpu.memref_squeeze %dma_start3A_1126 : memref<1x!tpu.dma_semaphore, #tpu.memory_space<semaphore_mem>> -> memref<!tpu.dma_semaphore, #tpu.memory_space<semaphore_mem>>
      tpu.enqueue_indirect_dma source(%dma_start3A_1125 : memref<4000x64xf32, #tpu.memory_space<hbm>>) target(%dma_start3A_1120 : memref<128x64xf32, #tpu.memory_space<vmem>>) offsets(%dma_start3A_1122 : memref<128xi32, #tpu.memory_space<vmem>>) semaphore(%dma_start3A_1127 : memref<!tpu.dma_semaphore, #tpu.memory_space<semaphore_mem>>)
      %gt3A_1128 = arith.constant 0 : i32
      %gt3A_1129 = arith.cmpi sgt, %scan3A_348, %gt3A_1128 : i32
      %convert_element_type3A_1130 = arith.extui %gt3A_1129 : i1 to i32
      %cond3A_1131 = arith.constant 0 : i32
      %cond3A_1132 = arith.cmpi ne, %convert_element_type3A_1130, %cond3A_1131 : i32
      scf.if %cond3A_1132 {
        %add3A_2755 = arith.constant 1 : i32
        %add3A_2756 = arith.addi %add3A_352, %add3A_2755 : i32
        %mul3A_2757 = arith.constant 1280 : i32
        %mul3A_2758 = arith.muli %add3A_2756, %mul3A_2757 : i32
        %add3A_2759 = arith.addi %mul3A_2, %mul3A_2758 : i32
        %dma_start3A_2760 = arith.constant 1 : i32
        %dma_start3A_2761 = arith.constant 1280 : i32
        %dma_start3A_2762 = tpu.memref_slice %arg5[%dma_start3A_2761] : memref<2560xi32, #tpu.memory_space<vmem>> -> memref<1280xi32, #tpu.memory_space<vmem>>
        %dma_start3A_2763 = tpu.memref_slice %arg2[%add3A_2759] : memref<3276800xi32, #tpu.memory_space<hbm>> -> memref<1280xi32, #tpu.memory_space<hbm>>
        %dma_start3A_2764 = tpu.memref_slice %arg9[%dma_start3A_2760] : memref<2x!tpu.dma_semaphore, #tpu.memory_space<semaphore_mem>> -> memref<1x!tpu.dma_semaphore, #tpu.memory_space<semaphore_mem>>
        %dma_start3A_2765 = tpu.memref_squeeze %dma_start3A_2764 : memref<1x!tpu.dma_semaphore, #tpu.memory_space<semaphore_mem>> -> memref<!tpu.dma_semaphore, #tpu.memory_space<semaphore_mem>>
        %dma_start3A_2766 = arith.constant 1280 : i32
        %dma_start3A_2767 = tpu.memref_slice %arg5[%dma_start3A_2766] : memref<2560xi32, #tpu.memory_space<vmem>> -> memref<1280xi32, #tpu.memory_space<vmem>>
        %dma_start3A_2768 = tpu.memref_slice %arg2[%add3A_2759] : memref<3276800xi32, #tpu.memory_space<hbm>> -> memref<1280xi32, #tpu.memory_space<hbm>>
        tpu.enqueue_dma source(%dma_start3A_2768 : memref<1280xi32, #tpu.memory_space<hbm>>) target(%dma_start3A_2767 : memref<1280xi32, #tpu.memory_space<vmem>>) target_semaphore(%dma_start3A_2765 : memref<!tpu.dma_semaphore, #tpu.memory_space<semaphore_mem>>)
      } else {
      }
      %mul3A_1133 = arith.constant 10 : i32
      %mul3A_1134 = arith.muli %add3A_352, %mul3A_1133 : i32
      %add3A_1135 = arith.constant 5 : i32
      %add3A_1136 = arith.addi %mul3A_1134, %add3A_1135 : i32
      %dma_wait3A_1137 = arith.constant 0 : i32
      %dma_wait3A_1138 = arith.constant 0 : i32
      %dma_wait3A_1139 = arith.constant 0 : i32
      %dma_wait3A_1140 = arith.constant 0 : i32
      %dma_wait3A_1141 = tpu.memref_slice %arg6[%dma_wait3A_1137, %dma_wait3A_1139, %dma_wait3A_1140] : memref<10x128x64xf32, #tpu.memory_space<vmem>> -> memref<1x128x64xf32, #tpu.memory_space<vmem>>
      %dma_wait3A_1142 = tpu.memref_squeeze %dma_wait3A_1141 : memref<1x128x64xf32, #tpu.memory_space<vmem>> -> memref<128x64xf32, #tpu.memory_space<vmem>>
      %dma_wait3A_1143 = arith.constant 0 : i32
      %dma_wait3A_1144 = tpu.memref_slice %arg5[%dma_wait3A_1143] : memref<2560xi32, #tpu.memory_space<vmem>> -> memref<128xi32, #tpu.memory_space<vmem>>
      %dma_wait3A_1145 = arith.constant 0 : i32
      %dma_wait3A_1146 = arith.constant 0 : i32
      %dma_wait3A_1147 = tpu.memref_slice %arg3[%dma_wait3A_1145, %dma_wait3A_1146] : memref<4000x64xf32, #tpu.memory_space<hbm>> -> memref<4000x64xf32, #tpu.memory_space<hbm>>
      %dma_wait3A_1148 = tpu.memref_slice %arg7[%dma_wait3A_1138] : memref<10x!tpu.dma_semaphore, #tpu.memory_space<semaphore_mem>> -> memref<1x!tpu.dma_semaphore, #tpu.memory_space<semaphore_mem>>
      %dma_wait3A_1149 = tpu.memref_squeeze %dma_wait3A_1148 : memref<1x!tpu.dma_semaphore, #tpu.memory_space<semaphore_mem>> -> memref<!tpu.dma_semaphore, #tpu.memory_space<semaphore_mem>>
      tpu.wait_indirect_dma semaphore(%dma_wait3A_1149 : memref<!tpu.dma_semaphore, #tpu.memory_space<semaphore_mem>>) src(%dma_wait3A_1147 : memref<4000x64xf32, #tpu.memory_space<hbm>>) dst(%dma_wait3A_1142 : memref<128x64xf32, #tpu.memory_space<vmem>>)
      %sub3A = arith.constant 5 : i32
      %sub3A_1150 = arith.subi %add3A_1136, %sub3A : i32
      %mul3A_1151 = arith.constant 128 : i32
      %mul3A_1152 = arith.muli %sub3A_1150, %mul3A_1151 : i32
      %add3A_1153 = arith.addi %mul3A_2, %mul3A_1152 : i32
      %dma_start3A_1154 = arith.constant 0 : i32
      %dma_start3A_1155 = arith.constant 0 : i32
      %dma_start3A_1156 = arith.constant 0 : i32
      %dma_start3A_1157 = arith.constant 0 : i32
      %dma_start3A_1158 = tpu.memref_slice %arg6[%dma_start3A_1154, %dma_start3A_1156, %dma_start3A_1157] : memref<10x128x64xf32, #tpu.memory_space<vmem>> -> memref<1x128x64xf32, #tpu.memory_space<vmem>>
      %dma_start3A_1159 = tpu.memref_squeeze %dma_start3A_1158 : memref<1x128x64xf32, #tpu.memory_space<vmem>> -> memref<128x64xf32, #tpu.memory_space<vmem>>
      %dma_start3A_1160 = arith.constant 0 : i32
      %dma_start3A_1161 = tpu.memref_slice %arg4[%add3A_1153, %dma_start3A_1160] : memref<3276800x64xf32, #tpu.memory_space<hbm>> -> memref<128x64xf32, #tpu.memory_space<hbm>>
      %dma_start3A_1162 = tpu.memref_slice %arg8[%dma_start3A_1155] : memref<10x!tpu.dma_semaphore, #tpu.memory_space<semaphore_mem>> -> memref<1x!tpu.dma_semaphore, #tpu.memory_space<semaphore_mem>>
      %dma_start3A_1163 = tpu.memref_squeeze %dma_start3A_1162 : memref<1x!tpu.dma_semaphore, #tpu.memory_space<semaphore_mem>> -> memref<!tpu.dma_semaphore, #tpu.memory_space<semaphore_mem>>
      %dma_start3A_1164 = arith.constant 0 : i32
      %dma_start3A_1165 = tpu.memref_slice %arg4[%add3A_1153, %dma_start3A_1164] : memref<3276800x64xf32, #tpu.memory_space<hbm>> -> memref<128x64xf32, #tpu.memory_space<hbm>>
      %dma_start3A_1166 = arith.constant 0 : i32
      %dma_start3A_1167 = arith.constant 0 : i32
      %dma_start3A_1168 = tpu.memref_slice %arg6[%dma_start3A_1154, %dma_start3A_1166, %dma_start3A_1167] : memref<10x128x64xf32, #tpu.memory_space<vmem>> -> memref<1x128x64xf32, #tpu.memory_space<vmem>>
      %dma_start3A_1169 = tpu.memref_squeeze %dma_start3A_1168 : memref<1x128x64xf32, #tpu.memory_space<vmem>> -> memref<128x64xf32, #tpu.memory_space<vmem>>
      tpu.enqueue_dma source(%dma_start3A_1169 : memref<128x64xf32, #tpu.memory_space<vmem>>) target(%dma_start3A_1165 : memref<128x64xf32, #tpu.memory_space<hbm>>) target_semaphore(%dma_start3A_1163 : memref<!tpu.dma_semaphore, #tpu.memory_space<semaphore_mem>>)
      %gt3A_1170 = arith.constant 0 : i32
      %gt3A_1171 = arith.cmpi sgt, %scan3A_348, %gt3A_1170 : i32
      %convert_element_type3A_1172 = arith.extui %gt3A_1171 : i1 to i32
      %cond3A_1173 = arith.constant 0 : i32
      %cond3A_1174 = arith.cmpi ne, %convert_element_type3A_1172, %cond3A_1173 : i32
      scf.if %cond3A_1174 {
        %dma_wait3A_2755 = arith.constant 5 : i32
        %dma_wait3A_2756 = arith.constant 5 : i32
        %dma_wait3A_2757 = arith.constant 0 : i32
        %dma_wait3A_2758 = arith.constant 0 : i32
        %dma_wait3A_2759 = tpu.memref_slice %arg6[%dma_wait3A_2755, %dma_wait3A_2757, %dma_wait3A_2758] : memref<10x128x64xf32, #tpu.memory_space<vmem>> -> memref<1x128x64xf32, #tpu.memory_space<vmem>>
        %dma_wait3A_2760 = tpu.memref_squeeze %dma_wait3A_2759 : memref<1x128x64xf32, #tpu.memory_space<vmem>> -> memref<128x64xf32, #tpu.memory_space<vmem>>
        %dma_wait3A_2761 = arith.constant 0 : i32
        %dma_wait3A_2762 = arith.constant 0 : i32
        %dma_wait3A_2763 = tpu.memref_slice %arg4[%dma_wait3A_2761, %dma_wait3A_2762] : memref<3276800x64xf32, #tpu.memory_space<hbm>> -> memref<128x64xf32, #tpu.memory_space<hbm>>
        %dma_wait3A_2764 = tpu.memref_slice %arg8[%dma_wait3A_2756] : memref<10x!tpu.dma_semaphore, #tpu.memory_space<semaphore_mem>> -> memref<1x!tpu.dma_semaphore, #tpu.memory_space<semaphore_mem>>
        %dma_wait3A_2765 = tpu.memref_squeeze %dma_wait3A_2764 : memref<1x!tpu.dma_semaphore, #tpu.memory_space<semaphore_mem>> -> memref<!tpu.dma_semaphore, #tpu.memory_space<semaphore_mem>>
        %dma_wait3A_2766 = arith.constant 0 : i32
        %dma_wait3A_2767 = arith.constant 0 : i32
        %dma_wait3A_2768 = tpu.memref_slice %arg4[%dma_wait3A_2766, %dma_wait3A_2767] : memref<3276800x64xf32, #tpu.memory_space<hbm>> -> memref<128x64xf32, #tpu.memory_space<hbm>>
        %dma_wait3A_2769 = arith.constant 0 : i32
        %dma_wait3A_2770 = arith.constant 0 : i32
        %dma_wait3A_2771 = tpu.memref_slice %arg6[%dma_wait3A_2755, %dma_wait3A_2769, %dma_wait3A_2770] : memref<10x128x64xf32, #tpu.memory_space<vmem>> -> memref<1x128x64xf32, #tpu.memory_space<vmem>>
        %dma_wait3A_2772 = tpu.memref_squeeze %dma_wait3A_2771 : memref<1x128x64xf32, #tpu.memory_space<vmem>> -> memref<128x64xf32, #tpu.memory_space<vmem>>
        tpu.wait_dma2 semaphore(%dma_wait3A_2765 : memref<!tpu.dma_semaphore, #tpu.memory_space<semaphore_mem>>) src(%dma_wait3A_2772 : memref<128x64xf32, #tpu.memory_space<vmem>>) dst(%dma_wait3A_2768 : memref<128x64xf32, #tpu.memory_space<hbm>>)
      } else {
      }
      %dma_start3A_1175 = arith.constant 5 : i32
      %dma_start3A_1176 = arith.constant 5 : i32
      %dma_start3A_1177 = arith.constant 0 : i32
      %dma_start3A_1178 = arith.constant 0 : i32
      %dma_start3A_1179 = tpu.memref_slice %arg6[%dma_start3A_1175, %dma_start3A_1177, %dma_start3A_1178] : memref<10x128x64xf32, #tpu.memory_space<vmem>> -> memref<1x128x64xf32, #tpu.memory_space<vmem>>
      %dma_start3A_1180 = tpu.memref_squeeze %dma_start3A_1179 : memref<1x128x64xf32, #tpu.memory_space<vmem>> -> memref<128x64xf32, #tpu.memory_space<vmem>>
      %dma_start3A_1181 = arith.constant 640 : i32
      %dma_start3A_1182 = tpu.memref_slice %arg5[%dma_start3A_1181] : memref<2560xi32, #tpu.memory_space<vmem>> -> memref<128xi32, #tpu.memory_space<vmem>>
      %dma_start3A_1183 = arith.constant 0 : i32
      %dma_start3A_1184 = arith.constant 0 : i32
      %dma_start3A_1185 = tpu.memref_slice %arg3[%dma_start3A_1183, %dma_start3A_1184] : memref<4000x64xf32, #tpu.memory_space<hbm>> -> memref<4000x64xf32, #tpu.memory_space<hbm>>
      %dma_start3A_1186 = tpu.memref_slice %arg7[%dma_start3A_1176] : memref<10x!tpu.dma_semaphore, #tpu.memory_space<semaphore_mem>> -> memref<1x!tpu.dma_semaphore, #tpu.memory_space<semaphore_mem>>
      %dma_start3A_1187 = tpu.memref_squeeze %dma_start3A_1186 : memref<1x!tpu.dma_semaphore, #tpu.memory_space<semaphore_mem>> -> memref<!tpu.dma_semaphore, #tpu.memory_space<semaphore_mem>>
      tpu.enqueue_indirect_dma source(%dma_start3A_1185 : memref<4000x64xf32, #tpu.memory_space<hbm>>) target(%dma_start3A_1180 : memref<128x64xf32, #tpu.memory_space<vmem>>) offsets(%dma_start3A_1182 : memref<128xi32, #tpu.memory_space<vmem>>) semaphore(%dma_start3A_1187 : memref<!tpu.dma_semaphore, #tpu.memory_space<semaphore_mem>>)
      %mul3A_1188 = arith.constant 10 : i32
      %mul3A_1189 = arith.muli %add3A_352, %mul3A_1188 : i32
      %add3A_1190 = arith.constant 6 : i32
      %add3A_1191 = arith.addi %mul3A_1189, %add3A_1190 : i32
      %dma_wait3A_1192 = arith.constant 1 : i32
      %dma_wait3A_1193 = arith.constant 1 : i32
      %dma_wait3A_1194 = arith.constant 0 : i32
      %dma_wait3A_1195 = arith.constant 0 : i32
      %dma_wait3A_1196 = tpu.memref_slice %arg6[%dma_wait3A_1192, %dma_wait3A_1194, %dma_wait3A_1195] : memref<10x128x64xf32, #tpu.memory_space<vmem>> -> memref<1x128x64xf32, #tpu.memory_space<vmem>>
      %dma_wait3A_1197 = tpu.memref_squeeze %dma_wait3A_1196 : memref<1x128x64xf32, #tpu.memory_space<vmem>> -> memref<128x64xf32, #tpu.memory_space<vmem>>
      %dma_wait3A_1198 = arith.constant 0 : i32
      %dma_wait3A_1199 = tpu.memref_slice %arg5[%dma_wait3A_1198] : memref<2560xi32, #tpu.memory_space<vmem>> -> memref<128xi32, #tpu.memory_space<vmem>>
      %dma_wait3A_1200 = arith.constant 0 : i32
      %dma_wait3A_1201 = arith.constant 0 : i32
      %dma_wait3A_1202 = tpu.memref_slice %arg3[%dma_wait3A_1200, %dma_wait3A_1201] : memref<4000x64xf32, #tpu.memory_space<hbm>> -> memref<4000x64xf32, #tpu.memory_space<hbm>>
      %dma_wait3A_1203 = tpu.memref_slice %arg7[%dma_wait3A_1193] : memref<10x!tpu.dma_semaphore, #tpu.memory_space<semaphore_mem>> -> memref<1x!tpu.dma_semaphore, #tpu.memory_space<semaphore_mem>>
      %dma_wait3A_1204 = tpu.memref_squeeze %dma_wait3A_1203 : memref<1x!tpu.dma_semaphore, #tpu.memory_space<semaphore_mem>> -> memref<!tpu.dma_semaphore, #tpu.memory_space<semaphore_mem>>
      tpu.wait_indirect_dma semaphore(%dma_wait3A_1204 : memref<!tpu.dma_semaphore, #tpu.memory_space<semaphore_mem>>) src(%dma_wait3A_1202 : memref<4000x64xf32, #tpu.memory_space<hbm>>) dst(%dma_wait3A_1197 : memref<128x64xf32, #tpu.memory_space<vmem>>)
      %sub3A_1205 = arith.constant 5 : i32
      %sub3A_1206 = arith.subi %add3A_1191, %sub3A_1205 : i32
      %mul3A_1207 = arith.constant 128 : i32
      %mul3A_1208 = arith.muli %sub3A_1206, %mul3A_1207 : i32
      %add3A_1209 = arith.addi %mul3A_2, %mul3A_1208 : i32
      %dma_start3A_1210 = arith.constant 1 : i32
      %dma_start3A_1211 = arith.constant 1 : i32
      %dma_start3A_1212 = arith.constant 0 : i32
      %dma_start3A_1213 = arith.constant 0 : i32
      %dma_start3A_1214 = tpu.memref_slice %arg6[%dma_start3A_1210, %dma_start3A_1212, %dma_start3A_1213] : memref<10x128x64xf32, #tpu.memory_space<vmem>> -> memref<1x128x64xf32, #tpu.memory_space<vmem>>
      %dma_start3A_1215 = tpu.memref_squeeze %dma_start3A_1214 : memref<1x128x64xf32, #tpu.memory_space<vmem>> -> memref<128x64xf32, #tpu.memory_space<vmem>>
      %dma_start3A_1216 = arith.constant 0 : i32
      %dma_start3A_1217 = tpu.memref_slice %arg4[%add3A_1209, %dma_start3A_1216] : memref<3276800x64xf32, #tpu.memory_space<hbm>> -> memref<128x64xf32, #tpu.memory_space<hbm>>
      %dma_start3A_1218 = tpu.memref_slice %arg8[%dma_start3A_1211] : memref<10x!tpu.dma_semaphore, #tpu.memory_space<semaphore_mem>> -> memref<1x!tpu.dma_semaphore, #tpu.memory_space<semaphore_mem>>
      %dma_start3A_1219 = tpu.memref_squeeze %dma_start3A_1218 : memref<1x!tpu.dma_semaphore, #tpu.memory_space<semaphore_mem>> -> memref<!tpu.dma_semaphore, #tpu.memory_space<semaphore_mem>>
      %dma_start3A_1220 = arith.constant 0 : i32
      %dma_start3A_1221 = tpu.memref_slice %arg4[%add3A_1209, %dma_start3A_1220] : memref<3276800x64xf32, #tpu.memory_space<hbm>> -> memref<128x64xf32, #tpu.memory_space<hbm>>
      %dma_start3A_1222 = arith.constant 0 : i32
      %dma_start3A_1223 = arith.constant 0 : i32
      %dma_start3A_1224 = tpu.memref_slice %arg6[%dma_start3A_1210, %dma_start3A_1222, %dma_start3A_1223] : memref<10x128x64xf32, #tpu.memory_space<vmem>> -> memref<1x128x64xf32, #tpu.memory_space<vmem>>
      %dma_start3A_1225 = tpu.memref_squeeze %dma_start3A_1224 : memref<1x128x64xf32, #tpu.memory_space<vmem>> -> memref<128x64xf32, #tpu.memory_space<vmem>>
      tpu.enqueue_dma source(%dma_start3A_1225 : memref<128x64xf32, #tpu.memory_space<vmem>>) target(%dma_start3A_1221 : memref<128x64xf32, #tpu.memory_space<hbm>>) target_semaphore(%dma_start3A_1219 : memref<!tpu.dma_semaphore, #tpu.memory_space<semaphore_mem>>)
      %gt3A_1226 = arith.constant 0 : i32
      %gt3A_1227 = arith.cmpi sgt, %scan3A_348, %gt3A_1226 : i32
      %convert_element_type3A_1228 = arith.extui %gt3A_1227 : i1 to i32
      %cond3A_1229 = arith.constant 0 : i32
      %cond3A_1230 = arith.cmpi ne, %convert_element_type3A_1228, %cond3A_1229 : i32
      scf.if %cond3A_1230 {
        %dma_wait3A_2755 = arith.constant 6 : i32
        %dma_wait3A_2756 = arith.constant 6 : i32
        %dma_wait3A_2757 = arith.constant 0 : i32
        %dma_wait3A_2758 = arith.constant 0 : i32
        %dma_wait3A_2759 = tpu.memref_slice %arg6[%dma_wait3A_2755, %dma_wait3A_2757, %dma_wait3A_2758] : memref<10x128x64xf32, #tpu.memory_space<vmem>> -> memref<1x128x64xf32, #tpu.memory_space<vmem>>
        %dma_wait3A_2760 = tpu.memref_squeeze %dma_wait3A_2759 : memref<1x128x64xf32, #tpu.memory_space<vmem>> -> memref<128x64xf32, #tpu.memory_space<vmem>>
        %dma_wait3A_2761 = arith.constant 0 : i32
        %dma_wait3A_2762 = arith.constant 0 : i32
        %dma_wait3A_2763 = tpu.memref_slice %arg4[%dma_wait3A_2761, %dma_wait3A_2762] : memref<3276800x64xf32, #tpu.memory_space<hbm>> -> memref<128x64xf32, #tpu.memory_space<hbm>>
        %dma_wait3A_2764 = tpu.memref_slice %arg8[%dma_wait3A_2756] : memref<10x!tpu.dma_semaphore, #tpu.memory_space<semaphore_mem>> -> memref<1x!tpu.dma_semaphore, #tpu.memory_space<semaphore_mem>>
        %dma_wait3A_2765 = tpu.memref_squeeze %dma_wait3A_2764 : memref<1x!tpu.dma_semaphore, #tpu.memory_space<semaphore_mem>> -> memref<!tpu.dma_semaphore, #tpu.memory_space<semaphore_mem>>
        %dma_wait3A_2766 = arith.constant 0 : i32
        %dma_wait3A_2767 = arith.constant 0 : i32
        %dma_wait3A_2768 = tpu.memref_slice %arg4[%dma_wait3A_2766, %dma_wait3A_2767] : memref<3276800x64xf32, #tpu.memory_space<hbm>> -> memref<128x64xf32, #tpu.memory_space<hbm>>
        %dma_wait3A_2769 = arith.constant 0 : i32
        %dma_wait3A_2770 = arith.constant 0 : i32
        %dma_wait3A_2771 = tpu.memref_slice %arg6[%dma_wait3A_2755, %dma_wait3A_2769, %dma_wait3A_2770] : memref<10x128x64xf32, #tpu.memory_space<vmem>> -> memref<1x128x64xf32, #tpu.memory_space<vmem>>
        %dma_wait3A_2772 = tpu.memref_squeeze %dma_wait3A_2771 : memref<1x128x64xf32, #tpu.memory_space<vmem>> -> memref<128x64xf32, #tpu.memory_space<vmem>>
        tpu.wait_dma2 semaphore(%dma_wait3A_2765 : memref<!tpu.dma_semaphore, #tpu.memory_space<semaphore_mem>>) src(%dma_wait3A_2772 : memref<128x64xf32, #tpu.memory_space<vmem>>) dst(%dma_wait3A_2768 : memref<128x64xf32, #tpu.memory_space<hbm>>)
      } else {
      }
      %dma_start3A_1231 = arith.constant 6 : i32
      %dma_start3A_1232 = arith.constant 6 : i32
      %dma_start3A_1233 = arith.constant 0 : i32
      %dma_start3A_1234 = arith.constant 0 : i32
      %dma_start3A_1235 = tpu.memref_slice %arg6[%dma_start3A_1231, %dma_start3A_1233, %dma_start3A_1234] : memref<10x128x64xf32, #tpu.memory_space<vmem>> -> memref<1x128x64xf32, #tpu.memory_space<vmem>>
      %dma_start3A_1236 = tpu.memref_squeeze %dma_start3A_1235 : memref<1x128x64xf32, #tpu.memory_space<vmem>> -> memref<128x64xf32, #tpu.memory_space<vmem>>
      %dma_start3A_1237 = arith.constant 768 : i32
      %dma_start3A_1238 = tpu.memref_slice %arg5[%dma_start3A_1237] : memref<2560xi32, #tpu.memory_space<vmem>> -> memref<128xi32, #tpu.memory_space<vmem>>
      %dma_start3A_1239 = arith.constant 0 : i32
      %dma_start3A_1240 = arith.constant 0 : i32
      %dma_start3A_1241 = tpu.memref_slice %arg3[%dma_start3A_1239, %dma_start3A_1240] : memref<4000x64xf32, #tpu.memory_space<hbm>> -> memref<4000x64xf32, #tpu.memory_space<hbm>>
      %dma_start3A_1242 = tpu.memref_slice %arg7[%dma_start3A_1232] : memref<10x!tpu.dma_semaphore, #tpu.memory_space<semaphore_mem>> -> memref<1x!tpu.dma_semaphore, #tpu.memory_space<semaphore_mem>>
      %dma_start3A_1243 = tpu.memref_squeeze %dma_start3A_1242 : memref<1x!tpu.dma_semaphore, #tpu.memory_space<semaphore_mem>> -> memref<!tpu.dma_semaphore, #tpu.memory_space<semaphore_mem>>
      tpu.enqueue_indirect_dma source(%dma_start3A_1241 : memref<4000x64xf32, #tpu.memory_space<hbm>>) target(%dma_start3A_1236 : memref<128x64xf32, #tpu.memory_space<vmem>>) offsets(%dma_start3A_1238 : memref<128xi32, #tpu.memory_space<vmem>>) semaphore(%dma_start3A_1243 : memref<!tpu.dma_semaphore, #tpu.memory_space<semaphore_mem>>)
      %mul3A_1244 = arith.constant 10 : i32
      %mul3A_1245 = arith.muli %add3A_352, %mul3A_1244 : i32
      %add3A_1246 = arith.constant 7 : i32
      %add3A_1247 = arith.addi %mul3A_1245, %add3A_1246 : i32
      %dma_wait3A_1248 = arith.constant 2 : i32
      %dma_wait3A_1249 = arith.constant 2 : i32
      %dma_wait3A_1250 = arith.constant 0 : i32
      %dma_wait3A_1251 = arith.constant 0 : i32
      %dma_wait3A_1252 = tpu.memref_slice %arg6[%dma_wait3A_1248, %dma_wait3A_1250, %dma_wait3A_1251] : memref<10x128x64xf32, #tpu.memory_space<vmem>> -> memref<1x128x64xf32, #tpu.memory_space<vmem>>
      %dma_wait3A_1253 = tpu.memref_squeeze %dma_wait3A_1252 : memref<1x128x64xf32, #tpu.memory_space<vmem>> -> memref<128x64xf32, #tpu.memory_space<vmem>>
      %dma_wait3A_1254 = arith.constant 0 : i32
      %dma_wait3A_1255 = tpu.memref_slice %arg5[%dma_wait3A_1254] : memref<2560xi32, #tpu.memory_space<vmem>> -> memref<128xi32, #tpu.memory_space<vmem>>
      %dma_wait3A_1256 = arith.constant 0 : i32
      %dma_wait3A_1257 = arith.constant 0 : i32
      %dma_wait3A_1258 = tpu.memref_slice %arg3[%dma_wait3A_1256, %dma_wait3A_1257] : memref<4000x64xf32, #tpu.memory_space<hbm>> -> memref<4000x64xf32, #tpu.memory_space<hbm>>
      %dma_wait3A_1259 = tpu.memref_slice %arg7[%dma_wait3A_1249] : memref<10x!tpu.dma_semaphore, #tpu.memory_space<semaphore_mem>> -> memref<1x!tpu.dma_semaphore, #tpu.memory_space<semaphore_mem>>
      %dma_wait3A_1260 = tpu.memref_squeeze %dma_wait3A_1259 : memref<1x!tpu.dma_semaphore, #tpu.memory_space<semaphore_mem>> -> memref<!tpu.dma_semaphore, #tpu.memory_space<semaphore_mem>>
      tpu.wait_indirect_dma semaphore(%dma_wait3A_1260 : memref<!tpu.dma_semaphore, #tpu.memory_space<semaphore_mem>>) src(%dma_wait3A_1258 : memref<4000x64xf32, #tpu.memory_space<hbm>>) dst(%dma_wait3A_1253 : memref<128x64xf32, #tpu.memory_space<vmem>>)
      %sub3A_1261 = arith.constant 5 : i32
      %sub3A_1262 = arith.subi %add3A_1247, %sub3A_1261 : i32
      %mul3A_1263 = arith.constant 128 : i32
      %mul3A_1264 = arith.muli %sub3A_1262, %mul3A_1263 : i32
      %add3A_1265 = arith.addi %mul3A_2, %mul3A_1264 : i32
      %dma_start3A_1266 = arith.constant 2 : i32
      %dma_start3A_1267 = arith.constant 2 : i32
      %dma_start3A_1268 = arith.constant 0 : i32
      %dma_start3A_1269 = arith.constant 0 : i32
      %dma_start3A_1270 = tpu.memref_slice %arg6[%dma_start3A_1266, %dma_start3A_1268, %dma_start3A_1269] : memref<10x128x64xf32, #tpu.memory_space<vmem>> -> memref<1x128x64xf32, #tpu.memory_space<vmem>>
      %dma_start3A_1271 = tpu.memref_squeeze %dma_start3A_1270 : memref<1x128x64xf32, #tpu.memory_space<vmem>> -> memref<128x64xf32, #tpu.memory_space<vmem>>
      %dma_start3A_1272 = arith.constant 0 : i32
      %dma_start3A_1273 = tpu.memref_slice %arg4[%add3A_1265, %dma_start3A_1272] : memref<3276800x64xf32, #tpu.memory_space<hbm>> -> memref<128x64xf32, #tpu.memory_space<hbm>>
      %dma_start3A_1274 = tpu.memref_slice %arg8[%dma_start3A_1267] : memref<10x!tpu.dma_semaphore, #tpu.memory_space<semaphore_mem>> -> memref<1x!tpu.dma_semaphore, #tpu.memory_space<semaphore_mem>>
      %dma_start3A_1275 = tpu.memref_squeeze %dma_start3A_1274 : memref<1x!tpu.dma_semaphore, #tpu.memory_space<semaphore_mem>> -> memref<!tpu.dma_semaphore, #tpu.memory_space<semaphore_mem>>
      %dma_start3A_1276 = arith.constant 0 : i32
      %dma_start3A_1277 = tpu.memref_slice %arg4[%add3A_1265, %dma_start3A_1276] : memref<3276800x64xf32, #tpu.memory_space<hbm>> -> memref<128x64xf32, #tpu.memory_space<hbm>>
      %dma_start3A_1278 = arith.constant 0 : i32
      %dma_start3A_1279 = arith.constant 0 : i32
      %dma_start3A_1280 = tpu.memref_slice %arg6[%dma_start3A_1266, %dma_start3A_1278, %dma_start3A_1279] : memref<10x128x64xf32, #tpu.memory_space<vmem>> -> memref<1x128x64xf32, #tpu.memory_space<vmem>>
      %dma_start3A_1281 = tpu.memref_squeeze %dma_start3A_1280 : memref<1x128x64xf32, #tpu.memory_space<vmem>> -> memref<128x64xf32, #tpu.memory_space<vmem>>
      tpu.enqueue_dma source(%dma_start3A_1281 : memref<128x64xf32, #tpu.memory_space<vmem>>) target(%dma_start3A_1277 : memref<128x64xf32, #tpu.memory_space<hbm>>) target_semaphore(%dma_start3A_1275 : memref<!tpu.dma_semaphore, #tpu.memory_space<semaphore_mem>>)
      %gt3A_1282 = arith.constant 0 : i32
      %gt3A_1283 = arith.cmpi sgt, %scan3A_348, %gt3A_1282 : i32
      %convert_element_type3A_1284 = arith.extui %gt3A_1283 : i1 to i32
      %cond3A_1285 = arith.constant 0 : i32
      %cond3A_1286 = arith.cmpi ne, %convert_element_type3A_1284, %cond3A_1285 : i32
      scf.if %cond3A_1286 {
        %dma_wait3A_2755 = arith.constant 7 : i32
        %dma_wait3A_2756 = arith.constant 7 : i32
        %dma_wait3A_2757 = arith.constant 0 : i32
        %dma_wait3A_2758 = arith.constant 0 : i32
        %dma_wait3A_2759 = tpu.memref_slice %arg6[%dma_wait3A_2755, %dma_wait3A_2757, %dma_wait3A_2758] : memref<10x128x64xf32, #tpu.memory_space<vmem>> -> memref<1x128x64xf32, #tpu.memory_space<vmem>>
        %dma_wait3A_2760 = tpu.memref_squeeze %dma_wait3A_2759 : memref<1x128x64xf32, #tpu.memory_space<vmem>> -> memref<128x64xf32, #tpu.memory_space<vmem>>
        %dma_wait3A_2761 = arith.constant 0 : i32
        %dma_wait3A_2762 = arith.constant 0 : i32
        %dma_wait3A_2763 = tpu.memref_slice %arg4[%dma_wait3A_2761, %dma_wait3A_2762] : memref<3276800x64xf32, #tpu.memory_space<hbm>> -> memref<128x64xf32, #tpu.memory_space<hbm>>
        %dma_wait3A_2764 = tpu.memref_slice %arg8[%dma_wait3A_2756] : memref<10x!tpu.dma_semaphore, #tpu.memory_space<semaphore_mem>> -> memref<1x!tpu.dma_semaphore, #tpu.memory_space<semaphore_mem>>
        %dma_wait3A_2765 = tpu.memref_squeeze %dma_wait3A_2764 : memref<1x!tpu.dma_semaphore, #tpu.memory_space<semaphore_mem>> -> memref<!tpu.dma_semaphore, #tpu.memory_space<semaphore_mem>>
        %dma_wait3A_2766 = arith.constant 0 : i32
        %dma_wait3A_2767 = arith.constant 0 : i32
        %dma_wait3A_2768 = tpu.memref_slice %arg4[%dma_wait3A_2766, %dma_wait3A_2767] : memref<3276800x64xf32, #tpu.memory_space<hbm>> -> memref<128x64xf32, #tpu.memory_space<hbm>>
        %dma_wait3A_2769 = arith.constant 0 : i32
        %dma_wait3A_2770 = arith.constant 0 : i32
        %dma_wait3A_2771 = tpu.memref_slice %arg6[%dma_wait3A_2755, %dma_wait3A_2769, %dma_wait3A_2770] : memref<10x128x64xf32, #tpu.memory_space<vmem>> -> memref<1x128x64xf32, #tpu.memory_space<vmem>>
        %dma_wait3A_2772 = tpu.memref_squeeze %dma_wait3A_2771 : memref<1x128x64xf32, #tpu.memory_space<vmem>> -> memref<128x64xf32, #tpu.memory_space<vmem>>
        tpu.wait_dma2 semaphore(%dma_wait3A_2765 : memref<!tpu.dma_semaphore, #tpu.memory_space<semaphore_mem>>) src(%dma_wait3A_2772 : memref<128x64xf32, #tpu.memory_space<vmem>>) dst(%dma_wait3A_2768 : memref<128x64xf32, #tpu.memory_space<hbm>>)
      } else {
      }
      %dma_start3A_1287 = arith.constant 7 : i32
      %dma_start3A_1288 = arith.constant 7 : i32
      %dma_start3A_1289 = arith.constant 0 : i32
      %dma_start3A_1290 = arith.constant 0 : i32
      %dma_start3A_1291 = tpu.memref_slice %arg6[%dma_start3A_1287, %dma_start3A_1289, %dma_start3A_1290] : memref<10x128x64xf32, #tpu.memory_space<vmem>> -> memref<1x128x64xf32, #tpu.memory_space<vmem>>
      %dma_start3A_1292 = tpu.memref_squeeze %dma_start3A_1291 : memref<1x128x64xf32, #tpu.memory_space<vmem>> -> memref<128x64xf32, #tpu.memory_space<vmem>>
      %dma_start3A_1293 = arith.constant 896 : i32
      %dma_start3A_1294 = tpu.memref_slice %arg5[%dma_start3A_1293] : memref<2560xi32, #tpu.memory_space<vmem>> -> memref<128xi32, #tpu.memory_space<vmem>>
      %dma_start3A_1295 = arith.constant 0 : i32
      %dma_start3A_1296 = arith.constant 0 : i32
      %dma_start3A_1297 = tpu.memref_slice %arg3[%dma_start3A_1295, %dma_start3A_1296] : memref<4000x64xf32, #tpu.memory_space<hbm>> -> memref<4000x64xf32, #tpu.memory_space<hbm>>
      %dma_start3A_1298 = tpu.memref_slice %arg7[%dma_start3A_1288] : memref<10x!tpu.dma_semaphore, #tpu.memory_space<semaphore_mem>> -> memref<1x!tpu.dma_semaphore, #tpu.memory_space<semaphore_mem>>
      %dma_start3A_1299 = tpu.memref_squeeze %dma_start3A_1298 : memref<1x!tpu.dma_semaphore, #tpu.memory_space<semaphore_mem>> -> memref<!tpu.dma_semaphore, #tpu.memory_space<semaphore_mem>>
      tpu.enqueue_indirect_dma source(%dma_start3A_1297 : memref<4000x64xf32, #tpu.memory_space<hbm>>) target(%dma_start3A_1292 : memref<128x64xf32, #tpu.memory_space<vmem>>) offsets(%dma_start3A_1294 : memref<128xi32, #tpu.memory_space<vmem>>) semaphore(%dma_start3A_1299 : memref<!tpu.dma_semaphore, #tpu.memory_space<semaphore_mem>>)
      %mul3A_1300 = arith.constant 10 : i32
      %mul3A_1301 = arith.muli %add3A_352, %mul3A_1300 : i32
      %add3A_1302 = arith.constant 8 : i32
      %add3A_1303 = arith.addi %mul3A_1301, %add3A_1302 : i32
      %dma_wait3A_1304 = arith.constant 3 : i32
      %dma_wait3A_1305 = arith.constant 3 : i32
      %dma_wait3A_1306 = arith.constant 0 : i32
      %dma_wait3A_1307 = arith.constant 0 : i32
      %dma_wait3A_1308 = tpu.memref_slice %arg6[%dma_wait3A_1304, %dma_wait3A_1306, %dma_wait3A_1307] : memref<10x128x64xf32, #tpu.memory_space<vmem>> -> memref<1x128x64xf32, #tpu.memory_space<vmem>>
      %dma_wait3A_1309 = tpu.memref_squeeze %dma_wait3A_1308 : memref<1x128x64xf32, #tpu.memory_space<vmem>> -> memref<128x64xf32, #tpu.memory_space<vmem>>
      %dma_wait3A_1310 = arith.constant 0 : i32
      %dma_wait3A_1311 = tpu.memref_slice %arg5[%dma_wait3A_1310] : memref<2560xi32, #tpu.memory_space<vmem>> -> memref<128xi32, #tpu.memory_space<vmem>>
      %dma_wait3A_1312 = arith.constant 0 : i32
      %dma_wait3A_1313 = arith.constant 0 : i32
      %dma_wait3A_1314 = tpu.memref_slice %arg3[%dma_wait3A_1312, %dma_wait3A_1313] : memref<4000x64xf32, #tpu.memory_space<hbm>> -> memref<4000x64xf32, #tpu.memory_space<hbm>>
      %dma_wait3A_1315 = tpu.memref_slice %arg7[%dma_wait3A_1305] : memref<10x!tpu.dma_semaphore, #tpu.memory_space<semaphore_mem>> -> memref<1x!tpu.dma_semaphore, #tpu.memory_space<semaphore_mem>>
      %dma_wait3A_1316 = tpu.memref_squeeze %dma_wait3A_1315 : memref<1x!tpu.dma_semaphore, #tpu.memory_space<semaphore_mem>> -> memref<!tpu.dma_semaphore, #tpu.memory_space<semaphore_mem>>
      tpu.wait_indirect_dma semaphore(%dma_wait3A_1316 : memref<!tpu.dma_semaphore, #tpu.memory_space<semaphore_mem>>) src(%dma_wait3A_1314 : memref<4000x64xf32, #tpu.memory_space<hbm>>) dst(%dma_wait3A_1309 : memref<128x64xf32, #tpu.memory_space<vmem>>)
      %sub3A_1317 = arith.constant 5 : i32
      %sub3A_1318 = arith.subi %add3A_1303, %sub3A_1317 : i32
      %mul3A_1319 = arith.constant 128 : i32
      %mul3A_1320 = arith.muli %sub3A_1318, %mul3A_1319 : i32
      %add3A_1321 = arith.addi %mul3A_2, %mul3A_1320 : i32
      %dma_start3A_1322 = arith.constant 3 : i32
      %dma_start3A_1323 = arith.constant 3 : i32
      %dma_start3A_1324 = arith.constant 0 : i32
      %dma_start3A_1325 = arith.constant 0 : i32
      %dma_start3A_1326 = tpu.memref_slice %arg6[%dma_start3A_1322, %dma_start3A_1324, %dma_start3A_1325] : memref<10x128x64xf32, #tpu.memory_space<vmem>> -> memref<1x128x64xf32, #tpu.memory_space<vmem>>
      %dma_start3A_1327 = tpu.memref_squeeze %dma_start3A_1326 : memref<1x128x64xf32, #tpu.memory_space<vmem>> -> memref<128x64xf32, #tpu.memory_space<vmem>>
      %dma_start3A_1328 = arith.constant 0 : i32
      %dma_start3A_1329 = tpu.memref_slice %arg4[%add3A_1321, %dma_start3A_1328] : memref<3276800x64xf32, #tpu.memory_space<hbm>> -> memref<128x64xf32, #tpu.memory_space<hbm>>
      %dma_start3A_1330 = tpu.memref_slice %arg8[%dma_start3A_1323] : memref<10x!tpu.dma_semaphore, #tpu.memory_space<semaphore_mem>> -> memref<1x!tpu.dma_semaphore, #tpu.memory_space<semaphore_mem>>
      %dma_start3A_1331 = tpu.memref_squeeze %dma_start3A_1330 : memref<1x!tpu.dma_semaphore, #tpu.memory_space<semaphore_mem>> -> memref<!tpu.dma_semaphore, #tpu.memory_space<semaphore_mem>>
      %dma_start3A_1332 = arith.constant 0 : i32
      %dma_start3A_1333 = tpu.memref_slice %arg4[%add3A_1321, %dma_start3A_1332] : memref<3276800x64xf32, #tpu.memory_space<hbm>> -> memref<128x64xf32, #tpu.memory_space<hbm>>
      %dma_start3A_1334 = arith.constant 0 : i32
      %dma_start3A_1335 = arith.constant 0 : i32
      %dma_start3A_1336 = tpu.memref_slice %arg6[%dma_start3A_1322, %dma_start3A_1334, %dma_start3A_1335] : memref<10x128x64xf32, #tpu.memory_space<vmem>> -> memref<1x128x64xf32, #tpu.memory_space<vmem>>
      %dma_start3A_1337 = tpu.memref_squeeze %dma_start3A_1336 : memref<1x128x64xf32, #tpu.memory_space<vmem>> -> memref<128x64xf32, #tpu.memory_space<vmem>>
      tpu.enqueue_dma source(%dma_start3A_1337 : memref<128x64xf32, #tpu.memory_space<vmem>>) target(%dma_start3A_1333 : memref<128x64xf32, #tpu.memory_space<hbm>>) target_semaphore(%dma_start3A_1331 : memref<!tpu.dma_semaphore, #tpu.memory_space<semaphore_mem>>)
      %gt3A_1338 = arith.constant 0 : i32
      %gt3A_1339 = arith.cmpi sgt, %scan3A_348, %gt3A_1338 : i32
      %convert_element_type3A_1340 = arith.extui %gt3A_1339 : i1 to i32
      %cond3A_1341 = arith.constant 0 : i32
      %cond3A_1342 = arith.cmpi ne, %convert_element_type3A_1340, %cond3A_1341 : i32
      scf.if %cond3A_1342 {
        %dma_wait3A_2755 = arith.constant 8 : i32
        %dma_wait3A_2756 = arith.constant 8 : i32
        %dma_wait3A_2757 = arith.constant 0 : i32
        %dma_wait3A_2758 = arith.constant 0 : i32
        %dma_wait3A_2759 = tpu.memref_slice %arg6[%dma_wait3A_2755, %dma_wait3A_2757, %dma_wait3A_2758] : memref<10x128x64xf32, #tpu.memory_space<vmem>> -> memref<1x128x64xf32, #tpu.memory_space<vmem>>
        %dma_wait3A_2760 = tpu.memref_squeeze %dma_wait3A_2759 : memref<1x128x64xf32, #tpu.memory_space<vmem>> -> memref<128x64xf32, #tpu.memory_space<vmem>>
        %dma_wait3A_2761 = arith.constant 0 : i32
        %dma_wait3A_2762 = arith.constant 0 : i32
        %dma_wait3A_2763 = tpu.memref_slice %arg4[%dma_wait3A_2761, %dma_wait3A_2762] : memref<3276800x64xf32, #tpu.memory_space<hbm>> -> memref<128x64xf32, #tpu.memory_space<hbm>>
        %dma_wait3A_2764 = tpu.memref_slice %arg8[%dma_wait3A_2756] : memref<10x!tpu.dma_semaphore, #tpu.memory_space<semaphore_mem>> -> memref<1x!tpu.dma_semaphore, #tpu.memory_space<semaphore_mem>>
        %dma_wait3A_2765 = tpu.memref_squeeze %dma_wait3A_2764 : memref<1x!tpu.dma_semaphore, #tpu.memory_space<semaphore_mem>> -> memref<!tpu.dma_semaphore, #tpu.memory_space<semaphore_mem>>
        %dma_wait3A_2766 = arith.constant 0 : i32
        %dma_wait3A_2767 = arith.constant 0 : i32
        %dma_wait3A_2768 = tpu.memref_slice %arg4[%dma_wait3A_2766, %dma_wait3A_2767] : memref<3276800x64xf32, #tpu.memory_space<hbm>> -> memref<128x64xf32, #tpu.memory_space<hbm>>
        %dma_wait3A_2769 = arith.constant 0 : i32
        %dma_wait3A_2770 = arith.constant 0 : i32
        %dma_wait3A_2771 = tpu.memref_slice %arg6[%dma_wait3A_2755, %dma_wait3A_2769, %dma_wait3A_2770] : memref<10x128x64xf32, #tpu.memory_space<vmem>> -> memref<1x128x64xf32, #tpu.memory_space<vmem>>
        %dma_wait3A_2772 = tpu.memref_squeeze %dma_wait3A_2771 : memref<1x128x64xf32, #tpu.memory_space<vmem>> -> memref<128x64xf32, #tpu.memory_space<vmem>>
        tpu.wait_dma2 semaphore(%dma_wait3A_2765 : memref<!tpu.dma_semaphore, #tpu.memory_space<semaphore_mem>>) src(%dma_wait3A_2772 : memref<128x64xf32, #tpu.memory_space<vmem>>) dst(%dma_wait3A_2768 : memref<128x64xf32, #tpu.memory_space<hbm>>)
      } else {
      }
      %dma_start3A_1343 = arith.constant 8 : i32
      %dma_start3A_1344 = arith.constant 8 : i32
      %dma_start3A_1345 = arith.constant 0 : i32
      %dma_start3A_1346 = arith.constant 0 : i32
      %dma_start3A_1347 = tpu.memref_slice %arg6[%dma_start3A_1343, %dma_start3A_1345, %dma_start3A_1346] : memref<10x128x64xf32, #tpu.memory_space<vmem>> -> memref<1x128x64xf32, #tpu.memory_space<vmem>>
      %dma_start3A_1348 = tpu.memref_squeeze %dma_start3A_1347 : memref<1x128x64xf32, #tpu.memory_space<vmem>> -> memref<128x64xf32, #tpu.memory_space<vmem>>
      %dma_start3A_1349 = arith.constant 1024 : i32
      %dma_start3A_1350 = tpu.memref_slice %arg5[%dma_start3A_1349] : memref<2560xi32, #tpu.memory_space<vmem>> -> memref<128xi32, #tpu.memory_space<vmem>>
      %dma_start3A_1351 = arith.constant 0 : i32
      %dma_start3A_1352 = arith.constant 0 : i32
      %dma_start3A_1353 = tpu.memref_slice %arg3[%dma_start3A_1351, %dma_start3A_1352] : memref<4000x64xf32, #tpu.memory_space<hbm>> -> memref<4000x64xf32, #tpu.memory_space<hbm>>
      %dma_start3A_1354 = tpu.memref_slice %arg7[%dma_start3A_1344] : memref<10x!tpu.dma_semaphore, #tpu.memory_space<semaphore_mem>> -> memref<1x!tpu.dma_semaphore, #tpu.memory_space<semaphore_mem>>
      %dma_start3A_1355 = tpu.memref_squeeze %dma_start3A_1354 : memref<1x!tpu.dma_semaphore, #tpu.memory_space<semaphore_mem>> -> memref<!tpu.dma_semaphore, #tpu.memory_space<semaphore_mem>>
      tpu.enqueue_indirect_dma source(%dma_start3A_1353 : memref<4000x64xf32, #tpu.memory_space<hbm>>) target(%dma_start3A_1348 : memref<128x64xf32, #tpu.memory_space<vmem>>) offsets(%dma_start3A_1350 : memref<128xi32, #tpu.memory_space<vmem>>) semaphore(%dma_start3A_1355 : memref<!tpu.dma_semaphore, #tpu.memory_space<semaphore_mem>>)
      %mul3A_1356 = arith.constant 10 : i32
      %mul3A_1357 = arith.muli %add3A_352, %mul3A_1356 : i32
      %add3A_1358 = arith.constant 9 : i32
      %add3A_1359 = arith.addi %mul3A_1357, %add3A_1358 : i32
      %dma_wait3A_1360 = arith.constant 4 : i32
      %dma_wait3A_1361 = arith.constant 4 : i32
      %dma_wait3A_1362 = arith.constant 0 : i32
      %dma_wait3A_1363 = arith.constant 0 : i32
      %dma_wait3A_1364 = tpu.memref_slice %arg6[%dma_wait3A_1360, %dma_wait3A_1362, %dma_wait3A_1363] : memref<10x128x64xf32, #tpu.memory_space<vmem>> -> memref<1x128x64xf32, #tpu.memory_space<vmem>>
      %dma_wait3A_1365 = tpu.memref_squeeze %dma_wait3A_1364 : memref<1x128x64xf32, #tpu.memory_space<vmem>> -> memref<128x64xf32, #tpu.memory_space<vmem>>
      %dma_wait3A_1366 = arith.constant 0 : i32
      %dma_wait3A_1367 = tpu.memref_slice %arg5[%dma_wait3A_1366] : memref<2560xi32, #tpu.memory_space<vmem>> -> memref<128xi32, #tpu.memory_space<vmem>>
      %dma_wait3A_1368 = arith.constant 0 : i32
      %dma_wait3A_1369 = arith.constant 0 : i32
      %dma_wait3A_1370 = tpu.memref_slice %arg3[%dma_wait3A_1368, %dma_wait3A_1369] : memref<4000x64xf32, #tpu.memory_space<hbm>> -> memref<4000x64xf32, #tpu.memory_space<hbm>>
      %dma_wait3A_1371 = tpu.memref_slice %arg7[%dma_wait3A_1361] : memref<10x!tpu.dma_semaphore, #tpu.memory_space<semaphore_mem>> -> memref<1x!tpu.dma_semaphore, #tpu.memory_space<semaphore_mem>>
      %dma_wait3A_1372 = tpu.memref_squeeze %dma_wait3A_1371 : memref<1x!tpu.dma_semaphore, #tpu.memory_space<semaphore_mem>> -> memref<!tpu.dma_semaphore, #tpu.memory_space<semaphore_mem>>
      tpu.wait_indirect_dma semaphore(%dma_wait3A_1372 : memref<!tpu.dma_semaphore, #tpu.memory_space<semaphore_mem>>) src(%dma_wait3A_1370 : memref<4000x64xf32, #tpu.memory_space<hbm>>) dst(%dma_wait3A_1365 : memref<128x64xf32, #tpu.memory_space<vmem>>)
      %sub3A_1373 = arith.constant 5 : i32
      %sub3A_1374 = arith.subi %add3A_1359, %sub3A_1373 : i32
      %mul3A_1375 = arith.constant 128 : i32
      %mul3A_1376 = arith.muli %sub3A_1374, %mul3A_1375 : i32
      %add3A_1377 = arith.addi %mul3A_2, %mul3A_1376 : i32
      %dma_start3A_1378 = arith.constant 4 : i32
      %dma_start3A_1379 = arith.constant 4 : i32
      %dma_start3A_1380 = arith.constant 0 : i32
      %dma_start3A_1381 = arith.constant 0 : i32
      %dma_start3A_1382 = tpu.memref_slice %arg6[%dma_start3A_1378, %dma_start3A_1380, %dma_start3A_1381] : memref<10x128x64xf32, #tpu.memory_space<vmem>> -> memref<1x128x64xf32, #tpu.memory_space<vmem>>
      %dma_start3A_1383 = tpu.memref_squeeze %dma_start3A_1382 : memref<1x128x64xf32, #tpu.memory_space<vmem>> -> memref<128x64xf32, #tpu.memory_space<vmem>>
      %dma_start3A_1384 = arith.constant 0 : i32
      %dma_start3A_1385 = tpu.memref_slice %arg4[%add3A_1377, %dma_start3A_1384] : memref<3276800x64xf32, #tpu.memory_space<hbm>> -> memref<128x64xf32, #tpu.memory_space<hbm>>
      %dma_start3A_1386 = tpu.memref_slice %arg8[%dma_start3A_1379] : memref<10x!tpu.dma_semaphore, #tpu.memory_space<semaphore_mem>> -> memref<1x!tpu.dma_semaphore, #tpu.memory_space<semaphore_mem>>
      %dma_start3A_1387 = tpu.memref_squeeze %dma_start3A_1386 : memref<1x!tpu.dma_semaphore, #tpu.memory_space<semaphore_mem>> -> memref<!tpu.dma_semaphore, #tpu.memory_space<semaphore_mem>>
      %dma_start3A_1388 = arith.constant 0 : i32
      %dma_start3A_1389 = tpu.memref_slice %arg4[%add3A_1377, %dma_start3A_1388] : memref<3276800x64xf32, #tpu.memory_space<hbm>> -> memref<128x64xf32, #tpu.memory_space<hbm>>
      %dma_start3A_1390 = arith.constant 0 : i32
      %dma_start3A_1391 = arith.constant 0 : i32
      %dma_start3A_1392 = tpu.memref_slice %arg6[%dma_start3A_1378, %dma_start3A_1390, %dma_start3A_1391] : memref<10x128x64xf32, #tpu.memory_space<vmem>> -> memref<1x128x64xf32, #tpu.memory_space<vmem>>
      %dma_start3A_1393 = tpu.memref_squeeze %dma_start3A_1392 : memref<1x128x64xf32, #tpu.memory_space<vmem>> -> memref<128x64xf32, #tpu.memory_space<vmem>>
      tpu.enqueue_dma source(%dma_start3A_1393 : memref<128x64xf32, #tpu.memory_space<vmem>>) target(%dma_start3A_1389 : memref<128x64xf32, #tpu.memory_space<hbm>>) target_semaphore(%dma_start3A_1387 : memref<!tpu.dma_semaphore, #tpu.memory_space<semaphore_mem>>)
      %gt3A_1394 = arith.constant 0 : i32
      %gt3A_1395 = arith.cmpi sgt, %scan3A_348, %gt3A_1394 : i32
      %convert_element_type3A_1396 = arith.extui %gt3A_1395 : i1 to i32
      %cond3A_1397 = arith.constant 0 : i32
      %cond3A_1398 = arith.cmpi ne, %convert_element_type3A_1396, %cond3A_1397 : i32
      scf.if %cond3A_1398 {
        %dma_wait3A_2755 = arith.constant 9 : i32
        %dma_wait3A_2756 = arith.constant 9 : i32
        %dma_wait3A_2757 = arith.constant 0 : i32
        %dma_wait3A_2758 = arith.constant 0 : i32
        %dma_wait3A_2759 = tpu.memref_slice %arg6[%dma_wait3A_2755, %dma_wait3A_2757, %dma_wait3A_2758] : memref<10x128x64xf32, #tpu.memory_space<vmem>> -> memref<1x128x64xf32, #tpu.memory_space<vmem>>
        %dma_wait3A_2760 = tpu.memref_squeeze %dma_wait3A_2759 : memref<1x128x64xf32, #tpu.memory_space<vmem>> -> memref<128x64xf32, #tpu.memory_space<vmem>>
        %dma_wait3A_2761 = arith.constant 0 : i32
        %dma_wait3A_2762 = arith.constant 0 : i32
        %dma_wait3A_2763 = tpu.memref_slice %arg4[%dma_wait3A_2761, %dma_wait3A_2762] : memref<3276800x64xf32, #tpu.memory_space<hbm>> -> memref<128x64xf32, #tpu.memory_space<hbm>>
        %dma_wait3A_2764 = tpu.memref_slice %arg8[%dma_wait3A_2756] : memref<10x!tpu.dma_semaphore, #tpu.memory_space<semaphore_mem>> -> memref<1x!tpu.dma_semaphore, #tpu.memory_space<semaphore_mem>>
        %dma_wait3A_2765 = tpu.memref_squeeze %dma_wait3A_2764 : memref<1x!tpu.dma_semaphore, #tpu.memory_space<semaphore_mem>> -> memref<!tpu.dma_semaphore, #tpu.memory_space<semaphore_mem>>
        %dma_wait3A_2766 = arith.constant 0 : i32
        %dma_wait3A_2767 = arith.constant 0 : i32
        %dma_wait3A_2768 = tpu.memref_slice %arg4[%dma_wait3A_2766, %dma_wait3A_2767] : memref<3276800x64xf32, #tpu.memory_space<hbm>> -> memref<128x64xf32, #tpu.memory_space<hbm>>
        %dma_wait3A_2769 = arith.constant 0 : i32
        %dma_wait3A_2770 = arith.constant 0 : i32
        %dma_wait3A_2771 = tpu.memref_slice %arg6[%dma_wait3A_2755, %dma_wait3A_2769, %dma_wait3A_2770] : memref<10x128x64xf32, #tpu.memory_space<vmem>> -> memref<1x128x64xf32, #tpu.memory_space<vmem>>
        %dma_wait3A_2772 = tpu.memref_squeeze %dma_wait3A_2771 : memref<1x128x64xf32, #tpu.memory_space<vmem>> -> memref<128x64xf32, #tpu.memory_space<vmem>>
        tpu.wait_dma2 semaphore(%dma_wait3A_2765 : memref<!tpu.dma_semaphore, #tpu.memory_space<semaphore_mem>>) src(%dma_wait3A_2772 : memref<128x64xf32, #tpu.memory_space<vmem>>) dst(%dma_wait3A_2768 : memref<128x64xf32, #tpu.memory_space<hbm>>)
      } else {
      }
      %dma_start3A_1399 = arith.constant 9 : i32
      %dma_start3A_1400 = arith.constant 9 : i32
      %dma_start3A_1401 = arith.constant 0 : i32
      %dma_start3A_1402 = arith.constant 0 : i32
      %dma_start3A_1403 = tpu.memref_slice %arg6[%dma_start3A_1399, %dma_start3A_1401, %dma_start3A_1402] : memref<10x128x64xf32, #tpu.memory_space<vmem>> -> memref<1x128x64xf32, #tpu.memory_space<vmem>>
      %dma_start3A_1404 = tpu.memref_squeeze %dma_start3A_1403 : memref<1x128x64xf32, #tpu.memory_space<vmem>> -> memref<128x64xf32, #tpu.memory_space<vmem>>
      %dma_start3A_1405 = arith.constant 1152 : i32
      %dma_start3A_1406 = tpu.memref_slice %arg5[%dma_start3A_1405] : memref<2560xi32, #tpu.memory_space<vmem>> -> memref<128xi32, #tpu.memory_space<vmem>>
      %dma_start3A_1407 = arith.constant 0 : i32
      %dma_start3A_1408 = arith.constant 0 : i32
      %dma_start3A_1409 = tpu.memref_slice %arg3[%dma_start3A_1407, %dma_start3A_1408] : memref<4000x64xf32, #tpu.memory_space<hbm>> -> memref<4000x64xf32, #tpu.memory_space<hbm>>
      %dma_start3A_1410 = tpu.memref_slice %arg7[%dma_start3A_1400] : memref<10x!tpu.dma_semaphore, #tpu.memory_space<semaphore_mem>> -> memref<1x!tpu.dma_semaphore, #tpu.memory_space<semaphore_mem>>
      %dma_start3A_1411 = tpu.memref_squeeze %dma_start3A_1410 : memref<1x!tpu.dma_semaphore, #tpu.memory_space<semaphore_mem>> -> memref<!tpu.dma_semaphore, #tpu.memory_space<semaphore_mem>>
      tpu.enqueue_indirect_dma source(%dma_start3A_1409 : memref<4000x64xf32, #tpu.memory_space<hbm>>) target(%dma_start3A_1404 : memref<128x64xf32, #tpu.memory_space<vmem>>) offsets(%dma_start3A_1406 : memref<128xi32, #tpu.memory_space<vmem>>) semaphore(%dma_start3A_1411 : memref<!tpu.dma_semaphore, #tpu.memory_space<semaphore_mem>>)
      %mul3A_1412 = arith.constant 2 : i32
      %mul3A_1413 = arith.muli %mul3A_1412, %scan3A_348 : i32
      %add3A_1414 = arith.constant 1 : i32
      %add3A_1415 = arith.addi %mul3A_1413, %add3A_1414 : i32
      %gt3A_1416 = arith.constant 0 : i32
      %gt3A_1417 = arith.cmpi sgt, %scan3A_348, %gt3A_1416 : i32
      %convert_element_type3A_1418 = arith.extui %gt3A_1417 : i1 to i32
      %cond3A_1419 = arith.constant 0 : i32
      %cond3A_1420 = arith.cmpi ne, %convert_element_type3A_1418, %cond3A_1419 : i32
      scf.if %cond3A_1420 {
        %dma_wait3A_2755 = arith.constant 1 : i32
        %dma_wait3A_2756 = arith.constant 1280 : i32
        %dma_wait3A_2757 = tpu.memref_slice %arg5[%dma_wait3A_2756] : memref<2560xi32, #tpu.memory_space<vmem>> -> memref<1280xi32, #tpu.memory_space<vmem>>
        %dma_wait3A_2758 = arith.constant 0 : i32
        %dma_wait3A_2759 = tpu.memref_slice %arg2[%dma_wait3A_2758] : memref<3276800xi32, #tpu.memory_space<hbm>> -> memref<1280xi32, #tpu.memory_space<hbm>>
        %dma_wait3A_2760 = tpu.memref_slice %arg9[%dma_wait3A_2755] : memref<2x!tpu.dma_semaphore, #tpu.memory_space<semaphore_mem>> -> memref<1x!tpu.dma_semaphore, #tpu.memory_space<semaphore_mem>>
        %dma_wait3A_2761 = tpu.memref_squeeze %dma_wait3A_2760 : memref<1x!tpu.dma_semaphore, #tpu.memory_space<semaphore_mem>> -> memref<!tpu.dma_semaphore, #tpu.memory_space<semaphore_mem>>
        %dma_wait3A_2762 = arith.constant 1280 : i32
        %dma_wait3A_2763 = tpu.memref_slice %arg5[%dma_wait3A_2762] : memref<2560xi32, #tpu.memory_space<vmem>> -> memref<1280xi32, #tpu.memory_space<vmem>>
        %dma_wait3A_2764 = arith.constant 0 : i32
        %dma_wait3A_2765 = tpu.memref_slice %arg2[%dma_wait3A_2764] : memref<3276800xi32, #tpu.memory_space<hbm>> -> memref<1280xi32, #tpu.memory_space<hbm>>
        tpu.wait_dma2 semaphore(%dma_wait3A_2761 : memref<!tpu.dma_semaphore, #tpu.memory_space<semaphore_mem>>) src(%dma_wait3A_2765 : memref<1280xi32, #tpu.memory_space<hbm>>) dst(%dma_wait3A_2763 : memref<1280xi32, #tpu.memory_space<vmem>>)
      } else {
      }
      %get3A_1421 = arith.constant 1280 : index
      %get3A_1422 = tpu.vector_load %arg5[%get3A_1421] {strides = array<i32>} : memref<2560xi32, #tpu.memory_space<vmem>>, vector<16xi32>,
      %get3A_1423 = vector.shape_cast %get3A_1422 : vector<16xi32> to vector<16xi32>
      %add3A_1424 = arith.addi %get3A_1423, %mul3A_7 : vector<16xi32>
      %swap3A_1425 = arith.constant 1280 : index
      %swap3A_1426 = tpu.vector_load %arg5[%swap3A_1425] {strides = array<i32>} : memref<2560xi32, #tpu.memory_space<vmem>>, vector<16xi32>,
      %swap3A_1427 = vector.shape_cast %swap3A_1426 : vector<16xi32> to vector<16xi32>
      %swap3A_1428 = vector.shape_cast %add3A_1424 : vector<16xi32> to vector<16xi32>
      tpu.vector_store %arg5[%swap3A_1425], %swap3A_1428 {strides = array<i32>} : memref<2560xi32, #tpu.memory_space<vmem>>, vector<16xi32>,
      %get3A_1429 = arith.constant 1296 : index
      %get3A_1430 = tpu.vector_load %arg5[%get3A_1429] {strides = array<i32>} : memref<2560xi32, #tpu.memory_space<vmem>>, vector<16xi32>,
      %get3A_1431 = vector.shape_cast %get3A_1430 : vector<16xi32> to vector<16xi32>
      %add3A_1432 = arith.addi %get3A_1431, %mul3A_7 : vector<16xi32>
      %swap3A_1433 = arith.constant 1296 : index
      %swap3A_1434 = tpu.vector_load %arg5[%swap3A_1433] {strides = array<i32>} : memref<2560xi32, #tpu.memory_space<vmem>>, vector<16xi32>,
      %swap3A_1435 = vector.shape_cast %swap3A_1434 : vector<16xi32> to vector<16xi32>
      %swap3A_1436 = vector.shape_cast %add3A_1432 : vector<16xi32> to vector<16xi32>
      tpu.vector_store %arg5[%swap3A_1433], %swap3A_1436 {strides = array<i32>} : memref<2560xi32, #tpu.memory_space<vmem>>, vector<16xi32>,
      %get3A_1437 = arith.constant 1312 : index
      %get3A_1438 = tpu.vector_load %arg5[%get3A_1437] {strides = array<i32>} : memref<2560xi32, #tpu.memory_space<vmem>>, vector<16xi32>,
      %get3A_1439 = vector.shape_cast %get3A_1438 : vector<16xi32> to vector<16xi32>
      %add3A_1440 = arith.addi %get3A_1439, %mul3A_7 : vector<16xi32>
      %swap3A_1441 = arith.constant 1312 : index
      %swap3A_1442 = tpu.vector_load %arg5[%swap3A_1441] {strides = array<i32>} : memref<2560xi32, #tpu.memory_space<vmem>>, vector<16xi32>,
      %swap3A_1443 = vector.shape_cast %swap3A_1442 : vector<16xi32> to vector<16xi32>
      %swap3A_1444 = vector.shape_cast %add3A_1440 : vector<16xi32> to vector<16xi32>
      tpu.vector_store %arg5[%swap3A_1441], %swap3A_1444 {strides = array<i32>} : memref<2560xi32, #tpu.memory_space<vmem>>, vector<16xi32>,
      %get3A_1445 = arith.constant 1328 : index
      %get3A_1446 = tpu.vector_load %arg5[%get3A_1445] {strides = array<i32>} : memref<2560xi32, #tpu.memory_space<vmem>>, vector<16xi32>,
      %get3A_1447 = vector.shape_cast %get3A_1446 : vector<16xi32> to vector<16xi32>
      %add3A_1448 = arith.addi %get3A_1447, %mul3A_7 : vector<16xi32>
      %swap3A_1449 = arith.constant 1328 : index
      %swap3A_1450 = tpu.vector_load %arg5[%swap3A_1449] {strides = array<i32>} : memref<2560xi32, #tpu.memory_space<vmem>>, vector<16xi32>,
      %swap3A_1451 = vector.shape_cast %swap3A_1450 : vector<16xi32> to vector<16xi32>
      %swap3A_1452 = vector.shape_cast %add3A_1448 : vector<16xi32> to vector<16xi32>
      tpu.vector_store %arg5[%swap3A_1449], %swap3A_1452 {strides = array<i32>} : memref<2560xi32, #tpu.memory_space<vmem>>, vector<16xi32>,
      %get3A_1453 = arith.constant 1344 : index
      %get3A_1454 = tpu.vector_load %arg5[%get3A_1453] {strides = array<i32>} : memref<2560xi32, #tpu.memory_space<vmem>>, vector<16xi32>,
      %get3A_1455 = vector.shape_cast %get3A_1454 : vector<16xi32> to vector<16xi32>
      %add3A_1456 = arith.addi %get3A_1455, %mul3A_7 : vector<16xi32>
      %swap3A_1457 = arith.constant 1344 : index
      %swap3A_1458 = tpu.vector_load %arg5[%swap3A_1457] {strides = array<i32>} : memref<2560xi32, #tpu.memory_space<vmem>>, vector<16xi32>,
      %swap3A_1459 = vector.shape_cast %swap3A_1458 : vector<16xi32> to vector<16xi32>
      %swap3A_1460 = vector.shape_cast %add3A_1456 : vector<16xi32> to vector<16xi32>
      tpu.vector_store %arg5[%swap3A_1457], %swap3A_1460 {strides = array<i32>} : memref<2560xi32, #tpu.memory_space<vmem>>, vector<16xi32>,
      %get3A_1461 = arith.constant 1360 : index
      %get3A_1462 = tpu.vector_load %arg5[%get3A_1461] {strides = array<i32>} : memref<2560xi32, #tpu.memory_space<vmem>>, vector<16xi32>,
      %get3A_1463 = vector.shape_cast %get3A_1462 : vector<16xi32> to vector<16xi32>
      %add3A_1464 = arith.addi %get3A_1463, %mul3A_7 : vector<16xi32>
      %swap3A_1465 = arith.constant 1360 : index
      %swap3A_1466 = tpu.vector_load %arg5[%swap3A_1465] {strides = array<i32>} : memref<2560xi32, #tpu.memory_space<vmem>>, vector<16xi32>,
      %swap3A_1467 = vector.shape_cast %swap3A_1466 : vector<16xi32> to vector<16xi32>
      %swap3A_1468 = vector.shape_cast %add3A_1464 : vector<16xi32> to vector<16xi32>
      tpu.vector_store %arg5[%swap3A_1465], %swap3A_1468 {strides = array<i32>} : memref<2560xi32, #tpu.memory_space<vmem>>, vector<16xi32>,
      %get3A_1469 = arith.constant 1376 : index
      %get3A_1470 = tpu.vector_load %arg5[%get3A_1469] {strides = array<i32>} : memref<2560xi32, #tpu.memory_space<vmem>>, vector<16xi32>,
      %get3A_1471 = vector.shape_cast %get3A_1470 : vector<16xi32> to vector<16xi32>
      %add3A_1472 = arith.addi %get3A_1471, %mul3A_7 : vector<16xi32>
      %swap3A_1473 = arith.constant 1376 : index
      %swap3A_1474 = tpu.vector_load %arg5[%swap3A_1473] {strides = array<i32>} : memref<2560xi32, #tpu.memory_space<vmem>>, vector<16xi32>,
      %swap3A_1475 = vector.shape_cast %swap3A_1474 : vector<16xi32> to vector<16xi32>
      %swap3A_1476 = vector.shape_cast %add3A_1472 : vector<16xi32> to vector<16xi32>
      tpu.vector_store %arg5[%swap3A_1473], %swap3A_1476 {strides = array<i32>} : memref<2560xi32, #tpu.memory_space<vmem>>, vector<16xi32>,
      %get3A_1477 = arith.constant 1392 : index
      %get3A_1478 = tpu.vector_load %arg5[%get3A_1477] {strides = array<i32>} : memref<2560xi32, #tpu.memory_space<vmem>>, vector<16xi32>,
      %get3A_1479 = vector.shape_cast %get3A_1478 : vector<16xi32> to vector<16xi32>
      %add3A_1480 = arith.addi %get3A_1479, %mul3A_7 : vector<16xi32>
      %swap3A_1481 = arith.constant 1392 : index
      %swap3A_1482 = tpu.vector_load %arg5[%swap3A_1481] {strides = array<i32>} : memref<2560xi32, #tpu.memory_space<vmem>>, vector<16xi32>,
      %swap3A_1483 = vector.shape_cast %swap3A_1482 : vector<16xi32> to vector<16xi32>
      %swap3A_1484 = vector.shape_cast %add3A_1480 : vector<16xi32> to vector<16xi32>
      tpu.vector_store %arg5[%swap3A_1481], %swap3A_1484 {strides = array<i32>} : memref<2560xi32, #tpu.memory_space<vmem>>, vector<16xi32>,
      %get3A_1485 = arith.constant 1408 : index
      %get3A_1486 = tpu.vector_load %arg5[%get3A_1485] {strides = array<i32>} : memref<2560xi32, #tpu.memory_space<vmem>>, vector<16xi32>,
      %get3A_1487 = vector.shape_cast %get3A_1486 : vector<16xi32> to vector<16xi32>
      %add3A_1488 = arith.addi %get3A_1487, %mul3A_7 : vector<16xi32>
      %swap3A_1489 = arith.constant 1408 : index
      %swap3A_1490 = tpu.vector_load %arg5[%swap3A_1489] {strides = array<i32>} : memref<2560xi32, #tpu.memory_space<vmem>>, vector<16xi32>,
      %swap3A_1491 = vector.shape_cast %swap3A_1490 : vector<16xi32> to vector<16xi32>
      %swap3A_1492 = vector.shape_cast %add3A_1488 : vector<16xi32> to vector<16xi32>
      tpu.vector_store %arg5[%swap3A_1489], %swap3A_1492 {strides = array<i32>} : memref<2560xi32, #tpu.memory_space<vmem>>, vector<16xi32>,
      %get3A_1493 = arith.constant 1424 : index
      %get3A_1494 = tpu.vector_load %arg5[%get3A_1493] {strides = array<i32>} : memref<2560xi32, #tpu.memory_space<vmem>>, vector<16xi32>,
      %get3A_1495 = vector.shape_cast %get3A_1494 : vector<16xi32> to vector<16xi32>
      %add3A_1496 = arith.addi %get3A_1495, %mul3A_7 : vector<16xi32>
      %swap3A_1497 = arith.constant 1424 : index
      %swap3A_1498 = tpu.vector_load %arg5[%swap3A_1497] {strides = array<i32>} : memref<2560xi32, #tpu.memory_space<vmem>>, vector<16xi32>,
      %swap3A_1499 = vector.shape_cast %swap3A_1498 : vector<16xi32> to vector<16xi32>
      %swap3A_1500 = vector.shape_cast %add3A_1496 : vector<16xi32> to vector<16xi32>
      tpu.vector_store %arg5[%swap3A_1497], %swap3A_1500 {strides = array<i32>} : memref<2560xi32, #tpu.memory_space<vmem>>, vector<16xi32>,
      %get3A_1501 = arith.constant 1440 : index
      %get3A_1502 = tpu.vector_load %arg5[%get3A_1501] {strides = array<i32>} : memref<2560xi32, #tpu.memory_space<vmem>>, vector<16xi32>,
      %get3A_1503 = vector.shape_cast %get3A_1502 : vector<16xi32> to vector<16xi32>
      %add3A_1504 = arith.addi %get3A_1503, %mul3A_7 : vector<16xi32>
      %swap3A_1505 = arith.constant 1440 : index
      %swap3A_1506 = tpu.vector_load %arg5[%swap3A_1505] {strides = array<i32>} : memref<2560xi32, #tpu.memory_space<vmem>>, vector<16xi32>,
      %swap3A_1507 = vector.shape_cast %swap3A_1506 : vector<16xi32> to vector<16xi32>
      %swap3A_1508 = vector.shape_cast %add3A_1504 : vector<16xi32> to vector<16xi32>
      tpu.vector_store %arg5[%swap3A_1505], %swap3A_1508 {strides = array<i32>} : memref<2560xi32, #tpu.memory_space<vmem>>, vector<16xi32>,
      %get3A_1509 = arith.constant 1456 : index
      %get3A_1510 = tpu.vector_load %arg5[%get3A_1509] {strides = array<i32>} : memref<2560xi32, #tpu.memory_space<vmem>>, vector<16xi32>,
      %get3A_1511 = vector.shape_cast %get3A_1510 : vector<16xi32> to vector<16xi32>
      %add3A_1512 = arith.addi %get3A_1511, %mul3A_7 : vector<16xi32>
      %swap3A_1513 = arith.constant 1456 : index
      %swap3A_1514 = tpu.vector_load %arg5[%swap3A_1513] {strides = array<i32>} : memref<2560xi32, #tpu.memory_space<vmem>>, vector<16xi32>,
      %swap3A_1515 = vector.shape_cast %swap3A_1514 : vector<16xi32> to vector<16xi32>
      %swap3A_1516 = vector.shape_cast %add3A_1512 : vector<16xi32> to vector<16xi32>
      tpu.vector_store %arg5[%swap3A_1513], %swap3A_1516 {strides = array<i32>} : memref<2560xi32, #tpu.memory_space<vmem>>, vector<16xi32>,
      %get3A_1517 = arith.constant 1472 : index
      %get3A_1518 = tpu.vector_load %arg5[%get3A_1517] {strides = array<i32>} : memref<2560xi32, #tpu.memory_space<vmem>>, vector<16xi32>,
      %get3A_1519 = vector.shape_cast %get3A_1518 : vector<16xi32> to vector<16xi32>
      %add3A_1520 = arith.addi %get3A_1519, %mul3A_7 : vector<16xi32>
      %swap3A_1521 = arith.constant 1472 : index
      %swap3A_1522 = tpu.vector_load %arg5[%swap3A_1521] {strides = array<i32>} : memref<2560xi32, #tpu.memory_space<vmem>>, vector<16xi32>,
      %swap3A_1523 = vector.shape_cast %swap3A_1522 : vector<16xi32> to vector<16xi32>
      %swap3A_1524 = vector.shape_cast %add3A_1520 : vector<16xi32> to vector<16xi32>
      tpu.vector_store %arg5[%swap3A_1521], %swap3A_1524 {strides = array<i32>} : memref<2560xi32, #tpu.memory_space<vmem>>, vector<16xi32>,
      %get3A_1525 = arith.constant 1488 : index
      %get3A_1526 = tpu.vector_load %arg5[%get3A_1525] {strides = array<i32>} : memref<2560xi32, #tpu.memory_space<vmem>>, vector<16xi32>,
      %get3A_1527 = vector.shape_cast %get3A_1526 : vector<16xi32> to vector<16xi32>
      %add3A_1528 = arith.addi %get3A_1527, %mul3A_7 : vector<16xi32>
      %swap3A_1529 = arith.constant 1488 : index
      %swap3A_1530 = tpu.vector_load %arg5[%swap3A_1529] {strides = array<i32>} : memref<2560xi32, #tpu.memory_space<vmem>>, vector<16xi32>,
      %swap3A_1531 = vector.shape_cast %swap3A_1530 : vector<16xi32> to vector<16xi32>
      %swap3A_1532 = vector.shape_cast %add3A_1528 : vector<16xi32> to vector<16xi32>
      tpu.vector_store %arg5[%swap3A_1529], %swap3A_1532 {strides = array<i32>} : memref<2560xi32, #tpu.memory_space<vmem>>, vector<16xi32>,
      %get3A_1533 = arith.constant 1504 : index
      %get3A_1534 = tpu.vector_load %arg5[%get3A_1533] {strides = array<i32>} : memref<2560xi32, #tpu.memory_space<vmem>>, vector<16xi32>,
      %get3A_1535 = vector.shape_cast %get3A_1534 : vector<16xi32> to vector<16xi32>
      %add3A_1536 = arith.addi %get3A_1535, %mul3A_7 : vector<16xi32>
      %swap3A_1537 = arith.constant 1504 : index
      %swap3A_1538 = tpu.vector_load %arg5[%swap3A_1537] {strides = array<i32>} : memref<2560xi32, #tpu.memory_space<vmem>>, vector<16xi32>,
      %swap3A_1539 = vector.shape_cast %swap3A_1538 : vector<16xi32> to vector<16xi32>
      %swap3A_1540 = vector.shape_cast %add3A_1536 : vector<16xi32> to vector<16xi32>
      tpu.vector_store %arg5[%swap3A_1537], %swap3A_1540 {strides = array<i32>} : memref<2560xi32, #tpu.memory_space<vmem>>, vector<16xi32>,
      %get3A_1541 = arith.constant 1520 : index
      %get3A_1542 = tpu.vector_load %arg5[%get3A_1541] {strides = array<i32>} : memref<2560xi32, #tpu.memory_space<vmem>>, vector<16xi32>,
      %get3A_1543 = vector.shape_cast %get3A_1542 : vector<16xi32> to vector<16xi32>
      %add3A_1544 = arith.addi %get3A_1543, %mul3A_7 : vector<16xi32>
      %swap3A_1545 = arith.constant 1520 : index
      %swap3A_1546 = tpu.vector_load %arg5[%swap3A_1545] {strides = array<i32>} : memref<2560xi32, #tpu.memory_space<vmem>>, vector<16xi32>,
      %swap3A_1547 = vector.shape_cast %swap3A_1546 : vector<16xi32> to vector<16xi32>
      %swap3A_1548 = vector.shape_cast %add3A_1544 : vector<16xi32> to vector<16xi32>
      tpu.vector_store %arg5[%swap3A_1545], %swap3A_1548 {strides = array<i32>} : memref<2560xi32, #tpu.memory_space<vmem>>, vector<16xi32>,
      %get3A_1549 = arith.constant 1536 : index
      %get3A_1550 = tpu.vector_load %arg5[%get3A_1549] {strides = array<i32>} : memref<2560xi32, #tpu.memory_space<vmem>>, vector<16xi32>,
      %get3A_1551 = vector.shape_cast %get3A_1550 : vector<16xi32> to vector<16xi32>
      %add3A_1552 = arith.addi %get3A_1551, %mul3A_7 : vector<16xi32>
      %swap3A_1553 = arith.constant 1536 : index
      %swap3A_1554 = tpu.vector_load %arg5[%swap3A_1553] {strides = array<i32>} : memref<2560xi32, #tpu.memory_space<vmem>>, vector<16xi32>,
      %swap3A_1555 = vector.shape_cast %swap3A_1554 : vector<16xi32> to vector<16xi32>
      %swap3A_1556 = vector.shape_cast %add3A_1552 : vector<16xi32> to vector<16xi32>
      tpu.vector_store %arg5[%swap3A_1553], %swap3A_1556 {strides = array<i32>} : memref<2560xi32, #tpu.memory_space<vmem>>, vector<16xi32>,
      %get3A_1557 = arith.constant 1552 : index
      %get3A_1558 = tpu.vector_load %arg5[%get3A_1557] {strides = array<i32>} : memref<2560xi32, #tpu.memory_space<vmem>>, vector<16xi32>,
      %get3A_1559 = vector.shape_cast %get3A_1558 : vector<16xi32> to vector<16xi32>
      %add3A_1560 = arith.addi %get3A_1559, %mul3A_7 : vector<16xi32>
      %swap3A_1561 = arith.constant 1552 : index
      %swap3A_1562 = tpu.vector_load %arg5[%swap3A_1561] {strides = array<i32>} : memref<2560xi32, #tpu.memory_space<vmem>>, vector<16xi32>,
      %swap3A_1563 = vector.shape_cast %swap3A_1562 : vector<16xi32> to vector<16xi32>
      %swap3A_1564 = vector.shape_cast %add3A_1560 : vector<16xi32> to vector<16xi32>
      tpu.vector_store %arg5[%swap3A_1561], %swap3A_1564 {strides = array<i32>} : memref<2560xi32, #tpu.memory_space<vmem>>, vector<16xi32>,
      %get3A_1565 = arith.constant 1568 : index
      %get3A_1566 = tpu.vector_load %arg5[%get3A_1565] {strides = array<i32>} : memref<2560xi32, #tpu.memory_space<vmem>>, vector<16xi32>,
      %get3A_1567 = vector.shape_cast %get3A_1566 : vector<16xi32> to vector<16xi32>
      %add3A_1568 = arith.addi %get3A_1567, %mul3A_7 : vector<16xi32>
      %swap3A_1569 = arith.constant 1568 : index
      %swap3A_1570 = tpu.vector_load %arg5[%swap3A_1569] {strides = array<i32>} : memref<2560xi32, #tpu.memory_space<vmem>>, vector<16xi32>,
      %swap3A_1571 = vector.shape_cast %swap3A_1570 : vector<16xi32> to vector<16xi32>
      %swap3A_1572 = vector.shape_cast %add3A_1568 : vector<16xi32> to vector<16xi32>
      tpu.vector_store %arg5[%swap3A_1569], %swap3A_1572 {strides = array<i32>} : memref<2560xi32, #tpu.memory_space<vmem>>, vector<16xi32>,
      %get3A_1573 = arith.constant 1584 : index
      %get3A_1574 = tpu.vector_load %arg5[%get3A_1573] {strides = array<i32>} : memref<2560xi32, #tpu.memory_space<vmem>>, vector<16xi32>,
      %get3A_1575 = vector.shape_cast %get3A_1574 : vector<16xi32> to vector<16xi32>
      %add3A_1576 = arith.addi %get3A_1575, %mul3A_7 : vector<16xi32>
      %swap3A_1577 = arith.constant 1584 : index
      %swap3A_1578 = tpu.vector_load %arg5[%swap3A_1577] {strides = array<i32>} : memref<2560xi32, #tpu.memory_space<vmem>>, vector<16xi32>,
      %swap3A_1579 = vector.shape_cast %swap3A_1578 : vector<16xi32> to vector<16xi32>
      %swap3A_1580 = vector.shape_cast %add3A_1576 : vector<16xi32> to vector<16xi32>
      tpu.vector_store %arg5[%swap3A_1577], %swap3A_1580 {strides = array<i32>} : memref<2560xi32, #tpu.memory_space<vmem>>, vector<16xi32>,
      %get3A_1581 = arith.constant 1600 : index
      %get3A_1582 = tpu.vector_load %arg5[%get3A_1581] {strides = array<i32>} : memref<2560xi32, #tpu.memory_space<vmem>>, vector<16xi32>,
      %get3A_1583 = vector.shape_cast %get3A_1582 : vector<16xi32> to vector<16xi32>
      %add3A_1584 = arith.addi %get3A_1583, %mul3A_7 : vector<16xi32>
      %swap3A_1585 = arith.constant 1600 : index
      %swap3A_1586 = tpu.vector_load %arg5[%swap3A_1585] {strides = array<i32>} : memref<2560xi32, #tpu.memory_space<vmem>>, vector<16xi32>,
      %swap3A_1587 = vector.shape_cast %swap3A_1586 : vector<16xi32> to vector<16xi32>
      %swap3A_1588 = vector.shape_cast %add3A_1584 : vector<16xi32> to vector<16xi32>
      tpu.vector_store %arg5[%swap3A_1585], %swap3A_1588 {strides = array<i32>} : memref<2560xi32, #tpu.memory_space<vmem>>, vector<16xi32>,
      %get3A_1589 = arith.constant 1616 : index
      %get3A_1590 = tpu.vector_load %arg5[%get3A_1589] {strides = array<i32>} : memref<2560xi32, #tpu.memory_space<vmem>>, vector<16xi32>,
      %get3A_1591 = vector.shape_cast %get3A_1590 : vector<16xi32> to vector<16xi32>
      %add3A_1592 = arith.addi %get3A_1591, %mul3A_7 : vector<16xi32>
      %swap3A_1593 = arith.constant 1616 : index
      %swap3A_1594 = tpu.vector_load %arg5[%swap3A_1593] {strides = array<i32>} : memref<2560xi32, #tpu.memory_space<vmem>>, vector<16xi32>,
      %swap3A_1595 = vector.shape_cast %swap3A_1594 : vector<16xi32> to vector<16xi32>
      %swap3A_1596 = vector.shape_cast %add3A_1592 : vector<16xi32> to vector<16xi32>
      tpu.vector_store %arg5[%swap3A_1593], %swap3A_1596 {strides = array<i32>} : memref<2560xi32, #tpu.memory_space<vmem>>, vector<16xi32>,
      %get3A_1597 = arith.constant 1632 : index
      %get3A_1598 = tpu.vector_load %arg5[%get3A_1597] {strides = array<i32>} : memref<2560xi32, #tpu.memory_space<vmem>>, vector<16xi32>,
      %get3A_1599 = vector.shape_cast %get3A_1598 : vector<16xi32> to vector<16xi32>
      %add3A_1600 = arith.addi %get3A_1599, %mul3A_7 : vector<16xi32>
      %swap3A_1601 = arith.constant 1632 : index
      %swap3A_1602 = tpu.vector_load %arg5[%swap3A_1601] {strides = array<i32>} : memref<2560xi32, #tpu.memory_space<vmem>>, vector<16xi32>,
      %swap3A_1603 = vector.shape_cast %swap3A_1602 : vector<16xi32> to vector<16xi32>
      %swap3A_1604 = vector.shape_cast %add3A_1600 : vector<16xi32> to vector<16xi32>
      tpu.vector_store %arg5[%swap3A_1601], %swap3A_1604 {strides = array<i32>} : memref<2560xi32, #tpu.memory_space<vmem>>, vector<16xi32>,
      %get3A_1605 = arith.constant 1648 : index
      %get3A_1606 = tpu.vector_load %arg5[%get3A_1605] {strides = array<i32>} : memref<2560xi32, #tpu.memory_space<vmem>>, vector<16xi32>,
      %get3A_1607 = vector.shape_cast %get3A_1606 : vector<16xi32> to vector<16xi32>
      %add3A_1608 = arith.addi %get3A_1607, %mul3A_7 : vector<16xi32>
      %swap3A_1609 = arith.constant 1648 : index
      %swap3A_1610 = tpu.vector_load %arg5[%swap3A_1609] {strides = array<i32>} : memref<2560xi32, #tpu.memory_space<vmem>>, vector<16xi32>,
      %swap3A_1611 = vector.shape_cast %swap3A_1610 : vector<16xi32> to vector<16xi32>
      %swap3A_1612 = vector.shape_cast %add3A_1608 : vector<16xi32> to vector<16xi32>
      tpu.vector_store %arg5[%swap3A_1609], %swap3A_1612 {strides = array<i32>} : memref<2560xi32, #tpu.memory_space<vmem>>, vector<16xi32>,
      %get3A_1613 = arith.constant 1664 : index
      %get3A_1614 = tpu.vector_load %arg5[%get3A_1613] {strides = array<i32>} : memref<2560xi32, #tpu.memory_space<vmem>>, vector<16xi32>,
      %get3A_1615 = vector.shape_cast %get3A_1614 : vector<16xi32> to vector<16xi32>
      %add3A_1616 = arith.addi %get3A_1615, %mul3A_7 : vector<16xi32>
      %swap3A_1617 = arith.constant 1664 : index
      %swap3A_1618 = tpu.vector_load %arg5[%swap3A_1617] {strides = array<i32>} : memref<2560xi32, #tpu.memory_space<vmem>>, vector<16xi32>,
      %swap3A_1619 = vector.shape_cast %swap3A_1618 : vector<16xi32> to vector<16xi32>
      %swap3A_1620 = vector.shape_cast %add3A_1616 : vector<16xi32> to vector<16xi32>
      tpu.vector_store %arg5[%swap3A_1617], %swap3A_1620 {strides = array<i32>} : memref<2560xi32, #tpu.memory_space<vmem>>, vector<16xi32>,
      %get3A_1621 = arith.constant 1680 : index
      %get3A_1622 = tpu.vector_load %arg5[%get3A_1621] {strides = array<i32>} : memref<2560xi32, #tpu.memory_space<vmem>>, vector<16xi32>,
      %get3A_1623 = vector.shape_cast %get3A_1622 : vector<16xi32> to vector<16xi32>
      %add3A_1624 = arith.addi %get3A_1623, %mul3A_7 : vector<16xi32>
      %swap3A_1625 = arith.constant 1680 : index
      %swap3A_1626 = tpu.vector_load %arg5[%swap3A_1625] {strides = array<i32>} : memref<2560xi32, #tpu.memory_space<vmem>>, vector<16xi32>,
      %swap3A_1627 = vector.shape_cast %swap3A_1626 : vector<16xi32> to vector<16xi32>
      %swap3A_1628 = vector.shape_cast %add3A_1624 : vector<16xi32> to vector<16xi32>
      tpu.vector_store %arg5[%swap3A_1625], %swap3A_1628 {strides = array<i32>} : memref<2560xi32, #tpu.memory_space<vmem>>, vector<16xi32>,
      %get3A_1629 = arith.constant 1696 : index
      %get3A_1630 = tpu.vector_load %arg5[%get3A_1629] {strides = array<i32>} : memref<2560xi32, #tpu.memory_space<vmem>>, vector<16xi32>,
      %get3A_1631 = vector.shape_cast %get3A_1630 : vector<16xi32> to vector<16xi32>
      %add3A_1632 = arith.addi %get3A_1631, %mul3A_7 : vector<16xi32>
      %swap3A_1633 = arith.constant 1696 : index
      %swap3A_1634 = tpu.vector_load %arg5[%swap3A_1633] {strides = array<i32>} : memref<2560xi32, #tpu.memory_space<vmem>>, vector<16xi32>,
      %swap3A_1635 = vector.shape_cast %swap3A_1634 : vector<16xi32> to vector<16xi32>
      %swap3A_1636 = vector.shape_cast %add3A_1632 : vector<16xi32> to vector<16xi32>
      tpu.vector_store %arg5[%swap3A_1633], %swap3A_1636 {strides = array<i32>} : memref<2560xi32, #tpu.memory_space<vmem>>, vector<16xi32>,
      %get3A_1637 = arith.constant 1712 : index
      %get3A_1638 = tpu.vector_load %arg5[%get3A_1637] {strides = array<i32>} : memref<2560xi32, #tpu.memory_space<vmem>>, vector<16xi32>,
      %get3A_1639 = vector.shape_cast %get3A_1638 : vector<16xi32> to vector<16xi32>
      %add3A_1640 = arith.addi %get3A_1639, %mul3A_7 : vector<16xi32>
      %swap3A_1641 = arith.constant 1712 : index
      %swap3A_1642 = tpu.vector_load %arg5[%swap3A_1641] {strides = array<i32>} : memref<2560xi32, #tpu.memory_space<vmem>>, vector<16xi32>,
      %swap3A_1643 = vector.shape_cast %swap3A_1642 : vector<16xi32> to vector<16xi32>
      %swap3A_1644 = vector.shape_cast %add3A_1640 : vector<16xi32> to vector<16xi32>
      tpu.vector_store %arg5[%swap3A_1641], %swap3A_1644 {strides = array<i32>} : memref<2560xi32, #tpu.memory_space<vmem>>, vector<16xi32>,
      %get3A_1645 = arith.constant 1728 : index
      %get3A_1646 = tpu.vector_load %arg5[%get3A_1645] {strides = array<i32>} : memref<2560xi32, #tpu.memory_space<vmem>>, vector<16xi32>,
      %get3A_1647 = vector.shape_cast %get3A_1646 : vector<16xi32> to vector<16xi32>
      %add3A_1648 = arith.addi %get3A_1647, %mul3A_7 : vector<16xi32>
      %swap3A_1649 = arith.constant 1728 : index
      %swap3A_1650 = tpu.vector_load %arg5[%swap3A_1649] {strides = array<i32>} : memref<2560xi32, #tpu.memory_space<vmem>>, vector<16xi32>,
      %swap3A_1651 = vector.shape_cast %swap3A_1650 : vector<16xi32> to vector<16xi32>
      %swap3A_1652 = vector.shape_cast %add3A_1648 : vector<16xi32> to vector<16xi32>
      tpu.vector_store %arg5[%swap3A_1649], %swap3A_1652 {strides = array<i32>} : memref<2560xi32, #tpu.memory_space<vmem>>, vector<16xi32>,
      %get3A_1653 = arith.constant 1744 : index
      %get3A_1654 = tpu.vector_load %arg5[%get3A_1653] {strides = array<i32>} : memref<2560xi32, #tpu.memory_space<vmem>>, vector<16xi32>,
      %get3A_1655 = vector.shape_cast %get3A_1654 : vector<16xi32> to vector<16xi32>
      %add3A_1656 = arith.addi %get3A_1655, %mul3A_7 : vector<16xi32>
      %swap3A_1657 = arith.constant 1744 : index
      %swap3A_1658 = tpu.vector_load %arg5[%swap3A_1657] {strides = array<i32>} : memref<2560xi32, #tpu.memory_space<vmem>>, vector<16xi32>,
      %swap3A_1659 = vector.shape_cast %swap3A_1658 : vector<16xi32> to vector<16xi32>
      %swap3A_1660 = vector.shape_cast %add3A_1656 : vector<16xi32> to vector<16xi32>
      tpu.vector_store %arg5[%swap3A_1657], %swap3A_1660 {strides = array<i32>} : memref<2560xi32, #tpu.memory_space<vmem>>, vector<16xi32>,
      %get3A_1661 = arith.constant 1760 : index
      %get3A_1662 = tpu.vector_load %arg5[%get3A_1661] {strides = array<i32>} : memref<2560xi32, #tpu.memory_space<vmem>>, vector<16xi32>,
      %get3A_1663 = vector.shape_cast %get3A_1662 : vector<16xi32> to vector<16xi32>
      %add3A_1664 = arith.addi %get3A_1663, %mul3A_7 : vector<16xi32>
      %swap3A_1665 = arith.constant 1760 : index
      %swap3A_1666 = tpu.vector_load %arg5[%swap3A_1665] {strides = array<i32>} : memref<2560xi32, #tpu.memory_space<vmem>>, vector<16xi32>,
      %swap3A_1667 = vector.shape_cast %swap3A_1666 : vector<16xi32> to vector<16xi32>
      %swap3A_1668 = vector.shape_cast %add3A_1664 : vector<16xi32> to vector<16xi32>
      tpu.vector_store %arg5[%swap3A_1665], %swap3A_1668 {strides = array<i32>} : memref<2560xi32, #tpu.memory_space<vmem>>, vector<16xi32>,
      %get3A_1669 = arith.constant 1776 : index
      %get3A_1670 = tpu.vector_load %arg5[%get3A_1669] {strides = array<i32>} : memref<2560xi32, #tpu.memory_space<vmem>>, vector<16xi32>,
      %get3A_1671 = vector.shape_cast %get3A_1670 : vector<16xi32> to vector<16xi32>
      %add3A_1672 = arith.addi %get3A_1671, %mul3A_7 : vector<16xi32>
      %swap3A_1673 = arith.constant 1776 : index
      %swap3A_1674 = tpu.vector_load %arg5[%swap3A_1673] {strides = array<i32>} : memref<2560xi32, #tpu.memory_space<vmem>>, vector<16xi32>,
      %swap3A_1675 = vector.shape_cast %swap3A_1674 : vector<16xi32> to vector<16xi32>
      %swap3A_1676 = vector.shape_cast %add3A_1672 : vector<16xi32> to vector<16xi32>
      tpu.vector_store %arg5[%swap3A_1673], %swap3A_1676 {strides = array<i32>} : memref<2560xi32, #tpu.memory_space<vmem>>, vector<16xi32>,
      %get3A_1677 = arith.constant 1792 : index
      %get3A_1678 = tpu.vector_load %arg5[%get3A_1677] {strides = array<i32>} : memref<2560xi32, #tpu.memory_space<vmem>>, vector<16xi32>,
      %get3A_1679 = vector.shape_cast %get3A_1678 : vector<16xi32> to vector<16xi32>
      %add3A_1680 = arith.addi %get3A_1679, %mul3A_7 : vector<16xi32>
      %swap3A_1681 = arith.constant 1792 : index
      %swap3A_1682 = tpu.vector_load %arg5[%swap3A_1681] {strides = array<i32>} : memref<2560xi32, #tpu.memory_space<vmem>>, vector<16xi32>,
      %swap3A_1683 = vector.shape_cast %swap3A_1682 : vector<16xi32> to vector<16xi32>
      %swap3A_1684 = vector.shape_cast %add3A_1680 : vector<16xi32> to vector<16xi32>
      tpu.vector_store %arg5[%swap3A_1681], %swap3A_1684 {strides = array<i32>} : memref<2560xi32, #tpu.memory_space<vmem>>, vector<16xi32>,
      %get3A_1685 = arith.constant 1808 : index
      %get3A_1686 = tpu.vector_load %arg5[%get3A_1685] {strides = array<i32>} : memref<2560xi32, #tpu.memory_space<vmem>>, vector<16xi32>,
      %get3A_1687 = vector.shape_cast %get3A_1686 : vector<16xi32> to vector<16xi32>
      %add3A_1688 = arith.addi %get3A_1687, %mul3A_7 : vector<16xi32>
      %swap3A_1689 = arith.constant 1808 : index
      %swap3A_1690 = tpu.vector_load %arg5[%swap3A_1689] {strides = array<i32>} : memref<2560xi32, #tpu.memory_space<vmem>>, vector<16xi32>,
      %swap3A_1691 = vector.shape_cast %swap3A_1690 : vector<16xi32> to vector<16xi32>
      %swap3A_1692 = vector.shape_cast %add3A_1688 : vector<16xi32> to vector<16xi32>
      tpu.vector_store %arg5[%swap3A_1689], %swap3A_1692 {strides = array<i32>} : memref<2560xi32, #tpu.memory_space<vmem>>, vector<16xi32>,
      %get3A_1693 = arith.constant 1824 : index
      %get3A_1694 = tpu.vector_load %arg5[%get3A_1693] {strides = array<i32>} : memref<2560xi32, #tpu.memory_space<vmem>>, vector<16xi32>,
      %get3A_1695 = vector.shape_cast %get3A_1694 : vector<16xi32> to vector<16xi32>
      %add3A_1696 = arith.addi %get3A_1695, %mul3A_7 : vector<16xi32>
      %swap3A_1697 = arith.constant 1824 : index
      %swap3A_1698 = tpu.vector_load %arg5[%swap3A_1697] {strides = array<i32>} : memref<2560xi32, #tpu.memory_space<vmem>>, vector<16xi32>,
      %swap3A_1699 = vector.shape_cast %swap3A_1698 : vector<16xi32> to vector<16xi32>
      %swap3A_1700 = vector.shape_cast %add3A_1696 : vector<16xi32> to vector<16xi32>
      tpu.vector_store %arg5[%swap3A_1697], %swap3A_1700 {strides = array<i32>} : memref<2560xi32, #tpu.memory_space<vmem>>, vector<16xi32>,
      %get3A_1701 = arith.constant 1840 : index
      %get3A_1702 = tpu.vector_load %arg5[%get3A_1701] {strides = array<i32>} : memref<2560xi32, #tpu.memory_space<vmem>>, vector<16xi32>,
      %get3A_1703 = vector.shape_cast %get3A_1702 : vector<16xi32> to vector<16xi32>
      %add3A_1704 = arith.addi %get3A_1703, %mul3A_7 : vector<16xi32>
      %swap3A_1705 = arith.constant 1840 : index
      %swap3A_1706 = tpu.vector_load %arg5[%swap3A_1705] {strides = array<i32>} : memref<2560xi32, #tpu.memory_space<vmem>>, vector<16xi32>,
      %swap3A_1707 = vector.shape_cast %swap3A_1706 : vector<16xi32> to vector<16xi32>
      %swap3A_1708 = vector.shape_cast %add3A_1704 : vector<16xi32> to vector<16xi32>
      tpu.vector_store %arg5[%swap3A_1705], %swap3A_1708 {strides = array<i32>} : memref<2560xi32, #tpu.memory_space<vmem>>, vector<16xi32>,
      %get3A_1709 = arith.constant 1856 : index
      %get3A_1710 = tpu.vector_load %arg5[%get3A_1709] {strides = array<i32>} : memref<2560xi32, #tpu.memory_space<vmem>>, vector<16xi32>,
      %get3A_1711 = vector.shape_cast %get3A_1710 : vector<16xi32> to vector<16xi32>
      %add3A_1712 = arith.addi %get3A_1711, %mul3A_7 : vector<16xi32>
      %swap3A_1713 = arith.constant 1856 : index
      %swap3A_1714 = tpu.vector_load %arg5[%swap3A_1713] {strides = array<i32>} : memref<2560xi32, #tpu.memory_space<vmem>>, vector<16xi32>,
      %swap3A_1715 = vector.shape_cast %swap3A_1714 : vector<16xi32> to vector<16xi32>
      %swap3A_1716 = vector.shape_cast %add3A_1712 : vector<16xi32> to vector<16xi32>
      tpu.vector_store %arg5[%swap3A_1713], %swap3A_1716 {strides = array<i32>} : memref<2560xi32, #tpu.memory_space<vmem>>, vector<16xi32>,
      %get3A_1717 = arith.constant 1872 : index
      %get3A_1718 = tpu.vector_load %arg5[%get3A_1717] {strides = array<i32>} : memref<2560xi32, #tpu.memory_space<vmem>>, vector<16xi32>,
      %get3A_1719 = vector.shape_cast %get3A_1718 : vector<16xi32> to vector<16xi32>
      %add3A_1720 = arith.addi %get3A_1719, %mul3A_7 : vector<16xi32>
      %swap3A_1721 = arith.constant 1872 : index
      %swap3A_1722 = tpu.vector_load %arg5[%swap3A_1721] {strides = array<i32>} : memref<2560xi32, #tpu.memory_space<vmem>>, vector<16xi32>,
      %swap3A_1723 = vector.shape_cast %swap3A_1722 : vector<16xi32> to vector<16xi32>
      %swap3A_1724 = vector.shape_cast %add3A_1720 : vector<16xi32> to vector<16xi32>
      tpu.vector_store %arg5[%swap3A_1721], %swap3A_1724 {strides = array<i32>} : memref<2560xi32, #tpu.memory_space<vmem>>, vector<16xi32>,
      %get3A_1725 = arith.constant 1888 : index
      %get3A_1726 = tpu.vector_load %arg5[%get3A_1725] {strides = array<i32>} : memref<2560xi32, #tpu.memory_space<vmem>>, vector<16xi32>,
      %get3A_1727 = vector.shape_cast %get3A_1726 : vector<16xi32> to vector<16xi32>
      %add3A_1728 = arith.addi %get3A_1727, %mul3A_7 : vector<16xi32>
      %swap3A_1729 = arith.constant 1888 : index
      %swap3A_1730 = tpu.vector_load %arg5[%swap3A_1729] {strides = array<i32>} : memref<2560xi32, #tpu.memory_space<vmem>>, vector<16xi32>,
      %swap3A_1731 = vector.shape_cast %swap3A_1730 : vector<16xi32> to vector<16xi32>
      %swap3A_1732 = vector.shape_cast %add3A_1728 : vector<16xi32> to vector<16xi32>
      tpu.vector_store %arg5[%swap3A_1729], %swap3A_1732 {strides = array<i32>} : memref<2560xi32, #tpu.memory_space<vmem>>, vector<16xi32>,
      %get3A_1733 = arith.constant 1904 : index
      %get3A_1734 = tpu.vector_load %arg5[%get3A_1733] {strides = array<i32>} : memref<2560xi32, #tpu.memory_space<vmem>>, vector<16xi32>,
      %get3A_1735 = vector.shape_cast %get3A_1734 : vector<16xi32> to vector<16xi32>
      %add3A_1736 = arith.addi %get3A_1735, %mul3A_7 : vector<16xi32>
      %swap3A_1737 = arith.constant 1904 : index
      %swap3A_1738 = tpu.vector_load %arg5[%swap3A_1737] {strides = array<i32>} : memref<2560xi32, #tpu.memory_space<vmem>>, vector<16xi32>,
      %swap3A_1739 = vector.shape_cast %swap3A_1738 : vector<16xi32> to vector<16xi32>
      %swap3A_1740 = vector.shape_cast %add3A_1736 : vector<16xi32> to vector<16xi32>
      tpu.vector_store %arg5[%swap3A_1737], %swap3A_1740 {strides = array<i32>} : memref<2560xi32, #tpu.memory_space<vmem>>, vector<16xi32>,
      %get3A_1741 = arith.constant 1920 : index
      %get3A_1742 = tpu.vector_load %arg5[%get3A_1741] {strides = array<i32>} : memref<2560xi32, #tpu.memory_space<vmem>>, vector<16xi32>,
      %get3A_1743 = vector.shape_cast %get3A_1742 : vector<16xi32> to vector<16xi32>
      %add3A_1744 = arith.addi %get3A_1743, %mul3A_7 : vector<16xi32>
      %swap3A_1745 = arith.constant 1920 : index
      %swap3A_1746 = tpu.vector_load %arg5[%swap3A_1745] {strides = array<i32>} : memref<2560xi32, #tpu.memory_space<vmem>>, vector<16xi32>,
      %swap3A_1747 = vector.shape_cast %swap3A_1746 : vector<16xi32> to vector<16xi32>
      %swap3A_1748 = vector.shape_cast %add3A_1744 : vector<16xi32> to vector<16xi32>
      tpu.vector_store %arg5[%swap3A_1745], %swap3A_1748 {strides = array<i32>} : memref<2560xi32, #tpu.memory_space<vmem>>, vector<16xi32>,
      %get3A_1749 = arith.constant 1936 : index
      %get3A_1750 = tpu.vector_load %arg5[%get3A_1749] {strides = array<i32>} : memref<2560xi32, #tpu.memory_space<vmem>>, vector<16xi32>,
      %get3A_1751 = vector.shape_cast %get3A_1750 : vector<16xi32> to vector<16xi32>
      %add3A_1752 = arith.addi %get3A_1751, %mul3A_7 : vector<16xi32>
      %swap3A_1753 = arith.constant 1936 : index
      %swap3A_1754 = tpu.vector_load %arg5[%swap3A_1753] {strides = array<i32>} : memref<2560xi32, #tpu.memory_space<vmem>>, vector<16xi32>,
      %swap3A_1755 = vector.shape_cast %swap3A_1754 : vector<16xi32> to vector<16xi32>
      %swap3A_1756 = vector.shape_cast %add3A_1752 : vector<16xi32> to vector<16xi32>
      tpu.vector_store %arg5[%swap3A_1753], %swap3A_1756 {strides = array<i32>} : memref<2560xi32, #tpu.memory_space<vmem>>, vector<16xi32>,
      %get3A_1757 = arith.constant 1952 : index
      %get3A_1758 = tpu.vector_load %arg5[%get3A_1757] {strides = array<i32>} : memref<2560xi32, #tpu.memory_space<vmem>>, vector<16xi32>,
      %get3A_1759 = vector.shape_cast %get3A_1758 : vector<16xi32> to vector<16xi32>
      %add3A_1760 = arith.addi %get3A_1759, %mul3A_7 : vector<16xi32>
      %swap3A_1761 = arith.constant 1952 : index
      %swap3A_1762 = tpu.vector_load %arg5[%swap3A_1761] {strides = array<i32>} : memref<2560xi32, #tpu.memory_space<vmem>>, vector<16xi32>,
      %swap3A_1763 = vector.shape_cast %swap3A_1762 : vector<16xi32> to vector<16xi32>
      %swap3A_1764 = vector.shape_cast %add3A_1760 : vector<16xi32> to vector<16xi32>
      tpu.vector_store %arg5[%swap3A_1761], %swap3A_1764 {strides = array<i32>} : memref<2560xi32, #tpu.memory_space<vmem>>, vector<16xi32>,
      %get3A_1765 = arith.constant 1968 : index
      %get3A_1766 = tpu.vector_load %arg5[%get3A_1765] {strides = array<i32>} : memref<2560xi32, #tpu.memory_space<vmem>>, vector<16xi32>,
      %get3A_1767 = vector.shape_cast %get3A_1766 : vector<16xi32> to vector<16xi32>
      %add3A_1768 = arith.addi %get3A_1767, %mul3A_7 : vector<16xi32>
      %swap3A_1769 = arith.constant 1968 : index
      %swap3A_1770 = tpu.vector_load %arg5[%swap3A_1769] {strides = array<i32>} : memref<2560xi32, #tpu.memory_space<vmem>>, vector<16xi32>,
      %swap3A_1771 = vector.shape_cast %swap3A_1770 : vector<16xi32> to vector<16xi32>
      %swap3A_1772 = vector.shape_cast %add3A_1768 : vector<16xi32> to vector<16xi32>
      tpu.vector_store %arg5[%swap3A_1769], %swap3A_1772 {strides = array<i32>} : memref<2560xi32, #tpu.memory_space<vmem>>, vector<16xi32>,
      %get3A_1773 = arith.constant 1984 : index
      %get3A_1774 = tpu.vector_load %arg5[%get3A_1773] {strides = array<i32>} : memref<2560xi32, #tpu.memory_space<vmem>>, vector<16xi32>,
      %get3A_1775 = vector.shape_cast %get3A_1774 : vector<16xi32> to vector<16xi32>
      %add3A_1776 = arith.addi %get3A_1775, %mul3A_7 : vector<16xi32>
      %swap3A_1777 = arith.constant 1984 : index
      %swap3A_1778 = tpu.vector_load %arg5[%swap3A_1777] {strides = array<i32>} : memref<2560xi32, #tpu.memory_space<vmem>>, vector<16xi32>,
      %swap3A_1779 = vector.shape_cast %swap3A_1778 : vector<16xi32> to vector<16xi32>
      %swap3A_1780 = vector.shape_cast %add3A_1776 : vector<16xi32> to vector<16xi32>
      tpu.vector_store %arg5[%swap3A_1777], %swap3A_1780 {strides = array<i32>} : memref<2560xi32, #tpu.memory_space<vmem>>, vector<16xi32>,
      %get3A_1781 = arith.constant 2000 : index
      %get3A_1782 = tpu.vector_load %arg5[%get3A_1781] {strides = array<i32>} : memref<2560xi32, #tpu.memory_space<vmem>>, vector<16xi32>,
      %get3A_1783 = vector.shape_cast %get3A_1782 : vector<16xi32> to vector<16xi32>
      %add3A_1784 = arith.addi %get3A_1783, %mul3A_7 : vector<16xi32>
      %swap3A_1785 = arith.constant 2000 : index
      %swap3A_1786 = tpu.vector_load %arg5[%swap3A_1785] {strides = array<i32>} : memref<2560xi32, #tpu.memory_space<vmem>>, vector<16xi32>,
      %swap3A_1787 = vector.shape_cast %swap3A_1786 : vector<16xi32> to vector<16xi32>
      %swap3A_1788 = vector.shape_cast %add3A_1784 : vector<16xi32> to vector<16xi32>
      tpu.vector_store %arg5[%swap3A_1785], %swap3A_1788 {strides = array<i32>} : memref<2560xi32, #tpu.memory_space<vmem>>, vector<16xi32>,
      %get3A_1789 = arith.constant 2016 : index
      %get3A_1790 = tpu.vector_load %arg5[%get3A_1789] {strides = array<i32>} : memref<2560xi32, #tpu.memory_space<vmem>>, vector<16xi32>,
      %get3A_1791 = vector.shape_cast %get3A_1790 : vector<16xi32> to vector<16xi32>
      %add3A_1792 = arith.addi %get3A_1791, %mul3A_7 : vector<16xi32>
      %swap3A_1793 = arith.constant 2016 : index
      %swap3A_1794 = tpu.vector_load %arg5[%swap3A_1793] {strides = array<i32>} : memref<2560xi32, #tpu.memory_space<vmem>>, vector<16xi32>,
      %swap3A_1795 = vector.shape_cast %swap3A_1794 : vector<16xi32> to vector<16xi32>
      %swap3A_1796 = vector.shape_cast %add3A_1792 : vector<16xi32> to vector<16xi32>
      tpu.vector_store %arg5[%swap3A_1793], %swap3A_1796 {strides = array<i32>} : memref<2560xi32, #tpu.memory_space<vmem>>, vector<16xi32>,
      %get3A_1797 = arith.constant 2032 : index
      %get3A_1798 = tpu.vector_load %arg5[%get3A_1797] {strides = array<i32>} : memref<2560xi32, #tpu.memory_space<vmem>>, vector<16xi32>,
      %get3A_1799 = vector.shape_cast %get3A_1798 : vector<16xi32> to vector<16xi32>
      %add3A_1800 = arith.addi %get3A_1799, %mul3A_7 : vector<16xi32>
      %swap3A_1801 = arith.constant 2032 : index
      %swap3A_1802 = tpu.vector_load %arg5[%swap3A_1801] {strides = array<i32>} : memref<2560xi32, #tpu.memory_space<vmem>>, vector<16xi32>,
      %swap3A_1803 = vector.shape_cast %swap3A_1802 : vector<16xi32> to vector<16xi32>
      %swap3A_1804 = vector.shape_cast %add3A_1800 : vector<16xi32> to vector<16xi32>
      tpu.vector_store %arg5[%swap3A_1801], %swap3A_1804 {strides = array<i32>} : memref<2560xi32, #tpu.memory_space<vmem>>, vector<16xi32>,
      %get3A_1805 = arith.constant 2048 : index
      %get3A_1806 = tpu.vector_load %arg5[%get3A_1805] {strides = array<i32>} : memref<2560xi32, #tpu.memory_space<vmem>>, vector<16xi32>,
      %get3A_1807 = vector.shape_cast %get3A_1806 : vector<16xi32> to vector<16xi32>
      %add3A_1808 = arith.addi %get3A_1807, %mul3A_7 : vector<16xi32>
      %swap3A_1809 = arith.constant 2048 : index
      %swap3A_1810 = tpu.vector_load %arg5[%swap3A_1809] {strides = array<i32>} : memref<2560xi32, #tpu.memory_space<vmem>>, vector<16xi32>,
      %swap3A_1811 = vector.shape_cast %swap3A_1810 : vector<16xi32> to vector<16xi32>
      %swap3A_1812 = vector.shape_cast %add3A_1808 : vector<16xi32> to vector<16xi32>
      tpu.vector_store %arg5[%swap3A_1809], %swap3A_1812 {strides = array<i32>} : memref<2560xi32, #tpu.memory_space<vmem>>, vector<16xi32>,
      %get3A_1813 = arith.constant 2064 : index
      %get3A_1814 = tpu.vector_load %arg5[%get3A_1813] {strides = array<i32>} : memref<2560xi32, #tpu.memory_space<vmem>>, vector<16xi32>,
      %get3A_1815 = vector.shape_cast %get3A_1814 : vector<16xi32> to vector<16xi32>
      %add3A_1816 = arith.addi %get3A_1815, %mul3A_7 : vector<16xi32>
      %swap3A_1817 = arith.constant 2064 : index
      %swap3A_1818 = tpu.vector_load %arg5[%swap3A_1817] {strides = array<i32>} : memref<2560xi32, #tpu.memory_space<vmem>>, vector<16xi32>,
      %swap3A_1819 = vector.shape_cast %swap3A_1818 : vector<16xi32> to vector<16xi32>
      %swap3A_1820 = vector.shape_cast %add3A_1816 : vector<16xi32> to vector<16xi32>
      tpu.vector_store %arg5[%swap3A_1817], %swap3A_1820 {strides = array<i32>} : memref<2560xi32, #tpu.memory_space<vmem>>, vector<16xi32>,
      %get3A_1821 = arith.constant 2080 : index
      %get3A_1822 = tpu.vector_load %arg5[%get3A_1821] {strides = array<i32>} : memref<2560xi32, #tpu.memory_space<vmem>>, vector<16xi32>,
      %get3A_1823 = vector.shape_cast %get3A_1822 : vector<16xi32> to vector<16xi32>
      %add3A_1824 = arith.addi %get3A_1823, %mul3A_7 : vector<16xi32>
      %swap3A_1825 = arith.constant 2080 : index
      %swap3A_1826 = tpu.vector_load %arg5[%swap3A_1825] {strides = array<i32>} : memref<2560xi32, #tpu.memory_space<vmem>>, vector<16xi32>,
      %swap3A_1827 = vector.shape_cast %swap3A_1826 : vector<16xi32> to vector<16xi32>
      %swap3A_1828 = vector.shape_cast %add3A_1824 : vector<16xi32> to vector<16xi32>
      tpu.vector_store %arg5[%swap3A_1825], %swap3A_1828 {strides = array<i32>} : memref<2560xi32, #tpu.memory_space<vmem>>, vector<16xi32>,
      %get3A_1829 = arith.constant 2096 : index
      %get3A_1830 = tpu.vector_load %arg5[%get3A_1829] {strides = array<i32>} : memref<2560xi32, #tpu.memory_space<vmem>>, vector<16xi32>,
      %get3A_1831 = vector.shape_cast %get3A_1830 : vector<16xi32> to vector<16xi32>
      %add3A_1832 = arith.addi %get3A_1831, %mul3A_7 : vector<16xi32>
      %swap3A_1833 = arith.constant 2096 : index
      %swap3A_1834 = tpu.vector_load %arg5[%swap3A_1833] {strides = array<i32>} : memref<2560xi32, #tpu.memory_space<vmem>>, vector<16xi32>,
      %swap3A_1835 = vector.shape_cast %swap3A_1834 : vector<16xi32> to vector<16xi32>
      %swap3A_1836 = vector.shape_cast %add3A_1832 : vector<16xi32> to vector<16xi32>
      tpu.vector_store %arg5[%swap3A_1833], %swap3A_1836 {strides = array<i32>} : memref<2560xi32, #tpu.memory_space<vmem>>, vector<16xi32>,
      %get3A_1837 = arith.constant 2112 : index
      %get3A_1838 = tpu.vector_load %arg5[%get3A_1837] {strides = array<i32>} : memref<2560xi32, #tpu.memory_space<vmem>>, vector<16xi32>,
      %get3A_1839 = vector.shape_cast %get3A_1838 : vector<16xi32> to vector<16xi32>
      %add3A_1840 = arith.addi %get3A_1839, %mul3A_7 : vector<16xi32>
      %swap3A_1841 = arith.constant 2112 : index
      %swap3A_1842 = tpu.vector_load %arg5[%swap3A_1841] {strides = array<i32>} : memref<2560xi32, #tpu.memory_space<vmem>>, vector<16xi32>,
      %swap3A_1843 = vector.shape_cast %swap3A_1842 : vector<16xi32> to vector<16xi32>
      %swap3A_1844 = vector.shape_cast %add3A_1840 : vector<16xi32> to vector<16xi32>
      tpu.vector_store %arg5[%swap3A_1841], %swap3A_1844 {strides = array<i32>} : memref<2560xi32, #tpu.memory_space<vmem>>, vector<16xi32>,
      %get3A_1845 = arith.constant 2128 : index
      %get3A_1846 = tpu.vector_load %arg5[%get3A_1845] {strides = array<i32>} : memref<2560xi32, #tpu.memory_space<vmem>>, vector<16xi32>,
      %get3A_1847 = vector.shape_cast %get3A_1846 : vector<16xi32> to vector<16xi32>
      %add3A_1848 = arith.addi %get3A_1847, %mul3A_7 : vector<16xi32>
      %swap3A_1849 = arith.constant 2128 : index
      %swap3A_1850 = tpu.vector_load %arg5[%swap3A_1849] {strides = array<i32>} : memref<2560xi32, #tpu.memory_space<vmem>>, vector<16xi32>,
      %swap3A_1851 = vector.shape_cast %swap3A_1850 : vector<16xi32> to vector<16xi32>
      %swap3A_1852 = vector.shape_cast %add3A_1848 : vector<16xi32> to vector<16xi32>
      tpu.vector_store %arg5[%swap3A_1849], %swap3A_1852 {strides = array<i32>} : memref<2560xi32, #tpu.memory_space<vmem>>, vector<16xi32>,
      %get3A_1853 = arith.constant 2144 : index
      %get3A_1854 = tpu.vector_load %arg5[%get3A_1853] {strides = array<i32>} : memref<2560xi32, #tpu.memory_space<vmem>>, vector<16xi32>,
      %get3A_1855 = vector.shape_cast %get3A_1854 : vector<16xi32> to vector<16xi32>
      %add3A_1856 = arith.addi %get3A_1855, %mul3A_7 : vector<16xi32>
      %swap3A_1857 = arith.constant 2144 : index
      %swap3A_1858 = tpu.vector_load %arg5[%swap3A_1857] {strides = array<i32>} : memref<2560xi32, #tpu.memory_space<vmem>>, vector<16xi32>,
      %swap3A_1859 = vector.shape_cast %swap3A_1858 : vector<16xi32> to vector<16xi32>
      %swap3A_1860 = vector.shape_cast %add3A_1856 : vector<16xi32> to vector<16xi32>
      tpu.vector_store %arg5[%swap3A_1857], %swap3A_1860 {strides = array<i32>} : memref<2560xi32, #tpu.memory_space<vmem>>, vector<16xi32>,
      %get3A_1861 = arith.constant 2160 : index
      %get3A_1862 = tpu.vector_load %arg5[%get3A_1861] {strides = array<i32>} : memref<2560xi32, #tpu.memory_space<vmem>>, vector<16xi32>,
      %get3A_1863 = vector.shape_cast %get3A_1862 : vector<16xi32> to vector<16xi32>
      %add3A_1864 = arith.addi %get3A_1863, %mul3A_7 : vector<16xi32>
      %swap3A_1865 = arith.constant 2160 : index
      %swap3A_1866 = tpu.vector_load %arg5[%swap3A_1865] {strides = array<i32>} : memref<2560xi32, #tpu.memory_space<vmem>>, vector<16xi32>,
      %swap3A_1867 = vector.shape_cast %swap3A_1866 : vector<16xi32> to vector<16xi32>
      %swap3A_1868 = vector.shape_cast %add3A_1864 : vector<16xi32> to vector<16xi32>
      tpu.vector_store %arg5[%swap3A_1865], %swap3A_1868 {strides = array<i32>} : memref<2560xi32, #tpu.memory_space<vmem>>, vector<16xi32>,
      %get3A_1869 = arith.constant 2176 : index
      %get3A_1870 = tpu.vector_load %arg5[%get3A_1869] {strides = array<i32>} : memref<2560xi32, #tpu.memory_space<vmem>>, vector<16xi32>,
      %get3A_1871 = vector.shape_cast %get3A_1870 : vector<16xi32> to vector<16xi32>
      %add3A_1872 = arith.addi %get3A_1871, %mul3A_7 : vector<16xi32>
      %swap3A_1873 = arith.constant 2176 : index
      %swap3A_1874 = tpu.vector_load %arg5[%swap3A_1873] {strides = array<i32>} : memref<2560xi32, #tpu.memory_space<vmem>>, vector<16xi32>,
      %swap3A_1875 = vector.shape_cast %swap3A_1874 : vector<16xi32> to vector<16xi32>
      %swap3A_1876 = vector.shape_cast %add3A_1872 : vector<16xi32> to vector<16xi32>
      tpu.vector_store %arg5[%swap3A_1873], %swap3A_1876 {strides = array<i32>} : memref<2560xi32, #tpu.memory_space<vmem>>, vector<16xi32>,
      %get3A_1877 = arith.constant 2192 : index
      %get3A_1878 = tpu.vector_load %arg5[%get3A_1877] {strides = array<i32>} : memref<2560xi32, #tpu.memory_space<vmem>>, vector<16xi32>,
      %get3A_1879 = vector.shape_cast %get3A_1878 : vector<16xi32> to vector<16xi32>
      %add3A_1880 = arith.addi %get3A_1879, %mul3A_7 : vector<16xi32>
      %swap3A_1881 = arith.constant 2192 : index
      %swap3A_1882 = tpu.vector_load %arg5[%swap3A_1881] {strides = array<i32>} : memref<2560xi32, #tpu.memory_space<vmem>>, vector<16xi32>,
      %swap3A_1883 = vector.shape_cast %swap3A_1882 : vector<16xi32> to vector<16xi32>
      %swap3A_1884 = vector.shape_cast %add3A_1880 : vector<16xi32> to vector<16xi32>
      tpu.vector_store %arg5[%swap3A_1881], %swap3A_1884 {strides = array<i32>} : memref<2560xi32, #tpu.memory_space<vmem>>, vector<16xi32>,
      %get3A_1885 = arith.constant 2208 : index
      %get3A_1886 = tpu.vector_load %arg5[%get3A_1885] {strides = array<i32>} : memref<2560xi32, #tpu.memory_space<vmem>>, vector<16xi32>,
      %get3A_1887 = vector.shape_cast %get3A_1886 : vector<16xi32> to vector<16xi32>
      %add3A_1888 = arith.addi %get3A_1887, %mul3A_7 : vector<16xi32>
      %swap3A_1889 = arith.constant 2208 : index
      %swap3A_1890 = tpu.vector_load %arg5[%swap3A_1889] {strides = array<i32>} : memref<2560xi32, #tpu.memory_space<vmem>>, vector<16xi32>,
      %swap3A_1891 = vector.shape_cast %swap3A_1890 : vector<16xi32> to vector<16xi32>
      %swap3A_1892 = vector.shape_cast %add3A_1888 : vector<16xi32> to vector<16xi32>
      tpu.vector_store %arg5[%swap3A_1889], %swap3A_1892 {strides = array<i32>} : memref<2560xi32, #tpu.memory_space<vmem>>, vector<16xi32>,
      %get3A_1893 = arith.constant 2224 : index
      %get3A_1894 = tpu.vector_load %arg5[%get3A_1893] {strides = array<i32>} : memref<2560xi32, #tpu.memory_space<vmem>>, vector<16xi32>,
      %get3A_1895 = vector.shape_cast %get3A_1894 : vector<16xi32> to vector<16xi32>
      %add3A_1896 = arith.addi %get3A_1895, %mul3A_7 : vector<16xi32>
      %swap3A_1897 = arith.constant 2224 : index
      %swap3A_1898 = tpu.vector_load %arg5[%swap3A_1897] {strides = array<i32>} : memref<2560xi32, #tpu.memory_space<vmem>>, vector<16xi32>,
      %swap3A_1899 = vector.shape_cast %swap3A_1898 : vector<16xi32> to vector<16xi32>
      %swap3A_1900 = vector.shape_cast %add3A_1896 : vector<16xi32> to vector<16xi32>
      tpu.vector_store %arg5[%swap3A_1897], %swap3A_1900 {strides = array<i32>} : memref<2560xi32, #tpu.memory_space<vmem>>, vector<16xi32>,
      %get3A_1901 = arith.constant 2240 : index
      %get3A_1902 = tpu.vector_load %arg5[%get3A_1901] {strides = array<i32>} : memref<2560xi32, #tpu.memory_space<vmem>>, vector<16xi32>,
      %get3A_1903 = vector.shape_cast %get3A_1902 : vector<16xi32> to vector<16xi32>
      %add3A_1904 = arith.addi %get3A_1903, %mul3A_7 : vector<16xi32>
      %swap3A_1905 = arith.constant 2240 : index
      %swap3A_1906 = tpu.vector_load %arg5[%swap3A_1905] {strides = array<i32>} : memref<2560xi32, #tpu.memory_space<vmem>>, vector<16xi32>,
      %swap3A_1907 = vector.shape_cast %swap3A_1906 : vector<16xi32> to vector<16xi32>
      %swap3A_1908 = vector.shape_cast %add3A_1904 : vector<16xi32> to vector<16xi32>
      tpu.vector_store %arg5[%swap3A_1905], %swap3A_1908 {strides = array<i32>} : memref<2560xi32, #tpu.memory_space<vmem>>, vector<16xi32>,
      %get3A_1909 = arith.constant 2256 : index
      %get3A_1910 = tpu.vector_load %arg5[%get3A_1909] {strides = array<i32>} : memref<2560xi32, #tpu.memory_space<vmem>>, vector<16xi32>,
      %get3A_1911 = vector.shape_cast %get3A_1910 : vector<16xi32> to vector<16xi32>
      %add3A_1912 = arith.addi %get3A_1911, %mul3A_7 : vector<16xi32>
      %swap3A_1913 = arith.constant 2256 : index
      %swap3A_1914 = tpu.vector_load %arg5[%swap3A_1913] {strides = array<i32>} : memref<2560xi32, #tpu.memory_space<vmem>>, vector<16xi32>,
      %swap3A_1915 = vector.shape_cast %swap3A_1914 : vector<16xi32> to vector<16xi32>
      %swap3A_1916 = vector.shape_cast %add3A_1912 : vector<16xi32> to vector<16xi32>
      tpu.vector_store %arg5[%swap3A_1913], %swap3A_1916 {strides = array<i32>} : memref<2560xi32, #tpu.memory_space<vmem>>, vector<16xi32>,
      %get3A_1917 = arith.constant 2272 : index
      %get3A_1918 = tpu.vector_load %arg5[%get3A_1917] {strides = array<i32>} : memref<2560xi32, #tpu.memory_space<vmem>>, vector<16xi32>,
      %get3A_1919 = vector.shape_cast %get3A_1918 : vector<16xi32> to vector<16xi32>
      %add3A_1920 = arith.addi %get3A_1919, %mul3A_7 : vector<16xi32>
      %swap3A_1921 = arith.constant 2272 : index
      %swap3A_1922 = tpu.vector_load %arg5[%swap3A_1921] {strides = array<i32>} : memref<2560xi32, #tpu.memory_space<vmem>>, vector<16xi32>,
      %swap3A_1923 = vector.shape_cast %swap3A_1922 : vector<16xi32> to vector<16xi32>
      %swap3A_1924 = vector.shape_cast %add3A_1920 : vector<16xi32> to vector<16xi32>
      tpu.vector_store %arg5[%swap3A_1921], %swap3A_1924 {strides = array<i32>} : memref<2560xi32, #tpu.memory_space<vmem>>, vector<16xi32>,
      %get3A_1925 = arith.constant 2288 : index
      %get3A_1926 = tpu.vector_load %arg5[%get3A_1925] {strides = array<i32>} : memref<2560xi32, #tpu.memory_space<vmem>>, vector<16xi32>,
      %get3A_1927 = vector.shape_cast %get3A_1926 : vector<16xi32> to vector<16xi32>
      %add3A_1928 = arith.addi %get3A_1927, %mul3A_7 : vector<16xi32>
      %swap3A_1929 = arith.constant 2288 : index
      %swap3A_1930 = tpu.vector_load %arg5[%swap3A_1929] {strides = array<i32>} : memref<2560xi32, #tpu.memory_space<vmem>>, vector<16xi32>,
      %swap3A_1931 = vector.shape_cast %swap3A_1930 : vector<16xi32> to vector<16xi32>
      %swap3A_1932 = vector.shape_cast %add3A_1928 : vector<16xi32> to vector<16xi32>
      tpu.vector_store %arg5[%swap3A_1929], %swap3A_1932 {strides = array<i32>} : memref<2560xi32, #tpu.memory_space<vmem>>, vector<16xi32>,
      %get3A_1933 = arith.constant 2304 : index
      %get3A_1934 = tpu.vector_load %arg5[%get3A_1933] {strides = array<i32>} : memref<2560xi32, #tpu.memory_space<vmem>>, vector<16xi32>,
      %get3A_1935 = vector.shape_cast %get3A_1934 : vector<16xi32> to vector<16xi32>
      %add3A_1936 = arith.addi %get3A_1935, %mul3A_7 : vector<16xi32>
      %swap3A_1937 = arith.constant 2304 : index
      %swap3A_1938 = tpu.vector_load %arg5[%swap3A_1937] {strides = array<i32>} : memref<2560xi32, #tpu.memory_space<vmem>>, vector<16xi32>,
      %swap3A_1939 = vector.shape_cast %swap3A_1938 : vector<16xi32> to vector<16xi32>
      %swap3A_1940 = vector.shape_cast %add3A_1936 : vector<16xi32> to vector<16xi32>
      tpu.vector_store %arg5[%swap3A_1937], %swap3A_1940 {strides = array<i32>} : memref<2560xi32, #tpu.memory_space<vmem>>, vector<16xi32>,
      %get3A_1941 = arith.constant 2320 : index
      %get3A_1942 = tpu.vector_load %arg5[%get3A_1941] {strides = array<i32>} : memref<2560xi32, #tpu.memory_space<vmem>>, vector<16xi32>,
      %get3A_1943 = vector.shape_cast %get3A_1942 : vector<16xi32> to vector<16xi32>
      %add3A_1944 = arith.addi %get3A_1943, %mul3A_7 : vector<16xi32>
      %swap3A_1945 = arith.constant 2320 : index
      %swap3A_1946 = tpu.vector_load %arg5[%swap3A_1945] {strides = array<i32>} : memref<2560xi32, #tpu.memory_space<vmem>>, vector<16xi32>,
      %swap3A_1947 = vector.shape_cast %swap3A_1946 : vector<16xi32> to vector<16xi32>
      %swap3A_1948 = vector.shape_cast %add3A_1944 : vector<16xi32> to vector<16xi32>
      tpu.vector_store %arg5[%swap3A_1945], %swap3A_1948 {strides = array<i32>} : memref<2560xi32, #tpu.memory_space<vmem>>, vector<16xi32>,
      %get3A_1949 = arith.constant 2336 : index
      %get3A_1950 = tpu.vector_load %arg5[%get3A_1949] {strides = array<i32>} : memref<2560xi32, #tpu.memory_space<vmem>>, vector<16xi32>,
      %get3A_1951 = vector.shape_cast %get3A_1950 : vector<16xi32> to vector<16xi32>
      %add3A_1952 = arith.addi %get3A_1951, %mul3A_7 : vector<16xi32>
      %swap3A_1953 = arith.constant 2336 : index
      %swap3A_1954 = tpu.vector_load %arg5[%swap3A_1953] {strides = array<i32>} : memref<2560xi32, #tpu.memory_space<vmem>>, vector<16xi32>,
      %swap3A_1955 = vector.shape_cast %swap3A_1954 : vector<16xi32> to vector<16xi32>
      %swap3A_1956 = vector.shape_cast %add3A_1952 : vector<16xi32> to vector<16xi32>
      tpu.vector_store %arg5[%swap3A_1953], %swap3A_1956 {strides = array<i32>} : memref<2560xi32, #tpu.memory_space<vmem>>, vector<16xi32>,
      %get3A_1957 = arith.constant 2352 : index
      %get3A_1958 = tpu.vector_load %arg5[%get3A_1957] {strides = array<i32>} : memref<2560xi32, #tpu.memory_space<vmem>>, vector<16xi32>,
      %get3A_1959 = vector.shape_cast %get3A_1958 : vector<16xi32> to vector<16xi32>
      %add3A_1960 = arith.addi %get3A_1959, %mul3A_7 : vector<16xi32>
      %swap3A_1961 = arith.constant 2352 : index
      %swap3A_1962 = tpu.vector_load %arg5[%swap3A_1961] {strides = array<i32>} : memref<2560xi32, #tpu.memory_space<vmem>>, vector<16xi32>,
      %swap3A_1963 = vector.shape_cast %swap3A_1962 : vector<16xi32> to vector<16xi32>
      %swap3A_1964 = vector.shape_cast %add3A_1960 : vector<16xi32> to vector<16xi32>
      tpu.vector_store %arg5[%swap3A_1961], %swap3A_1964 {strides = array<i32>} : memref<2560xi32, #tpu.memory_space<vmem>>, vector<16xi32>,
      %get3A_1965 = arith.constant 2368 : index
      %get3A_1966 = tpu.vector_load %arg5[%get3A_1965] {strides = array<i32>} : memref<2560xi32, #tpu.memory_space<vmem>>, vector<16xi32>,
      %get3A_1967 = vector.shape_cast %get3A_1966 : vector<16xi32> to vector<16xi32>
      %add3A_1968 = arith.addi %get3A_1967, %mul3A_7 : vector<16xi32>
      %swap3A_1969 = arith.constant 2368 : index
      %swap3A_1970 = tpu.vector_load %arg5[%swap3A_1969] {strides = array<i32>} : memref<2560xi32, #tpu.memory_space<vmem>>, vector<16xi32>,
      %swap3A_1971 = vector.shape_cast %swap3A_1970 : vector<16xi32> to vector<16xi32>
      %swap3A_1972 = vector.shape_cast %add3A_1968 : vector<16xi32> to vector<16xi32>
      tpu.vector_store %arg5[%swap3A_1969], %swap3A_1972 {strides = array<i32>} : memref<2560xi32, #tpu.memory_space<vmem>>, vector<16xi32>,
      %get3A_1973 = arith.constant 2384 : index
      %get3A_1974 = tpu.vector_load %arg5[%get3A_1973] {strides = array<i32>} : memref<2560xi32, #tpu.memory_space<vmem>>, vector<16xi32>,
      %get3A_1975 = vector.shape_cast %get3A_1974 : vector<16xi32> to vector<16xi32>
      %add3A_1976 = arith.addi %get3A_1975, %mul3A_7 : vector<16xi32>
      %swap3A_1977 = arith.constant 2384 : index
      %swap3A_1978 = tpu.vector_load %arg5[%swap3A_1977] {strides = array<i32>} : memref<2560xi32, #tpu.memory_space<vmem>>, vector<16xi32>,
      %swap3A_1979 = vector.shape_cast %swap3A_1978 : vector<16xi32> to vector<16xi32>
      %swap3A_1980 = vector.shape_cast %add3A_1976 : vector<16xi32> to vector<16xi32>
      tpu.vector_store %arg5[%swap3A_1977], %swap3A_1980 {strides = array<i32>} : memref<2560xi32, #tpu.memory_space<vmem>>, vector<16xi32>,
      %get3A_1981 = arith.constant 2400 : index
      %get3A_1982 = tpu.vector_load %arg5[%get3A_1981] {strides = array<i32>} : memref<2560xi32, #tpu.memory_space<vmem>>, vector<16xi32>,
      %get3A_1983 = vector.shape_cast %get3A_1982 : vector<16xi32> to vector<16xi32>
      %add3A_1984 = arith.addi %get3A_1983, %mul3A_7 : vector<16xi32>
      %swap3A_1985 = arith.constant 2400 : index
      %swap3A_1986 = tpu.vector_load %arg5[%swap3A_1985] {strides = array<i32>} : memref<2560xi32, #tpu.memory_space<vmem>>, vector<16xi32>,
      %swap3A_1987 = vector.shape_cast %swap3A_1986 : vector<16xi32> to vector<16xi32>
      %swap3A_1988 = vector.shape_cast %add3A_1984 : vector<16xi32> to vector<16xi32>
      tpu.vector_store %arg5[%swap3A_1985], %swap3A_1988 {strides = array<i32>} : memref<2560xi32, #tpu.memory_space<vmem>>, vector<16xi32>,
      %get3A_1989 = arith.constant 2416 : index
      %get3A_1990 = tpu.vector_load %arg5[%get3A_1989] {strides = array<i32>} : memref<2560xi32, #tpu.memory_space<vmem>>, vector<16xi32>,
      %get3A_1991 = vector.shape_cast %get3A_1990 : vector<16xi32> to vector<16xi32>
      %add3A_1992 = arith.addi %get3A_1991, %mul3A_7 : vector<16xi32>
      %swap3A_1993 = arith.constant 2416 : index
      %swap3A_1994 = tpu.vector_load %arg5[%swap3A_1993] {strides = array<i32>} : memref<2560xi32, #tpu.memory_space<vmem>>, vector<16xi32>,
      %swap3A_1995 = vector.shape_cast %swap3A_1994 : vector<16xi32> to vector<16xi32>
      %swap3A_1996 = vector.shape_cast %add3A_1992 : vector<16xi32> to vector<16xi32>
      tpu.vector_store %arg5[%swap3A_1993], %swap3A_1996 {strides = array<i32>} : memref<2560xi32, #tpu.memory_space<vmem>>, vector<16xi32>,
      %get3A_1997 = arith.constant 2432 : index
      %get3A_1998 = tpu.vector_load %arg5[%get3A_1997] {strides = array<i32>} : memref<2560xi32, #tpu.memory_space<vmem>>, vector<16xi32>,
      %get3A_1999 = vector.shape_cast %get3A_1998 : vector<16xi32> to vector<16xi32>
      %add3A_2000 = arith.addi %get3A_1999, %mul3A_7 : vector<16xi32>
      %swap3A_2001 = arith.constant 2432 : index
      %swap3A_2002 = tpu.vector_load %arg5[%swap3A_2001] {strides = array<i32>} : memref<2560xi32, #tpu.memory_space<vmem>>, vector<16xi32>,
      %swap3A_2003 = vector.shape_cast %swap3A_2002 : vector<16xi32> to vector<16xi32>
      %swap3A_2004 = vector.shape_cast %add3A_2000 : vector<16xi32> to vector<16xi32>
      tpu.vector_store %arg5[%swap3A_2001], %swap3A_2004 {strides = array<i32>} : memref<2560xi32, #tpu.memory_space<vmem>>, vector<16xi32>,
      %get3A_2005 = arith.constant 2448 : index
      %get3A_2006 = tpu.vector_load %arg5[%get3A_2005] {strides = array<i32>} : memref<2560xi32, #tpu.memory_space<vmem>>, vector<16xi32>,
      %get3A_2007 = vector.shape_cast %get3A_2006 : vector<16xi32> to vector<16xi32>
      %add3A_2008 = arith.addi %get3A_2007, %mul3A_7 : vector<16xi32>
      %swap3A_2009 = arith.constant 2448 : index
      %swap3A_2010 = tpu.vector_load %arg5[%swap3A_2009] {strides = array<i32>} : memref<2560xi32, #tpu.memory_space<vmem>>, vector<16xi32>,
      %swap3A_2011 = vector.shape_cast %swap3A_2010 : vector<16xi32> to vector<16xi32>
      %swap3A_2012 = vector.shape_cast %add3A_2008 : vector<16xi32> to vector<16xi32>
      tpu.vector_store %arg5[%swap3A_2009], %swap3A_2012 {strides = array<i32>} : memref<2560xi32, #tpu.memory_space<vmem>>, vector<16xi32>,
      %get3A_2013 = arith.constant 2464 : index
      %get3A_2014 = tpu.vector_load %arg5[%get3A_2013] {strides = array<i32>} : memref<2560xi32, #tpu.memory_space<vmem>>, vector<16xi32>,
      %get3A_2015 = vector.shape_cast %get3A_2014 : vector<16xi32> to vector<16xi32>
      %add3A_2016 = arith.addi %get3A_2015, %mul3A_7 : vector<16xi32>
      %swap3A_2017 = arith.constant 2464 : index
      %swap3A_2018 = tpu.vector_load %arg5[%swap3A_2017] {strides = array<i32>} : memref<2560xi32, #tpu.memory_space<vmem>>, vector<16xi32>,
      %swap3A_2019 = vector.shape_cast %swap3A_2018 : vector<16xi32> to vector<16xi32>
      %swap3A_2020 = vector.shape_cast %add3A_2016 : vector<16xi32> to vector<16xi32>
      tpu.vector_store %arg5[%swap3A_2017], %swap3A_2020 {strides = array<i32>} : memref<2560xi32, #tpu.memory_space<vmem>>, vector<16xi32>,
      %get3A_2021 = arith.constant 2480 : index
      %get3A_2022 = tpu.vector_load %arg5[%get3A_2021] {strides = array<i32>} : memref<2560xi32, #tpu.memory_space<vmem>>, vector<16xi32>,
      %get3A_2023 = vector.shape_cast %get3A_2022 : vector<16xi32> to vector<16xi32>
      %add3A_2024 = arith.addi %get3A_2023, %mul3A_7 : vector<16xi32>
      %swap3A_2025 = arith.constant 2480 : index
      %swap3A_2026 = tpu.vector_load %arg5[%swap3A_2025] {strides = array<i32>} : memref<2560xi32, #tpu.memory_space<vmem>>, vector<16xi32>,
      %swap3A_2027 = vector.shape_cast %swap3A_2026 : vector<16xi32> to vector<16xi32>
      %swap3A_2028 = vector.shape_cast %add3A_2024 : vector<16xi32> to vector<16xi32>
      tpu.vector_store %arg5[%swap3A_2025], %swap3A_2028 {strides = array<i32>} : memref<2560xi32, #tpu.memory_space<vmem>>, vector<16xi32>,
      %get3A_2029 = arith.constant 2496 : index
      %get3A_2030 = tpu.vector_load %arg5[%get3A_2029] {strides = array<i32>} : memref<2560xi32, #tpu.memory_space<vmem>>, vector<16xi32>,
      %get3A_2031 = vector.shape_cast %get3A_2030 : vector<16xi32> to vector<16xi32>
      %add3A_2032 = arith.addi %get3A_2031, %mul3A_7 : vector<16xi32>
      %swap3A_2033 = arith.constant 2496 : index
      %swap3A_2034 = tpu.vector_load %arg5[%swap3A_2033] {strides = array<i32>} : memref<2560xi32, #tpu.memory_space<vmem>>, vector<16xi32>,
      %swap3A_2035 = vector.shape_cast %swap3A_2034 : vector<16xi32> to vector<16xi32>
      %swap3A_2036 = vector.shape_cast %add3A_2032 : vector<16xi32> to vector<16xi32>
      tpu.vector_store %arg5[%swap3A_2033], %swap3A_2036 {strides = array<i32>} : memref<2560xi32, #tpu.memory_space<vmem>>, vector<16xi32>,
      %get3A_2037 = arith.constant 2512 : index
      %get3A_2038 = tpu.vector_load %arg5[%get3A_2037] {strides = array<i32>} : memref<2560xi32, #tpu.memory_space<vmem>>, vector<16xi32>,
      %get3A_2039 = vector.shape_cast %get3A_2038 : vector<16xi32> to vector<16xi32>
      %add3A_2040 = arith.addi %get3A_2039, %mul3A_7 : vector<16xi32>
      %swap3A_2041 = arith.constant 2512 : index
      %swap3A_2042 = tpu.vector_load %arg5[%swap3A_2041] {strides = array<i32>} : memref<2560xi32, #tpu.memory_space<vmem>>, vector<16xi32>,
      %swap3A_2043 = vector.shape_cast %swap3A_2042 : vector<16xi32> to vector<16xi32>
      %swap3A_2044 = vector.shape_cast %add3A_2040 : vector<16xi32> to vector<16xi32>
      tpu.vector_store %arg5[%swap3A_2041], %swap3A_2044 {strides = array<i32>} : memref<2560xi32, #tpu.memory_space<vmem>>, vector<16xi32>,
      %get3A_2045 = arith.constant 2528 : index
      %get3A_2046 = tpu.vector_load %arg5[%get3A_2045] {strides = array<i32>} : memref<2560xi32, #tpu.memory_space<vmem>>, vector<16xi32>,
      %get3A_2047 = vector.shape_cast %get3A_2046 : vector<16xi32> to vector<16xi32>
      %add3A_2048 = arith.addi %get3A_2047, %mul3A_7 : vector<16xi32>
      %swap3A_2049 = arith.constant 2528 : index
      %swap3A_2050 = tpu.vector_load %arg5[%swap3A_2049] {strides = array<i32>} : memref<2560xi32, #tpu.memory_space<vmem>>, vector<16xi32>,
      %swap3A_2051 = vector.shape_cast %swap3A_2050 : vector<16xi32> to vector<16xi32>
      %swap3A_2052 = vector.shape_cast %add3A_2048 : vector<16xi32> to vector<16xi32>
      tpu.vector_store %arg5[%swap3A_2049], %swap3A_2052 {strides = array<i32>} : memref<2560xi32, #tpu.memory_space<vmem>>, vector<16xi32>,
      %get3A_2053 = arith.constant 2544 : index
      %get3A_2054 = tpu.vector_load %arg5[%get3A_2053] {strides = array<i32>} : memref<2560xi32, #tpu.memory_space<vmem>>, vector<16xi32>,
      %get3A_2055 = vector.shape_cast %get3A_2054 : vector<16xi32> to vector<16xi32>
      %add3A_2056 = arith.addi %get3A_2055, %mul3A_7 : vector<16xi32>
      %swap3A_2057 = arith.constant 2544 : index
      %swap3A_2058 = tpu.vector_load %arg5[%swap3A_2057] {strides = array<i32>} : memref<2560xi32, #tpu.memory_space<vmem>>, vector<16xi32>,
      %swap3A_2059 = vector.shape_cast %swap3A_2058 : vector<16xi32> to vector<16xi32>
      %swap3A_2060 = vector.shape_cast %add3A_2056 : vector<16xi32> to vector<16xi32>
      tpu.vector_store %arg5[%swap3A_2057], %swap3A_2060 {strides = array<i32>} : memref<2560xi32, #tpu.memory_space<vmem>>, vector<16xi32>,
      %mul3A_2061 = arith.constant 10 : i32
      %mul3A_2062 = arith.muli %add3A_1415, %mul3A_2061 : i32
      %add3A_2063 = arith.constant 0 : i32
      %add3A_2064 = arith.addi %mul3A_2062, %add3A_2063 : i32
      %dma_wait3A_2065 = arith.constant 5 : i32
      %dma_wait3A_2066 = arith.constant 5 : i32
      %dma_wait3A_2067 = arith.constant 0 : i32
      %dma_wait3A_2068 = arith.constant 0 : i32
      %dma_wait3A_2069 = tpu.memref_slice %arg6[%dma_wait3A_2065, %dma_wait3A_2067, %dma_wait3A_2068] : memref<10x128x64xf32, #tpu.memory_space<vmem>> -> memref<1x128x64xf32, #tpu.memory_space<vmem>>
      %dma_wait3A_2070 = tpu.memref_squeeze %dma_wait3A_2069 : memref<1x128x64xf32, #tpu.memory_space<vmem>> -> memref<128x64xf32, #tpu.memory_space<vmem>>
      %dma_wait3A_2071 = arith.constant 0 : i32
      %dma_wait3A_2072 = tpu.memref_slice %arg5[%dma_wait3A_2071] : memref<2560xi32, #tpu.memory_space<vmem>> -> memref<128xi32, #tpu.memory_space<vmem>>
      %dma_wait3A_2073 = arith.constant 0 : i32
      %dma_wait3A_2074 = arith.constant 0 : i32
      %dma_wait3A_2075 = tpu.memref_slice %arg3[%dma_wait3A_2073, %dma_wait3A_2074] : memref<4000x64xf32, #tpu.memory_space<hbm>> -> memref<4000x64xf32, #tpu.memory_space<hbm>>
      %dma_wait3A_2076 = tpu.memref_slice %arg7[%dma_wait3A_2066] : memref<10x!tpu.dma_semaphore, #tpu.memory_space<semaphore_mem>> -> memref<1x!tpu.dma_semaphore, #tpu.memory_space<semaphore_mem>>
      %dma_wait3A_2077 = tpu.memref_squeeze %dma_wait3A_2076 : memref<1x!tpu.dma_semaphore, #tpu.memory_space<semaphore_mem>> -> memref<!tpu.dma_semaphore, #tpu.memory_space<semaphore_mem>>
      tpu.wait_indirect_dma semaphore(%dma_wait3A_2077 : memref<!tpu.dma_semaphore, #tpu.memory_space<semaphore_mem>>) src(%dma_wait3A_2075 : memref<4000x64xf32, #tpu.memory_space<hbm>>) dst(%dma_wait3A_2070 : memref<128x64xf32, #tpu.memory_space<vmem>>)
      %sub3A_2078 = arith.constant 5 : i32
      %sub3A_2079 = arith.subi %add3A_2064, %sub3A_2078 : i32
      %mul3A_2080 = arith.constant 128 : i32
      %mul3A_2081 = arith.muli %sub3A_2079, %mul3A_2080 : i32
      %add3A_2082 = arith.addi %mul3A_2, %mul3A_2081 : i32
      %dma_start3A_2083 = arith.constant 5 : i32
      %dma_start3A_2084 = arith.constant 5 : i32
      %dma_start3A_2085 = arith.constant 0 : i32
      %dma_start3A_2086 = arith.constant 0 : i32
      %dma_start3A_2087 = tpu.memref_slice %arg6[%dma_start3A_2083, %dma_start3A_2085, %dma_start3A_2086] : memref<10x128x64xf32, #tpu.memory_space<vmem>> -> memref<1x128x64xf32, #tpu.memory_space<vmem>>
      %dma_start3A_2088 = tpu.memref_squeeze %dma_start3A_2087 : memref<1x128x64xf32, #tpu.memory_space<vmem>> -> memref<128x64xf32, #tpu.memory_space<vmem>>
      %dma_start3A_2089 = arith.constant 0 : i32
      %dma_start3A_2090 = tpu.memref_slice %arg4[%add3A_2082, %dma_start3A_2089] : memref<3276800x64xf32, #tpu.memory_space<hbm>> -> memref<128x64xf32, #tpu.memory_space<hbm>>
      %dma_start3A_2091 = tpu.memref_slice %arg8[%dma_start3A_2084] : memref<10x!tpu.dma_semaphore, #tpu.memory_space<semaphore_mem>> -> memref<1x!tpu.dma_semaphore, #tpu.memory_space<semaphore_mem>>
      %dma_start3A_2092 = tpu.memref_squeeze %dma_start3A_2091 : memref<1x!tpu.dma_semaphore, #tpu.memory_space<semaphore_mem>> -> memref<!tpu.dma_semaphore, #tpu.memory_space<semaphore_mem>>
      %dma_start3A_2093 = arith.constant 0 : i32
      %dma_start3A_2094 = tpu.memref_slice %arg4[%add3A_2082, %dma_start3A_2093] : memref<3276800x64xf32, #tpu.memory_space<hbm>> -> memref<128x64xf32, #tpu.memory_space<hbm>>
      %dma_start3A_2095 = arith.constant 0 : i32
      %dma_start3A_2096 = arith.constant 0 : i32
      %dma_start3A_2097 = tpu.memref_slice %arg6[%dma_start3A_2083, %dma_start3A_2095, %dma_start3A_2096] : memref<10x128x64xf32, #tpu.memory_space<vmem>> -> memref<1x128x64xf32, #tpu.memory_space<vmem>>
      %dma_start3A_2098 = tpu.memref_squeeze %dma_start3A_2097 : memref<1x128x64xf32, #tpu.memory_space<vmem>> -> memref<128x64xf32, #tpu.memory_space<vmem>>
      tpu.enqueue_dma source(%dma_start3A_2098 : memref<128x64xf32, #tpu.memory_space<vmem>>) target(%dma_start3A_2094 : memref<128x64xf32, #tpu.memory_space<hbm>>) target_semaphore(%dma_start3A_2092 : memref<!tpu.dma_semaphore, #tpu.memory_space<semaphore_mem>>)
      %dma_wait3A_2099 = arith.constant 0 : i32
      %dma_wait3A_2100 = arith.constant 0 : i32
      %dma_wait3A_2101 = arith.constant 0 : i32
      %dma_wait3A_2102 = arith.constant 0 : i32
      %dma_wait3A_2103 = tpu.memref_slice %arg6[%dma_wait3A_2099, %dma_wait3A_2101, %dma_wait3A_2102] : memref<10x128x64xf32, #tpu.memory_space<vmem>> -> memref<1x128x64xf32, #tpu.memory_space<vmem>>
      %dma_wait3A_2104 = tpu.memref_squeeze %dma_wait3A_2103 : memref<1x128x64xf32, #tpu.memory_space<vmem>> -> memref<128x64xf32, #tpu.memory_space<vmem>>
      %dma_wait3A_2105 = arith.constant 0 : i32
      %dma_wait3A_2106 = arith.constant 0 : i32
      %dma_wait3A_2107 = tpu.memref_slice %arg4[%dma_wait3A_2105, %dma_wait3A_2106] : memref<3276800x64xf32, #tpu.memory_space<hbm>> -> memref<128x64xf32, #tpu.memory_space<hbm>>
      %dma_wait3A_2108 = tpu.memref_slice %arg8[%dma_wait3A_2100] : memref<10x!tpu.dma_semaphore, #tpu.memory_space<semaphore_mem>> -> memref<1x!tpu.dma_semaphore, #tpu.memory_space<semaphore_mem>>
      %dma_wait3A_2109 = tpu.memref_squeeze %dma_wait3A_2108 : memref<1x!tpu.dma_semaphore, #tpu.memory_space<semaphore_mem>> -> memref<!tpu.dma_semaphore, #tpu.memory_space<semaphore_mem>>
      %dma_wait3A_2110 = arith.constant 0 : i32
      %dma_wait3A_2111 = arith.constant 0 : i32
      %dma_wait3A_2112 = tpu.memref_slice %arg4[%dma_wait3A_2110, %dma_wait3A_2111] : memref<3276800x64xf32, #tpu.memory_space<hbm>> -> memref<128x64xf32, #tpu.memory_space<hbm>>
      %dma_wait3A_2113 = arith.constant 0 : i32
      %dma_wait3A_2114 = arith.constant 0 : i32
      %dma_wait3A_2115 = tpu.memref_slice %arg6[%dma_wait3A_2099, %dma_wait3A_2113, %dma_wait3A_2114] : memref<10x128x64xf32, #tpu.memory_space<vmem>> -> memref<1x128x64xf32, #tpu.memory_space<vmem>>
      %dma_wait3A_2116 = tpu.memref_squeeze %dma_wait3A_2115 : memref<1x128x64xf32, #tpu.memory_space<vmem>> -> memref<128x64xf32, #tpu.memory_space<vmem>>
      tpu.wait_dma2 semaphore(%dma_wait3A_2109 : memref<!tpu.dma_semaphore, #tpu.memory_space<semaphore_mem>>) src(%dma_wait3A_2116 : memref<128x64xf32, #tpu.memory_space<vmem>>) dst(%dma_wait3A_2112 : memref<128x64xf32, #tpu.memory_space<hbm>>)
      %dma_start3A_2117 = arith.constant 0 : i32
      %dma_start3A_2118 = arith.constant 0 : i32
      %dma_start3A_2119 = arith.constant 0 : i32
      %dma_start3A_2120 = arith.constant 0 : i32
      %dma_start3A_2121 = tpu.memref_slice %arg6[%dma_start3A_2117, %dma_start3A_2119, %dma_start3A_2120] : memref<10x128x64xf32, #tpu.memory_space<vmem>> -> memref<1x128x64xf32, #tpu.memory_space<vmem>>
      %dma_start3A_2122 = tpu.memref_squeeze %dma_start3A_2121 : memref<1x128x64xf32, #tpu.memory_space<vmem>> -> memref<128x64xf32, #tpu.memory_space<vmem>>
      %dma_start3A_2123 = arith.constant 1280 : i32
      %dma_start3A_2124 = tpu.memref_slice %arg5[%dma_start3A_2123] : memref<2560xi32, #tpu.memory_space<vmem>> -> memref<128xi32, #tpu.memory_space<vmem>>
      %dma_start3A_2125 = arith.constant 0 : i32
      %dma_start3A_2126 = arith.constant 0 : i32
      %dma_start3A_2127 = tpu.memref_slice %arg3[%dma_start3A_2125, %dma_start3A_2126] : memref<4000x64xf32, #tpu.memory_space<hbm>> -> memref<4000x64xf32, #tpu.memory_space<hbm>>
      %dma_start3A_2128 = tpu.memref_slice %arg7[%dma_start3A_2118] : memref<10x!tpu.dma_semaphore, #tpu.memory_space<semaphore_mem>> -> memref<1x!tpu.dma_semaphore, #tpu.memory_space<semaphore_mem>>
      %dma_start3A_2129 = tpu.memref_squeeze %dma_start3A_2128 : memref<1x!tpu.dma_semaphore, #tpu.memory_space<semaphore_mem>> -> memref<!tpu.dma_semaphore, #tpu.memory_space<semaphore_mem>>
      tpu.enqueue_indirect_dma source(%dma_start3A_2127 : memref<4000x64xf32, #tpu.memory_space<hbm>>) target(%dma_start3A_2122 : memref<128x64xf32, #tpu.memory_space<vmem>>) offsets(%dma_start3A_2124 : memref<128xi32, #tpu.memory_space<vmem>>) semaphore(%dma_start3A_2129 : memref<!tpu.dma_semaphore, #tpu.memory_space<semaphore_mem>>)
      %mul3A_2130 = arith.constant 10 : i32
      %mul3A_2131 = arith.muli %add3A_1415, %mul3A_2130 : i32
      %add3A_2132 = arith.constant 1 : i32
      %add3A_2133 = arith.addi %mul3A_2131, %add3A_2132 : i32
      %dma_wait3A_2134 = arith.constant 6 : i32
      %dma_wait3A_2135 = arith.constant 6 : i32
      %dma_wait3A_2136 = arith.constant 0 : i32
      %dma_wait3A_2137 = arith.constant 0 : i32
      %dma_wait3A_2138 = tpu.memref_slice %arg6[%dma_wait3A_2134, %dma_wait3A_2136, %dma_wait3A_2137] : memref<10x128x64xf32, #tpu.memory_space<vmem>> -> memref<1x128x64xf32, #tpu.memory_space<vmem>>
      %dma_wait3A_2139 = tpu.memref_squeeze %dma_wait3A_2138 : memref<1x128x64xf32, #tpu.memory_space<vmem>> -> memref<128x64xf32, #tpu.memory_space<vmem>>
      %dma_wait3A_2140 = arith.constant 0 : i32
      %dma_wait3A_2141 = tpu.memref_slice %arg5[%dma_wait3A_2140] : memref<2560xi32, #tpu.memory_space<vmem>> -> memref<128xi32, #tpu.memory_space<vmem>>
      %dma_wait3A_2142 = arith.constant 0 : i32
      %dma_wait3A_2143 = arith.constant 0 : i32
      %dma_wait3A_2144 = tpu.memref_slice %arg3[%dma_wait3A_2142, %dma_wait3A_2143] : memref<4000x64xf32, #tpu.memory_space<hbm>> -> memref<4000x64xf32, #tpu.memory_space<hbm>>
      %dma_wait3A_2145 = tpu.memref_slice %arg7[%dma_wait3A_2135] : memref<10x!tpu.dma_semaphore, #tpu.memory_space<semaphore_mem>> -> memref<1x!tpu.dma_semaphore, #tpu.memory_space<semaphore_mem>>
      %dma_wait3A_2146 = tpu.memref_squeeze %dma_wait3A_2145 : memref<1x!tpu.dma_semaphore, #tpu.memory_space<semaphore_mem>> -> memref<!tpu.dma_semaphore, #tpu.memory_space<semaphore_mem>>
      tpu.wait_indirect_dma semaphore(%dma_wait3A_2146 : memref<!tpu.dma_semaphore, #tpu.memory_space<semaphore_mem>>) src(%dma_wait3A_2144 : memref<4000x64xf32, #tpu.memory_space<hbm>>) dst(%dma_wait3A_2139 : memref<128x64xf32, #tpu.memory_space<vmem>>)
      %sub3A_2147 = arith.constant 5 : i32
      %sub3A_2148 = arith.subi %add3A_2133, %sub3A_2147 : i32
      %mul3A_2149 = arith.constant 128 : i32
      %mul3A_2150 = arith.muli %sub3A_2148, %mul3A_2149 : i32
      %add3A_2151 = arith.addi %mul3A_2, %mul3A_2150 : i32
      %dma_start3A_2152 = arith.constant 6 : i32
      %dma_start3A_2153 = arith.constant 6 : i32
      %dma_start3A_2154 = arith.constant 0 : i32
      %dma_start3A_2155 = arith.constant 0 : i32
      %dma_start3A_2156 = tpu.memref_slice %arg6[%dma_start3A_2152, %dma_start3A_2154, %dma_start3A_2155] : memref<10x128x64xf32, #tpu.memory_space<vmem>> -> memref<1x128x64xf32, #tpu.memory_space<vmem>>
      %dma_start3A_2157 = tpu.memref_squeeze %dma_start3A_2156 : memref<1x128x64xf32, #tpu.memory_space<vmem>> -> memref<128x64xf32, #tpu.memory_space<vmem>>
      %dma_start3A_2158 = arith.constant 0 : i32
      %dma_start3A_2159 = tpu.memref_slice %arg4[%add3A_2151, %dma_start3A_2158] : memref<3276800x64xf32, #tpu.memory_space<hbm>> -> memref<128x64xf32, #tpu.memory_space<hbm>>
      %dma_start3A_2160 = tpu.memref_slice %arg8[%dma_start3A_2153] : memref<10x!tpu.dma_semaphore, #tpu.memory_space<semaphore_mem>> -> memref<1x!tpu.dma_semaphore, #tpu.memory_space<semaphore_mem>>
      %dma_start3A_2161 = tpu.memref_squeeze %dma_start3A_2160 : memref<1x!tpu.dma_semaphore, #tpu.memory_space<semaphore_mem>> -> memref<!tpu.dma_semaphore, #tpu.memory_space<semaphore_mem>>
      %dma_start3A_2162 = arith.constant 0 : i32
      %dma_start3A_2163 = tpu.memref_slice %arg4[%add3A_2151, %dma_start3A_2162] : memref<3276800x64xf32, #tpu.memory_space<hbm>> -> memref<128x64xf32, #tpu.memory_space<hbm>>
      %dma_start3A_2164 = arith.constant 0 : i32
      %dma_start3A_2165 = arith.constant 0 : i32
      %dma_start3A_2166 = tpu.memref_slice %arg6[%dma_start3A_2152, %dma_start3A_2164, %dma_start3A_2165] : memref<10x128x64xf32, #tpu.memory_space<vmem>> -> memref<1x128x64xf32, #tpu.memory_space<vmem>>
      %dma_start3A_2167 = tpu.memref_squeeze %dma_start3A_2166 : memref<1x128x64xf32, #tpu.memory_space<vmem>> -> memref<128x64xf32, #tpu.memory_space<vmem>>
      tpu.enqueue_dma source(%dma_start3A_2167 : memref<128x64xf32, #tpu.memory_space<vmem>>) target(%dma_start3A_2163 : memref<128x64xf32, #tpu.memory_space<hbm>>) target_semaphore(%dma_start3A_2161 : memref<!tpu.dma_semaphore, #tpu.memory_space<semaphore_mem>>)
      %dma_wait3A_2168 = arith.constant 1 : i32
      %dma_wait3A_2169 = arith.constant 1 : i32
      %dma_wait3A_2170 = arith.constant 0 : i32
      %dma_wait3A_2171 = arith.constant 0 : i32
      %dma_wait3A_2172 = tpu.memref_slice %arg6[%dma_wait3A_2168, %dma_wait3A_2170, %dma_wait3A_2171] : memref<10x128x64xf32, #tpu.memory_space<vmem>> -> memref<1x128x64xf32, #tpu.memory_space<vmem>>
      %dma_wait3A_2173 = tpu.memref_squeeze %dma_wait3A_2172 : memref<1x128x64xf32, #tpu.memory_space<vmem>> -> memref<128x64xf32, #tpu.memory_space<vmem>>
      %dma_wait3A_2174 = arith.constant 0 : i32
      %dma_wait3A_2175 = arith.constant 0 : i32
      %dma_wait3A_2176 = tpu.memref_slice %arg4[%dma_wait3A_2174, %dma_wait3A_2175] : memref<3276800x64xf32, #tpu.memory_space<hbm>> -> memref<128x64xf32, #tpu.memory_space<hbm>>
      %dma_wait3A_2177 = tpu.memref_slice %arg8[%dma_wait3A_2169] : memref<10x!tpu.dma_semaphore, #tpu.memory_space<semaphore_mem>> -> memref<1x!tpu.dma_semaphore, #tpu.memory_space<semaphore_mem>>
      %dma_wait3A_2178 = tpu.memref_squeeze %dma_wait3A_2177 : memref<1x!tpu.dma_semaphore, #tpu.memory_space<semaphore_mem>> -> memref<!tpu.dma_semaphore, #tpu.memory_space<semaphore_mem>>
      %dma_wait3A_2179 = arith.constant 0 : i32
      %dma_wait3A_2180 = arith.constant 0 : i32
      %dma_wait3A_2181 = tpu.memref_slice %arg4[%dma_wait3A_2179, %dma_wait3A_2180] : memref<3276800x64xf32, #tpu.memory_space<hbm>> -> memref<128x64xf32, #tpu.memory_space<hbm>>
      %dma_wait3A_2182 = arith.constant 0 : i32
      %dma_wait3A_2183 = arith.constant 0 : i32
      %dma_wait3A_2184 = tpu.memref_slice %arg6[%dma_wait3A_2168, %dma_wait3A_2182, %dma_wait3A_2183] : memref<10x128x64xf32, #tpu.memory_space<vmem>> -> memref<1x128x64xf32, #tpu.memory_space<vmem>>
      %dma_wait3A_2185 = tpu.memref_squeeze %dma_wait3A_2184 : memref<1x128x64xf32, #tpu.memory_space<vmem>> -> memref<128x64xf32, #tpu.memory_space<vmem>>
      tpu.wait_dma2 semaphore(%dma_wait3A_2178 : memref<!tpu.dma_semaphore, #tpu.memory_space<semaphore_mem>>) src(%dma_wait3A_2185 : memref<128x64xf32, #tpu.memory_space<vmem>>) dst(%dma_wait3A_2181 : memref<128x64xf32, #tpu.memory_space<hbm>>)
      %dma_start3A_2186 = arith.constant 1 : i32
      %dma_start3A_2187 = arith.constant 1 : i32
      %dma_start3A_2188 = arith.constant 0 : i32
      %dma_start3A_2189 = arith.constant 0 : i32
      %dma_start3A_2190 = tpu.memref_slice %arg6[%dma_start3A_2186, %dma_start3A_2188, %dma_start3A_2189] : memref<10x128x64xf32, #tpu.memory_space<vmem>> -> memref<1x128x64xf32, #tpu.memory_space<vmem>>
      %dma_start3A_2191 = tpu.memref_squeeze %dma_start3A_2190 : memref<1x128x64xf32, #tpu.memory_space<vmem>> -> memref<128x64xf32, #tpu.memory_space<vmem>>
      %dma_start3A_2192 = arith.constant 1408 : i32
      %dma_start3A_2193 = tpu.memref_slice %arg5[%dma_start3A_2192] : memref<2560xi32, #tpu.memory_space<vmem>> -> memref<128xi32, #tpu.memory_space<vmem>>
      %dma_start3A_2194 = arith.constant 0 : i32
      %dma_start3A_2195 = arith.constant 0 : i32
      %dma_start3A_2196 = tpu.memref_slice %arg3[%dma_start3A_2194, %dma_start3A_2195] : memref<4000x64xf32, #tpu.memory_space<hbm>> -> memref<4000x64xf32, #tpu.memory_space<hbm>>
      %dma_start3A_2197 = tpu.memref_slice %arg7[%dma_start3A_2187] : memref<10x!tpu.dma_semaphore, #tpu.memory_space<semaphore_mem>> -> memref<1x!tpu.dma_semaphore, #tpu.memory_space<semaphore_mem>>
      %dma_start3A_2198 = tpu.memref_squeeze %dma_start3A_2197 : memref<1x!tpu.dma_semaphore, #tpu.memory_space<semaphore_mem>> -> memref<!tpu.dma_semaphore, #tpu.memory_space<semaphore_mem>>
      tpu.enqueue_indirect_dma source(%dma_start3A_2196 : memref<4000x64xf32, #tpu.memory_space<hbm>>) target(%dma_start3A_2191 : memref<128x64xf32, #tpu.memory_space<vmem>>) offsets(%dma_start3A_2193 : memref<128xi32, #tpu.memory_space<vmem>>) semaphore(%dma_start3A_2198 : memref<!tpu.dma_semaphore, #tpu.memory_space<semaphore_mem>>)
      %mul3A_2199 = arith.constant 10 : i32
      %mul3A_2200 = arith.muli %add3A_1415, %mul3A_2199 : i32
      %add3A_2201 = arith.constant 2 : i32
      %add3A_2202 = arith.addi %mul3A_2200, %add3A_2201 : i32
      %dma_wait3A_2203 = arith.constant 7 : i32
      %dma_wait3A_2204 = arith.constant 7 : i32
      %dma_wait3A_2205 = arith.constant 0 : i32
      %dma_wait3A_2206 = arith.constant 0 : i32
      %dma_wait3A_2207 = tpu.memref_slice %arg6[%dma_wait3A_2203, %dma_wait3A_2205, %dma_wait3A_2206] : memref<10x128x64xf32, #tpu.memory_space<vmem>> -> memref<1x128x64xf32, #tpu.memory_space<vmem>>
      %dma_wait3A_2208 = tpu.memref_squeeze %dma_wait3A_2207 : memref<1x128x64xf32, #tpu.memory_space<vmem>> -> memref<128x64xf32, #tpu.memory_space<vmem>>
      %dma_wait3A_2209 = arith.constant 0 : i32
      %dma_wait3A_2210 = tpu.memref_slice %arg5[%dma_wait3A_2209] : memref<2560xi32, #tpu.memory_space<vmem>> -> memref<128xi32, #tpu.memory_space<vmem>>
      %dma_wait3A_2211 = arith.constant 0 : i32
      %dma_wait3A_2212 = arith.constant 0 : i32
      %dma_wait3A_2213 = tpu.memref_slice %arg3[%dma_wait3A_2211, %dma_wait3A_2212] : memref<4000x64xf32, #tpu.memory_space<hbm>> -> memref<4000x64xf32, #tpu.memory_space<hbm>>
      %dma_wait3A_2214 = tpu.memref_slice %arg7[%dma_wait3A_2204] : memref<10x!tpu.dma_semaphore, #tpu.memory_space<semaphore_mem>> -> memref<1x!tpu.dma_semaphore, #tpu.memory_space<semaphore_mem>>
      %dma_wait3A_2215 = tpu.memref_squeeze %dma_wait3A_2214 : memref<1x!tpu.dma_semaphore, #tpu.memory_space<semaphore_mem>> -> memref<!tpu.dma_semaphore, #tpu.memory_space<semaphore_mem>>
      tpu.wait_indirect_dma semaphore(%dma_wait3A_2215 : memref<!tpu.dma_semaphore, #tpu.memory_space<semaphore_mem>>) src(%dma_wait3A_2213 : memref<4000x64xf32, #tpu.memory_space<hbm>>) dst(%dma_wait3A_2208 : memref<128x64xf32, #tpu.memory_space<vmem>>)
      %sub3A_2216 = arith.constant 5 : i32
      %sub3A_2217 = arith.subi %add3A_2202, %sub3A_2216 : i32
      %mul3A_2218 = arith.constant 128 : i32
      %mul3A_2219 = arith.muli %sub3A_2217, %mul3A_2218 : i32
      %add3A_2220 = arith.addi %mul3A_2, %mul3A_2219 : i32
      %dma_start3A_2221 = arith.constant 7 : i32
      %dma_start3A_2222 = arith.constant 7 : i32
      %dma_start3A_2223 = arith.constant 0 : i32
      %dma_start3A_2224 = arith.constant 0 : i32
      %dma_start3A_2225 = tpu.memref_slice %arg6[%dma_start3A_2221, %dma_start3A_2223, %dma_start3A_2224] : memref<10x128x64xf32, #tpu.memory_space<vmem>> -> memref<1x128x64xf32, #tpu.memory_space<vmem>>
      %dma_start3A_2226 = tpu.memref_squeeze %dma_start3A_2225 : memref<1x128x64xf32, #tpu.memory_space<vmem>> -> memref<128x64xf32, #tpu.memory_space<vmem>>
      %dma_start3A_2227 = arith.constant 0 : i32
      %dma_start3A_2228 = tpu.memref_slice %arg4[%add3A_2220, %dma_start3A_2227] : memref<3276800x64xf32, #tpu.memory_space<hbm>> -> memref<128x64xf32, #tpu.memory_space<hbm>>
      %dma_start3A_2229 = tpu.memref_slice %arg8[%dma_start3A_2222] : memref<10x!tpu.dma_semaphore, #tpu.memory_space<semaphore_mem>> -> memref<1x!tpu.dma_semaphore, #tpu.memory_space<semaphore_mem>>
      %dma_start3A_2230 = tpu.memref_squeeze %dma_start3A_2229 : memref<1x!tpu.dma_semaphore, #tpu.memory_space<semaphore_mem>> -> memref<!tpu.dma_semaphore, #tpu.memory_space<semaphore_mem>>
      %dma_start3A_2231 = arith.constant 0 : i32
      %dma_start3A_2232 = tpu.memref_slice %arg4[%add3A_2220, %dma_start3A_2231] : memref<3276800x64xf32, #tpu.memory_space<hbm>> -> memref<128x64xf32, #tpu.memory_space<hbm>>
      %dma_start3A_2233 = arith.constant 0 : i32
      %dma_start3A_2234 = arith.constant 0 : i32
      %dma_start3A_2235 = tpu.memref_slice %arg6[%dma_start3A_2221, %dma_start3A_2233, %dma_start3A_2234] : memref<10x128x64xf32, #tpu.memory_space<vmem>> -> memref<1x128x64xf32, #tpu.memory_space<vmem>>
      %dma_start3A_2236 = tpu.memref_squeeze %dma_start3A_2235 : memref<1x128x64xf32, #tpu.memory_space<vmem>> -> memref<128x64xf32, #tpu.memory_space<vmem>>
      tpu.enqueue_dma source(%dma_start3A_2236 : memref<128x64xf32, #tpu.memory_space<vmem>>) target(%dma_start3A_2232 : memref<128x64xf32, #tpu.memory_space<hbm>>) target_semaphore(%dma_start3A_2230 : memref<!tpu.dma_semaphore, #tpu.memory_space<semaphore_mem>>)
      %dma_wait3A_2237 = arith.constant 2 : i32
      %dma_wait3A_2238 = arith.constant 2 : i32
      %dma_wait3A_2239 = arith.constant 0 : i32
      %dma_wait3A_2240 = arith.constant 0 : i32
      %dma_wait3A_2241 = tpu.memref_slice %arg6[%dma_wait3A_2237, %dma_wait3A_2239, %dma_wait3A_2240] : memref<10x128x64xf32, #tpu.memory_space<vmem>> -> memref<1x128x64xf32, #tpu.memory_space<vmem>>
      %dma_wait3A_2242 = tpu.memref_squeeze %dma_wait3A_2241 : memref<1x128x64xf32, #tpu.memory_space<vmem>> -> memref<128x64xf32, #tpu.memory_space<vmem>>
      %dma_wait3A_2243 = arith.constant 0 : i32
      %dma_wait3A_2244 = arith.constant 0 : i32
      %dma_wait3A_2245 = tpu.memref_slice %arg4[%dma_wait3A_2243, %dma_wait3A_2244] : memref<3276800x64xf32, #tpu.memory_space<hbm>> -> memref<128x64xf32, #tpu.memory_space<hbm>>
      %dma_wait3A_2246 = tpu.memref_slice %arg8[%dma_wait3A_2238] : memref<10x!tpu.dma_semaphore, #tpu.memory_space<semaphore_mem>> -> memref<1x!tpu.dma_semaphore, #tpu.memory_space<semaphore_mem>>
      %dma_wait3A_2247 = tpu.memref_squeeze %dma_wait3A_2246 : memref<1x!tpu.dma_semaphore, #tpu.memory_space<semaphore_mem>> -> memref<!tpu.dma_semaphore, #tpu.memory_space<semaphore_mem>>
      %dma_wait3A_2248 = arith.constant 0 : i32
      %dma_wait3A_2249 = arith.constant 0 : i32
      %dma_wait3A_2250 = tpu.memref_slice %arg4[%dma_wait3A_2248, %dma_wait3A_2249] : memref<3276800x64xf32, #tpu.memory_space<hbm>> -> memref<128x64xf32, #tpu.memory_space<hbm>>
      %dma_wait3A_2251 = arith.constant 0 : i32
      %dma_wait3A_2252 = arith.constant 0 : i32
      %dma_wait3A_2253 = tpu.memref_slice %arg6[%dma_wait3A_2237, %dma_wait3A_2251, %dma_wait3A_2252] : memref<10x128x64xf32, #tpu.memory_space<vmem>> -> memref<1x128x64xf32, #tpu.memory_space<vmem>>
      %dma_wait3A_2254 = tpu.memref_squeeze %dma_wait3A_2253 : memref<1x128x64xf32, #tpu.memory_space<vmem>> -> memref<128x64xf32, #tpu.memory_space<vmem>>
      tpu.wait_dma2 semaphore(%dma_wait3A_2247 : memref<!tpu.dma_semaphore, #tpu.memory_space<semaphore_mem>>) src(%dma_wait3A_2254 : memref<128x64xf32, #tpu.memory_space<vmem>>) dst(%dma_wait3A_2250 : memref<128x64xf32, #tpu.memory_space<hbm>>)
      %dma_start3A_2255 = arith.constant 2 : i32
      %dma_start3A_2256 = arith.constant 2 : i32
      %dma_start3A_2257 = arith.constant 0 : i32
      %dma_start3A_2258 = arith.constant 0 : i32
      %dma_start3A_2259 = tpu.memref_slice %arg6[%dma_start3A_2255, %dma_start3A_2257, %dma_start3A_2258] : memref<10x128x64xf32, #tpu.memory_space<vmem>> -> memref<1x128x64xf32, #tpu.memory_space<vmem>>
      %dma_start3A_2260 = tpu.memref_squeeze %dma_start3A_2259 : memref<1x128x64xf32, #tpu.memory_space<vmem>> -> memref<128x64xf32, #tpu.memory_space<vmem>>
      %dma_start3A_2261 = arith.constant 1536 : i32
      %dma_start3A_2262 = tpu.memref_slice %arg5[%dma_start3A_2261] : memref<2560xi32, #tpu.memory_space<vmem>> -> memref<128xi32, #tpu.memory_space<vmem>>
      %dma_start3A_2263 = arith.constant 0 : i32
      %dma_start3A_2264 = arith.constant 0 : i32
      %dma_start3A_2265 = tpu.memref_slice %arg3[%dma_start3A_2263, %dma_start3A_2264] : memref<4000x64xf32, #tpu.memory_space<hbm>> -> memref<4000x64xf32, #tpu.memory_space<hbm>>
      %dma_start3A_2266 = tpu.memref_slice %arg7[%dma_start3A_2256] : memref<10x!tpu.dma_semaphore, #tpu.memory_space<semaphore_mem>> -> memref<1x!tpu.dma_semaphore, #tpu.memory_space<semaphore_mem>>
      %dma_start3A_2267 = tpu.memref_squeeze %dma_start3A_2266 : memref<1x!tpu.dma_semaphore, #tpu.memory_space<semaphore_mem>> -> memref<!tpu.dma_semaphore, #tpu.memory_space<semaphore_mem>>
      tpu.enqueue_indirect_dma source(%dma_start3A_2265 : memref<4000x64xf32, #tpu.memory_space<hbm>>) target(%dma_start3A_2260 : memref<128x64xf32, #tpu.memory_space<vmem>>) offsets(%dma_start3A_2262 : memref<128xi32, #tpu.memory_space<vmem>>) semaphore(%dma_start3A_2267 : memref<!tpu.dma_semaphore, #tpu.memory_space<semaphore_mem>>)
      %mul3A_2268 = arith.constant 10 : i32
      %mul3A_2269 = arith.muli %add3A_1415, %mul3A_2268 : i32
      %add3A_2270 = arith.constant 3 : i32
      %add3A_2271 = arith.addi %mul3A_2269, %add3A_2270 : i32
      %dma_wait3A_2272 = arith.constant 8 : i32
      %dma_wait3A_2273 = arith.constant 8 : i32
      %dma_wait3A_2274 = arith.constant 0 : i32
      %dma_wait3A_2275 = arith.constant 0 : i32
      %dma_wait3A_2276 = tpu.memref_slice %arg6[%dma_wait3A_2272, %dma_wait3A_2274, %dma_wait3A_2275] : memref<10x128x64xf32, #tpu.memory_space<vmem>> -> memref<1x128x64xf32, #tpu.memory_space<vmem>>
      %dma_wait3A_2277 = tpu.memref_squeeze %dma_wait3A_2276 : memref<1x128x64xf32, #tpu.memory_space<vmem>> -> memref<128x64xf32, #tpu.memory_space<vmem>>
      %dma_wait3A_2278 = arith.constant 0 : i32
      %dma_wait3A_2279 = tpu.memref_slice %arg5[%dma_wait3A_2278] : memref<2560xi32, #tpu.memory_space<vmem>> -> memref<128xi32, #tpu.memory_space<vmem>>
      %dma_wait3A_2280 = arith.constant 0 : i32
      %dma_wait3A_2281 = arith.constant 0 : i32
      %dma_wait3A_2282 = tpu.memref_slice %arg3[%dma_wait3A_2280, %dma_wait3A_2281] : memref<4000x64xf32, #tpu.memory_space<hbm>> -> memref<4000x64xf32, #tpu.memory_space<hbm>>
      %dma_wait3A_2283 = tpu.memref_slice %arg7[%dma_wait3A_2273] : memref<10x!tpu.dma_semaphore, #tpu.memory_space<semaphore_mem>> -> memref<1x!tpu.dma_semaphore, #tpu.memory_space<semaphore_mem>>
      %dma_wait3A_2284 = tpu.memref_squeeze %dma_wait3A_2283 : memref<1x!tpu.dma_semaphore, #tpu.memory_space<semaphore_mem>> -> memref<!tpu.dma_semaphore, #tpu.memory_space<semaphore_mem>>
      tpu.wait_indirect_dma semaphore(%dma_wait3A_2284 : memref<!tpu.dma_semaphore, #tpu.memory_space<semaphore_mem>>) src(%dma_wait3A_2282 : memref<4000x64xf32, #tpu.memory_space<hbm>>) dst(%dma_wait3A_2277 : memref<128x64xf32, #tpu.memory_space<vmem>>)
      %sub3A_2285 = arith.constant 5 : i32
      %sub3A_2286 = arith.subi %add3A_2271, %sub3A_2285 : i32
      %mul3A_2287 = arith.constant 128 : i32
      %mul3A_2288 = arith.muli %sub3A_2286, %mul3A_2287 : i32
      %add3A_2289 = arith.addi %mul3A_2, %mul3A_2288 : i32
      %dma_start3A_2290 = arith.constant 8 : i32
      %dma_start3A_2291 = arith.constant 8 : i32
      %dma_start3A_2292 = arith.constant 0 : i32
      %dma_start3A_2293 = arith.constant 0 : i32
      %dma_start3A_2294 = tpu.memref_slice %arg6[%dma_start3A_2290, %dma_start3A_2292, %dma_start3A_2293] : memref<10x128x64xf32, #tpu.memory_space<vmem>> -> memref<1x128x64xf32, #tpu.memory_space<vmem>>
      %dma_start3A_2295 = tpu.memref_squeeze %dma_start3A_2294 : memref<1x128x64xf32, #tpu.memory_space<vmem>> -> memref<128x64xf32, #tpu.memory_space<vmem>>
      %dma_start3A_2296 = arith.constant 0 : i32
      %dma_start3A_2297 = tpu.memref_slice %arg4[%add3A_2289, %dma_start3A_2296] : memref<3276800x64xf32, #tpu.memory_space<hbm>> -> memref<128x64xf32, #tpu.memory_space<hbm>>
      %dma_start3A_2298 = tpu.memref_slice %arg8[%dma_start3A_2291] : memref<10x!tpu.dma_semaphore, #tpu.memory_space<semaphore_mem>> -> memref<1x!tpu.dma_semaphore, #tpu.memory_space<semaphore_mem>>
      %dma_start3A_2299 = tpu.memref_squeeze %dma_start3A_2298 : memref<1x!tpu.dma_semaphore, #tpu.memory_space<semaphore_mem>> -> memref<!tpu.dma_semaphore, #tpu.memory_space<semaphore_mem>>
      %dma_start3A_2300 = arith.constant 0 : i32
      %dma_start3A_2301 = tpu.memref_slice %arg4[%add3A_2289, %dma_start3A_2300] : memref<3276800x64xf32, #tpu.memory_space<hbm>> -> memref<128x64xf32, #tpu.memory_space<hbm>>
      %dma_start3A_2302 = arith.constant 0 : i32
      %dma_start3A_2303 = arith.constant 0 : i32
      %dma_start3A_2304 = tpu.memref_slice %arg6[%dma_start3A_2290, %dma_start3A_2302, %dma_start3A_2303] : memref<10x128x64xf32, #tpu.memory_space<vmem>> -> memref<1x128x64xf32, #tpu.memory_space<vmem>>
      %dma_start3A_2305 = tpu.memref_squeeze %dma_start3A_2304 : memref<1x128x64xf32, #tpu.memory_space<vmem>> -> memref<128x64xf32, #tpu.memory_space<vmem>>
      tpu.enqueue_dma source(%dma_start3A_2305 : memref<128x64xf32, #tpu.memory_space<vmem>>) target(%dma_start3A_2301 : memref<128x64xf32, #tpu.memory_space<hbm>>) target_semaphore(%dma_start3A_2299 : memref<!tpu.dma_semaphore, #tpu.memory_space<semaphore_mem>>)
      %dma_wait3A_2306 = arith.constant 3 : i32
      %dma_wait3A_2307 = arith.constant 3 : i32
      %dma_wait3A_2308 = arith.constant 0 : i32
      %dma_wait3A_2309 = arith.constant 0 : i32
      %dma_wait3A_2310 = tpu.memref_slice %arg6[%dma_wait3A_2306, %dma_wait3A_2308, %dma_wait3A_2309] : memref<10x128x64xf32, #tpu.memory_space<vmem>> -> memref<1x128x64xf32, #tpu.memory_space<vmem>>
      %dma_wait3A_2311 = tpu.memref_squeeze %dma_wait3A_2310 : memref<1x128x64xf32, #tpu.memory_space<vmem>> -> memref<128x64xf32, #tpu.memory_space<vmem>>
      %dma_wait3A_2312 = arith.constant 0 : i32
      %dma_wait3A_2313 = arith.constant 0 : i32
      %dma_wait3A_2314 = tpu.memref_slice %arg4[%dma_wait3A_2312, %dma_wait3A_2313] : memref<3276800x64xf32, #tpu.memory_space<hbm>> -> memref<128x64xf32, #tpu.memory_space<hbm>>
      %dma_wait3A_2315 = tpu.memref_slice %arg8[%dma_wait3A_2307] : memref<10x!tpu.dma_semaphore, #tpu.memory_space<semaphore_mem>> -> memref<1x!tpu.dma_semaphore, #tpu.memory_space<semaphore_mem>>
      %dma_wait3A_2316 = tpu.memref_squeeze %dma_wait3A_2315 : memref<1x!tpu.dma_semaphore, #tpu.memory_space<semaphore_mem>> -> memref<!tpu.dma_semaphore, #tpu.memory_space<semaphore_mem>>
      %dma_wait3A_2317 = arith.constant 0 : i32
      %dma_wait3A_2318 = arith.constant 0 : i32
      %dma_wait3A_2319 = tpu.memref_slice %arg4[%dma_wait3A_2317, %dma_wait3A_2318] : memref<3276800x64xf32, #tpu.memory_space<hbm>> -> memref<128x64xf32, #tpu.memory_space<hbm>>
      %dma_wait3A_2320 = arith.constant 0 : i32
      %dma_wait3A_2321 = arith.constant 0 : i32
      %dma_wait3A_2322 = tpu.memref_slice %arg6[%dma_wait3A_2306, %dma_wait3A_2320, %dma_wait3A_2321] : memref<10x128x64xf32, #tpu.memory_space<vmem>> -> memref<1x128x64xf32, #tpu.memory_space<vmem>>
      %dma_wait3A_2323 = tpu.memref_squeeze %dma_wait3A_2322 : memref<1x128x64xf32, #tpu.memory_space<vmem>> -> memref<128x64xf32, #tpu.memory_space<vmem>>
      tpu.wait_dma2 semaphore(%dma_wait3A_2316 : memref<!tpu.dma_semaphore, #tpu.memory_space<semaphore_mem>>) src(%dma_wait3A_2323 : memref<128x64xf32, #tpu.memory_space<vmem>>) dst(%dma_wait3A_2319 : memref<128x64xf32, #tpu.memory_space<hbm>>)
      %dma_start3A_2324 = arith.constant 3 : i32
      %dma_start3A_2325 = arith.constant 3 : i32
      %dma_start3A_2326 = arith.constant 0 : i32
      %dma_start3A_2327 = arith.constant 0 : i32
      %dma_start3A_2328 = tpu.memref_slice %arg6[%dma_start3A_2324, %dma_start3A_2326, %dma_start3A_2327] : memref<10x128x64xf32, #tpu.memory_space<vmem>> -> memref<1x128x64xf32, #tpu.memory_space<vmem>>
      %dma_start3A_2329 = tpu.memref_squeeze %dma_start3A_2328 : memref<1x128x64xf32, #tpu.memory_space<vmem>> -> memref<128x64xf32, #tpu.memory_space<vmem>>
      %dma_start3A_2330 = arith.constant 1664 : i32
      %dma_start3A_2331 = tpu.memref_slice %arg5[%dma_start3A_2330] : memref<2560xi32, #tpu.memory_space<vmem>> -> memref<128xi32, #tpu.memory_space<vmem>>
      %dma_start3A_2332 = arith.constant 0 : i32
      %dma_start3A_2333 = arith.constant 0 : i32
      %dma_start3A_2334 = tpu.memref_slice %arg3[%dma_start3A_2332, %dma_start3A_2333] : memref<4000x64xf32, #tpu.memory_space<hbm>> -> memref<4000x64xf32, #tpu.memory_space<hbm>>
      %dma_start3A_2335 = tpu.memref_slice %arg7[%dma_start3A_2325] : memref<10x!tpu.dma_semaphore, #tpu.memory_space<semaphore_mem>> -> memref<1x!tpu.dma_semaphore, #tpu.memory_space<semaphore_mem>>
      %dma_start3A_2336 = tpu.memref_squeeze %dma_start3A_2335 : memref<1x!tpu.dma_semaphore, #tpu.memory_space<semaphore_mem>> -> memref<!tpu.dma_semaphore, #tpu.memory_space<semaphore_mem>>
      tpu.enqueue_indirect_dma source(%dma_start3A_2334 : memref<4000x64xf32, #tpu.memory_space<hbm>>) target(%dma_start3A_2329 : memref<128x64xf32, #tpu.memory_space<vmem>>) offsets(%dma_start3A_2331 : memref<128xi32, #tpu.memory_space<vmem>>) semaphore(%dma_start3A_2336 : memref<!tpu.dma_semaphore, #tpu.memory_space<semaphore_mem>>)
      %mul3A_2337 = arith.constant 10 : i32
      %mul3A_2338 = arith.muli %add3A_1415, %mul3A_2337 : i32
      %add3A_2339 = arith.constant 4 : i32
      %add3A_2340 = arith.addi %mul3A_2338, %add3A_2339 : i32
      %dma_wait3A_2341 = arith.constant 9 : i32
      %dma_wait3A_2342 = arith.constant 9 : i32
      %dma_wait3A_2343 = arith.constant 0 : i32
      %dma_wait3A_2344 = arith.constant 0 : i32
      %dma_wait3A_2345 = tpu.memref_slice %arg6[%dma_wait3A_2341, %dma_wait3A_2343, %dma_wait3A_2344] : memref<10x128x64xf32, #tpu.memory_space<vmem>> -> memref<1x128x64xf32, #tpu.memory_space<vmem>>
      %dma_wait3A_2346 = tpu.memref_squeeze %dma_wait3A_2345 : memref<1x128x64xf32, #tpu.memory_space<vmem>> -> memref<128x64xf32, #tpu.memory_space<vmem>>
      %dma_wait3A_2347 = arith.constant 0 : i32
      %dma_wait3A_2348 = tpu.memref_slice %arg5[%dma_wait3A_2347] : memref<2560xi32, #tpu.memory_space<vmem>> -> memref<128xi32, #tpu.memory_space<vmem>>
      %dma_wait3A_2349 = arith.constant 0 : i32
      %dma_wait3A_2350 = arith.constant 0 : i32
      %dma_wait3A_2351 = tpu.memref_slice %arg3[%dma_wait3A_2349, %dma_wait3A_2350] : memref<4000x64xf32, #tpu.memory_space<hbm>> -> memref<4000x64xf32, #tpu.memory_space<hbm>>
      %dma_wait3A_2352 = tpu.memref_slice %arg7[%dma_wait3A_2342] : memref<10x!tpu.dma_semaphore, #tpu.memory_space<semaphore_mem>> -> memref<1x!tpu.dma_semaphore, #tpu.memory_space<semaphore_mem>>
      %dma_wait3A_2353 = tpu.memref_squeeze %dma_wait3A_2352 : memref<1x!tpu.dma_semaphore, #tpu.memory_space<semaphore_mem>> -> memref<!tpu.dma_semaphore, #tpu.memory_space<semaphore_mem>>
      tpu.wait_indirect_dma semaphore(%dma_wait3A_2353 : memref<!tpu.dma_semaphore, #tpu.memory_space<semaphore_mem>>) src(%dma_wait3A_2351 : memref<4000x64xf32, #tpu.memory_space<hbm>>) dst(%dma_wait3A_2346 : memref<128x64xf32, #tpu.memory_space<vmem>>)
      %sub3A_2354 = arith.constant 5 : i32
      %sub3A_2355 = arith.subi %add3A_2340, %sub3A_2354 : i32
      %mul3A_2356 = arith.constant 128 : i32
      %mul3A_2357 = arith.muli %sub3A_2355, %mul3A_2356 : i32
      %add3A_2358 = arith.addi %mul3A_2, %mul3A_2357 : i32
      %dma_start3A_2359 = arith.constant 9 : i32
      %dma_start3A_2360 = arith.constant 9 : i32
      %dma_start3A_2361 = arith.constant 0 : i32
      %dma_start3A_2362 = arith.constant 0 : i32
      %dma_start3A_2363 = tpu.memref_slice %arg6[%dma_start3A_2359, %dma_start3A_2361, %dma_start3A_2362] : memref<10x128x64xf32, #tpu.memory_space<vmem>> -> memref<1x128x64xf32, #tpu.memory_space<vmem>>
      %dma_start3A_2364 = tpu.memref_squeeze %dma_start3A_2363 : memref<1x128x64xf32, #tpu.memory_space<vmem>> -> memref<128x64xf32, #tpu.memory_space<vmem>>
      %dma_start3A_2365 = arith.constant 0 : i32
      %dma_start3A_2366 = tpu.memref_slice %arg4[%add3A_2358, %dma_start3A_2365] : memref<3276800x64xf32, #tpu.memory_space<hbm>> -> memref<128x64xf32, #tpu.memory_space<hbm>>
      %dma_start3A_2367 = tpu.memref_slice %arg8[%dma_start3A_2360] : memref<10x!tpu.dma_semaphore, #tpu.memory_space<semaphore_mem>> -> memref<1x!tpu.dma_semaphore, #tpu.memory_space<semaphore_mem>>
      %dma_start3A_2368 = tpu.memref_squeeze %dma_start3A_2367 : memref<1x!tpu.dma_semaphore, #tpu.memory_space<semaphore_mem>> -> memref<!tpu.dma_semaphore, #tpu.memory_space<semaphore_mem>>
      %dma_start3A_2369 = arith.constant 0 : i32
      %dma_start3A_2370 = tpu.memref_slice %arg4[%add3A_2358, %dma_start3A_2369] : memref<3276800x64xf32, #tpu.memory_space<hbm>> -> memref<128x64xf32, #tpu.memory_space<hbm>>
      %dma_start3A_2371 = arith.constant 0 : i32
      %dma_start3A_2372 = arith.constant 0 : i32
      %dma_start3A_2373 = tpu.memref_slice %arg6[%dma_start3A_2359, %dma_start3A_2371, %dma_start3A_2372] : memref<10x128x64xf32, #tpu.memory_space<vmem>> -> memref<1x128x64xf32, #tpu.memory_space<vmem>>
      %dma_start3A_2374 = tpu.memref_squeeze %dma_start3A_2373 : memref<1x128x64xf32, #tpu.memory_space<vmem>> -> memref<128x64xf32, #tpu.memory_space<vmem>>
      tpu.enqueue_dma source(%dma_start3A_2374 : memref<128x64xf32, #tpu.memory_space<vmem>>) target(%dma_start3A_2370 : memref<128x64xf32, #tpu.memory_space<hbm>>) target_semaphore(%dma_start3A_2368 : memref<!tpu.dma_semaphore, #tpu.memory_space<semaphore_mem>>)
      %dma_wait3A_2375 = arith.constant 4 : i32
      %dma_wait3A_2376 = arith.constant 4 : i32
      %dma_wait3A_2377 = arith.constant 0 : i32
      %dma_wait3A_2378 = arith.constant 0 : i32
      %dma_wait3A_2379 = tpu.memref_slice %arg6[%dma_wait3A_2375, %dma_wait3A_2377, %dma_wait3A_2378] : memref<10x128x64xf32, #tpu.memory_space<vmem>> -> memref<1x128x64xf32, #tpu.memory_space<vmem>>
      %dma_wait3A_2380 = tpu.memref_squeeze %dma_wait3A_2379 : memref<1x128x64xf32, #tpu.memory_space<vmem>> -> memref<128x64xf32, #tpu.memory_space<vmem>>
      %dma_wait3A_2381 = arith.constant 0 : i32
      %dma_wait3A_2382 = arith.constant 0 : i32
      %dma_wait3A_2383 = tpu.memref_slice %arg4[%dma_wait3A_2381, %dma_wait3A_2382] : memref<3276800x64xf32, #tpu.memory_space<hbm>> -> memref<128x64xf32, #tpu.memory_space<hbm>>
      %dma_wait3A_2384 = tpu.memref_slice %arg8[%dma_wait3A_2376] : memref<10x!tpu.dma_semaphore, #tpu.memory_space<semaphore_mem>> -> memref<1x!tpu.dma_semaphore, #tpu.memory_space<semaphore_mem>>
      %dma_wait3A_2385 = tpu.memref_squeeze %dma_wait3A_2384 : memref<1x!tpu.dma_semaphore, #tpu.memory_space<semaphore_mem>> -> memref<!tpu.dma_semaphore, #tpu.memory_space<semaphore_mem>>
      %dma_wait3A_2386 = arith.constant 0 : i32
      %dma_wait3A_2387 = arith.constant 0 : i32
      %dma_wait3A_2388 = tpu.memref_slice %arg4[%dma_wait3A_2386, %dma_wait3A_2387] : memref<3276800x64xf32, #tpu.memory_space<hbm>> -> memref<128x64xf32, #tpu.memory_space<hbm>>
      %dma_wait3A_2389 = arith.constant 0 : i32
      %dma_wait3A_2390 = arith.constant 0 : i32
      %dma_wait3A_2391 = tpu.memref_slice %arg6[%dma_wait3A_2375, %dma_wait3A_2389, %dma_wait3A_2390] : memref<10x128x64xf32, #tpu.memory_space<vmem>> -> memref<1x128x64xf32, #tpu.memory_space<vmem>>
      %dma_wait3A_2392 = tpu.memref_squeeze %dma_wait3A_2391 : memref<1x128x64xf32, #tpu.memory_space<vmem>> -> memref<128x64xf32, #tpu.memory_space<vmem>>
      tpu.wait_dma2 semaphore(%dma_wait3A_2385 : memref<!tpu.dma_semaphore, #tpu.memory_space<semaphore_mem>>) src(%dma_wait3A_2392 : memref<128x64xf32, #tpu.memory_space<vmem>>) dst(%dma_wait3A_2388 : memref<128x64xf32, #tpu.memory_space<hbm>>)
      %dma_start3A_2393 = arith.constant 4 : i32
      %dma_start3A_2394 = arith.constant 4 : i32
      %dma_start3A_2395 = arith.constant 0 : i32
      %dma_start3A_2396 = arith.constant 0 : i32
      %dma_start3A_2397 = tpu.memref_slice %arg6[%dma_start3A_2393, %dma_start3A_2395, %dma_start3A_2396] : memref<10x128x64xf32, #tpu.memory_space<vmem>> -> memref<1x128x64xf32, #tpu.memory_space<vmem>>
      %dma_start3A_2398 = tpu.memref_squeeze %dma_start3A_2397 : memref<1x128x64xf32, #tpu.memory_space<vmem>> -> memref<128x64xf32, #tpu.memory_space<vmem>>
      %dma_start3A_2399 = arith.constant 1792 : i32
      %dma_start3A_2400 = tpu.memref_slice %arg5[%dma_start3A_2399] : memref<2560xi32, #tpu.memory_space<vmem>> -> memref<128xi32, #tpu.memory_space<vmem>>
      %dma_start3A_2401 = arith.constant 0 : i32
      %dma_start3A_2402 = arith.constant 0 : i32
      %dma_start3A_2403 = tpu.memref_slice %arg3[%dma_start3A_2401, %dma_start3A_2402] : memref<4000x64xf32, #tpu.memory_space<hbm>> -> memref<4000x64xf32, #tpu.memory_space<hbm>>
      %dma_start3A_2404 = tpu.memref_slice %arg7[%dma_start3A_2394] : memref<10x!tpu.dma_semaphore, #tpu.memory_space<semaphore_mem>> -> memref<1x!tpu.dma_semaphore, #tpu.memory_space<semaphore_mem>>
      %dma_start3A_2405 = tpu.memref_squeeze %dma_start3A_2404 : memref<1x!tpu.dma_semaphore, #tpu.memory_space<semaphore_mem>> -> memref<!tpu.dma_semaphore, #tpu.memory_space<semaphore_mem>>
      tpu.enqueue_indirect_dma source(%dma_start3A_2403 : memref<4000x64xf32, #tpu.memory_space<hbm>>) target(%dma_start3A_2398 : memref<128x64xf32, #tpu.memory_space<vmem>>) offsets(%dma_start3A_2400 : memref<128xi32, #tpu.memory_space<vmem>>) semaphore(%dma_start3A_2405 : memref<!tpu.dma_semaphore, #tpu.memory_space<semaphore_mem>>)
      %lt3A = arith.constant 39 : i32
      %lt3A_2406 = arith.cmpi slt, %scan3A_348, %lt3A : i32
      %convert_element_type3A_2407 = arith.extui %lt3A_2406 : i1 to i32
      %cond3A_2408 = arith.constant 0 : i32
      %cond3A_2409 = arith.cmpi ne, %convert_element_type3A_2407, %cond3A_2408 : i32
      scf.if %cond3A_2409 {
        %add3A_2755 = arith.constant 1 : i32
        %add3A_2756 = arith.addi %add3A_1415, %add3A_2755 : i32
        %mul3A_2757 = arith.constant 1280 : i32
        %mul3A_2758 = arith.muli %add3A_2756, %mul3A_2757 : i32
        %add3A_2759 = arith.addi %mul3A_2, %mul3A_2758 : i32
        %dma_start3A_2760 = arith.constant 0 : i32
        %dma_start3A_2761 = arith.constant 0 : i32
        %dma_start3A_2762 = tpu.memref_slice %arg5[%dma_start3A_2761] : memref<2560xi32, #tpu.memory_space<vmem>> -> memref<1280xi32, #tpu.memory_space<vmem>>
        %dma_start3A_2763 = tpu.memref_slice %arg2[%add3A_2759] : memref<3276800xi32, #tpu.memory_space<hbm>> -> memref<1280xi32, #tpu.memory_space<hbm>>
        %dma_start3A_2764 = tpu.memref_slice %arg9[%dma_start3A_2760] : memref<2x!tpu.dma_semaphore, #tpu.memory_space<semaphore_mem>> -> memref<1x!tpu.dma_semaphore, #tpu.memory_space<semaphore_mem>>
        %dma_start3A_2765 = tpu.memref_squeeze %dma_start3A_2764 : memref<1x!tpu.dma_semaphore, #tpu.memory_space<semaphore_mem>> -> memref<!tpu.dma_semaphore, #tpu.memory_space<semaphore_mem>>
        %dma_start3A_2766 = arith.constant 0 : i32
        %dma_start3A_2767 = tpu.memref_slice %arg5[%dma_start3A_2766] : memref<2560xi32, #tpu.memory_space<vmem>> -> memref<1280xi32, #tpu.memory_space<vmem>>
        %dma_start3A_2768 = tpu.memref_slice %arg2[%add3A_2759] : memref<3276800xi32, #tpu.memory_space<hbm>> -> memref<1280xi32, #tpu.memory_space<hbm>>
        tpu.enqueue_dma source(%dma_start3A_2768 : memref<1280xi32, #tpu.memory_space<hbm>>) target(%dma_start3A_2767 : memref<1280xi32, #tpu.memory_space<vmem>>) target_semaphore(%dma_start3A_2765 : memref<!tpu.dma_semaphore, #tpu.memory_space<semaphore_mem>>)
      } else {
      }
      %mul3A_2410 = arith.constant 10 : i32
      %mul3A_2411 = arith.muli %add3A_1415, %mul3A_2410 : i32
      %add3A_2412 = arith.constant 5 : i32
      %add3A_2413 = arith.addi %mul3A_2411, %add3A_2412 : i32
      %dma_wait3A_2414 = arith.constant 0 : i32
      %dma_wait3A_2415 = arith.constant 0 : i32
      %dma_wait3A_2416 = arith.constant 0 : i32
      %dma_wait3A_2417 = arith.constant 0 : i32
      %dma_wait3A_2418 = tpu.memref_slice %arg6[%dma_wait3A_2414, %dma_wait3A_2416, %dma_wait3A_2417] : memref<10x128x64xf32, #tpu.memory_space<vmem>> -> memref<1x128x64xf32, #tpu.memory_space<vmem>>
      %dma_wait3A_2419 = tpu.memref_squeeze %dma_wait3A_2418 : memref<1x128x64xf32, #tpu.memory_space<vmem>> -> memref<128x64xf32, #tpu.memory_space<vmem>>
      %dma_wait3A_2420 = arith.constant 0 : i32
      %dma_wait3A_2421 = tpu.memref_slice %arg5[%dma_wait3A_2420] : memref<2560xi32, #tpu.memory_space<vmem>> -> memref<128xi32, #tpu.memory_space<vmem>>
      %dma_wait3A_2422 = arith.constant 0 : i32
      %dma_wait3A_2423 = arith.constant 0 : i32
      %dma_wait3A_2424 = tpu.memref_slice %arg3[%dma_wait3A_2422, %dma_wait3A_2423] : memref<4000x64xf32, #tpu.memory_space<hbm>> -> memref<4000x64xf32, #tpu.memory_space<hbm>>
      %dma_wait3A_2425 = tpu.memref_slice %arg7[%dma_wait3A_2415] : memref<10x!tpu.dma_semaphore, #tpu.memory_space<semaphore_mem>> -> memref<1x!tpu.dma_semaphore, #tpu.memory_space<semaphore_mem>>
      %dma_wait3A_2426 = tpu.memref_squeeze %dma_wait3A_2425 : memref<1x!tpu.dma_semaphore, #tpu.memory_space<semaphore_mem>> -> memref<!tpu.dma_semaphore, #tpu.memory_space<semaphore_mem>>
      tpu.wait_indirect_dma semaphore(%dma_wait3A_2426 : memref<!tpu.dma_semaphore, #tpu.memory_space<semaphore_mem>>) src(%dma_wait3A_2424 : memref<4000x64xf32, #tpu.memory_space<hbm>>) dst(%dma_wait3A_2419 : memref<128x64xf32, #tpu.memory_space<vmem>>)
      %sub3A_2427 = arith.constant 5 : i32
      %sub3A_2428 = arith.subi %add3A_2413, %sub3A_2427 : i32
      %mul3A_2429 = arith.constant 128 : i32
      %mul3A_2430 = arith.muli %sub3A_2428, %mul3A_2429 : i32
      %add3A_2431 = arith.addi %mul3A_2, %mul3A_2430 : i32
      %dma_start3A_2432 = arith.constant 0 : i32
      %dma_start3A_2433 = arith.constant 0 : i32
      %dma_start3A_2434 = arith.constant 0 : i32
      %dma_start3A_2435 = arith.constant 0 : i32
      %dma_start3A_2436 = tpu.memref_slice %arg6[%dma_start3A_2432, %dma_start3A_2434, %dma_start3A_2435] : memref<10x128x64xf32, #tpu.memory_space<vmem>> -> memref<1x128x64xf32, #tpu.memory_space<vmem>>
      %dma_start3A_2437 = tpu.memref_squeeze %dma_start3A_2436 : memref<1x128x64xf32, #tpu.memory_space<vmem>> -> memref<128x64xf32, #tpu.memory_space<vmem>>
      %dma_start3A_2438 = arith.constant 0 : i32
      %dma_start3A_2439 = tpu.memref_slice %arg4[%add3A_2431, %dma_start3A_2438] : memref<3276800x64xf32, #tpu.memory_space<hbm>> -> memref<128x64xf32, #tpu.memory_space<hbm>>
      %dma_start3A_2440 = tpu.memref_slice %arg8[%dma_start3A_2433] : memref<10x!tpu.dma_semaphore, #tpu.memory_space<semaphore_mem>> -> memref<1x!tpu.dma_semaphore, #tpu.memory_space<semaphore_mem>>
      %dma_start3A_2441 = tpu.memref_squeeze %dma_start3A_2440 : memref<1x!tpu.dma_semaphore, #tpu.memory_space<semaphore_mem>> -> memref<!tpu.dma_semaphore, #tpu.memory_space<semaphore_mem>>
      %dma_start3A_2442 = arith.constant 0 : i32
      %dma_start3A_2443 = tpu.memref_slice %arg4[%add3A_2431, %dma_start3A_2442] : memref<3276800x64xf32, #tpu.memory_space<hbm>> -> memref<128x64xf32, #tpu.memory_space<hbm>>
      %dma_start3A_2444 = arith.constant 0 : i32
      %dma_start3A_2445 = arith.constant 0 : i32
      %dma_start3A_2446 = tpu.memref_slice %arg6[%dma_start3A_2432, %dma_start3A_2444, %dma_start3A_2445] : memref<10x128x64xf32, #tpu.memory_space<vmem>> -> memref<1x128x64xf32, #tpu.memory_space<vmem>>
      %dma_start3A_2447 = tpu.memref_squeeze %dma_start3A_2446 : memref<1x128x64xf32, #tpu.memory_space<vmem>> -> memref<128x64xf32, #tpu.memory_space<vmem>>
      tpu.enqueue_dma source(%dma_start3A_2447 : memref<128x64xf32, #tpu.memory_space<vmem>>) target(%dma_start3A_2443 : memref<128x64xf32, #tpu.memory_space<hbm>>) target_semaphore(%dma_start3A_2441 : memref<!tpu.dma_semaphore, #tpu.memory_space<semaphore_mem>>)
      %dma_wait3A_2448 = arith.constant 5 : i32
      %dma_wait3A_2449 = arith.constant 5 : i32
      %dma_wait3A_2450 = arith.constant 0 : i32
      %dma_wait3A_2451 = arith.constant 0 : i32
      %dma_wait3A_2452 = tpu.memref_slice %arg6[%dma_wait3A_2448, %dma_wait3A_2450, %dma_wait3A_2451] : memref<10x128x64xf32, #tpu.memory_space<vmem>> -> memref<1x128x64xf32, #tpu.memory_space<vmem>>
      %dma_wait3A_2453 = tpu.memref_squeeze %dma_wait3A_2452 : memref<1x128x64xf32, #tpu.memory_space<vmem>> -> memref<128x64xf32, #tpu.memory_space<vmem>>
      %dma_wait3A_2454 = arith.constant 0 : i32
      %dma_wait3A_2455 = arith.constant 0 : i32
      %dma_wait3A_2456 = tpu.memref_slice %arg4[%dma_wait3A_2454, %dma_wait3A_2455] : memref<3276800x64xf32, #tpu.memory_space<hbm>> -> memref<128x64xf32, #tpu.memory_space<hbm>>
      %dma_wait3A_2457 = tpu.memref_slice %arg8[%dma_wait3A_2449] : memref<10x!tpu.dma_semaphore, #tpu.memory_space<semaphore_mem>> -> memref<1x!tpu.dma_semaphore, #tpu.memory_space<semaphore_mem>>
      %dma_wait3A_2458 = tpu.memref_squeeze %dma_wait3A_2457 : memref<1x!tpu.dma_semaphore, #tpu.memory_space<semaphore_mem>> -> memref<!tpu.dma_semaphore, #tpu.memory_space<semaphore_mem>>
      %dma_wait3A_2459 = arith.constant 0 : i32
      %dma_wait3A_2460 = arith.constant 0 : i32
      %dma_wait3A_2461 = tpu.memref_slice %arg4[%dma_wait3A_2459, %dma_wait3A_2460] : memref<3276800x64xf32, #tpu.memory_space<hbm>> -> memref<128x64xf32, #tpu.memory_space<hbm>>
      %dma_wait3A_2462 = arith.constant 0 : i32
      %dma_wait3A_2463 = arith.constant 0 : i32
      %dma_wait3A_2464 = tpu.memref_slice %arg6[%dma_wait3A_2448, %dma_wait3A_2462, %dma_wait3A_2463] : memref<10x128x64xf32, #tpu.memory_space<vmem>> -> memref<1x128x64xf32, #tpu.memory_space<vmem>>
      %dma_wait3A_2465 = tpu.memref_squeeze %dma_wait3A_2464 : memref<1x128x64xf32, #tpu.memory_space<vmem>> -> memref<128x64xf32, #tpu.memory_space<vmem>>
      tpu.wait_dma2 semaphore(%dma_wait3A_2458 : memref<!tpu.dma_semaphore, #tpu.memory_space<semaphore_mem>>) src(%dma_wait3A_2465 : memref<128x64xf32, #tpu.memory_space<vmem>>) dst(%dma_wait3A_2461 : memref<128x64xf32, #tpu.memory_space<hbm>>)
      %dma_start3A_2466 = arith.constant 5 : i32
      %dma_start3A_2467 = arith.constant 5 : i32
      %dma_start3A_2468 = arith.constant 0 : i32
      %dma_start3A_2469 = arith.constant 0 : i32
      %dma_start3A_2470 = tpu.memref_slice %arg6[%dma_start3A_2466, %dma_start3A_2468, %dma_start3A_2469] : memref<10x128x64xf32, #tpu.memory_space<vmem>> -> memref<1x128x64xf32, #tpu.memory_space<vmem>>
      %dma_start3A_2471 = tpu.memref_squeeze %dma_start3A_2470 : memref<1x128x64xf32, #tpu.memory_space<vmem>> -> memref<128x64xf32, #tpu.memory_space<vmem>>
      %dma_start3A_2472 = arith.constant 1920 : i32
      %dma_start3A_2473 = tpu.memref_slice %arg5[%dma_start3A_2472] : memref<2560xi32, #tpu.memory_space<vmem>> -> memref<128xi32, #tpu.memory_space<vmem>>
      %dma_start3A_2474 = arith.constant 0 : i32
      %dma_start3A_2475 = arith.constant 0 : i32
      %dma_start3A_2476 = tpu.memref_slice %arg3[%dma_start3A_2474, %dma_start3A_2475] : memref<4000x64xf32, #tpu.memory_space<hbm>> -> memref<4000x64xf32, #tpu.memory_space<hbm>>
      %dma_start3A_2477 = tpu.memref_slice %arg7[%dma_start3A_2467] : memref<10x!tpu.dma_semaphore, #tpu.memory_space<semaphore_mem>> -> memref<1x!tpu.dma_semaphore, #tpu.memory_space<semaphore_mem>>
      %dma_start3A_2478 = tpu.memref_squeeze %dma_start3A_2477 : memref<1x!tpu.dma_semaphore, #tpu.memory_space<semaphore_mem>> -> memref<!tpu.dma_semaphore, #tpu.memory_space<semaphore_mem>>
      tpu.enqueue_indirect_dma source(%dma_start3A_2476 : memref<4000x64xf32, #tpu.memory_space<hbm>>) target(%dma_start3A_2471 : memref<128x64xf32, #tpu.memory_space<vmem>>) offsets(%dma_start3A_2473 : memref<128xi32, #tpu.memory_space<vmem>>) semaphore(%dma_start3A_2478 : memref<!tpu.dma_semaphore, #tpu.memory_space<semaphore_mem>>)
      %mul3A_2479 = arith.constant 10 : i32
      %mul3A_2480 = arith.muli %add3A_1415, %mul3A_2479 : i32
      %add3A_2481 = arith.constant 6 : i32
      %add3A_2482 = arith.addi %mul3A_2480, %add3A_2481 : i32
      %dma_wait3A_2483 = arith.constant 1 : i32
      %dma_wait3A_2484 = arith.constant 1 : i32
      %dma_wait3A_2485 = arith.constant 0 : i32
      %dma_wait3A_2486 = arith.constant 0 : i32
      %dma_wait3A_2487 = tpu.memref_slice %arg6[%dma_wait3A_2483, %dma_wait3A_2485, %dma_wait3A_2486] : memref<10x128x64xf32, #tpu.memory_space<vmem>> -> memref<1x128x64xf32, #tpu.memory_space<vmem>>
      %dma_wait3A_2488 = tpu.memref_squeeze %dma_wait3A_2487 : memref<1x128x64xf32, #tpu.memory_space<vmem>> -> memref<128x64xf32, #tpu.memory_space<vmem>>
      %dma_wait3A_2489 = arith.constant 0 : i32
      %dma_wait3A_2490 = tpu.memref_slice %arg5[%dma_wait3A_2489] : memref<2560xi32, #tpu.memory_space<vmem>> -> memref<128xi32, #tpu.memory_space<vmem>>
      %dma_wait3A_2491 = arith.constant 0 : i32
      %dma_wait3A_2492 = arith.constant 0 : i32
      %dma_wait3A_2493 = tpu.memref_slice %arg3[%dma_wait3A_2491, %dma_wait3A_2492] : memref<4000x64xf32, #tpu.memory_space<hbm>> -> memref<4000x64xf32, #tpu.memory_space<hbm>>
      %dma_wait3A_2494 = tpu.memref_slice %arg7[%dma_wait3A_2484] : memref<10x!tpu.dma_semaphore, #tpu.memory_space<semaphore_mem>> -> memref<1x!tpu.dma_semaphore, #tpu.memory_space<semaphore_mem>>
      %dma_wait3A_2495 = tpu.memref_squeeze %dma_wait3A_2494 : memref<1x!tpu.dma_semaphore, #tpu.memory_space<semaphore_mem>> -> memref<!tpu.dma_semaphore, #tpu.memory_space<semaphore_mem>>
      tpu.wait_indirect_dma semaphore(%dma_wait3A_2495 : memref<!tpu.dma_semaphore, #tpu.memory_space<semaphore_mem>>) src(%dma_wait3A_2493 : memref<4000x64xf32, #tpu.memory_space<hbm>>) dst(%dma_wait3A_2488 : memref<128x64xf32, #tpu.memory_space<vmem>>)
      %sub3A_2496 = arith.constant 5 : i32
      %sub3A_2497 = arith.subi %add3A_2482, %sub3A_2496 : i32
      %mul3A_2498 = arith.constant 128 : i32
      %mul3A_2499 = arith.muli %sub3A_2497, %mul3A_2498 : i32
      %add3A_2500 = arith.addi %mul3A_2, %mul3A_2499 : i32
      %dma_start3A_2501 = arith.constant 1 : i32
      %dma_start3A_2502 = arith.constant 1 : i32
      %dma_start3A_2503 = arith.constant 0 : i32
      %dma_start3A_2504 = arith.constant 0 : i32
      %dma_start3A_2505 = tpu.memref_slice %arg6[%dma_start3A_2501, %dma_start3A_2503, %dma_start3A_2504] : memref<10x128x64xf32, #tpu.memory_space<vmem>> -> memref<1x128x64xf32, #tpu.memory_space<vmem>>
      %dma_start3A_2506 = tpu.memref_squeeze %dma_start3A_2505 : memref<1x128x64xf32, #tpu.memory_space<vmem>> -> memref<128x64xf32, #tpu.memory_space<vmem>>
      %dma_start3A_2507 = arith.constant 0 : i32
      %dma_start3A_2508 = tpu.memref_slice %arg4[%add3A_2500, %dma_start3A_2507] : memref<3276800x64xf32, #tpu.memory_space<hbm>> -> memref<128x64xf32, #tpu.memory_space<hbm>>
      %dma_start3A_2509 = tpu.memref_slice %arg8[%dma_start3A_2502] : memref<10x!tpu.dma_semaphore, #tpu.memory_space<semaphore_mem>> -> memref<1x!tpu.dma_semaphore, #tpu.memory_space<semaphore_mem>>
      %dma_start3A_2510 = tpu.memref_squeeze %dma_start3A_2509 : memref<1x!tpu.dma_semaphore, #tpu.memory_space<semaphore_mem>> -> memref<!tpu.dma_semaphore, #tpu.memory_space<semaphore_mem>>
      %dma_start3A_2511 = arith.constant 0 : i32
      %dma_start3A_2512 = tpu.memref_slice %arg4[%add3A_2500, %dma_start3A_2511] : memref<3276800x64xf32, #tpu.memory_space<hbm>> -> memref<128x64xf32, #tpu.memory_space<hbm>>
      %dma_start3A_2513 = arith.constant 0 : i32
      %dma_start3A_2514 = arith.constant 0 : i32
      %dma_start3A_2515 = tpu.memref_slice %arg6[%dma_start3A_2501, %dma_start3A_2513, %dma_start3A_2514] : memref<10x128x64xf32, #tpu.memory_space<vmem>> -> memref<1x128x64xf32, #tpu.memory_space<vmem>>
      %dma_start3A_2516 = tpu.memref_squeeze %dma_start3A_2515 : memref<1x128x64xf32, #tpu.memory_space<vmem>> -> memref<128x64xf32, #tpu.memory_space<vmem>>
      tpu.enqueue_dma source(%dma_start3A_2516 : memref<128x64xf32, #tpu.memory_space<vmem>>) target(%dma_start3A_2512 : memref<128x64xf32, #tpu.memory_space<hbm>>) target_semaphore(%dma_start3A_2510 : memref<!tpu.dma_semaphore, #tpu.memory_space<semaphore_mem>>)
      %dma_wait3A_2517 = arith.constant 6 : i32
      %dma_wait3A_2518 = arith.constant 6 : i32
      %dma_wait3A_2519 = arith.constant 0 : i32
      %dma_wait3A_2520 = arith.constant 0 : i32
      %dma_wait3A_2521 = tpu.memref_slice %arg6[%dma_wait3A_2517, %dma_wait3A_2519, %dma_wait3A_2520] : memref<10x128x64xf32, #tpu.memory_space<vmem>> -> memref<1x128x64xf32, #tpu.memory_space<vmem>>
      %dma_wait3A_2522 = tpu.memref_squeeze %dma_wait3A_2521 : memref<1x128x64xf32, #tpu.memory_space<vmem>> -> memref<128x64xf32, #tpu.memory_space<vmem>>
      %dma_wait3A_2523 = arith.constant 0 : i32
      %dma_wait3A_2524 = arith.constant 0 : i32
      %dma_wait3A_2525 = tpu.memref_slice %arg4[%dma_wait3A_2523, %dma_wait3A_2524] : memref<3276800x64xf32, #tpu.memory_space<hbm>> -> memref<128x64xf32, #tpu.memory_space<hbm>>
      %dma_wait3A_2526 = tpu.memref_slice %arg8[%dma_wait3A_2518] : memref<10x!tpu.dma_semaphore, #tpu.memory_space<semaphore_mem>> -> memref<1x!tpu.dma_semaphore, #tpu.memory_space<semaphore_mem>>
      %dma_wait3A_2527 = tpu.memref_squeeze %dma_wait3A_2526 : memref<1x!tpu.dma_semaphore, #tpu.memory_space<semaphore_mem>> -> memref<!tpu.dma_semaphore, #tpu.memory_space<semaphore_mem>>
      %dma_wait3A_2528 = arith.constant 0 : i32
      %dma_wait3A_2529 = arith.constant 0 : i32
      %dma_wait3A_2530 = tpu.memref_slice %arg4[%dma_wait3A_2528, %dma_wait3A_2529] : memref<3276800x64xf32, #tpu.memory_space<hbm>> -> memref<128x64xf32, #tpu.memory_space<hbm>>
      %dma_wait3A_2531 = arith.constant 0 : i32
      %dma_wait3A_2532 = arith.constant 0 : i32
      %dma_wait3A_2533 = tpu.memref_slice %arg6[%dma_wait3A_2517, %dma_wait3A_2531, %dma_wait3A_2532] : memref<10x128x64xf32, #tpu.memory_space<vmem>> -> memref<1x128x64xf32, #tpu.memory_space<vmem>>
      %dma_wait3A_2534 = tpu.memref_squeeze %dma_wait3A_2533 : memref<1x128x64xf32, #tpu.memory_space<vmem>> -> memref<128x64xf32, #tpu.memory_space<vmem>>
      tpu.wait_dma2 semaphore(%dma_wait3A_2527 : memref<!tpu.dma_semaphore, #tpu.memory_space<semaphore_mem>>) src(%dma_wait3A_2534 : memref<128x64xf32, #tpu.memory_space<vmem>>) dst(%dma_wait3A_2530 : memref<128x64xf32, #tpu.memory_space<hbm>>)
      %dma_start3A_2535 = arith.constant 6 : i32
      %dma_start3A_2536 = arith.constant 6 : i32
      %dma_start3A_2537 = arith.constant 0 : i32
      %dma_start3A_2538 = arith.constant 0 : i32
      %dma_start3A_2539 = tpu.memref_slice %arg6[%dma_start3A_2535, %dma_start3A_2537, %dma_start3A_2538] : memref<10x128x64xf32, #tpu.memory_space<vmem>> -> memref<1x128x64xf32, #tpu.memory_space<vmem>>
      %dma_start3A_2540 = tpu.memref_squeeze %dma_start3A_2539 : memref<1x128x64xf32, #tpu.memory_space<vmem>> -> memref<128x64xf32, #tpu.memory_space<vmem>>
      %dma_start3A_2541 = arith.constant 2048 : i32
      %dma_start3A_2542 = tpu.memref_slice %arg5[%dma_start3A_2541] : memref<2560xi32, #tpu.memory_space<vmem>> -> memref<128xi32, #tpu.memory_space<vmem>>
      %dma_start3A_2543 = arith.constant 0 : i32
      %dma_start3A_2544 = arith.constant 0 : i32
      %dma_start3A_2545 = tpu.memref_slice %arg3[%dma_start3A_2543, %dma_start3A_2544] : memref<4000x64xf32, #tpu.memory_space<hbm>> -> memref<4000x64xf32, #tpu.memory_space<hbm>>
      %dma_start3A_2546 = tpu.memref_slice %arg7[%dma_start3A_2536] : memref<10x!tpu.dma_semaphore, #tpu.memory_space<semaphore_mem>> -> memref<1x!tpu.dma_semaphore, #tpu.memory_space<semaphore_mem>>
      %dma_start3A_2547 = tpu.memref_squeeze %dma_start3A_2546 : memref<1x!tpu.dma_semaphore, #tpu.memory_space<semaphore_mem>> -> memref<!tpu.dma_semaphore, #tpu.memory_space<semaphore_mem>>
      tpu.enqueue_indirect_dma source(%dma_start3A_2545 : memref<4000x64xf32, #tpu.memory_space<hbm>>) target(%dma_start3A_2540 : memref<128x64xf32, #tpu.memory_space<vmem>>) offsets(%dma_start3A_2542 : memref<128xi32, #tpu.memory_space<vmem>>) semaphore(%dma_start3A_2547 : memref<!tpu.dma_semaphore, #tpu.memory_space<semaphore_mem>>)
      %mul3A_2548 = arith.constant 10 : i32
      %mul3A_2549 = arith.muli %add3A_1415, %mul3A_2548 : i32
      %add3A_2550 = arith.constant 7 : i32
      %add3A_2551 = arith.addi %mul3A_2549, %add3A_2550 : i32
      %dma_wait3A_2552 = arith.constant 2 : i32
      %dma_wait3A_2553 = arith.constant 2 : i32
      %dma_wait3A_2554 = arith.constant 0 : i32
      %dma_wait3A_2555 = arith.constant 0 : i32
      %dma_wait3A_2556 = tpu.memref_slice %arg6[%dma_wait3A_2552, %dma_wait3A_2554, %dma_wait3A_2555] : memref<10x128x64xf32, #tpu.memory_space<vmem>> -> memref<1x128x64xf32, #tpu.memory_space<vmem>>
      %dma_wait3A_2557 = tpu.memref_squeeze %dma_wait3A_2556 : memref<1x128x64xf32, #tpu.memory_space<vmem>> -> memref<128x64xf32, #tpu.memory_space<vmem>>
      %dma_wait3A_2558 = arith.constant 0 : i32
      %dma_wait3A_2559 = tpu.memref_slice %arg5[%dma_wait3A_2558] : memref<2560xi32, #tpu.memory_space<vmem>> -> memref<128xi32, #tpu.memory_space<vmem>>
      %dma_wait3A_2560 = arith.constant 0 : i32
      %dma_wait3A_2561 = arith.constant 0 : i32
      %dma_wait3A_2562 = tpu.memref_slice %arg3[%dma_wait3A_2560, %dma_wait3A_2561] : memref<4000x64xf32, #tpu.memory_space<hbm>> -> memref<4000x64xf32, #tpu.memory_space<hbm>>
      %dma_wait3A_2563 = tpu.memref_slice %arg7[%dma_wait3A_2553] : memref<10x!tpu.dma_semaphore, #tpu.memory_space<semaphore_mem>> -> memref<1x!tpu.dma_semaphore, #tpu.memory_space<semaphore_mem>>
      %dma_wait3A_2564 = tpu.memref_squeeze %dma_wait3A_2563 : memref<1x!tpu.dma_semaphore, #tpu.memory_space<semaphore_mem>> -> memref<!tpu.dma_semaphore, #tpu.memory_space<semaphore_mem>>
      tpu.wait_indirect_dma semaphore(%dma_wait3A_2564 : memref<!tpu.dma_semaphore, #tpu.memory_space<semaphore_mem>>) src(%dma_wait3A_2562 : memref<4000x64xf32, #tpu.memory_space<hbm>>) dst(%dma_wait3A_2557 : memref<128x64xf32, #tpu.memory_space<vmem>>)
      %sub3A_2565 = arith.constant 5 : i32
      %sub3A_2566 = arith.subi %add3A_2551, %sub3A_2565 : i32
      %mul3A_2567 = arith.constant 128 : i32
      %mul3A_2568 = arith.muli %sub3A_2566, %mul3A_2567 : i32
      %add3A_2569 = arith.addi %mul3A_2, %mul3A_2568 : i32
      %dma_start3A_2570 = arith.constant 2 : i32
      %dma_start3A_2571 = arith.constant 2 : i32
      %dma_start3A_2572 = arith.constant 0 : i32
      %dma_start3A_2573 = arith.constant 0 : i32
      %dma_start3A_2574 = tpu.memref_slice %arg6[%dma_start3A_2570, %dma_start3A_2572, %dma_start3A_2573] : memref<10x128x64xf32, #tpu.memory_space<vmem>> -> memref<1x128x64xf32, #tpu.memory_space<vmem>>
      %dma_start3A_2575 = tpu.memref_squeeze %dma_start3A_2574 : memref<1x128x64xf32, #tpu.memory_space<vmem>> -> memref<128x64xf32, #tpu.memory_space<vmem>>
      %dma_start3A_2576 = arith.constant 0 : i32
      %dma_start3A_2577 = tpu.memref_slice %arg4[%add3A_2569, %dma_start3A_2576] : memref<3276800x64xf32, #tpu.memory_space<hbm>> -> memref<128x64xf32, #tpu.memory_space<hbm>>
      %dma_start3A_2578 = tpu.memref_slice %arg8[%dma_start3A_2571] : memref<10x!tpu.dma_semaphore, #tpu.memory_space<semaphore_mem>> -> memref<1x!tpu.dma_semaphore, #tpu.memory_space<semaphore_mem>>
      %dma_start3A_2579 = tpu.memref_squeeze %dma_start3A_2578 : memref<1x!tpu.dma_semaphore, #tpu.memory_space<semaphore_mem>> -> memref<!tpu.dma_semaphore, #tpu.memory_space<semaphore_mem>>
      %dma_start3A_2580 = arith.constant 0 : i32
      %dma_start3A_2581 = tpu.memref_slice %arg4[%add3A_2569, %dma_start3A_2580] : memref<3276800x64xf32, #tpu.memory_space<hbm>> -> memref<128x64xf32, #tpu.memory_space<hbm>>
      %dma_start3A_2582 = arith.constant 0 : i32
      %dma_start3A_2583 = arith.constant 0 : i32
      %dma_start3A_2584 = tpu.memref_slice %arg6[%dma_start3A_2570, %dma_start3A_2582, %dma_start3A_2583] : memref<10x128x64xf32, #tpu.memory_space<vmem>> -> memref<1x128x64xf32, #tpu.memory_space<vmem>>
      %dma_start3A_2585 = tpu.memref_squeeze %dma_start3A_2584 : memref<1x128x64xf32, #tpu.memory_space<vmem>> -> memref<128x64xf32, #tpu.memory_space<vmem>>
      tpu.enqueue_dma source(%dma_start3A_2585 : memref<128x64xf32, #tpu.memory_space<vmem>>) target(%dma_start3A_2581 : memref<128x64xf32, #tpu.memory_space<hbm>>) target_semaphore(%dma_start3A_2579 : memref<!tpu.dma_semaphore, #tpu.memory_space<semaphore_mem>>)
      %dma_wait3A_2586 = arith.constant 7 : i32
      %dma_wait3A_2587 = arith.constant 7 : i32
      %dma_wait3A_2588 = arith.constant 0 : i32
      %dma_wait3A_2589 = arith.constant 0 : i32
      %dma_wait3A_2590 = tpu.memref_slice %arg6[%dma_wait3A_2586, %dma_wait3A_2588, %dma_wait3A_2589] : memref<10x128x64xf32, #tpu.memory_space<vmem>> -> memref<1x128x64xf32, #tpu.memory_space<vmem>>
      %dma_wait3A_2591 = tpu.memref_squeeze %dma_wait3A_2590 : memref<1x128x64xf32, #tpu.memory_space<vmem>> -> memref<128x64xf32, #tpu.memory_space<vmem>>
      %dma_wait3A_2592 = arith.constant 0 : i32
      %dma_wait3A_2593 = arith.constant 0 : i32
      %dma_wait3A_2594 = tpu.memref_slice %arg4[%dma_wait3A_2592, %dma_wait3A_2593] : memref<3276800x64xf32, #tpu.memory_space<hbm>> -> memref<128x64xf32, #tpu.memory_space<hbm>>
      %dma_wait3A_2595 = tpu.memref_slice %arg8[%dma_wait3A_2587] : memref<10x!tpu.dma_semaphore, #tpu.memory_space<semaphore_mem>> -> memref<1x!tpu.dma_semaphore, #tpu.memory_space<semaphore_mem>>
      %dma_wait3A_2596 = tpu.memref_squeeze %dma_wait3A_2595 : memref<1x!tpu.dma_semaphore, #tpu.memory_space<semaphore_mem>> -> memref<!tpu.dma_semaphore, #tpu.memory_space<semaphore_mem>>
      %dma_wait3A_2597 = arith.constant 0 : i32
      %dma_wait3A_2598 = arith.constant 0 : i32
      %dma_wait3A_2599 = tpu.memref_slice %arg4[%dma_wait3A_2597, %dma_wait3A_2598] : memref<3276800x64xf32, #tpu.memory_space<hbm>> -> memref<128x64xf32, #tpu.memory_space<hbm>>
      %dma_wait3A_2600 = arith.constant 0 : i32
      %dma_wait3A_2601 = arith.constant 0 : i32
      %dma_wait3A_2602 = tpu.memref_slice %arg6[%dma_wait3A_2586, %dma_wait3A_2600, %dma_wait3A_2601] : memref<10x128x64xf32, #tpu.memory_space<vmem>> -> memref<1x128x64xf32, #tpu.memory_space<vmem>>
      %dma_wait3A_2603 = tpu.memref_squeeze %dma_wait3A_2602 : memref<1x128x64xf32, #tpu.memory_space<vmem>> -> memref<128x64xf32, #tpu.memory_space<vmem>>
      tpu.wait_dma2 semaphore(%dma_wait3A_2596 : memref<!tpu.dma_semaphore, #tpu.memory_space<semaphore_mem>>) src(%dma_wait3A_2603 : memref<128x64xf32, #tpu.memory_space<vmem>>) dst(%dma_wait3A_2599 : memref<128x64xf32, #tpu.memory_space<hbm>>)
      %dma_start3A_2604 = arith.constant 7 : i32
      %dma_start3A_2605 = arith.constant 7 : i32
      %dma_start3A_2606 = arith.constant 0 : i32
      %dma_start3A_2607 = arith.constant 0 : i32
      %dma_start3A_2608 = tpu.memref_slice %arg6[%dma_start3A_2604, %dma_start3A_2606, %dma_start3A_2607] : memref<10x128x64xf32, #tpu.memory_space<vmem>> -> memref<1x128x64xf32, #tpu.memory_space<vmem>>
      %dma_start3A_2609 = tpu.memref_squeeze %dma_start3A_2608 : memref<1x128x64xf32, #tpu.memory_space<vmem>> -> memref<128x64xf32, #tpu.memory_space<vmem>>
      %dma_start3A_2610 = arith.constant 2176 : i32
      %dma_start3A_2611 = tpu.memref_slice %arg5[%dma_start3A_2610] : memref<2560xi32, #tpu.memory_space<vmem>> -> memref<128xi32, #tpu.memory_space<vmem>>
      %dma_start3A_2612 = arith.constant 0 : i32
      %dma_start3A_2613 = arith.constant 0 : i32
      %dma_start3A_2614 = tpu.memref_slice %arg3[%dma_start3A_2612, %dma_start3A_2613] : memref<4000x64xf32, #tpu.memory_space<hbm>> -> memref<4000x64xf32, #tpu.memory_space<hbm>>
      %dma_start3A_2615 = tpu.memref_slice %arg7[%dma_start3A_2605] : memref<10x!tpu.dma_semaphore, #tpu.memory_space<semaphore_mem>> -> memref<1x!tpu.dma_semaphore, #tpu.memory_space<semaphore_mem>>
      %dma_start3A_2616 = tpu.memref_squeeze %dma_start3A_2615 : memref<1x!tpu.dma_semaphore, #tpu.memory_space<semaphore_mem>> -> memref<!tpu.dma_semaphore, #tpu.memory_space<semaphore_mem>>
      tpu.enqueue_indirect_dma source(%dma_start3A_2614 : memref<4000x64xf32, #tpu.memory_space<hbm>>) target(%dma_start3A_2609 : memref<128x64xf32, #tpu.memory_space<vmem>>) offsets(%dma_start3A_2611 : memref<128xi32, #tpu.memory_space<vmem>>) semaphore(%dma_start3A_2616 : memref<!tpu.dma_semaphore, #tpu.memory_space<semaphore_mem>>)
      %mul3A_2617 = arith.constant 10 : i32
      %mul3A_2618 = arith.muli %add3A_1415, %mul3A_2617 : i32
      %add3A_2619 = arith.constant 8 : i32
      %add3A_2620 = arith.addi %mul3A_2618, %add3A_2619 : i32
      %dma_wait3A_2621 = arith.constant 3 : i32
      %dma_wait3A_2622 = arith.constant 3 : i32
      %dma_wait3A_2623 = arith.constant 0 : i32
      %dma_wait3A_2624 = arith.constant 0 : i32
      %dma_wait3A_2625 = tpu.memref_slice %arg6[%dma_wait3A_2621, %dma_wait3A_2623, %dma_wait3A_2624] : memref<10x128x64xf32, #tpu.memory_space<vmem>> -> memref<1x128x64xf32, #tpu.memory_space<vmem>>
      %dma_wait3A_2626 = tpu.memref_squeeze %dma_wait3A_2625 : memref<1x128x64xf32, #tpu.memory_space<vmem>> -> memref<128x64xf32, #tpu.memory_space<vmem>>
      %dma_wait3A_2627 = arith.constant 0 : i32
      %dma_wait3A_2628 = tpu.memref_slice %arg5[%dma_wait3A_2627] : memref<2560xi32, #tpu.memory_space<vmem>> -> memref<128xi32, #tpu.memory_space<vmem>>
      %dma_wait3A_2629 = arith.constant 0 : i32
      %dma_wait3A_2630 = arith.constant 0 : i32
      %dma_wait3A_2631 = tpu.memref_slice %arg3[%dma_wait3A_2629, %dma_wait3A_2630] : memref<4000x64xf32, #tpu.memory_space<hbm>> -> memref<4000x64xf32, #tpu.memory_space<hbm>>
      %dma_wait3A_2632 = tpu.memref_slice %arg7[%dma_wait3A_2622] : memref<10x!tpu.dma_semaphore, #tpu.memory_space<semaphore_mem>> -> memref<1x!tpu.dma_semaphore, #tpu.memory_space<semaphore_mem>>
      %dma_wait3A_2633 = tpu.memref_squeeze %dma_wait3A_2632 : memref<1x!tpu.dma_semaphore, #tpu.memory_space<semaphore_mem>> -> memref<!tpu.dma_semaphore, #tpu.memory_space<semaphore_mem>>
      tpu.wait_indirect_dma semaphore(%dma_wait3A_2633 : memref<!tpu.dma_semaphore, #tpu.memory_space<semaphore_mem>>) src(%dma_wait3A_2631 : memref<4000x64xf32, #tpu.memory_space<hbm>>) dst(%dma_wait3A_2626 : memref<128x64xf32, #tpu.memory_space<vmem>>)
      %sub3A_2634 = arith.constant 5 : i32
      %sub3A_2635 = arith.subi %add3A_2620, %sub3A_2634 : i32
      %mul3A_2636 = arith.constant 128 : i32
      %mul3A_2637 = arith.muli %sub3A_2635, %mul3A_2636 : i32
      %add3A_2638 = arith.addi %mul3A_2, %mul3A_2637 : i32
      %dma_start3A_2639 = arith.constant 3 : i32
      %dma_start3A_2640 = arith.constant 3 : i32
      %dma_start3A_2641 = arith.constant 0 : i32
      %dma_start3A_2642 = arith.constant 0 : i32
      %dma_start3A_2643 = tpu.memref_slice %arg6[%dma_start3A_2639, %dma_start3A_2641, %dma_start3A_2642] : memref<10x128x64xf32, #tpu.memory_space<vmem>> -> memref<1x128x64xf32, #tpu.memory_space<vmem>>
      %dma_start3A_2644 = tpu.memref_squeeze %dma_start3A_2643 : memref<1x128x64xf32, #tpu.memory_space<vmem>> -> memref<128x64xf32, #tpu.memory_space<vmem>>
      %dma_start3A_2645 = arith.constant 0 : i32
      %dma_start3A_2646 = tpu.memref_slice %arg4[%add3A_2638, %dma_start3A_2645] : memref<3276800x64xf32, #tpu.memory_space<hbm>> -> memref<128x64xf32, #tpu.memory_space<hbm>>
      %dma_start3A_2647 = tpu.memref_slice %arg8[%dma_start3A_2640] : memref<10x!tpu.dma_semaphore, #tpu.memory_space<semaphore_mem>> -> memref<1x!tpu.dma_semaphore, #tpu.memory_space<semaphore_mem>>
      %dma_start3A_2648 = tpu.memref_squeeze %dma_start3A_2647 : memref<1x!tpu.dma_semaphore, #tpu.memory_space<semaphore_mem>> -> memref<!tpu.dma_semaphore, #tpu.memory_space<semaphore_mem>>
      %dma_start3A_2649 = arith.constant 0 : i32
      %dma_start3A_2650 = tpu.memref_slice %arg4[%add3A_2638, %dma_start3A_2649] : memref<3276800x64xf32, #tpu.memory_space<hbm>> -> memref<128x64xf32, #tpu.memory_space<hbm>>
      %dma_start3A_2651 = arith.constant 0 : i32
      %dma_start3A_2652 = arith.constant 0 : i32
      %dma_start3A_2653 = tpu.memref_slice %arg6[%dma_start3A_2639, %dma_start3A_2651, %dma_start3A_2652] : memref<10x128x64xf32, #tpu.memory_space<vmem>> -> memref<1x128x64xf32, #tpu.memory_space<vmem>>
      %dma_start3A_2654 = tpu.memref_squeeze %dma_start3A_2653 : memref<1x128x64xf32, #tpu.memory_space<vmem>> -> memref<128x64xf32, #tpu.memory_space<vmem>>
      tpu.enqueue_dma source(%dma_start3A_2654 : memref<128x64xf32, #tpu.memory_space<vmem>>) target(%dma_start3A_2650 : memref<128x64xf32, #tpu.memory_space<hbm>>) target_semaphore(%dma_start3A_2648 : memref<!tpu.dma_semaphore, #tpu.memory_space<semaphore_mem>>)
      %dma_wait3A_2655 = arith.constant 8 : i32
      %dma_wait3A_2656 = arith.constant 8 : i32
      %dma_wait3A_2657 = arith.constant 0 : i32
      %dma_wait3A_2658 = arith.constant 0 : i32
      %dma_wait3A_2659 = tpu.memref_slice %arg6[%dma_wait3A_2655, %dma_wait3A_2657, %dma_wait3A_2658] : memref<10x128x64xf32, #tpu.memory_space<vmem>> -> memref<1x128x64xf32, #tpu.memory_space<vmem>>
      %dma_wait3A_2660 = tpu.memref_squeeze %dma_wait3A_2659 : memref<1x128x64xf32, #tpu.memory_space<vmem>> -> memref<128x64xf32, #tpu.memory_space<vmem>>
      %dma_wait3A_2661 = arith.constant 0 : i32
      %dma_wait3A_2662 = arith.constant 0 : i32
      %dma_wait3A_2663 = tpu.memref_slice %arg4[%dma_wait3A_2661, %dma_wait3A_2662] : memref<3276800x64xf32, #tpu.memory_space<hbm>> -> memref<128x64xf32, #tpu.memory_space<hbm>>
      %dma_wait3A_2664 = tpu.memref_slice %arg8[%dma_wait3A_2656] : memref<10x!tpu.dma_semaphore, #tpu.memory_space<semaphore_mem>> -> memref<1x!tpu.dma_semaphore, #tpu.memory_space<semaphore_mem>>
      %dma_wait3A_2665 = tpu.memref_squeeze %dma_wait3A_2664 : memref<1x!tpu.dma_semaphore, #tpu.memory_space<semaphore_mem>> -> memref<!tpu.dma_semaphore, #tpu.memory_space<semaphore_mem>>
      %dma_wait3A_2666 = arith.constant 0 : i32
      %dma_wait3A_2667 = arith.constant 0 : i32
      %dma_wait3A_2668 = tpu.memref_slice %arg4[%dma_wait3A_2666, %dma_wait3A_2667] : memref<3276800x64xf32, #tpu.memory_space<hbm>> -> memref<128x64xf32, #tpu.memory_space<hbm>>
      %dma_wait3A_2669 = arith.constant 0 : i32
      %dma_wait3A_2670 = arith.constant 0 : i32
      %dma_wait3A_2671 = tpu.memref_slice %arg6[%dma_wait3A_2655, %dma_wait3A_2669, %dma_wait3A_2670] : memref<10x128x64xf32, #tpu.memory_space<vmem>> -> memref<1x128x64xf32, #tpu.memory_space<vmem>>
      %dma_wait3A_2672 = tpu.memref_squeeze %dma_wait3A_2671 : memref<1x128x64xf32, #tpu.memory_space<vmem>> -> memref<128x64xf32, #tpu.memory_space<vmem>>
      tpu.wait_dma2 semaphore(%dma_wait3A_2665 : memref<!tpu.dma_semaphore, #tpu.memory_space<semaphore_mem>>) src(%dma_wait3A_2672 : memref<128x64xf32, #tpu.memory_space<vmem>>) dst(%dma_wait3A_2668 : memref<128x64xf32, #tpu.memory_space<hbm>>)
      %dma_start3A_2673 = arith.constant 8 : i32
      %dma_start3A_2674 = arith.constant 8 : i32
      %dma_start3A_2675 = arith.constant 0 : i32
      %dma_start3A_2676 = arith.constant 0 : i32
      %dma_start3A_2677 = tpu.memref_slice %arg6[%dma_start3A_2673, %dma_start3A_2675, %dma_start3A_2676] : memref<10x128x64xf32, #tpu.memory_space<vmem>> -> memref<1x128x64xf32, #tpu.memory_space<vmem>>
      %dma_start3A_2678 = tpu.memref_squeeze %dma_start3A_2677 : memref<1x128x64xf32, #tpu.memory_space<vmem>> -> memref<128x64xf32, #tpu.memory_space<vmem>>
      %dma_start3A_2679 = arith.constant 2304 : i32
      %dma_start3A_2680 = tpu.memref_slice %arg5[%dma_start3A_2679] : memref<2560xi32, #tpu.memory_space<vmem>> -> memref<128xi32, #tpu.memory_space<vmem>>
      %dma_start3A_2681 = arith.constant 0 : i32
      %dma_start3A_2682 = arith.constant 0 : i32
      %dma_start3A_2683 = tpu.memref_slice %arg3[%dma_start3A_2681, %dma_start3A_2682] : memref<4000x64xf32, #tpu.memory_space<hbm>> -> memref<4000x64xf32, #tpu.memory_space<hbm>>
      %dma_start3A_2684 = tpu.memref_slice %arg7[%dma_start3A_2674] : memref<10x!tpu.dma_semaphore, #tpu.memory_space<semaphore_mem>> -> memref<1x!tpu.dma_semaphore, #tpu.memory_space<semaphore_mem>>
      %dma_start3A_2685 = tpu.memref_squeeze %dma_start3A_2684 : memref<1x!tpu.dma_semaphore, #tpu.memory_space<semaphore_mem>> -> memref<!tpu.dma_semaphore, #tpu.memory_space<semaphore_mem>>
      tpu.enqueue_indirect_dma source(%dma_start3A_2683 : memref<4000x64xf32, #tpu.memory_space<hbm>>) target(%dma_start3A_2678 : memref<128x64xf32, #tpu.memory_space<vmem>>) offsets(%dma_start3A_2680 : memref<128xi32, #tpu.memory_space<vmem>>) semaphore(%dma_start3A_2685 : memref<!tpu.dma_semaphore, #tpu.memory_space<semaphore_mem>>)
      %mul3A_2686 = arith.constant 10 : i32
      %mul3A_2687 = arith.muli %add3A_1415, %mul3A_2686 : i32
      %add3A_2688 = arith.constant 9 : i32
      %add3A_2689 = arith.addi %mul3A_2687, %add3A_2688 : i32
      %dma_wait3A_2690 = arith.constant 4 : i32
      %dma_wait3A_2691 = arith.constant 4 : i32
      %dma_wait3A_2692 = arith.constant 0 : i32
      %dma_wait3A_2693 = arith.constant 0 : i32
      %dma_wait3A_2694 = tpu.memref_slice %arg6[%dma_wait3A_2690, %dma_wait3A_2692, %dma_wait3A_2693] : memref<10x128x64xf32, #tpu.memory_space<vmem>> -> memref<1x128x64xf32, #tpu.memory_space<vmem>>
      %dma_wait3A_2695 = tpu.memref_squeeze %dma_wait3A_2694 : memref<1x128x64xf32, #tpu.memory_space<vmem>> -> memref<128x64xf32, #tpu.memory_space<vmem>>
      %dma_wait3A_2696 = arith.constant 0 : i32
      %dma_wait3A_2697 = tpu.memref_slice %arg5[%dma_wait3A_2696] : memref<2560xi32, #tpu.memory_space<vmem>> -> memref<128xi32, #tpu.memory_space<vmem>>
      %dma_wait3A_2698 = arith.constant 0 : i32
      %dma_wait3A_2699 = arith.constant 0 : i32
      %dma_wait3A_2700 = tpu.memref_slice %arg3[%dma_wait3A_2698, %dma_wait3A_2699] : memref<4000x64xf32, #tpu.memory_space<hbm>> -> memref<4000x64xf32, #tpu.memory_space<hbm>>
      %dma_wait3A_2701 = tpu.memref_slice %arg7[%dma_wait3A_2691] : memref<10x!tpu.dma_semaphore, #tpu.memory_space<semaphore_mem>> -> memref<1x!tpu.dma_semaphore, #tpu.memory_space<semaphore_mem>>
      %dma_wait3A_2702 = tpu.memref_squeeze %dma_wait3A_2701 : memref<1x!tpu.dma_semaphore, #tpu.memory_space<semaphore_mem>> -> memref<!tpu.dma_semaphore, #tpu.memory_space<semaphore_mem>>
      tpu.wait_indirect_dma semaphore(%dma_wait3A_2702 : memref<!tpu.dma_semaphore, #tpu.memory_space<semaphore_mem>>) src(%dma_wait3A_2700 : memref<4000x64xf32, #tpu.memory_space<hbm>>) dst(%dma_wait3A_2695 : memref<128x64xf32, #tpu.memory_space<vmem>>)
      %sub3A_2703 = arith.constant 5 : i32
      %sub3A_2704 = arith.subi %add3A_2689, %sub3A_2703 : i32
      %mul3A_2705 = arith.constant 128 : i32
      %mul3A_2706 = arith.muli %sub3A_2704, %mul3A_2705 : i32
      %add3A_2707 = arith.addi %mul3A_2, %mul3A_2706 : i32
      %dma_start3A_2708 = arith.constant 4 : i32
      %dma_start3A_2709 = arith.constant 4 : i32
      %dma_start3A_2710 = arith.constant 0 : i32
      %dma_start3A_2711 = arith.constant 0 : i32
      %dma_start3A_2712 = tpu.memref_slice %arg6[%dma_start3A_2708, %dma_start3A_2710, %dma_start3A_2711] : memref<10x128x64xf32, #tpu.memory_space<vmem>> -> memref<1x128x64xf32, #tpu.memory_space<vmem>>
      %dma_start3A_2713 = tpu.memref_squeeze %dma_start3A_2712 : memref<1x128x64xf32, #tpu.memory_space<vmem>> -> memref<128x64xf32, #tpu.memory_space<vmem>>
      %dma_start3A_2714 = arith.constant 0 : i32
      %dma_start3A_2715 = tpu.memref_slice %arg4[%add3A_2707, %dma_start3A_2714] : memref<3276800x64xf32, #tpu.memory_space<hbm>> -> memref<128x64xf32, #tpu.memory_space<hbm>>
      %dma_start3A_2716 = tpu.memref_slice %arg8[%dma_start3A_2709] : memref<10x!tpu.dma_semaphore, #tpu.memory_space<semaphore_mem>> -> memref<1x!tpu.dma_semaphore, #tpu.memory_space<semaphore_mem>>
      %dma_start3A_2717 = tpu.memref_squeeze %dma_start3A_2716 : memref<1x!tpu.dma_semaphore, #tpu.memory_space<semaphore_mem>> -> memref<!tpu.dma_semaphore, #tpu.memory_space<semaphore_mem>>
      %dma_start3A_2718 = arith.constant 0 : i32
      %dma_start3A_2719 = tpu.memref_slice %arg4[%add3A_2707, %dma_start3A_2718] : memref<3276800x64xf32, #tpu.memory_space<hbm>> -> memref<128x64xf32, #tpu.memory_space<hbm>>
      %dma_start3A_2720 = arith.constant 0 : i32
      %dma_start3A_2721 = arith.constant 0 : i32
      %dma_start3A_2722 = tpu.memref_slice %arg6[%dma_start3A_2708, %dma_start3A_2720, %dma_start3A_2721] : memref<10x128x64xf32, #tpu.memory_space<vmem>> -> memref<1x128x64xf32, #tpu.memory_space<vmem>>
      %dma_start3A_2723 = tpu.memref_squeeze %dma_start3A_2722 : memref<1x128x64xf32, #tpu.memory_space<vmem>> -> memref<128x64xf32, #tpu.memory_space<vmem>>
      tpu.enqueue_dma source(%dma_start3A_2723 : memref<128x64xf32, #tpu.memory_space<vmem>>) target(%dma_start3A_2719 : memref<128x64xf32, #tpu.memory_space<hbm>>) target_semaphore(%dma_start3A_2717 : memref<!tpu.dma_semaphore, #tpu.memory_space<semaphore_mem>>)
      %dma_wait3A_2724 = arith.constant 9 : i32
      %dma_wait3A_2725 = arith.constant 9 : i32
      %dma_wait3A_2726 = arith.constant 0 : i32
      %dma_wait3A_2727 = arith.constant 0 : i32
      %dma_wait3A_2728 = tpu.memref_slice %arg6[%dma_wait3A_2724, %dma_wait3A_2726, %dma_wait3A_2727] : memref<10x128x64xf32, #tpu.memory_space<vmem>> -> memref<1x128x64xf32, #tpu.memory_space<vmem>>
      %dma_wait3A_2729 = tpu.memref_squeeze %dma_wait3A_2728 : memref<1x128x64xf32, #tpu.memory_space<vmem>> -> memref<128x64xf32, #tpu.memory_space<vmem>>
      %dma_wait3A_2730 = arith.constant 0 : i32
      %dma_wait3A_2731 = arith.constant 0 : i32
      %dma_wait3A_2732 = tpu.memref_slice %arg4[%dma_wait3A_2730, %dma_wait3A_2731] : memref<3276800x64xf32, #tpu.memory_space<hbm>> -> memref<128x64xf32, #tpu.memory_space<hbm>>
      %dma_wait3A_2733 = tpu.memref_slice %arg8[%dma_wait3A_2725] : memref<10x!tpu.dma_semaphore, #tpu.memory_space<semaphore_mem>> -> memref<1x!tpu.dma_semaphore, #tpu.memory_space<semaphore_mem>>
      %dma_wait3A_2734 = tpu.memref_squeeze %dma_wait3A_2733 : memref<1x!tpu.dma_semaphore, #tpu.memory_space<semaphore_mem>> -> memref<!tpu.dma_semaphore, #tpu.memory_space<semaphore_mem>>
      %dma_wait3A_2735 = arith.constant 0 : i32
      %dma_wait3A_2736 = arith.constant 0 : i32
      %dma_wait3A_2737 = tpu.memref_slice %arg4[%dma_wait3A_2735, %dma_wait3A_2736] : memref<3276800x64xf32, #tpu.memory_space<hbm>> -> memref<128x64xf32, #tpu.memory_space<hbm>>
      %dma_wait3A_2738 = arith.constant 0 : i32
      %dma_wait3A_2739 = arith.constant 0 : i32
      %dma_wait3A_2740 = tpu.memref_slice %arg6[%dma_wait3A_2724, %dma_wait3A_2738, %dma_wait3A_2739] : memref<10x128x64xf32, #tpu.memory_space<vmem>> -> memref<1x128x64xf32, #tpu.memory_space<vmem>>
      %dma_wait3A_2741 = tpu.memref_squeeze %dma_wait3A_2740 : memref<1x128x64xf32, #tpu.memory_space<vmem>> -> memref<128x64xf32, #tpu.memory_space<vmem>>
      tpu.wait_dma2 semaphore(%dma_wait3A_2734 : memref<!tpu.dma_semaphore, #tpu.memory_space<semaphore_mem>>) src(%dma_wait3A_2741 : memref<128x64xf32, #tpu.memory_space<vmem>>) dst(%dma_wait3A_2737 : memref<128x64xf32, #tpu.memory_space<hbm>>)
      %dma_start3A_2742 = arith.constant 9 : i32
      %dma_start3A_2743 = arith.constant 9 : i32
      %dma_start3A_2744 = arith.constant 0 : i32
      %dma_start3A_2745 = arith.constant 0 : i32
      %dma_start3A_2746 = tpu.memref_slice %arg6[%dma_start3A_2742, %dma_start3A_2744, %dma_start3A_2745] : memref<10x128x64xf32, #tpu.memory_space<vmem>> -> memref<1x128x64xf32, #tpu.memory_space<vmem>>
      %dma_start3A_2747 = tpu.memref_squeeze %dma_start3A_2746 : memref<1x128x64xf32, #tpu.memory_space<vmem>> -> memref<128x64xf32, #tpu.memory_space<vmem>>
      %dma_start3A_2748 = arith.constant 2432 : i32
      %dma_start3A_2749 = tpu.memref_slice %arg5[%dma_start3A_2748] : memref<2560xi32, #tpu.memory_space<vmem>> -> memref<128xi32, #tpu.memory_space<vmem>>
      %dma_start3A_2750 = arith.constant 0 : i32
      %dma_start3A_2751 = arith.constant 0 : i32
      %dma_start3A_2752 = tpu.memref_slice %arg3[%dma_start3A_2750, %dma_start3A_2751] : memref<4000x64xf32, #tpu.memory_space<hbm>> -> memref<4000x64xf32, #tpu.memory_space<hbm>>
      %dma_start3A_2753 = tpu.memref_slice %arg7[%dma_start3A_2743] : memref<10x!tpu.dma_semaphore, #tpu.memory_space<semaphore_mem>> -> memref<1x!tpu.dma_semaphore, #tpu.memory_space<semaphore_mem>>
      %dma_start3A_2754 = tpu.memref_squeeze %dma_start3A_2753 : memref<1x!tpu.dma_semaphore, #tpu.memory_space<semaphore_mem>> -> memref<!tpu.dma_semaphore, #tpu.memory_space<semaphore_mem>>
      tpu.enqueue_indirect_dma source(%dma_start3A_2752 : memref<4000x64xf32, #tpu.memory_space<hbm>>) target(%dma_start3A_2747 : memref<128x64xf32, #tpu.memory_space<vmem>>) offsets(%dma_start3A_2749 : memref<128xi32, #tpu.memory_space<vmem>>) semaphore(%dma_start3A_2754 : memref<!tpu.dma_semaphore, #tpu.memory_space<semaphore_mem>>)
    }
    %scan3A_14 = arith.constant 40 : i32
    %dma_wait3A = arith.constant 5 : i32
    %dma_wait3A_15 = arith.constant 5 : i32
    %dma_wait3A_16 = arith.constant 0 : i32
    %dma_wait3A_17 = arith.constant 0 : i32
    %dma_wait3A_18 = tpu.memref_slice %arg6[%dma_wait3A, %dma_wait3A_16, %dma_wait3A_17] : memref<10x128x64xf32, #tpu.memory_space<vmem>> -> memref<1x128x64xf32, #tpu.memory_space<vmem>>
    %dma_wait3A_19 = tpu.memref_squeeze %dma_wait3A_18 : memref<1x128x64xf32, #tpu.memory_space<vmem>> -> memref<128x64xf32, #tpu.memory_space<vmem>>
    %dma_wait3A_20 = arith.constant 0 : i32
    %dma_wait3A_21 = tpu.memref_slice %arg5[%dma_wait3A_20] : memref<2560xi32, #tpu.memory_space<vmem>> -> memref<128xi32, #tpu.memory_space<vmem>>
    %dma_wait3A_22 = arith.constant 0 : i32
    %dma_wait3A_23 = arith.constant 0 : i32
    %dma_wait3A_24 = tpu.memref_slice %arg3[%dma_wait3A_22, %dma_wait3A_23] : memref<4000x64xf32, #tpu.memory_space<hbm>> -> memref<4000x64xf32, #tpu.memory_space<hbm>>
    %dma_wait3A_25 = tpu.memref_slice %arg7[%dma_wait3A_15] : memref<10x!tpu.dma_semaphore, #tpu.memory_space<semaphore_mem>> -> memref<1x!tpu.dma_semaphore, #tpu.memory_space<semaphore_mem>>
    %dma_wait3A_26 = tpu.memref_squeeze %dma_wait3A_25 : memref<1x!tpu.dma_semaphore, #tpu.memory_space<semaphore_mem>> -> memref<!tpu.dma_semaphore, #tpu.memory_space<semaphore_mem>>
    tpu.wait_indirect_dma semaphore(%dma_wait3A_26 : memref<!tpu.dma_semaphore, #tpu.memory_space<semaphore_mem>>) src(%dma_wait3A_24 : memref<4000x64xf32, #tpu.memory_space<hbm>>) dst(%dma_wait3A_19 : memref<128x64xf32, #tpu.memory_space<vmem>>)
    %add3A_27 = arith.constant 101760 : i32
    %add3A_28 = arith.addi %mul3A_2, %add3A_27 : i32
    %dma_start3A = arith.constant 5 : i32
    %dma_start3A_29 = arith.constant 5 : i32
    %dma_start3A_30 = arith.constant 0 : i32
    %dma_start3A_31 = arith.constant 0 : i32
    %dma_start3A_32 = tpu.memref_slice %arg6[%dma_start3A, %dma_start3A_30, %dma_start3A_31] : memref<10x128x64xf32, #tpu.memory_space<vmem>> -> memref<1x128x64xf32, #tpu.memory_space<vmem>>
    %dma_start3A_33 = tpu.memref_squeeze %dma_start3A_32 : memref<1x128x64xf32, #tpu.memory_space<vmem>> -> memref<128x64xf32, #tpu.memory_space<vmem>>
    %dma_start3A_34 = arith.constant 0 : i32
    %dma_start3A_35 = tpu.memref_slice %arg4[%add3A_28, %dma_start3A_34] : memref<3276800x64xf32, #tpu.memory_space<hbm>> -> memref<128x64xf32, #tpu.memory_space<hbm>>
    %dma_start3A_36 = tpu.memref_slice %arg8[%dma_start3A_29] : memref<10x!tpu.dma_semaphore, #tpu.memory_space<semaphore_mem>> -> memref<1x!tpu.dma_semaphore, #tpu.memory_space<semaphore_mem>>
    %dma_start3A_37 = tpu.memref_squeeze %dma_start3A_36 : memref<1x!tpu.dma_semaphore, #tpu.memory_space<semaphore_mem>> -> memref<!tpu.dma_semaphore, #tpu.memory_space<semaphore_mem>>
    %dma_start3A_38 = arith.constant 0 : i32
    %dma_start3A_39 = tpu.memref_slice %arg4[%add3A_28, %dma_start3A_38] : memref<3276800x64xf32, #tpu.memory_space<hbm>> -> memref<128x64xf32, #tpu.memory_space<hbm>>
    %dma_start3A_40 = arith.constant 0 : i32
    %dma_start3A_41 = arith.constant 0 : i32
    %dma_start3A_42 = tpu.memref_slice %arg6[%dma_start3A, %dma_start3A_40, %dma_start3A_41] : memref<10x128x64xf32, #tpu.memory_space<vmem>> -> memref<1x128x64xf32, #tpu.memory_space<vmem>>
    %dma_start3A_43 = tpu.memref_squeeze %dma_start3A_42 : memref<1x128x64xf32, #tpu.memory_space<vmem>> -> memref<128x64xf32, #tpu.memory_space<vmem>>
    tpu.enqueue_dma source(%dma_start3A_43 : memref<128x64xf32, #tpu.memory_space<vmem>>) target(%dma_start3A_39 : memref<128x64xf32, #tpu.memory_space<hbm>>) target_semaphore(%dma_start3A_37 : memref<!tpu.dma_semaphore, #tpu.memory_space<semaphore_mem>>)
    %dma_wait3A_44 = arith.constant 6 : i32
    %dma_wait3A_45 = arith.constant 6 : i32
    %dma_wait3A_46 = arith.constant 0 : i32
    %dma_wait3A_47 = arith.constant 0 : i32
    %dma_wait3A_48 = tpu.memref_slice %arg6[%dma_wait3A_44, %dma_wait3A_46, %dma_wait3A_47] : memref<10x128x64xf32, #tpu.memory_space<vmem>> -> memref<1x128x64xf32, #tpu.memory_space<vmem>>
    %dma_wait3A_49 = tpu.memref_squeeze %dma_wait3A_48 : memref<1x128x64xf32, #tpu.memory_space<vmem>> -> memref<128x64xf32, #tpu.memory_space<vmem>>
    %dma_wait3A_50 = arith.constant 0 : i32
    %dma_wait3A_51 = tpu.memref_slice %arg5[%dma_wait3A_50] : memref<2560xi32, #tpu.memory_space<vmem>> -> memref<128xi32, #tpu.memory_space<vmem>>
    %dma_wait3A_52 = arith.constant 0 : i32
    %dma_wait3A_53 = arith.constant 0 : i32
    %dma_wait3A_54 = tpu.memref_slice %arg3[%dma_wait3A_52, %dma_wait3A_53] : memref<4000x64xf32, #tpu.memory_space<hbm>> -> memref<4000x64xf32, #tpu.memory_space<hbm>>
    %dma_wait3A_55 = tpu.memref_slice %arg7[%dma_wait3A_45] : memref<10x!tpu.dma_semaphore, #tpu.memory_space<semaphore_mem>> -> memref<1x!tpu.dma_semaphore, #tpu.memory_space<semaphore_mem>>
    %dma_wait3A_56 = tpu.memref_squeeze %dma_wait3A_55 : memref<1x!tpu.dma_semaphore, #tpu.memory_space<semaphore_mem>> -> memref<!tpu.dma_semaphore, #tpu.memory_space<semaphore_mem>>
    tpu.wait_indirect_dma semaphore(%dma_wait3A_56 : memref<!tpu.dma_semaphore, #tpu.memory_space<semaphore_mem>>) src(%dma_wait3A_54 : memref<4000x64xf32, #tpu.memory_space<hbm>>) dst(%dma_wait3A_49 : memref<128x64xf32, #tpu.memory_space<vmem>>)
    %add3A_57 = arith.constant 101888 : i32
    %add3A_58 = arith.addi %mul3A_2, %add3A_57 : i32
    %dma_start3A_59 = arith.constant 6 : i32
    %dma_start3A_60 = arith.constant 6 : i32
    %dma_start3A_61 = arith.constant 0 : i32
    %dma_start3A_62 = arith.constant 0 : i32
    %dma_start3A_63 = tpu.memref_slice %arg6[%dma_start3A_59, %dma_start3A_61, %dma_start3A_62] : memref<10x128x64xf32, #tpu.memory_space<vmem>> -> memref<1x128x64xf32, #tpu.memory_space<vmem>>
    %dma_start3A_64 = tpu.memref_squeeze %dma_start3A_63 : memref<1x128x64xf32, #tpu.memory_space<vmem>> -> memref<128x64xf32, #tpu.memory_space<vmem>>
    %dma_start3A_65 = arith.constant 0 : i32
    %dma_start3A_66 = tpu.memref_slice %arg4[%add3A_58, %dma_start3A_65] : memref<3276800x64xf32, #tpu.memory_space<hbm>> -> memref<128x64xf32, #tpu.memory_space<hbm>>
    %dma_start3A_67 = tpu.memref_slice %arg8[%dma_start3A_60] : memref<10x!tpu.dma_semaphore, #tpu.memory_space<semaphore_mem>> -> memref<1x!tpu.dma_semaphore, #tpu.memory_space<semaphore_mem>>
    %dma_start3A_68 = tpu.memref_squeeze %dma_start3A_67 : memref<1x!tpu.dma_semaphore, #tpu.memory_space<semaphore_mem>> -> memref<!tpu.dma_semaphore, #tpu.memory_space<semaphore_mem>>
    %dma_start3A_69 = arith.constant 0 : i32
    %dma_start3A_70 = tpu.memref_slice %arg4[%add3A_58, %dma_start3A_69] : memref<3276800x64xf32, #tpu.memory_space<hbm>> -> memref<128x64xf32, #tpu.memory_space<hbm>>
    %dma_start3A_71 = arith.constant 0 : i32
    %dma_start3A_72 = arith.constant 0 : i32
    %dma_start3A_73 = tpu.memref_slice %arg6[%dma_start3A_59, %dma_start3A_71, %dma_start3A_72] : memref<10x128x64xf32, #tpu.memory_space<vmem>> -> memref<1x128x64xf32, #tpu.memory_space<vmem>>
    %dma_start3A_74 = tpu.memref_squeeze %dma_start3A_73 : memref<1x128x64xf32, #tpu.memory_space<vmem>> -> memref<128x64xf32, #tpu.memory_space<vmem>>
    tpu.enqueue_dma source(%dma_start3A_74 : memref<128x64xf32, #tpu.memory_space<vmem>>) target(%dma_start3A_70 : memref<128x64xf32, #tpu.memory_space<hbm>>) target_semaphore(%dma_start3A_68 : memref<!tpu.dma_semaphore, #tpu.memory_space<semaphore_mem>>)
    %dma_wait3A_75 = arith.constant 7 : i32
    %dma_wait3A_76 = arith.constant 7 : i32
    %dma_wait3A_77 = arith.constant 0 : i32
    %dma_wait3A_78 = arith.constant 0 : i32
    %dma_wait3A_79 = tpu.memref_slice %arg6[%dma_wait3A_75, %dma_wait3A_77, %dma_wait3A_78] : memref<10x128x64xf32, #tpu.memory_space<vmem>> -> memref<1x128x64xf32, #tpu.memory_space<vmem>>
    %dma_wait3A_80 = tpu.memref_squeeze %dma_wait3A_79 : memref<1x128x64xf32, #tpu.memory_space<vmem>> -> memref<128x64xf32, #tpu.memory_space<vmem>>
    %dma_wait3A_81 = arith.constant 0 : i32
    %dma_wait3A_82 = tpu.memref_slice %arg5[%dma_wait3A_81] : memref<2560xi32, #tpu.memory_space<vmem>> -> memref<128xi32, #tpu.memory_space<vmem>>
    %dma_wait3A_83 = arith.constant 0 : i32
    %dma_wait3A_84 = arith.constant 0 : i32
    %dma_wait3A_85 = tpu.memref_slice %arg3[%dma_wait3A_83, %dma_wait3A_84] : memref<4000x64xf32, #tpu.memory_space<hbm>> -> memref<4000x64xf32, #tpu.memory_space<hbm>>
    %dma_wait3A_86 = tpu.memref_slice %arg7[%dma_wait3A_76] : memref<10x!tpu.dma_semaphore, #tpu.memory_space<semaphore_mem>> -> memref<1x!tpu.dma_semaphore, #tpu.memory_space<semaphore_mem>>
    %dma_wait3A_87 = tpu.memref_squeeze %dma_wait3A_86 : memref<1x!tpu.dma_semaphore, #tpu.memory_space<semaphore_mem>> -> memref<!tpu.dma_semaphore, #tpu.memory_space<semaphore_mem>>
    tpu.wait_indirect_dma semaphore(%dma_wait3A_87 : memref<!tpu.dma_semaphore, #tpu.memory_space<semaphore_mem>>) src(%dma_wait3A_85 : memref<4000x64xf32, #tpu.memory_space<hbm>>) dst(%dma_wait3A_80 : memref<128x64xf32, #tpu.memory_space<vmem>>)
    %add3A_88 = arith.constant 102016 : i32
    %add3A_89 = arith.addi %mul3A_2, %add3A_88 : i32
    %dma_start3A_90 = arith.constant 7 : i32
    %dma_start3A_91 = arith.constant 7 : i32
    %dma_start3A_92 = arith.constant 0 : i32
    %dma_start3A_93 = arith.constant 0 : i32
    %dma_start3A_94 = tpu.memref_slice %arg6[%dma_start3A_90, %dma_start3A_92, %dma_start3A_93] : memref<10x128x64xf32, #tpu.memory_space<vmem>> -> memref<1x128x64xf32, #tpu.memory_space<vmem>>
    %dma_start3A_95 = tpu.memref_squeeze %dma_start3A_94 : memref<1x128x64xf32, #tpu.memory_space<vmem>> -> memref<128x64xf32, #tpu.memory_space<vmem>>
    %dma_start3A_96 = arith.constant 0 : i32
    %dma_start3A_97 = tpu.memref_slice %arg4[%add3A_89, %dma_start3A_96] : memref<3276800x64xf32, #tpu.memory_space<hbm>> -> memref<128x64xf32, #tpu.memory_space<hbm>>
    %dma_start3A_98 = tpu.memref_slice %arg8[%dma_start3A_91] : memref<10x!tpu.dma_semaphore, #tpu.memory_space<semaphore_mem>> -> memref<1x!tpu.dma_semaphore, #tpu.memory_space<semaphore_mem>>
    %dma_start3A_99 = tpu.memref_squeeze %dma_start3A_98 : memref<1x!tpu.dma_semaphore, #tpu.memory_space<semaphore_mem>> -> memref<!tpu.dma_semaphore, #tpu.memory_space<semaphore_mem>>
    %dma_start3A_100 = arith.constant 0 : i32
    %dma_start3A_101 = tpu.memref_slice %arg4[%add3A_89, %dma_start3A_100] : memref<3276800x64xf32, #tpu.memory_space<hbm>> -> memref<128x64xf32, #tpu.memory_space<hbm>>
    %dma_start3A_102 = arith.constant 0 : i32
    %dma_start3A_103 = arith.constant 0 : i32
    %dma_start3A_104 = tpu.memref_slice %arg6[%dma_start3A_90, %dma_start3A_102, %dma_start3A_103] : memref<10x128x64xf32, #tpu.memory_space<vmem>> -> memref<1x128x64xf32, #tpu.memory_space<vmem>>
    %dma_start3A_105 = tpu.memref_squeeze %dma_start3A_104 : memref<1x128x64xf32, #tpu.memory_space<vmem>> -> memref<128x64xf32, #tpu.memory_space<vmem>>
    tpu.enqueue_dma source(%dma_start3A_105 : memref<128x64xf32, #tpu.memory_space<vmem>>) target(%dma_start3A_101 : memref<128x64xf32, #tpu.memory_space<hbm>>) target_semaphore(%dma_start3A_99 : memref<!tpu.dma_semaphore, #tpu.memory_space<semaphore_mem>>)
    %dma_wait3A_106 = arith.constant 8 : i32
    %dma_wait3A_107 = arith.constant 8 : i32
    %dma_wait3A_108 = arith.constant 0 : i32
    %dma_wait3A_109 = arith.constant 0 : i32
    %dma_wait3A_110 = tpu.memref_slice %arg6[%dma_wait3A_106, %dma_wait3A_108, %dma_wait3A_109] : memref<10x128x64xf32, #tpu.memory_space<vmem>> -> memref<1x128x64xf32, #tpu.memory_space<vmem>>
    %dma_wait3A_111 = tpu.memref_squeeze %dma_wait3A_110 : memref<1x128x64xf32, #tpu.memory_space<vmem>> -> memref<128x64xf32, #tpu.memory_space<vmem>>
    %dma_wait3A_112 = arith.constant 0 : i32
    %dma_wait3A_113 = tpu.memref_slice %arg5[%dma_wait3A_112] : memref<2560xi32, #tpu.memory_space<vmem>> -> memref<128xi32, #tpu.memory_space<vmem>>
    %dma_wait3A_114 = arith.constant 0 : i32
    %dma_wait3A_115 = arith.constant 0 : i32
    %dma_wait3A_116 = tpu.memref_slice %arg3[%dma_wait3A_114, %dma_wait3A_115] : memref<4000x64xf32, #tpu.memory_space<hbm>> -> memref<4000x64xf32, #tpu.memory_space<hbm>>
    %dma_wait3A_117 = tpu.memref_slice %arg7[%dma_wait3A_107] : memref<10x!tpu.dma_semaphore, #tpu.memory_space<semaphore_mem>> -> memref<1x!tpu.dma_semaphore, #tpu.memory_space<semaphore_mem>>
    %dma_wait3A_118 = tpu.memref_squeeze %dma_wait3A_117 : memref<1x!tpu.dma_semaphore, #tpu.memory_space<semaphore_mem>> -> memref<!tpu.dma_semaphore, #tpu.memory_space<semaphore_mem>>
    tpu.wait_indirect_dma semaphore(%dma_wait3A_118 : memref<!tpu.dma_semaphore, #tpu.memory_space<semaphore_mem>>) src(%dma_wait3A_116 : memref<4000x64xf32, #tpu.memory_space<hbm>>) dst(%dma_wait3A_111 : memref<128x64xf32, #tpu.memory_space<vmem>>)
    %add3A_119 = arith.constant 102144 : i32
    %add3A_120 = arith.addi %mul3A_2, %add3A_119 : i32
    %dma_start3A_121 = arith.constant 8 : i32
    %dma_start3A_122 = arith.constant 8 : i32
    %dma_start3A_123 = arith.constant 0 : i32
    %dma_start3A_124 = arith.constant 0 : i32
    %dma_start3A_125 = tpu.memref_slice %arg6[%dma_start3A_121, %dma_start3A_123, %dma_start3A_124] : memref<10x128x64xf32, #tpu.memory_space<vmem>> -> memref<1x128x64xf32, #tpu.memory_space<vmem>>
    %dma_start3A_126 = tpu.memref_squeeze %dma_start3A_125 : memref<1x128x64xf32, #tpu.memory_space<vmem>> -> memref<128x64xf32, #tpu.memory_space<vmem>>
    %dma_start3A_127 = arith.constant 0 : i32
    %dma_start3A_128 = tpu.memref_slice %arg4[%add3A_120, %dma_start3A_127] : memref<3276800x64xf32, #tpu.memory_space<hbm>> -> memref<128x64xf32, #tpu.memory_space<hbm>>
    %dma_start3A_129 = tpu.memref_slice %arg8[%dma_start3A_122] : memref<10x!tpu.dma_semaphore, #tpu.memory_space<semaphore_mem>> -> memref<1x!tpu.dma_semaphore, #tpu.memory_space<semaphore_mem>>
    %dma_start3A_130 = tpu.memref_squeeze %dma_start3A_129 : memref<1x!tpu.dma_semaphore, #tpu.memory_space<semaphore_mem>> -> memref<!tpu.dma_semaphore, #tpu.memory_space<semaphore_mem>>
    %dma_start3A_131 = arith.constant 0 : i32
    %dma_start3A_132 = tpu.memref_slice %arg4[%add3A_120, %dma_start3A_131] : memref<3276800x64xf32, #tpu.memory_space<hbm>> -> memref<128x64xf32, #tpu.memory_space<hbm>>
    %dma_start3A_133 = arith.constant 0 : i32
    %dma_start3A_134 = arith.constant 0 : i32
    %dma_start3A_135 = tpu.memref_slice %arg6[%dma_start3A_121, %dma_start3A_133, %dma_start3A_134] : memref<10x128x64xf32, #tpu.memory_space<vmem>> -> memref<1x128x64xf32, #tpu.memory_space<vmem>>
    %dma_start3A_136 = tpu.memref_squeeze %dma_start3A_135 : memref<1x128x64xf32, #tpu.memory_space<vmem>> -> memref<128x64xf32, #tpu.memory_space<vmem>>
    tpu.enqueue_dma source(%dma_start3A_136 : memref<128x64xf32, #tpu.memory_space<vmem>>) target(%dma_start3A_132 : memref<128x64xf32, #tpu.memory_space<hbm>>) target_semaphore(%dma_start3A_130 : memref<!tpu.dma_semaphore, #tpu.memory_space<semaphore_mem>>)
    %dma_wait3A_137 = arith.constant 9 : i32
    %dma_wait3A_138 = arith.constant 9 : i32
    %dma_wait3A_139 = arith.constant 0 : i32
    %dma_wait3A_140 = arith.constant 0 : i32
    %dma_wait3A_141 = tpu.memref_slice %arg6[%dma_wait3A_137, %dma_wait3A_139, %dma_wait3A_140] : memref<10x128x64xf32, #tpu.memory_space<vmem>> -> memref<1x128x64xf32, #tpu.memory_space<vmem>>
    %dma_wait3A_142 = tpu.memref_squeeze %dma_wait3A_141 : memref<1x128x64xf32, #tpu.memory_space<vmem>> -> memref<128x64xf32, #tpu.memory_space<vmem>>
    %dma_wait3A_143 = arith.constant 0 : i32
    %dma_wait3A_144 = tpu.memref_slice %arg5[%dma_wait3A_143] : memref<2560xi32, #tpu.memory_space<vmem>> -> memref<128xi32, #tpu.memory_space<vmem>>
    %dma_wait3A_145 = arith.constant 0 : i32
    %dma_wait3A_146 = arith.constant 0 : i32
    %dma_wait3A_147 = tpu.memref_slice %arg3[%dma_wait3A_145, %dma_wait3A_146] : memref<4000x64xf32, #tpu.memory_space<hbm>> -> memref<4000x64xf32, #tpu.memory_space<hbm>>
    %dma_wait3A_148 = tpu.memref_slice %arg7[%dma_wait3A_138] : memref<10x!tpu.dma_semaphore, #tpu.memory_space<semaphore_mem>> -> memref<1x!tpu.dma_semaphore, #tpu.memory_space<semaphore_mem>>
    %dma_wait3A_149 = tpu.memref_squeeze %dma_wait3A_148 : memref<1x!tpu.dma_semaphore, #tpu.memory_space<semaphore_mem>> -> memref<!tpu.dma_semaphore, #tpu.memory_space<semaphore_mem>>
    tpu.wait_indirect_dma semaphore(%dma_wait3A_149 : memref<!tpu.dma_semaphore, #tpu.memory_space<semaphore_mem>>) src(%dma_wait3A_147 : memref<4000x64xf32, #tpu.memory_space<hbm>>) dst(%dma_wait3A_142 : memref<128x64xf32, #tpu.memory_space<vmem>>)
    %add3A_150 = arith.constant 102272 : i32
    %add3A_151 = arith.addi %mul3A_2, %add3A_150 : i32
    %dma_start3A_152 = arith.constant 9 : i32
    %dma_start3A_153 = arith.constant 9 : i32
    %dma_start3A_154 = arith.constant 0 : i32
    %dma_start3A_155 = arith.constant 0 : i32
    %dma_start3A_156 = tpu.memref_slice %arg6[%dma_start3A_152, %dma_start3A_154, %dma_start3A_155] : memref<10x128x64xf32, #tpu.memory_space<vmem>> -> memref<1x128x64xf32, #tpu.memory_space<vmem>>
    %dma_start3A_157 = tpu.memref_squeeze %dma_start3A_156 : memref<1x128x64xf32, #tpu.memory_space<vmem>> -> memref<128x64xf32, #tpu.memory_space<vmem>>
    %dma_start3A_158 = arith.constant 0 : i32
    %dma_start3A_159 = tpu.memref_slice %arg4[%add3A_151, %dma_start3A_158] : memref<3276800x64xf32, #tpu.memory_space<hbm>> -> memref<128x64xf32, #tpu.memory_space<hbm>>
    %dma_start3A_160 = tpu.memref_slice %arg8[%dma_start3A_153] : memref<10x!tpu.dma_semaphore, #tpu.memory_space<semaphore_mem>> -> memref<1x!tpu.dma_semaphore, #tpu.memory_space<semaphore_mem>>
    %dma_start3A_161 = tpu.memref_squeeze %dma_start3A_160 : memref<1x!tpu.dma_semaphore, #tpu.memory_space<semaphore_mem>> -> memref<!tpu.dma_semaphore, #tpu.memory_space<semaphore_mem>>
    %dma_start3A_162 = arith.constant 0 : i32
    %dma_start3A_163 = tpu.memref_slice %arg4[%add3A_151, %dma_start3A_162] : memref<3276800x64xf32, #tpu.memory_space<hbm>> -> memref<128x64xf32, #tpu.memory_space<hbm>>
    %dma_start3A_164 = arith.constant 0 : i32
    %dma_start3A_165 = arith.constant 0 : i32
    %dma_start3A_166 = tpu.memref_slice %arg6[%dma_start3A_152, %dma_start3A_164, %dma_start3A_165] : memref<10x128x64xf32, #tpu.memory_space<vmem>> -> memref<1x128x64xf32, #tpu.memory_space<vmem>>
    %dma_start3A_167 = tpu.memref_squeeze %dma_start3A_166 : memref<1x128x64xf32, #tpu.memory_space<vmem>> -> memref<128x64xf32, #tpu.memory_space<vmem>>
    tpu.enqueue_dma source(%dma_start3A_167 : memref<128x64xf32, #tpu.memory_space<vmem>>) target(%dma_start3A_163 : memref<128x64xf32, #tpu.memory_space<hbm>>) target_semaphore(%dma_start3A_161 : memref<!tpu.dma_semaphore, #tpu.memory_space<semaphore_mem>>)
    %dma_wait3A_168 = arith.constant 0 : i32
    %dma_wait3A_169 = arith.constant 0 : i32
    %dma_wait3A_170 = arith.constant 0 : i32
    %dma_wait3A_171 = arith.constant 0 : i32
    %dma_wait3A_172 = tpu.memref_slice %arg6[%dma_wait3A_168, %dma_wait3A_170, %dma_wait3A_171] : memref<10x128x64xf32, #tpu.memory_space<vmem>> -> memref<1x128x64xf32, #tpu.memory_space<vmem>>
    %dma_wait3A_173 = tpu.memref_squeeze %dma_wait3A_172 : memref<1x128x64xf32, #tpu.memory_space<vmem>> -> memref<128x64xf32, #tpu.memory_space<vmem>>
    %dma_wait3A_174 = arith.constant 0 : i32
    %dma_wait3A_175 = arith.constant 0 : i32
    %dma_wait3A_176 = tpu.memref_slice %arg4[%dma_wait3A_174, %dma_wait3A_175] : memref<3276800x64xf32, #tpu.memory_space<hbm>> -> memref<128x64xf32, #tpu.memory_space<hbm>>
    %dma_wait3A_177 = tpu.memref_slice %arg8[%dma_wait3A_169] : memref<10x!tpu.dma_semaphore, #tpu.memory_space<semaphore_mem>> -> memref<1x!tpu.dma_semaphore, #tpu.memory_space<semaphore_mem>>
    %dma_wait3A_178 = tpu.memref_squeeze %dma_wait3A_177 : memref<1x!tpu.dma_semaphore, #tpu.memory_space<semaphore_mem>> -> memref<!tpu.dma_semaphore, #tpu.memory_space<semaphore_mem>>
    %dma_wait3A_179 = arith.constant 0 : i32
    %dma_wait3A_180 = arith.constant 0 : i32
    %dma_wait3A_181 = tpu.memref_slice %arg4[%dma_wait3A_179, %dma_wait3A_180] : memref<3276800x64xf32, #tpu.memory_space<hbm>> -> memref<128x64xf32, #tpu.memory_space<hbm>>
    %dma_wait3A_182 = arith.constant 0 : i32
    %dma_wait3A_183 = arith.constant 0 : i32
    %dma_wait3A_184 = tpu.memref_slice %arg6[%dma_wait3A_168, %dma_wait3A_182, %dma_wait3A_183] : memref<10x128x64xf32, #tpu.memory_space<vmem>> -> memref<1x128x64xf32, #tpu.memory_space<vmem>>
    %dma_wait3A_185 = tpu.memref_squeeze %dma_wait3A_184 : memref<1x128x64xf32, #tpu.memory_space<vmem>> -> memref<128x64xf32, #tpu.memory_space<vmem>>
    tpu.wait_dma2 semaphore(%dma_wait3A_178 : memref<!tpu.dma_semaphore, #tpu.memory_space<semaphore_mem>>) src(%dma_wait3A_185 : memref<128x64xf32, #tpu.memory_space<vmem>>) dst(%dma_wait3A_181 : memref<128x64xf32, #tpu.memory_space<hbm>>)
    %dma_wait3A_186 = arith.constant 1 : i32
    %dma_wait3A_187 = arith.constant 1 : i32
    %dma_wait3A_188 = arith.constant 0 : i32
    %dma_wait3A_189 = arith.constant 0 : i32
    %dma_wait3A_190 = tpu.memref_slice %arg6[%dma_wait3A_186, %dma_wait3A_188, %dma_wait3A_189] : memref<10x128x64xf32, #tpu.memory_space<vmem>> -> memref<1x128x64xf32, #tpu.memory_space<vmem>>
    %dma_wait3A_191 = tpu.memref_squeeze %dma_wait3A_190 : memref<1x128x64xf32, #tpu.memory_space<vmem>> -> memref<128x64xf32, #tpu.memory_space<vmem>>
    %dma_wait3A_192 = arith.constant 0 : i32
    %dma_wait3A_193 = arith.constant 0 : i32
    %dma_wait3A_194 = tpu.memref_slice %arg4[%dma_wait3A_192, %dma_wait3A_193] : memref<3276800x64xf32, #tpu.memory_space<hbm>> -> memref<128x64xf32, #tpu.memory_space<hbm>>
    %dma_wait3A_195 = tpu.memref_slice %arg8[%dma_wait3A_187] : memref<10x!tpu.dma_semaphore, #tpu.memory_space<semaphore_mem>> -> memref<1x!tpu.dma_semaphore, #tpu.memory_space<semaphore_mem>>
    %dma_wait3A_196 = tpu.memref_squeeze %dma_wait3A_195 : memref<1x!tpu.dma_semaphore, #tpu.memory_space<semaphore_mem>> -> memref<!tpu.dma_semaphore, #tpu.memory_space<semaphore_mem>>
    %dma_wait3A_197 = arith.constant 0 : i32
    %dma_wait3A_198 = arith.constant 0 : i32
    %dma_wait3A_199 = tpu.memref_slice %arg4[%dma_wait3A_197, %dma_wait3A_198] : memref<3276800x64xf32, #tpu.memory_space<hbm>> -> memref<128x64xf32, #tpu.memory_space<hbm>>
    %dma_wait3A_200 = arith.constant 0 : i32
    %dma_wait3A_201 = arith.constant 0 : i32
    %dma_wait3A_202 = tpu.memref_slice %arg6[%dma_wait3A_186, %dma_wait3A_200, %dma_wait3A_201] : memref<10x128x64xf32, #tpu.memory_space<vmem>> -> memref<1x128x64xf32, #tpu.memory_space<vmem>>
    %dma_wait3A_203 = tpu.memref_squeeze %dma_wait3A_202 : memref<1x128x64xf32, #tpu.memory_space<vmem>> -> memref<128x64xf32, #tpu.memory_space<vmem>>
    tpu.wait_dma2 semaphore(%dma_wait3A_196 : memref<!tpu.dma_semaphore, #tpu.memory_space<semaphore_mem>>) src(%dma_wait3A_203 : memref<128x64xf32, #tpu.memory_space<vmem>>) dst(%dma_wait3A_199 : memref<128x64xf32, #tpu.memory_space<hbm>>)
    %dma_wait3A_204 = arith.constant 2 : i32
    %dma_wait3A_205 = arith.constant 2 : i32
    %dma_wait3A_206 = arith.constant 0 : i32
    %dma_wait3A_207 = arith.constant 0 : i32
    %dma_wait3A_208 = tpu.memref_slice %arg6[%dma_wait3A_204, %dma_wait3A_206, %dma_wait3A_207] : memref<10x128x64xf32, #tpu.memory_space<vmem>> -> memref<1x128x64xf32, #tpu.memory_space<vmem>>
    %dma_wait3A_209 = tpu.memref_squeeze %dma_wait3A_208 : memref<1x128x64xf32, #tpu.memory_space<vmem>> -> memref<128x64xf32, #tpu.memory_space<vmem>>
    %dma_wait3A_210 = arith.constant 0 : i32
    %dma_wait3A_211 = arith.constant 0 : i32
    %dma_wait3A_212 = tpu.memref_slice %arg4[%dma_wait3A_210, %dma_wait3A_211] : memref<3276800x64xf32, #tpu.memory_space<hbm>> -> memref<128x64xf32, #tpu.memory_space<hbm>>
    %dma_wait3A_213 = tpu.memref_slice %arg8[%dma_wait3A_205] : memref<10x!tpu.dma_semaphore, #tpu.memory_space<semaphore_mem>> -> memref<1x!tpu.dma_semaphore, #tpu.memory_space<semaphore_mem>>
    %dma_wait3A_214 = tpu.memref_squeeze %dma_wait3A_213 : memref<1x!tpu.dma_semaphore, #tpu.memory_space<semaphore_mem>> -> memref<!tpu.dma_semaphore, #tpu.memory_space<semaphore_mem>>
    %dma_wait3A_215 = arith.constant 0 : i32
    %dma_wait3A_216 = arith.constant 0 : i32
    %dma_wait3A_217 = tpu.memref_slice %arg4[%dma_wait3A_215, %dma_wait3A_216] : memref<3276800x64xf32, #tpu.memory_space<hbm>> -> memref<128x64xf32, #tpu.memory_space<hbm>>
    %dma_wait3A_218 = arith.constant 0 : i32
    %dma_wait3A_219 = arith.constant 0 : i32
    %dma_wait3A_220 = tpu.memref_slice %arg6[%dma_wait3A_204, %dma_wait3A_218, %dma_wait3A_219] : memref<10x128x64xf32, #tpu.memory_space<vmem>> -> memref<1x128x64xf32, #tpu.memory_space<vmem>>
    %dma_wait3A_221 = tpu.memref_squeeze %dma_wait3A_220 : memref<1x128x64xf32, #tpu.memory_space<vmem>> -> memref<128x64xf32, #tpu.memory_space<vmem>>
    tpu.wait_dma2 semaphore(%dma_wait3A_214 : memref<!tpu.dma_semaphore, #tpu.memory_space<semaphore_mem>>) src(%dma_wait3A_221 : memref<128x64xf32, #tpu.memory_space<vmem>>) dst(%dma_wait3A_217 : memref<128x64xf32, #tpu.memory_space<hbm>>)
    %dma_wait3A_222 = arith.constant 3 : i32
    %dma_wait3A_223 = arith.constant 3 : i32
    %dma_wait3A_224 = arith.constant 0 : i32
    %dma_wait3A_225 = arith.constant 0 : i32
    %dma_wait3A_226 = tpu.memref_slice %arg6[%dma_wait3A_222, %dma_wait3A_224, %dma_wait3A_225] : memref<10x128x64xf32, #tpu.memory_space<vmem>> -> memref<1x128x64xf32, #tpu.memory_space<vmem>>
    %dma_wait3A_227 = tpu.memref_squeeze %dma_wait3A_226 : memref<1x128x64xf32, #tpu.memory_space<vmem>> -> memref<128x64xf32, #tpu.memory_space<vmem>>
    %dma_wait3A_228 = arith.constant 0 : i32
    %dma_wait3A_229 = arith.constant 0 : i32
    %dma_wait3A_230 = tpu.memref_slice %arg4[%dma_wait3A_228, %dma_wait3A_229] : memref<3276800x64xf32, #tpu.memory_space<hbm>> -> memref<128x64xf32, #tpu.memory_space<hbm>>
    %dma_wait3A_231 = tpu.memref_slice %arg8[%dma_wait3A_223] : memref<10x!tpu.dma_semaphore, #tpu.memory_space<semaphore_mem>> -> memref<1x!tpu.dma_semaphore, #tpu.memory_space<semaphore_mem>>
    %dma_wait3A_232 = tpu.memref_squeeze %dma_wait3A_231 : memref<1x!tpu.dma_semaphore, #tpu.memory_space<semaphore_mem>> -> memref<!tpu.dma_semaphore, #tpu.memory_space<semaphore_mem>>
    %dma_wait3A_233 = arith.constant 0 : i32
    %dma_wait3A_234 = arith.constant 0 : i32
    %dma_wait3A_235 = tpu.memref_slice %arg4[%dma_wait3A_233, %dma_wait3A_234] : memref<3276800x64xf32, #tpu.memory_space<hbm>> -> memref<128x64xf32, #tpu.memory_space<hbm>>
    %dma_wait3A_236 = arith.constant 0 : i32
    %dma_wait3A_237 = arith.constant 0 : i32
    %dma_wait3A_238 = tpu.memref_slice %arg6[%dma_wait3A_222, %dma_wait3A_236, %dma_wait3A_237] : memref<10x128x64xf32, #tpu.memory_space<vmem>> -> memref<1x128x64xf32, #tpu.memory_space<vmem>>
    %dma_wait3A_239 = tpu.memref_squeeze %dma_wait3A_238 : memref<1x128x64xf32, #tpu.memory_space<vmem>> -> memref<128x64xf32, #tpu.memory_space<vmem>>
    tpu.wait_dma2 semaphore(%dma_wait3A_232 : memref<!tpu.dma_semaphore, #tpu.memory_space<semaphore_mem>>) src(%dma_wait3A_239 : memref<128x64xf32, #tpu.memory_space<vmem>>) dst(%dma_wait3A_235 : memref<128x64xf32, #tpu.memory_space<hbm>>)
    %dma_wait3A_240 = arith.constant 4 : i32
    %dma_wait3A_241 = arith.constant 4 : i32
    %dma_wait3A_242 = arith.constant 0 : i32
    %dma_wait3A_243 = arith.constant 0 : i32
    %dma_wait3A_244 = tpu.memref_slice %arg6[%dma_wait3A_240, %dma_wait3A_242, %dma_wait3A_243] : memref<10x128x64xf32, #tpu.memory_space<vmem>> -> memref<1x128x64xf32, #tpu.memory_space<vmem>>
    %dma_wait3A_245 = tpu.memref_squeeze %dma_wait3A_244 : memref<1x128x64xf32, #tpu.memory_space<vmem>> -> memref<128x64xf32, #tpu.memory_space<vmem>>
    %dma_wait3A_246 = arith.constant 0 : i32
    %dma_wait3A_247 = arith.constant 0 : i32
    %dma_wait3A_248 = tpu.memref_slice %arg4[%dma_wait3A_246, %dma_wait3A_247] : memref<3276800x64xf32, #tpu.memory_space<hbm>> -> memref<128x64xf32, #tpu.memory_space<hbm>>
    %dma_wait3A_249 = tpu.memref_slice %arg8[%dma_wait3A_241] : memref<10x!tpu.dma_semaphore, #tpu.memory_space<semaphore_mem>> -> memref<1x!tpu.dma_semaphore, #tpu.memory_space<semaphore_mem>>
    %dma_wait3A_250 = tpu.memref_squeeze %dma_wait3A_249 : memref<1x!tpu.dma_semaphore, #tpu.memory_space<semaphore_mem>> -> memref<!tpu.dma_semaphore, #tpu.memory_space<semaphore_mem>>
    %dma_wait3A_251 = arith.constant 0 : i32
    %dma_wait3A_252 = arith.constant 0 : i32
    %dma_wait3A_253 = tpu.memref_slice %arg4[%dma_wait3A_251, %dma_wait3A_252] : memref<3276800x64xf32, #tpu.memory_space<hbm>> -> memref<128x64xf32, #tpu.memory_space<hbm>>
    %dma_wait3A_254 = arith.constant 0 : i32
    %dma_wait3A_255 = arith.constant 0 : i32
    %dma_wait3A_256 = tpu.memref_slice %arg6[%dma_wait3A_240, %dma_wait3A_254, %dma_wait3A_255] : memref<10x128x64xf32, #tpu.memory_space<vmem>> -> memref<1x128x64xf32, #tpu.memory_space<vmem>>
    %dma_wait3A_257 = tpu.memref_squeeze %dma_wait3A_256 : memref<1x128x64xf32, #tpu.memory_space<vmem>> -> memref<128x64xf32, #tpu.memory_space<vmem>>
    tpu.wait_dma2 semaphore(%dma_wait3A_250 : memref<!tpu.dma_semaphore, #tpu.memory_space<semaphore_mem>>) src(%dma_wait3A_257 : memref<128x64xf32, #tpu.memory_space<vmem>>) dst(%dma_wait3A_253 : memref<128x64xf32, #tpu.memory_space<hbm>>)
    %dma_wait3A_258 = arith.constant 5 : i32
    %dma_wait3A_259 = arith.constant 5 : i32
    %dma_wait3A_260 = arith.constant 0 : i32
    %dma_wait3A_261 = arith.constant 0 : i32
    %dma_wait3A_262 = tpu.memref_slice %arg6[%dma_wait3A_258, %dma_wait3A_260, %dma_wait3A_261] : memref<10x128x64xf32, #tpu.memory_space<vmem>> -> memref<1x128x64xf32, #tpu.memory_space<vmem>>
    %dma_wait3A_263 = tpu.memref_squeeze %dma_wait3A_262 : memref<1x128x64xf32, #tpu.memory_space<vmem>> -> memref<128x64xf32, #tpu.memory_space<vmem>>
    %dma_wait3A_264 = arith.constant 0 : i32
    %dma_wait3A_265 = arith.constant 0 : i32
    %dma_wait3A_266 = tpu.memref_slice %arg4[%dma_wait3A_264, %dma_wait3A_265] : memref<3276800x64xf32, #tpu.memory_space<hbm>> -> memref<128x64xf32, #tpu.memory_space<hbm>>
    %dma_wait3A_267 = tpu.memref_slice %arg8[%dma_wait3A_259] : memref<10x!tpu.dma_semaphore, #tpu.memory_space<semaphore_mem>> -> memref<1x!tpu.dma_semaphore, #tpu.memory_space<semaphore_mem>>
    %dma_wait3A_268 = tpu.memref_squeeze %dma_wait3A_267 : memref<1x!tpu.dma_semaphore, #tpu.memory_space<semaphore_mem>> -> memref<!tpu.dma_semaphore, #tpu.memory_space<semaphore_mem>>
    %dma_wait3A_269 = arith.constant 0 : i32
    %dma_wait3A_270 = arith.constant 0 : i32
    %dma_wait3A_271 = tpu.memref_slice %arg4[%dma_wait3A_269, %dma_wait3A_270] : memref<3276800x64xf32, #tpu.memory_space<hbm>> -> memref<128x64xf32, #tpu.memory_space<hbm>>
    %dma_wait3A_272 = arith.constant 0 : i32
    %dma_wait3A_273 = arith.constant 0 : i32
    %dma_wait3A_274 = tpu.memref_slice %arg6[%dma_wait3A_258, %dma_wait3A_272, %dma_wait3A_273] : memref<10x128x64xf32, #tpu.memory_space<vmem>> -> memref<1x128x64xf32, #tpu.memory_space<vmem>>
    %dma_wait3A_275 = tpu.memref_squeeze %dma_wait3A_274 : memref<1x128x64xf32, #tpu.memory_space<vmem>> -> memref<128x64xf32, #tpu.memory_space<vmem>>
    tpu.wait_dma2 semaphore(%dma_wait3A_268 : memref<!tpu.dma_semaphore, #tpu.memory_space<semaphore_mem>>) src(%dma_wait3A_275 : memref<128x64xf32, #tpu.memory_space<vmem>>) dst(%dma_wait3A_271 : memref<128x64xf32, #tpu.memory_space<hbm>>)
    %dma_wait3A_276 = arith.constant 6 : i32
    %dma_wait3A_277 = arith.constant 6 : i32
    %dma_wait3A_278 = arith.constant 0 : i32
    %dma_wait3A_279 = arith.constant 0 : i32
    %dma_wait3A_280 = tpu.memref_slice %arg6[%dma_wait3A_276, %dma_wait3A_278, %dma_wait3A_279] : memref<10x128x64xf32, #tpu.memory_space<vmem>> -> memref<1x128x64xf32, #tpu.memory_space<vmem>>
    %dma_wait3A_281 = tpu.memref_squeeze %dma_wait3A_280 : memref<1x128x64xf32, #tpu.memory_space<vmem>> -> memref<128x64xf32, #tpu.memory_space<vmem>>
    %dma_wait3A_282 = arith.constant 0 : i32
    %dma_wait3A_283 = arith.constant 0 : i32
    %dma_wait3A_284 = tpu.memref_slice %arg4[%dma_wait3A_282, %dma_wait3A_283] : memref<3276800x64xf32, #tpu.memory_space<hbm>> -> memref<128x64xf32, #tpu.memory_space<hbm>>
    %dma_wait3A_285 = tpu.memref_slice %arg8[%dma_wait3A_277] : memref<10x!tpu.dma_semaphore, #tpu.memory_space<semaphore_mem>> -> memref<1x!tpu.dma_semaphore, #tpu.memory_space<semaphore_mem>>
    %dma_wait3A_286 = tpu.memref_squeeze %dma_wait3A_285 : memref<1x!tpu.dma_semaphore, #tpu.memory_space<semaphore_mem>> -> memref<!tpu.dma_semaphore, #tpu.memory_space<semaphore_mem>>
    %dma_wait3A_287 = arith.constant 0 : i32
    %dma_wait3A_288 = arith.constant 0 : i32
    %dma_wait3A_289 = tpu.memref_slice %arg4[%dma_wait3A_287, %dma_wait3A_288] : memref<3276800x64xf32, #tpu.memory_space<hbm>> -> memref<128x64xf32, #tpu.memory_space<hbm>>
    %dma_wait3A_290 = arith.constant 0 : i32
    %dma_wait3A_291 = arith.constant 0 : i32
    %dma_wait3A_292 = tpu.memref_slice %arg6[%dma_wait3A_276, %dma_wait3A_290, %dma_wait3A_291] : memref<10x128x64xf32, #tpu.memory_space<vmem>> -> memref<1x128x64xf32, #tpu.memory_space<vmem>>
    %dma_wait3A_293 = tpu.memref_squeeze %dma_wait3A_292 : memref<1x128x64xf32, #tpu.memory_space<vmem>> -> memref<128x64xf32, #tpu.memory_space<vmem>>
    tpu.wait_dma2 semaphore(%dma_wait3A_286 : memref<!tpu.dma_semaphore, #tpu.memory_space<semaphore_mem>>) src(%dma_wait3A_293 : memref<128x64xf32, #tpu.memory_space<vmem>>) dst(%dma_wait3A_289 : memref<128x64xf32, #tpu.memory_space<hbm>>)
    %dma_wait3A_294 = arith.constant 7 : i32
    %dma_wait3A_295 = arith.constant 7 : i32
    %dma_wait3A_296 = arith.constant 0 : i32
    %dma_wait3A_297 = arith.constant 0 : i32
    %dma_wait3A_298 = tpu.memref_slice %arg6[%dma_wait3A_294, %dma_wait3A_296, %dma_wait3A_297] : memref<10x128x64xf32, #tpu.memory_space<vmem>> -> memref<1x128x64xf32, #tpu.memory_space<vmem>>
    %dma_wait3A_299 = tpu.memref_squeeze %dma_wait3A_298 : memref<1x128x64xf32, #tpu.memory_space<vmem>> -> memref<128x64xf32, #tpu.memory_space<vmem>>
    %dma_wait3A_300 = arith.constant 0 : i32
    %dma_wait3A_301 = arith.constant 0 : i32
    %dma_wait3A_302 = tpu.memref_slice %arg4[%dma_wait3A_300, %dma_wait3A_301] : memref<3276800x64xf32, #tpu.memory_space<hbm>> -> memref<128x64xf32, #tpu.memory_space<hbm>>
    %dma_wait3A_303 = tpu.memref_slice %arg8[%dma_wait3A_295] : memref<10x!tpu.dma_semaphore, #tpu.memory_space<semaphore_mem>> -> memref<1x!tpu.dma_semaphore, #tpu.memory_space<semaphore_mem>>
    %dma_wait3A_304 = tpu.memref_squeeze %dma_wait3A_303 : memref<1x!tpu.dma_semaphore, #tpu.memory_space<semaphore_mem>> -> memref<!tpu.dma_semaphore, #tpu.memory_space<semaphore_mem>>
    %dma_wait3A_305 = arith.constant 0 : i32
    %dma_wait3A_306 = arith.constant 0 : i32
    %dma_wait3A_307 = tpu.memref_slice %arg4[%dma_wait3A_305, %dma_wait3A_306] : memref<3276800x64xf32, #tpu.memory_space<hbm>> -> memref<128x64xf32, #tpu.memory_space<hbm>>
    %dma_wait3A_308 = arith.constant 0 : i32
    %dma_wait3A_309 = arith.constant 0 : i32
    %dma_wait3A_310 = tpu.memref_slice %arg6[%dma_wait3A_294, %dma_wait3A_308, %dma_wait3A_309] : memref<10x128x64xf32, #tpu.memory_space<vmem>> -> memref<1x128x64xf32, #tpu.memory_space<vmem>>
    %dma_wait3A_311 = tpu.memref_squeeze %dma_wait3A_310 : memref<1x128x64xf32, #tpu.memory_space<vmem>> -> memref<128x64xf32, #tpu.memory_space<vmem>>
    tpu.wait_dma2 semaphore(%dma_wait3A_304 : memref<!tpu.dma_semaphore, #tpu.memory_space<semaphore_mem>>) src(%dma_wait3A_311 : memref<128x64xf32, #tpu.memory_space<vmem>>) dst(%dma_wait3A_307 : memref<128x64xf32, #tpu.memory_space<hbm>>)
    %dma_wait3A_312 = arith.constant 8 : i32
    %dma_wait3A_313 = arith.constant 8 : i32
    %dma_wait3A_314 = arith.constant 0 : i32
    %dma_wait3A_315 = arith.constant 0 : i32
    %dma_wait3A_316 = tpu.memref_slice %arg6[%dma_wait3A_312, %dma_wait3A_314, %dma_wait3A_315] : memref<10x128x64xf32, #tpu.memory_space<vmem>> -> memref<1x128x64xf32, #tpu.memory_space<vmem>>
    %dma_wait3A_317 = tpu.memref_squeeze %dma_wait3A_316 : memref<1x128x64xf32, #tpu.memory_space<vmem>> -> memref<128x64xf32, #tpu.memory_space<vmem>>
    %dma_wait3A_318 = arith.constant 0 : i32
    %dma_wait3A_319 = arith.constant 0 : i32
    %dma_wait3A_320 = tpu.memref_slice %arg4[%dma_wait3A_318, %dma_wait3A_319] : memref<3276800x64xf32, #tpu.memory_space<hbm>> -> memref<128x64xf32, #tpu.memory_space<hbm>>
    %dma_wait3A_321 = tpu.memref_slice %arg8[%dma_wait3A_313] : memref<10x!tpu.dma_semaphore, #tpu.memory_space<semaphore_mem>> -> memref<1x!tpu.dma_semaphore, #tpu.memory_space<semaphore_mem>>
    %dma_wait3A_322 = tpu.memref_squeeze %dma_wait3A_321 : memref<1x!tpu.dma_semaphore, #tpu.memory_space<semaphore_mem>> -> memref<!tpu.dma_semaphore, #tpu.memory_space<semaphore_mem>>
    %dma_wait3A_323 = arith.constant 0 : i32
    %dma_wait3A_324 = arith.constant 0 : i32
    %dma_wait3A_325 = tpu.memref_slice %arg4[%dma_wait3A_323, %dma_wait3A_324] : memref<3276800x64xf32, #tpu.memory_space<hbm>> -> memref<128x64xf32, #tpu.memory_space<hbm>>
    %dma_wait3A_326 = arith.constant 0 : i32
    %dma_wait3A_327 = arith.constant 0 : i32
    %dma_wait3A_328 = tpu.memref_slice %arg6[%dma_wait3A_312, %dma_wait3A_326, %dma_wait3A_327] : memref<10x128x64xf32, #tpu.memory_space<vmem>> -> memref<1x128x64xf32, #tpu.memory_space<vmem>>
    %dma_wait3A_329 = tpu.memref_squeeze %dma_wait3A_328 : memref<1x128x64xf32, #tpu.memory_space<vmem>> -> memref<128x64xf32, #tpu.memory_space<vmem>>
    tpu.wait_dma2 semaphore(%dma_wait3A_322 : memref<!tpu.dma_semaphore, #tpu.memory_space<semaphore_mem>>) src(%dma_wait3A_329 : memref<128x64xf32, #tpu.memory_space<vmem>>) dst(%dma_wait3A_325 : memref<128x64xf32, #tpu.memory_space<hbm>>)
    %dma_wait3A_330 = arith.constant 9 : i32
    %dma_wait3A_331 = arith.constant 9 : i32
    %dma_wait3A_332 = arith.constant 0 : i32
    %dma_wait3A_333 = arith.constant 0 : i32
    %dma_wait3A_334 = tpu.memref_slice %arg6[%dma_wait3A_330, %dma_wait3A_332, %dma_wait3A_333] : memref<10x128x64xf32, #tpu.memory_space<vmem>> -> memref<1x128x64xf32, #tpu.memory_space<vmem>>
    %dma_wait3A_335 = tpu.memref_squeeze %dma_wait3A_334 : memref<1x128x64xf32, #tpu.memory_space<vmem>> -> memref<128x64xf32, #tpu.memory_space<vmem>>
    %dma_wait3A_336 = arith.constant 0 : i32
    %dma_wait3A_337 = arith.constant 0 : i32
    %dma_wait3A_338 = tpu.memref_slice %arg4[%dma_wait3A_336, %dma_wait3A_337] : memref<3276800x64xf32, #tpu.memory_space<hbm>> -> memref<128x64xf32, #tpu.memory_space<hbm>>
    %dma_wait3A_339 = tpu.memref_slice %arg8[%dma_wait3A_331] : memref<10x!tpu.dma_semaphore, #tpu.memory_space<semaphore_mem>> -> memref<1x!tpu.dma_semaphore, #tpu.memory_space<semaphore_mem>>
    %dma_wait3A_340 = tpu.memref_squeeze %dma_wait3A_339 : memref<1x!tpu.dma_semaphore, #tpu.memory_space<semaphore_mem>> -> memref<!tpu.dma_semaphore, #tpu.memory_space<semaphore_mem>>
    %dma_wait3A_341 = arith.constant 0 : i32
    %dma_wait3A_342 = arith.constant 0 : i32
    %dma_wait3A_343 = tpu.memref_slice %arg4[%dma_wait3A_341, %dma_wait3A_342] : memref<3276800x64xf32, #tpu.memory_space<hbm>> -> memref<128x64xf32, #tpu.memory_space<hbm>>
    %dma_wait3A_344 = arith.constant 0 : i32
    %dma_wait3A_345 = arith.constant 0 : i32
    %dma_wait3A_346 = tpu.memref_slice %arg6[%dma_wait3A_330, %dma_wait3A_344, %dma_wait3A_345] : memref<10x128x64xf32, #tpu.memory_space<vmem>> -> memref<1x128x64xf32, #tpu.memory_space<vmem>>
    %dma_wait3A_347 = tpu.memref_squeeze %dma_wait3A_346 : memref<1x128x64xf32, #tpu.memory_space<vmem>> -> memref<128x64xf32, #tpu.memory_space<vmem>>
    tpu.wait_dma2 semaphore(%dma_wait3A_340 : memref<!tpu.dma_semaphore, #tpu.memory_space<semaphore_mem>>) src(%dma_wait3A_347 : memref<128x64xf32, #tpu.memory_space<vmem>>) dst(%dma_wait3A_343 : memref<128x64xf32, #tpu.memory_space<hbm>>)
    return
  }
}

</mosaic_0001>

<sc_bundles>
// kernel: _gather.3.cloned.1.call-start
scs
__scs_entry_jumppad:
0x0: {  	(pc) =	sbr.rel $0x88, $3  }
0x1: {  	(tag) =	ssettag $0x0;
	lr =	simm.s32 $0x1  }
0x2: {  	[smem:$0x3F9F] =	sst lr;
	_ =	strace $0xD0000000  }
0x3: {  	_ = 	snop  }
0x4: {  	_ = 	snop  }
0x5: {  	_ = 	snop  }
0x6: {  	_ = 	snop  }
0x7: {  	_ = 	snop  }
__scs_overlays_trampoline_lowered:
0x8: {  	[smem:$0x3FAE] =	sst s0  }
0x9: {  	[smem:$0x3FAF] =	sst s1  }
0xa: {  	[smem:$0x3FB0] =	sst s2  }
0xb: {  	[smem:$0x3FB1] =	sst s3  }
0xc: {  	[smem:$0x3FB2] =	sst s4  }
0xd: {  	[smem:$0x3FB3] =	sst s5  }
0xe: {  	[smem:$0x3FB4] =	sst s6  }
0xf: {  	[smem:$0x3FB5] =	sst s7  }
0x10: {  	[smem:$0x3FB6] =	sst s8  }
0x11: {  	[smem:$0x3FB7] =	sst s9;
	s0 =	simm.s32 @!p0 $0x0  }
0x12: {  	s1 =	sld [smem:$0x3F9D];
	s0 =	simm.s32 @p0 $0x1  }
0x13: {  	[smem:$0x3FB8] =	sst s0;
	s0 =	simm.s32 @!p1 $0x0  }
0x14: {  	s2 =	sld [smem:$0x3F9C];
	s0 =	simm.s32 @p1 $0x1  }
0x15: {  	[smem:$0x3FB9] =	sst s0;
	s0 =	simm.s32 @!p2 $0x0  }
0x16: {  	s3 =	sld [smem:$0x3FDB];
	s0 =	simm.s32 @p2 $0x1  }
0x17: {  	s4 =	simm.s32 $0x1BF5;
	[smem:$0x3FBB] =	sst s0  }
0x18: {  	s0 =	sld [smem:$0x3F9E];
	_ =	swait.ge [sflag:s4], $0x0  }
0x19: {  	s7 =	sld [smem:$0x3F9F]  }
0x1a: {  	s8 =	sadd.s32 $0xFFFFE003, lr  }
0x1b: {  	s9 =	sadd.s32 $0xFFFFFEF7, lr;
	s5 =	simm.s32 $0xFFFFFFFF;
	p2 =	slt.u32 s8, $0xFFFFF086  }
0x1c: {  	p1 =	slt.u32 s9, $0xF7A;
	s5 =	simm.s32 @!p2 $0x0  }
0x1d: {  	s5 =	simm.s32 @p1 $0x1;
	p0 =	seq.s32 s7, s2  }
0x1e: {  	s7 =	smul.u32 @!p0 $0xF7A, s2;
	p2 =	seq.s32 @!p0 s5, $0x0  }
0x1f: {  	s9 =	smul.u32 $0xF7A, s1;
	s8 =	simm.s32 @!p0 $0x1BF5;
	p2 =	por !p2, p0  }
0x20: {  	[sflag:s8] =	ssyncset.s32 @!p0 $0xFFFFF086;
	s6 =	sadd.s32 @!p0 s3, s7;
	s7 =	simm.s32 @!p0 $0x108  }
0x21: {  	s3 =	sadd.s32 s3, s9;
	s6 =	sadd.s32 @!p0 $0x88, s6;
	s7 =	simm.s32 @p2 $0x1082  }
0x22: {  	[simem:s7], [sflag:s8] =	dma.local @!p0 [hbm:s6], $0xF7A  }
0x23: {  	s9 =	sor.u32 $0xD0000000, s2;
	s6 =	simm.s32 $0x108;
	_ =	swait.ge @!p0 [sflag:s8], $0x0  }
0x24: {  	s3 =	sadd.s32 $0x88, s3;
	s6 =	simm.s32 @!p1 $0x1082;
	[sflag:s4] =	ssyncset.s32 $0xFFFFF086  }
0x25: {  	[simem:s6], [sflag:s4] =	dma.local [hbm:s3], $0xF7A  }
0x26: {  	[smem:$0x3F9F] =	sst s1;
	(tag) =	ssettag s2;
	_ =	strace s9  }
0x27: {  	s1 =	sld [smem:$0x3FAF]  }
0x28: {  	s2 =	sld [smem:$0x3FB0]  }
0x29: {  	s4 =	sld [smem:$0x3FB2]  }
0x2a: {  	p0 =	seq.s32 s5, $0x0;
	s5 =	sld [smem:$0x3FB3]  }
0x2b: {  	s6 =	sld [smem:$0x3FB4]  }
0x2c: {  	s7 =	sld [smem:$0x3FB5]  }
0x2d: {  	s3 =	simm.s32 $0x108;
	s8 =	sld [smem:$0x3FB6]  }
0x2e: {  	s3 =	simm.s32 @!p0 $0x1082;
	s9 =	sld [smem:$0x3FB7]  }
0x2f: {  	lr =	sadd.s32 s0, s3;
	s0 =	sld [smem:$0x3FAE]  }
0x30: {  	s3 =	sld [smem:$0x3FB1]  }
0x31: {  	[smem:$0x3FBA] =	sst s10  }
0x32: {  	s10 =	sld [smem:$0x3FB8];
	_ =	sdelay $0x3  }
0x33: {  	p0 =	seq.s32 s10, $0x1;
	s10 =	sld [smem:$0x3FBA];
	_ =	sdelay $0x3  }
0x34: {  	[smem:$0x3FBA] =	sst s10  }
0x35: {  	s10 =	sld [smem:$0x3FB9];
	_ =	sdelay $0x3  }
0x36: {  	p1 =	seq.s32 s10, $0x1;
	s10 =	sld [smem:$0x3FBA];
	_ =	sdelay $0x3  }
0x37: {  	[smem:$0x3FBA] =	sst s10  }
0x38: {  	s10 =	sld [smem:$0x3FBB]  }
0x39: {  	_ = 	snop;
	(pc) =	sbr.ind lr, $3  }
0x3a: {  	_ = 	snop  }
0x3b: {  	_ = 	snop  }
0x3c: {  	p2 =	seq.s32 s10, $0x1;
	s10 =	sld [smem:$0x3FBA]  }
0x3d: {  	_ =	shalt  }
0x3e: {  	_ =	shalt  }
0x3f: {  	_ =	shalt  }
0x40: {  	_ =	shalt  }
0x41: {  	_ =	shalt  }
0x42: {  	_ =	shalt  }
0x43: {  	_ =	shalt  }
0x44: {  	_ =	shalt  }
0x45: {  	_ =	shalt  }
0x46: {  	_ =	shalt  }
0x47: {  	_ =	shalt  }
0x48: {  	_ =	shalt  }
0x49: {  	_ =	shalt  }
0x4a: {  	_ =	shalt  }
0x4b: {  	_ =	shalt  }
0x4c: {  	_ =	shalt  }
0x4d: {  	_ =	shalt  }
0x4e: {  	_ =	shalt  }
0x4f: {  	_ =	shalt  }
0x50: {  	_ =	shalt  }
0x51: {  	_ =	shalt  }
0x52: {  	_ =	shalt  }
0x53: {  	_ =	shalt  }
0x54: {  	_ =	shalt  }
0x55: {  	_ =	shalt  }
0x56: {  	_ =	shalt  }
0x57: {  	_ =	shalt  }
0x58: {  	_ =	shalt  }
0x59: {  	_ =	shalt  }
0x5a: {  	_ =	shalt  }
0x5b: {  	_ =	shalt  }
0x5c: {  	_ =	shalt  }
0x5d: {  	_ =	shalt  }
0x5e: {  	_ =	shalt  }
0x5f: {  	_ =	shalt  }
0x60: {  	_ =	shalt  }
0x61: {  	_ =	shalt  }
0x62: {  	_ =	shalt  }
0x63: {  	_ =	shalt  }
0x64: {  	_ =	shalt  }
0x65: {  	_ =	shalt  }
0x66: {  	_ =	shalt  }
0x67: {  	_ =	shalt  }
0x68: {  	_ =	shalt  }
0x69: {  	_ =	shalt  }
0x6a: {  	_ =	shalt  }
0x6b: {  	_ =	shalt  }
0x6c: {  	_ =	shalt  }
0x6d: {  	_ =	shalt  }
0x6e: {  	_ =	shalt  }
0x6f: {  	_ =	shalt  }
0x70: {  	_ =	shalt  }
0x71: {  	_ =	shalt  }
0x72: {  	_ =	shalt  }
0x73: {  	_ =	shalt  }
0x74: {  	_ =	shalt  }
0x75: {  	_ =	shalt  }
0x76: {  	_ =	shalt  }
0x77: {  	_ =	shalt  }
0x78: {  	_ =	shalt  }
0x79: {  	_ =	shalt  }
0x7a: {  	_ =	shalt  }
0x7b: {  	_ =	shalt  }
0x7c: {  	_ =	shalt  }
0x7d: {  	_ =	shalt  }
0x7e: {  	_ =	shalt  }
0x7f: {  	_ =	shalt  }
0x80: {  	_ =	shalt  }
0x81: {  	_ =	shalt  }
0x82: {  	_ =	shalt  }
0x83: {  	_ =	shalt  }
0x84: {  	_ =	shalt  }
0x85: {  	_ =	shalt  }
0x86: {  	_ =	shalt  }
0x87: {  	_ =	shalt  }
.Lfunc_end0:
.L_simem_size_0:
called_computation.1_lowered:
.L_overlay_start_0:
0x88: {  	s2 =	sld [smem:$0x3FD9]  }
0x89: {  	s3 =	sld [smem:$0x3FFE];
	_ =	sdelay $0x1  }
0x8a: {  	s1 =	srdreg.scid  }
0x8b: {  	s0 =	sand.u32 $0x1, s1  }
0x8c: {  	s17 =	sshll.u32 s0, $0xA;
	s2 =	sadd.s32 s3, s2  }
0x8d: {  	s2 =	sadd.s32 s2, s17  }
0x8e: {  	[smem:$0x3FC6] =	sst s2  }
0x8f: {  	_ = 	snop  }
0x90: {  	s2 =	sld [smem:$0x3FC9]  }
0x91: {  	s18 =	sld [smem:$0x3FD0];
	(tm) =	ssettm $0x1  }
0x92: {  	s4 =	sld [smem:$0x3FFB];
	_ =	sdelay $0x3  }
0x93: {  	_ =	strace s4  }
0x94: {  	s4 =	sld [smem:$0x3FFC];
	_ =	sdelay $0x3  }
0x95: {  	_ =	strace s4  }
0x96: {  	s4 =	sld [smem:$0x3FFD];
	_ =	sdelay $0x3  }
0x97: {  	_ =	strace s4  }
0x98: {  	_ =	strace $0x8FFFFFFF  }
0x99: {  	s19 =	sld [smem:$0x3FDB];
	_ =	sdelay $0x1  }
0x9a: {  	s5 =	simm.s32 $_scs_section_size  }
0x9b: {  	s6 =	simm.s32 $_size__tile_overlayer_lowered;
	s7 =	simm.s32 $_tile_overlayer_lowered  }
0x9c: {  	s22 =	simm.s32 $0x1BFF;
	s21 =	sshll.u32 s7, $0x1;
	s4 =	sadd.s32 s5, s19  }
0x9d: {  	s8 =	simm.s32 $0x0;
	s20 =	sshll.u32 s6, $0x1;
	s6 =	sadd.s32 s21, s4  }
0x9e: {  	[timem:s8], [sflag:s22] =	dma.local [hbm:s6], s20  }
0x9f: {  	_ =	swait.ge [sflag:s22], s20  }
0xa0: {  	s5 =	ssub.s32 $0x0, s20;
	[sflag:s22] =	ssyncset.done $0x0  }
0xa1: {  	[sflag:s22] =	ssyncadd.s32 s5;
	_ =	sdelay $0x1  }
0xa2: {  	s23 =	simm.s32 $0x1B8B  }
0xa3: {  	_ =	swait.ge [sflag:s23], $0x1  }
0xa4: {  	[sflag:s23] =	ssyncset.done $0x0  }
0xa5: {  	s25 =	simm.s32 $0x1B8E;
	s24 =	sld [smem:$0x3FFE];
	[sflag:s23] =	ssyncadd.s32 $0xFFFFFFFF  }
0xa6: {  	s26 =	simm.s32 $execute0_lowered;
	[smem:$0x3FD2] =	sst s25  }
0xa7: {  	s6 =	sshll.u32 s26, $0x1;
	_ =	strace $0x80000046;
	[dreg:$0x1] =	wrdreg $0xFFFFFFFF  }
0xa8: {  	s28 =	simm.s32 $_size_execute0_lowered;
	s4 =	sadd.s32 s4, s6;
	[dreg:$0x0] =	wrdreg $0x0  }
0xa9: {  	s6 =	sshll.u32 s28, $0x1;
	[dreg:$0x2] =	wrdreg s4  }
0xaa: {  	[dreg:$0x3] =	wrdreg s6  }
0xab: {  	[dreg:$0x4] =	wrdreg $0xC0  }
0xac: {  	_ =	task [dreg:s8], $0x5FFFF  }
0xad: {  	[dreg:$0x1] =	wrdreg $0xFFFFFFFF  }
0xae: {  	[dreg:$0x0] =	wrdreg $0x60  }
0xaf: {  	[dreg:$0x2] =	wrdreg s2  }
0xb0: {  	[dreg:$0x3] =	wrdreg s24  }
0xb1: {  	[dreg:$0x4] =	wrdreg s18  }
0xb2: {  	[dreg:$0x5] =	wrdreg $0x9  }
0xb3: {  	_ =	task.clear_ibuf [dreg:s8], $0x6FFFF;
	_ =	strace $0x90000046  }
0xb4: {  	s29 =	simm.s32 $0x9;
	_ =	strace $0x80000048  }
0xb5: {  	_ =	swait.ge [sflag:s29], $0x1  }
0xb6: {  	[sflag:s29] =	ssyncadd.s32 $0xFFFFFFFF  }
0xb7: {  	_ =	strace $0x90000048  }
0xb8: {  	_ =	sfence  }
0xb9: {  	s30 =	sld [smem:$0x0];
	_ =	sdelay $0x2  }
0xba: {  	s31 =	sshll.u32 s1, $0xD;
	s1 =	sshrl.u32 s1, $0x2  }
0xbb: {  	s3 =	sand.u32 $0x4000, s31;
	s1 =	sadd.s32 s1, s30  }
0xbc: {  	s0 =	sor.u32 s3, s0;
	s1 =	sshll.u32 s1, $0x11  }
0xbd: {  	s0 =	sor.u32 s1, s0  }
0xbe: {  	s0 =	sadd.s32 $0x8F2B, s0  }
0xbf: {  	[sflag:s0] =	ssyncadd.remote.s32 $0x1  }
0xc0: {  	_ =	sfence.sel $0xFFFF  }
0xc1: {  	[dreg:$0x0] =	wrdreg $0xFFFFFFFF;
	(pc) =	sbr.abs _section_cstart, $3  }
0xc2: {  	[dreg:$0x1] =	wrdreg $0xFFFFFFFF  }
0xc3: {  	_ =	task.clear_ibuf [dreg:s8], $0x2FFFF;
	_ =	strace $0x9FFFFFFF  }
0xc4: {  	(tm) =	ssettm $0x7FFFFFFF  }
0xc5: {  	_ =	shalt  }
tec
execute0_lowered:
.L_overlay_start_1:
0x0: {  	(tag) =	ssettag $0x1  }
0x1: {  	s9 =	rddreg [dreg:$0x0];
	s8 =	stileid.u32  }
0x2: {  	s1 =	srdreg.scid;
	s19 =	smul.u32 $0x32000, s8  }
0x3: {  	s1 =	sand.u32 $0x1, s1;
	s2 =	sshll.u32 s8, $0x1;
	s8 =	smul.u32 $0x190000, s8  }
0x4: {  	s0 =	rddreg [dreg:$0x1];
	s21 =	smul.u32 $0x19000, s1  }
0x5: {  	s5 =	ssub.s32 $0x2, s1;
	s2 =	sor.u32 s1, s2;
	s1 =	smul.u32 $0xC8000, s1  }
0x6: {  	s3 =	rddreg [dreg:$0x2];
	s4 =	simm.s32 $0x0;
	s30 =	simm.s32 $0x80  }
0x7: {  	[smem:$0x7FF] =	sst s4;
	s10 =	smul.u32 $0x19000, s2;
	s1 =	sadd.s32 s1, s8  }
0x8: {  	s29 =	simm.s32 $0x4A00;
	_ =	strace $0x80000047;
	[dreg:$0x13] =	wrdreg s1  }
0x9: {  	s6 =	sadd.s32 $0x800, s0;
	s12 =	sadd.s32 $0x3FFFD80, s10;
	[dreg:$0x4] =	wrdreg s10  }
0xa: {  	s7 =	sshrl.u32 s5, $0x1;
	s13 =	sadd.s32 $0x3FFFE00, s10;
	[dreg:$0x5] =	wrdreg s12  }
0xb: {  	s2 =	smul.u32 $0x640000, s2;
	s14 =	sadd.s32 $0x3FFFE80, s10;
	[dreg:$0x6] =	wrdreg s13  }
0xc: {  	s31 =	ssub.s32 s5, s7;
	s15 =	sadd.s32 $0x3FFFF00, s10;
	[dreg:$0x8] =	wrdreg s14  }
0xd: {  	s7 =	simm.s32 $0x6A00;
	s16 =	sadd.s32 $0x3FFFF80, s10;
	[dreg:$0x9] =	wrdreg s15  }
0xe: {  	s8 =	simm.s32 $0x8A00;
	s17 =	sor.u32 $0x80, s10;
	[dreg:$0xb] =	wrdreg s16  }
0xf: {  	s11 =	sshrl.u32 s10, $0x3;
	s18 =	sor.u32 $0x100, s10;
	[dreg:$0xc] =	wrdreg s17  }
0x10: {  	s20 =	sor.u32 $0x180, s10;
	s2 =	sshrl.u32 s2, $0x3;
	[dreg:$0xd] =	wrdreg s18  }
0x11: {  	s0 =	smax.u32 s31, $0x1;
	s31 =	sor.u32 $0xA00, s10;
	[dreg:$0xe] =	wrdreg s20  }
0x12: {  	s1 =	simm.s32 $0xC;
	s5 =	sadd.s32 s9, s11;
	[dreg:$0x16] =	wrdreg s0  }
0x13: {  	s11 =	sor.u32 $0x200, s10;
	s2 =	sadd.s32 s3, s2;
	[dreg:$0x18] =	wrdreg s31  }
0x14: {  	s12 =	simm.s32 $0x500;
	s16 =	simm.s32 $0xA00;
	[dreg:$0x7] =	wrdreg s5  }
0x15: {  	s17 =	simm.s32 $0x2A00;
	s5 =	sadd.s32 $0xA0, s5;
	[dreg:$0xf] =	wrdreg s11  }
0x16: {  	s10 =	simm.s32 $0xCA00;
	s22 =	sadd.s32 $0xC6C00, s2;
	[dreg:$0xa] =	wrdreg s5  }
0x17: {  	s13 =	simm.s32 $0x10A00;
	s23 =	sadd.s32 $0xC7000, s2;
	[dreg:$0x10] =	wrdreg s22  }
0x18: {  	s18 =	simm.s32 $0xE;
	s24 =	sadd.s32 $0xC7400, s2;
	[dreg:$0x11] =	wrdreg s23  }
0x19: {  	s14 =	simm.s32 $0xA;
	s25 =	sadd.s32 $0xC7800, s2;
	[dreg:$0x12] =	wrdreg s24  }
0x1a: {  	s2 =	sadd.s32 $0xC7C00, s2;
	s11 =	simm.s32 $0xEA00;
	[dreg:$0x14] =	wrdreg s25  }
.Ltmp0:
0x1b: {  	s5 =	sadd.s32 s21, s19;
	[dreg:$0x15] =	wrdreg s2;
	(pc) =	sbr.rel .LBB2_1-.Ltmp0, $4  }
0x1c: {  	s19 =	simm.s32 $0xAA00;
	s21 =	simm.s32 $0x7;
	s5 =	sor.u32 $0x500, s5  }
0x1d: {  	v0 =	vlaneseq.u32;
	s22 =	simm.s32 $0x8;
	s23 =	simm.s32 $0xD;
	s26 =	sshrl.u32 s5, $0x3  }
0x1e: {  	v0 =	vand.u32 $0x3, v0;
	s24 =	simm.s32 $0x9;
	s25 =	simm.s32 $0x12A00;
	s28 =	sadd.s32 s26, s9  }
0x1f: {  	v0 =	vmul.u32 $0x3E8, v0;
	s5 =	simm.s32 $0x0;
	s26 =	simm.s32 $0xF;
	[dreg:$0x17] =	wrdreg s28  }
.LBB2_6:
0x20: {  	s0 =	simm.s32 $0x6  }
0x21: {  	_ =	swait.ge [sflag:s0], $0x2000  }
0x22: {  	[sflag:s0] =	ssyncset.done $0x0  }
0x23: {  	s9 =	rddreg [dreg:$0x10];
	[sflag:s0] =	ssyncadd.s32 $0xFFFFE000  }
0x24: {  	[hbm4b:s9+s4] =	stream.linear.scatter [tilespmem:s19], [sflag:$0x10], $0x2000, $0x38;
	[tilespmem:$0x14A00] =	vst v63  }
0x25: {  	_ =	swait.ge [sflag:s21], $0x2000  }
0x26: {  	[sflag:s21] =	ssyncset.done $0x0  }
0x27: {  	s15 =	rddreg [dreg:$0x11];
	[sflag:s21] =	ssyncadd.s32 $0xFFFFE000  }
0x28: {  	[hbm4b:s15+s4] =	stream.linear.scatter [tilespmem:s10], [sflag:$0x11], $0x2000, $0x38;
	[tilespmem:$0x14A00] =	vst v63  }
0x29: {  	_ =	swait.ge [sflag:s22], $0x2000  }
0x2a: {  	[sflag:s22] =	ssyncset.done $0x0  }
0x2b: {  	s20 =	rddreg [dreg:$0x12];
	[sflag:s22] =	ssyncadd.s32 $0xFFFFE000  }
0x2c: {  	[hbm4b:s20+s4] =	stream.linear.scatter [tilespmem:s11], [sflag:$0x12], $0x2000, $0x38;
	[tilespmem:$0x14A00] =	vst v63  }
0x2d: {  	_ =	swait.ge [sflag:s24], $0x2000  }
0x2e: {  	[sflag:s24] =	ssyncset.done $0x0  }
0x2f: {  	s28 =	rddreg [dreg:$0x14];
	[sflag:s24] =	ssyncadd.s32 $0xFFFFE000  }
0x30: {  	[hbm4b:s28+s4] =	stream.linear.scatter [tilespmem:s13], [sflag:$0x13], $0x2000, $0x38;
	[tilespmem:$0x14A00] =	vst v63  }
0x31: {  	_ =	swait.ge [sflag:s14], $0x2000  }
0x32: {  	[sflag:s14] =	ssyncset.done $0x0  }
0x33: {  	s31 =	rddreg [dreg:$0x15];
	[sflag:s14] =	ssyncadd.s32 $0xFFFFE000  }
0x34: {  	[hbm4b:s31+s4] =	stream.linear.scatter [tilespmem:s25], [sflag:$0x14], $0x2000, $0x38;
	[tilespmem:$0x14A00] =	vst v63  }
0x35: {  	_ =	swait.ge [sflag:s2], $0x2000  }
0x36: {  	[sflag:s2] =	ssyncset.done $0x0  }
0x37: {  	[sflag:s2] =	ssyncadd.s32 $0xFFFFE000  }
0x38: {  	_ =	swait.ge [sflag:s1], $0x2000  }
0x39: {  	[sflag:s1] =	ssyncset.done $0x0  }
0x3a: {  	[sflag:s1] =	ssyncadd.s32 $0xFFFFE000  }
0x3b: {  	_ =	swait.ge [sflag:s23], $0x2000  }
0x3c: {  	[sflag:s23] =	ssyncset.done $0x0  }
0x3d: {  	[sflag:s23] =	ssyncadd.s32 $0xFFFFE000  }
0x3e: {  	_ =	swait.ge [sflag:s18], $0x2000  }
0x3f: {  	[sflag:s18] =	ssyncset.done $0x0  }
0x40: {  	[sflag:s18] =	ssyncadd.s32 $0xFFFFE000  }
0x41: {  	_ =	swait.ge [sflag:s26], $0x2000  }
0x42: {  	[sflag:s26] =	ssyncset.done $0x0  }
0x43: {  	s5 =	simm.s32 $0x10;
	[sflag:s26] =	ssyncadd.s32 $0xFFFFE000  }
0x44: {  	_ =	swait.ge [sflag:s5], $0x2000  }
0x45: {  	[sflag:s5] =	ssyncset.done $0x0  }
0x46: {  	s9 =	simm.s32 $0x11;
	[sflag:s5] =	ssyncadd.s32 $0xFFFFE000  }
0x47: {  	_ =	swait.ge [sflag:s9], $0x2000  }
0x48: {  	[sflag:s9] =	ssyncset.done $0x0  }
0x49: {  	s15 =	simm.s32 $0x12;
	[sflag:s9] =	ssyncadd.s32 $0xFFFFE000  }
0x4a: {  	_ =	swait.ge [sflag:s15], $0x2000  }
0x4b: {  	[sflag:s15] =	ssyncset.done $0x0  }
0x4c: {  	s20 =	simm.s32 $0x13;
	[sflag:s15] =	ssyncadd.s32 $0xFFFFE000  }
0x4d: {  	_ =	swait.ge [sflag:s20], $0x2000  }
0x4e: {  	[sflag:s20] =	ssyncset.done $0x0  }
0x4f: {  	s28 =	simm.s32 $0x14;
	[sflag:s20] =	ssyncadd.s32 $0xFFFFE000  }
0x50: {  	_ =	swait.ge [sflag:s28], $0x2000  }
0x51: {  	s5 =	rddreg [dreg:$0x19]  }
0x52: {  	s31 =	rddreg [dreg:$0x16];
	s5 =	sadd.s32 $0x1, s5  }
0x53: {  	p0 =	sne.s32 s5, s31  }
.Ltmp1:
0x54: {  	_ = 	snop;
	(pc) =	sbr.rel @!p0 .LBB2_7-.Ltmp1, $3  }
0x55: {  	_ =	sdelay $0x1  }
0x56: {  	[sflag:s28] =	ssyncset.done $0x0  }
0x57: {  	[sflag:s28] =	ssyncadd.s32 $0xFFFFE000  }
.LBB2_1:
0x58: {  	[dreg:$0x19] =	wrdreg s5  }
0x59: {  	s15 =	rddreg [dreg:$0x7];
	s0 =	simm.s32 $0x17  }
0x5a: {  	[tilespmem:s4], [sflag:$0x17] =	stream.linear.gather [hbm4b:s15+s4], $0x500, $0x38;
	[tilespmem:$0x14A00] =	vst v63  }
0x5b: {  	_ =	swait.ge [sflag:s0], $0x500  }
0x5c: {  	[sflag:s0] =	ssyncset.done $0x0  }
.Ltmp2:
0x5d: {  	s20 =	rddreg [dreg:$0xa];
	[sflag:s0] =	ssyncadd.s32 $0xFFFFFB00;
	(pc) =	sbr.rel .LBB2_2-.Ltmp2, $4  }
0x5e: {  	[tilespmem:s12], [sflag:$0x17] =	stream.linear.gather [hbm4b:s20+s4], $0x500, $0x38;
	[tilespmem:$0x14A00] =	vst v63  }
0x5f: {  	_ =	swait.ge [sflag:s0], $0x500  }
0x60: {  	s31 =	simm.s32 $0x0;
	[sflag:s0] =	ssyncset.done $0x0  }
0x61: {  	s20 =	simm.s32 $0x0;
	s28 =	rddreg [dreg:$0x17];
	[sflag:s0] =	ssyncadd.s32 $0xFFFFFB00  }
.LBB2_4:
0x62: {  	s0 =	rddreg [dreg:$0x13]  }
0x63: {  	s9 =	simm.s32 $0x6;
	s5 =	sadd.s32 s20, s0  }
0x64: {  	_ =	swait.ge [sflag:s9], $0x2000;
	s15 =	sadd.s32 $0x1FFFEC00, s5  }
0x65: {  	[sflag:s9] =	ssyncset.done $0x0;
	s15 =	sand.u32 $0x1FFFFC00, s15  }
0x66: {  	s2 =	simm.s32 $0xB;
	[sflag:s9] =	ssyncadd.s32 $0xFFFFE000;
	s15 =	sadd.s32 s3, s15  }
0x67: {  	[hbm4b:s15+s4] =	stream.linear.scatter [tilespmem:s19], [sflag:$0x10], $0x2000, $0x38;
	[tilespmem:$0x14A00] =	vst v63  }
0x68: {  	_ =	swait.ge [sflag:s2], $0x2000  }
0x69: {  	[sflag:s2] =	ssyncset.done $0x0  }
0x6a: {  	[sflag:s2] =	ssyncadd.s32 $0xFFFFE000  }
0x6b: {  	[tilespmem:s16], [sflag:$0x1] =	stream.indirect.gather [hbm4b:s6+s30], $0x40, s4, s30, $0xb8;
	[tilespmem:$0x14A00] =	vst v63  }
0x6c: {  	s0 =	sadd.s32 $0x1FFFF000, s5;
	_ =	swait.ge [sflag:s21], $0x2000  }
0x6d: {  	s15 =	sand.u32 $0x1FFFF000, s0;
	[sflag:s21] =	ssyncset.done $0x0  }
0x6e: {  	s15 =	sadd.s32 s3, s15;
	[sflag:s21] =	ssyncadd.s32 $0xFFFFE000  }
0x6f: {  	[hbm4b:s15+s4] =	stream.linear.scatter [tilespmem:s10], [sflag:$0x11], $0x2000, $0x38;
	[tilespmem:$0x14A00] =	vst v63  }
0x70: {  	_ =	swait.ge [sflag:s1], $0x2000  }
0x71: {  	[sflag:s1] =	ssyncset.done $0x0  }
0x72: {  	[sflag:s1] =	ssyncadd.s32 $0xFFFFE000  }
0x73: {  	[tilespmem:s17], [sflag:$0x2] =	stream.indirect.gather [hbm4b:s6+s30], $0x40, s30, s30, $0xb8;
	[tilespmem:$0x14A00] =	vst v63  }
0x74: {  	s21 =	sadd.s32 $0x1FFFF400, s5;
	_ =	swait.ge [sflag:s22], $0x2000  }
0x75: {  	s15 =	sand.u32 $0x1FFFF400, s21;
	[sflag:s22] =	ssyncset.done $0x0  }
0x76: {  	s15 =	sadd.s32 s3, s15;
	[sflag:s22] =	ssyncadd.s32 $0xFFFFE000  }
0x77: {  	[hbm4b:s15+s4] =	stream.linear.scatter [tilespmem:s11], [sflag:$0x12], $0x2000, $0x38;
	[tilespmem:$0x14A00] =	vst v63  }
0x78: {  	_ =	swait.ge [sflag:s23], $0x2000  }
0x79: {  	[sflag:s23] =	ssyncset.done $0x0  }
0x7a: {  	s22 =	simm.s32 $0x100;
	[sflag:s23] =	ssyncadd.s32 $0xFFFFE000  }
0x7b: {  	[tilespmem:s29], [sflag:$0x3] =	stream.indirect.gather [hbm4b:s6+s30], $0x40, s22, s30, $0xb8;
	[tilespmem:$0x14A00] =	vst v63  }
0x7c: {  	s23 =	sadd.s32 $0x1FFFF800, s5;
	_ =	swait.ge [sflag:s24], $0x2000  }
0x7d: {  	s15 =	sand.u32 $0x1FFFF800, s23;
	[sflag:s24] =	ssyncset.done $0x0  }
0x7e: {  	s15 =	sadd.s32 s3, s15;
	[sflag:s24] =	ssyncadd.s32 $0xFFFFE000  }
0x7f: {  	[hbm4b:s15+s4] =	stream.linear.scatter [tilespmem:s13], [sflag:$0x13], $0x2000, $0x38;
	[tilespmem:$0x14A00] =	vst v63  }
0x80: {  	_ =	swait.ge [sflag:s18], $0x2000  }
0x81: {  	[sflag:s18] =	ssyncset.done $0x0  }
0x82: {  	s24 =	simm.s32 $0x180;
	[sflag:s18] =	ssyncadd.s32 $0xFFFFE000  }
0x83: {  	[tilespmem:s7], [sflag:$0x4] =	stream.indirect.gather [hbm4b:s6+s30], $0x40, s24, s30, $0xb8;
	[tilespmem:$0x14A00] =	vst v63  }
0x84: {  	s1 =	simm.s32 $0xE;
	s5 =	sadd.s32 $0x1FFFFC00, s5;
	_ =	swait.ge [sflag:s14], $0x2000  }
0x85: {  	s11 =	simm.s32 $0xCA00;
	s5 =	sand.u32 $0x1FFFFC00, s5;
	[sflag:s14] =	ssyncset.done $0x0  }
0x86: {  	s22 =	simm.s32 $0xD;
	s5 =	sadd.s32 s3, s5;
	[sflag:s14] =	ssyncadd.s32 $0xFFFFE000  }
0x87: {  	[hbm4b:s5+s4] =	stream.linear.scatter [tilespmem:s25], [sflag:$0x14], $0x2000, $0x38;
	[tilespmem:$0x14A00] =	vst v63  }
0x88: {  	s23 =	simm.s32 $0x7;
	s13 =	simm.s32 $0xEA00;
	_ =	swait.ge [sflag:s26], $0x2000  }
0x89: {  	s18 =	simm.s32 $0x9;
	s7 =	simm.s32 $0x6A00;
	[sflag:s26] =	ssyncset.done $0x0  }
0x8a: {  	s14 =	simm.s32 $0xA;
	[sflag:s26] =	ssyncadd.s32 $0xFFFFE000;
	s26 =	simm.s32 $0x200  }
0x8b: {  	[tilespmem:s8], [sflag:$0x5] =	stream.indirect.gather [hbm4b:s6+s30], $0x40, s26, s30, $0xb8;
	[tilespmem:$0x14A00] =	vst v63  }
0x8c: {  	s5 =	smov.u32 s31;
	s25 =	simm.s32 $0xF;
	s31 =	simm.s32 $0x8  }
0x8d: {  	[tilespmem:s12], [sflag:$0x16] =	stream.linear.gather [hbm4b:s28+s4], $0x500, $0x38;
	[tilespmem:$0x14A00] =	vst v63  }
0x8e: {  	s8 =	simm.s32 $0x8A00;
	s26 =	simm.s32 $0x10A00;
	s12 =	simm.s32 $0xC  }
.LBB2_5:
0x8f: {  	s0 =	simm.s32 $0x1  }
0x90: {  	_ =	swait.ge [sflag:s0], $0x2000  }
0x91: {  	s10 =	rddreg [dreg:$0x4]  }
0x92: {  	s15 =	sadd.s32 s10, s5  }
0x93: {  	[sflag:s0] =	ssyncset.done $0x0;
	s15 =	sshll.u32 s15, $0x3  }
0x94: {  	[sflag:s0] =	ssyncadd.s32 $0xFFFFE000;
	s15 =	sadd.s32 s3, s15  }
0x95: {  	[hbm4b:s15+s4] =	stream.linear.scatter [tilespmem:s16], [sflag:$0xB], $0x2000, $0x38;
	[tilespmem:$0x14A00] =	vst v63  }
0x96: {  	s15 =	simm.s32 @!p1 $0x10  }
0x97: {  	_ =	swait.ge @!p1 [sflag:s15], $0x2000  }
0x98: {  	[sflag:s15] =	ssyncset.done @!p1 $0x0  }
0x99: {  	s16 =	rddreg [dreg:$0xc];
	[sflag:s15] =	ssyncadd.s32 @!p1 $0xFFFFE000;
	s15 =	simm.s32 $0x280  }
0x9a: {  	[tilespmem:s19], [sflag:$0x6] =	stream.indirect.gather [hbm4b:s6+s30], $0x40, s15, s30, $0xb8;
	[tilespmem:$0x14A00] =	vst v63  }
0x9b: {  	s0 =	simm.s32 $0x2;
	s19 =	sadd.s32 s5, s16  }
0x9c: {  	_ =	swait.ge [sflag:s0], $0x2000;
	s15 =	sshll.u32 s19, $0x3  }
0x9d: {  	[sflag:s0] =	ssyncset.done $0x0;
	s15 =	sand.u32 $0x1FFFF400, s15  }
0x9e: {  	[sflag:s0] =	ssyncadd.s32 $0xFFFFE000;
	s15 =	sadd.s32 s3, s15  }
0x9f: {  	[hbm4b:s15+s4] =	stream.linear.scatter [tilespmem:s17], [sflag:$0xC], $0x2000, $0x38;
	[tilespmem:$0x14A00] =	vst v63  }
0xa0: {  	s15 =	simm.s32 @!p1 $0x11  }
0xa1: {  	_ =	swait.ge @!p1 [sflag:s15], $0x2000  }
0xa2: {  	s21 =	simm.s32 $0x300;
	[sflag:s15] =	ssyncset.done @!p1 $0x0;
	s24 =	rddreg [dreg:$0xd]  }
0xa3: {  	[sflag:s15] =	ssyncadd.s32 @!p1 $0xFFFFE000;
	s10 =	sadd.s32 s5, s24;
	s24 =	simm.s32 $0x3  }
0xa4: {  	[tilespmem:s11], [sflag:$0x7] =	stream.indirect.gather [hbm4b:s6+s30], $0x40, s21, s30, $0xb8;
	[tilespmem:$0x14A00] =	vst v63  }
0xa5: {  	s15 =	sshll.u32 s10, $0x3;
	_ =	swait.ge [sflag:s24], $0x2000  }
0xa6: {  	s15 =	sand.u32 $0x1FFFF800, s15;
	[sflag:s24] =	ssyncset.done $0x0  }
0xa7: {  	s15 =	sadd.s32 s3, s15;
	[sflag:s24] =	ssyncadd.s32 $0xFFFFE000  }
0xa8: {  	[hbm4b:s15+s4] =	stream.linear.scatter [tilespmem:s29], [sflag:$0xD], $0x2000, $0x38;
	[tilespmem:$0x14A00] =	vst v63  }
0xa9: {  	s15 =	simm.s32 @!p1 $0x12  }
0xaa: {  	_ =	swait.ge @!p1 [sflag:s15], $0x2000  }
0xab: {  	s10 =	simm.s32 $0x4;
	[sflag:s15] =	ssyncset.done @!p1 $0x0;
	s19 =	rddreg [dreg:$0xe]  }
0xac: {  	[sflag:s15] =	ssyncadd.s32 @!p1 $0xFFFFE000;
	s15 =	simm.s32 $0x380;
	s16 =	sadd.s32 s5, s19  }
0xad: {  	[tilespmem:s13], [sflag:$0x8] =	stream.indirect.gather [hbm4b:s6+s30], $0x40, s15, s30, $0xb8;
	[tilespmem:$0x14A00] =	vst v63  }
0xae: {  	s15 =	sshll.u32 s16, $0x3;
	_ =	swait.ge [sflag:s10], $0x2000  }
0xaf: {  	s15 =	sand.u32 $0x1FFFFC00, s15;
	[sflag:s10] =	ssyncset.done $0x0  }
0xb0: {  	s15 =	sadd.s32 s3, s15;
	[sflag:s10] =	ssyncadd.s32 $0xFFFFE000  }
0xb1: {  	[hbm4b:s15+s4] =	stream.linear.scatter [tilespmem:s7], [sflag:$0xE], $0x2000, $0x38;
	[tilespmem:$0x14A00] =	vst v63  }
0xb2: {  	s15 =	simm.s32 @!p1 $0x13  }
0xb3: {  	_ =	swait.ge @!p1 [sflag:s15], $0x2000  }
0xb4: {  	s17 =	simm.s32 $0x400;
	[sflag:s15] =	ssyncset.done @!p1 $0x0;
	s21 =	rddreg [dreg:$0xf]  }
0xb5: {  	[sflag:s15] =	ssyncadd.s32 @!p1 $0xFFFFE000;
	s15 =	sadd.s32 s5, s21;
	s21 =	simm.s32 $0x5  }
0xb6: {  	[tilespmem:s26], [sflag:$0x9] =	stream.indirect.gather [hbm4b:s6+s30], $0x40, s17, s30, $0xb8;
	[tilespmem:$0x14A00] =	vst v63  }
0xb7: {  	s15 =	sshll.u32 s15, $0x3;
	_ =	swait.ge [sflag:s21], $0x2000  }
0xb8: {  	s15 =	sand.u32 $0x1FFFF000, s15;
	[sflag:s21] =	ssyncset.done $0x0  }
0xb9: {  	s15 =	sadd.s32 s3, s15;
	[sflag:s21] =	ssyncadd.s32 $0xFFFFE000  }
0xba: {  	[hbm4b:s15+s4] =	stream.linear.scatter [tilespmem:s8], [sflag:$0xF], $0x2000, $0x38;
	[tilespmem:$0x14A00] =	vst v63  }
0xbb: {  	s15 =	simm.s32 @p0 $0x14  }
0xbc: {  	_ =	swait.ge @p0 [sflag:s15], $0x2000  }
0xbd: {  	s16 =	simm.s32 @p0 $0x480;
	[sflag:s15] =	ssyncset.done @p0 $0x0  }
0xbe: {  	s17 =	simm.s32 @p0 $0x12A00;
	[sflag:s15] =	ssyncadd.s32 @p0 $0xFFFFE000;
	s15 =	simm.s32 @p0 $0x80  }
0xbf: {  	[tilespmem:s17], [sflag:$0xA] =	stream.indirect.gather @p0 [hbm4b:s6+s15], $0x40, s16, s15, $0xb8;
	[tilespmem:$0x14A00] =	vst v63  }
0xc0: {  	s15 =	simm.s32 @p0 $0x16  }
0xc1: {  	_ =	swait.ge @p0 [sflag:s15], $0x500  }
0xc2: {  	s16 =	simm.s32 @!p0 $0x480;
	[sflag:s15] =	ssyncset.done @p0 $0x0  }
0xc3: {  	s17 =	simm.s32 @!p0 $0x12A00;
	[sflag:s15] =	ssyncadd.s32 @p0 $0xFFFFFB00;
	s15 =	simm.s32 @!p0 $0x80  }
0xc4: {  	[tilespmem:s17], [sflag:$0xA] =	stream.indirect.gather @!p0 [hbm4b:s6+s15], $0x40, s16, s15, $0xb8;
	[tilespmem:$0x14A00] =	vst v63  }
0xc5: {  	v1 =	vld [tilespmem:$0x500]  }
0xc6: {  	v2 =	vld [tilespmem:$0x510]  }
0xc7: {  	v3 =	vld [tilespmem:$0x520]  }
0xc8: {  	v4 =	vld [tilespmem:$0x530]  }
0xc9: {  	v5 =	vld [tilespmem:$0x540]  }
0xca: {  	v6 =	vld [tilespmem:$0x550];
	v1 =	vadd.s32 v0, v1  }
0xcb: {  	[tilespmem:$0x500] =	vst v1;
	v1 =	vadd.s32 v0, v2;
	v2 =	vld [tilespmem:$0x560]  }
0xcc: {  	[tilespmem:$0x510] =	vst v1;
	v1 =	vadd.s32 v0, v3;
	v3 =	vld [tilespmem:$0x570]  }
0xcd: {  	v20 =	vld [tilespmem:$0x580];
	[tilespmem:$0x520] =	vst v1;
	v1 =	vadd.s32 v0, v4  }
0xce: {  	v21 =	vld [tilespmem:$0x590];
	[tilespmem:$0x530] =	vst v1;
	v1 =	vadd.s32 v0, v5  }
0xcf: {  	v22 =	vld [tilespmem:$0x5A0];
	[tilespmem:$0x540] =	vst v1;
	v1 =	vadd.s32 v0, v6  }
0xd0: {  	[tilespmem:$0x550] =	vst v1;
	v1 =	vadd.s32 v0, v2;
	v2 =	vld [tilespmem:$0x5B0]  }
0xd1: {  	[tilespmem:$0x560] =	vst v1;
	v1 =	vadd.s32 v0, v3;
	v3 =	vld [tilespmem:$0x5C0]  }
0xd2: {  	v23 =	vld [tilespmem:$0x5D0];
	[tilespmem:$0x570] =	vst v1;
	v1 =	vadd.s32 v0, v20  }
0xd3: {  	v24 =	vld [tilespmem:$0x5E0];
	[tilespmem:$0x580] =	vst v1;
	v1 =	vadd.s32 v0, v21  }
0xd4: {  	v25 =	vld [tilespmem:$0x5F0];
	[tilespmem:$0x590] =	vst v1;
	v1 =	vadd.s32 v0, v22  }
0xd5: {  	[tilespmem:$0x5A0] =	vst v1;
	v1 =	vadd.s32 v0, v2;
	v2 =	vld [tilespmem:$0x600]  }
0xd6: {  	[tilespmem:$0x5B0] =	vst v1;
	v1 =	vadd.s32 v0, v3;
	v3 =	vld [tilespmem:$0x610]  }
0xd7: {  	v26 =	vld [tilespmem:$0x620];
	[tilespmem:$0x5C0] =	vst v1;
	v1 =	vadd.s32 v0, v23  }
0xd8: {  	v27 =	vld [tilespmem:$0x630];
	[tilespmem:$0x5D0] =	vst v1;
	v1 =	vadd.s32 v0, v24  }
0xd9: {  	v28 =	vld [tilespmem:$0x640];
	[tilespmem:$0x5E0] =	vst v1;
	v1 =	vadd.s32 v0, v25  }
0xda: {  	[tilespmem:$0x5F0] =	vst v1;
	v1 =	vadd.s32 v0, v2;
	v2 =	vld [tilespmem:$0x650]  }
0xdb: {  	[tilespmem:$0x600] =	vst v1;
	v1 =	vadd.s32 v0, v3;
	v3 =	vld [tilespmem:$0x660]  }
0xdc: {  	v29 =	vld [tilespmem:$0x670];
	[tilespmem:$0x610] =	vst v1;
	v1 =	vadd.s32 v0, v26  }
0xdd: {  	v30 =	vld [tilespmem:$0x680];
	[tilespmem:$0x620] =	vst v1;
	v1 =	vadd.s32 v0, v27  }
0xde: {  	v31 =	vld [tilespmem:$0x690];
	[tilespmem:$0x630] =	vst v1;
	v1 =	vadd.s32 v0, v28  }
0xdf: {  	[tilespmem:$0x640] =	vst v1;
	v1 =	vadd.s32 v0, v2;
	v2 =	vld [tilespmem:$0x6A0]  }
0xe0: {  	[tilespmem:$0x650] =	vst v1;
	v1 =	vadd.s32 v0, v3;
	v3 =	vld [tilespmem:$0x6B0]  }
0xe1: {  	v32 =	vld [tilespmem:$0x6C0];
	[tilespmem:$0x660] =	vst v1;
	v1 =	vadd.s32 v0, v29  }
0xe2: {  	v33 =	vld [tilespmem:$0x6D0];
	[tilespmem:$0x670] =	vst v1;
	v1 =	vadd.s32 v0, v30  }
0xe3: {  	v34 =	vld [tilespmem:$0x6E0];
	[tilespmem:$0x680] =	vst v1;
	v1 =	vadd.s32 v0, v31  }
0xe4: {  	[tilespmem:$0x690] =	vst v1;
	v1 =	vadd.s32 v0, v2;
	v2 =	vld [tilespmem:$0x6F0]  }
0xe5: {  	[tilespmem:$0x6A0] =	vst v1;
	v1 =	vadd.s32 v0, v3;
	v3 =	vld [tilespmem:$0x700]  }
0xe6: {  	v35 =	vld [tilespmem:$0x710];
	[tilespmem:$0x6B0] =	vst v1;
	v1 =	vadd.s32 v0, v32  }
0xe7: {  	v36 =	vld [tilespmem:$0x720];
	[tilespmem:$0x6C0] =	vst v1;
	v1 =	vadd.s32 v0, v33  }
0xe8: {  	v37 =	vld [tilespmem:$0x730];
	[tilespmem:$0x6D0] =	vst v1;
	v1 =	vadd.s32 v0, v34  }
0xe9: {  	[tilespmem:$0x6E0] =	vst v1;
	v1 =	vadd.s32 v0, v2;
	v2 =	vld [tilespmem:$0x740]  }
0xea: {  	[tilespmem:$0x6F0] =	vst v1;
	v1 =	vadd.s32 v0, v3;
	v3 =	vld [tilespmem:$0x750]  }
0xeb: {  	v38 =	vld [tilespmem:$0x760];
	[tilespmem:$0x700] =	vst v1;
	v1 =	vadd.s32 v0, v35  }
0xec: {  	v39 =	vld [tilespmem:$0x770];
	[tilespmem:$0x710] =	vst v1;
	v1 =	vadd.s32 v0, v36  }
0xed: {  	v40 =	vld [tilespmem:$0x780];
	[tilespmem:$0x720] =	vst v1;
	v1 =	vadd.s32 v0, v37  }
0xee: {  	[tilespmem:$0x730] =	vst v1;
	v1 =	vadd.s32 v0, v2;
	v2 =	vld [tilespmem:$0x790]  }
0xef: {  	[tilespmem:$0x740] =	vst v1;
	v1 =	vadd.s32 v0, v3;
	v3 =	vld [tilespmem:$0x7A0]  }
0xf0: {  	v41 =	vld [tilespmem:$0x7B0];
	[tilespmem:$0x750] =	vst v1;
	v1 =	vadd.s32 v0, v38  }
0xf1: {  	v42 =	vld [tilespmem:$0x7C0];
	[tilespmem:$0x760] =	vst v1;
	v1 =	vadd.s32 v0, v39  }
0xf2: {  	v43 =	vld [tilespmem:$0x7D0];
	[tilespmem:$0x770] =	vst v1;
	v1 =	vadd.s32 v0, v40  }
0xf3: {  	[tilespmem:$0x780] =	vst v1;
	v1 =	vadd.s32 v0, v2;
	v2 =	vld [tilespmem:$0x7E0]  }
0xf4: {  	[tilespmem:$0x790] =	vst v1;
	v1 =	vadd.s32 v0, v3;
	v3 =	vld [tilespmem:$0x7F0]  }
0xf5: {  	v44 =	vld [tilespmem:$0x800];
	[tilespmem:$0x7A0] =	vst v1;
	v1 =	vadd.s32 v0, v41  }
0xf6: {  	v45 =	vld [tilespmem:$0x810];
	[tilespmem:$0x7B0] =	vst v1;
	v1 =	vadd.s32 v0, v42  }
0xf7: {  	v46 =	vld [tilespmem:$0x820];
	[tilespmem:$0x7C0] =	vst v1;
	v1 =	vadd.s32 v0, v43  }
0xf8: {  	[tilespmem:$0x7D0] =	vst v1;
	v1 =	vadd.s32 v0, v2;
	v2 =	vld [tilespmem:$0x830]  }
0xf9: {  	[tilespmem:$0x7E0] =	vst v1;
	v1 =	vadd.s32 v0, v3;
	v3 =	vld [tilespmem:$0x840]  }
0xfa: {  	v47 =	vld [tilespmem:$0x850];
	[tilespmem:$0x7F0] =	vst v1;
	v1 =	vadd.s32 v0, v44  }
0xfb: {  	v48 =	vld [tilespmem:$0x860];
	[tilespmem:$0x800] =	vst v1;
	v1 =	vadd.s32 v0, v45  }
0xfc: {  	v49 =	vld [tilespmem:$0x870];
	[tilespmem:$0x810] =	vst v1;
	v1 =	vadd.s32 v0, v46  }
0xfd: {  	[tilespmem:$0x820] =	vst v1;
	v1 =	vadd.s32 v0, v2;
	v2 =	vld [tilespmem:$0x880]  }
0xfe: {  	[tilespmem:$0x830] =	vst v1;
	v1 =	vadd.s32 v0, v3;
	v3 =	vld [tilespmem:$0x890]  }
0xff: {  	v50 =	vld [tilespmem:$0x8A0];
	[tilespmem:$0x840] =	vst v1;
	v1 =	vadd.s32 v0, v47  }
0x100: {  	v51 =	vld [tilespmem:$0x8B0];
	[tilespmem:$0x850] =	vst v1;
	v1 =	vadd.s32 v0, v48  }
0x101: {  	v52 =	vld [tilespmem:$0x8C0];
	[tilespmem:$0x860] =	vst v1;
	v1 =	vadd.s32 v0, v49  }
0x102: {  	[tilespmem:$0x870] =	vst v1;
	v1 =	vadd.s32 v0, v2;
	v2 =	vld [tilespmem:$0x8D0]  }
0x103: {  	[tilespmem:$0x880] =	vst v1;
	v1 =	vadd.s32 v0, v3;
	v3 =	vld [tilespmem:$0x8E0]  }
0x104: {  	v53 =	vld [tilespmem:$0x8F0];
	[tilespmem:$0x890] =	vst v1;
	v1 =	vadd.s32 v0, v50  }
0x105: {  	v54 =	vld [tilespmem:$0x900];
	[tilespmem:$0x8A0] =	vst v1;
	v1 =	vadd.s32 v0, v51  }
0x106: {  	v55 =	vld [tilespmem:$0x910];
	[tilespmem:$0x8B0] =	vst v1;
	v1 =	vadd.s32 v0, v52  }
0x107: {  	[tilespmem:$0x8C0] =	vst v1;
	v1 =	vadd.s32 v0, v2;
	v2 =	vld [tilespmem:$0x920]  }
0x108: {  	[tilespmem:$0x8D0] =	vst v1;
	v1 =	vadd.s32 v0, v3;
	v3 =	vld [tilespmem:$0x930]  }
0x109: {  	v56 =	vld [tilespmem:$0x940];
	[tilespmem:$0x8E0] =	vst v1;
	v1 =	vadd.s32 v0, v53  }
0x10a: {  	v57 =	vld [tilespmem:$0x950];
	[tilespmem:$0x8F0] =	vst v1;
	v1 =	vadd.s32 v0, v54  }
0x10b: {  	v58 =	vld [tilespmem:$0x960];
	[tilespmem:$0x900] =	vst v1;
	v1 =	vadd.s32 v0, v55  }
0x10c: {  	[tilespmem:$0x910] =	vst v1;
	v1 =	vadd.s32 v0, v2;
	v2 =	vld [tilespmem:$0x970]  }
0x10d: {  	[tilespmem:$0x920] =	vst v1;
	v1 =	vadd.s32 v0, v3;
	v3 =	vld [tilespmem:$0x980]  }
0x10e: {  	v59 =	vld [tilespmem:$0x990];
	[tilespmem:$0x930] =	vst v1;
	v1 =	vadd.s32 v0, v56  }
0x10f: {  	v60 =	vld [tilespmem:$0x9A0];
	[tilespmem:$0x940] =	vst v1;
	v1 =	vadd.s32 v0, v57  }
0x110: {  	v61 =	vld [tilespmem:$0x9B0];
	[tilespmem:$0x950] =	vst v1;
	v1 =	vadd.s32 v0, v58  }
0x111: {  	[tilespmem:$0x960] =	vst v1;
	v1 =	vadd.s32 v0, v2;
	v2 =	vld [tilespmem:$0x9C0]  }
0x112: {  	[tilespmem:$0x970] =	vst v1;
	v1 =	vadd.s32 v0, v3;
	v3 =	vld [tilespmem:$0x9D0]  }
0x113: {  	v62 =	vld [tilespmem:$0x9E0];
	[tilespmem:$0x980] =	vst v1;
	v1 =	vadd.s32 v0, v59  }
0x114: {  	v63 =	vld [tilespmem:$0x9F0];
	[tilespmem:$0x990] =	vst v1;
	v1 =	vadd.s32 v0, v60  }
0x115: {  	[tilespmem:$0x9A0] =	vst v1;
	v1 =	vadd.s32 v0, v61  }
0x116: {  	[tilespmem:$0x9B0] =	vst v1;
	v1 =	vadd.s32 v0, v2  }
0x117: {  	[tilespmem:$0x9C0] =	vst v1;
	v1 =	vadd.s32 v0, v3  }
0x118: {  	s15 =	sadd.s32 @p0 $0x500, s5;
	[tilespmem:$0x9D0] =	vst v1;
	v1 =	vadd.s32 v0, v62  }
0x119: {  	s16 =	rddreg [dreg:$0x5];
	s15 =	simm.s32 @!p0 $0x500;
	[tilespmem:$0x9E0] =	vst v1;
	v1 =	vadd.s32 v0, v63  }
0x11a: {  	s16 =	sadd.s32 s15, s16;
	[tilespmem:$0x9F0] =	vst v1  }
0x11b: {  	s16 =	sshll.u32 s16, $0x3;
	_ =	swait.ge [sflag:s9], $0x2000  }
0x11c: {  	s16 =	sand.u32 $0x1FFFF400, s16;
	[sflag:s9] =	ssyncset.done $0x0  }
0x11d: {  	s16 =	sadd.s32 s3, s16;
	[sflag:s9] =	ssyncadd.s32 $0xFFFFE000;
	s9 =	simm.s32 $0xAA00  }
0x11e: {  	[hbm4b:s16+s4] =	stream.linear.scatter [tilespmem:s9], [sflag:$0x10], $0x2000, $0x38;
	[tilespmem:$0x14A00] =	vst v63  }
0x11f: {  	_ =	swait.ge [sflag:s2], $0x2000  }
0x120: {  	s29 =	simm.s32 $0xA00;
	[sflag:s2] =	ssyncset.done $0x0  }
0x121: {  	s16 =	simm.s32 $0x500;
	[sflag:s2] =	ssyncadd.s32 $0xFFFFE000;
	s2 =	rddreg [dreg:$0x6]  }
0x122: {  	[tilespmem:s29], [sflag:$0x1] =	stream.indirect.gather [hbm4b:s6+s30], $0x40, s16, s30, $0xb8;
	[tilespmem:$0x14A00] =	vst v63  }
0x123: {  	s16 =	sadd.s32 s15, s2  }
0x124: {  	_ =	swait.ge [sflag:s23], $0x2000;
	s16 =	sshll.u32 s16, $0x3  }
0x125: {  	[sflag:s23] =	ssyncset.done $0x0;
	s16 =	sand.u32 $0x1FFFF800, s16  }
0x126: {  	[sflag:s23] =	ssyncadd.s32 $0xFFFFE000;
	s16 =	sadd.s32 s3, s16  }
0x127: {  	[hbm4b:s16+s4] =	stream.linear.scatter [tilespmem:s11], [sflag:$0x11], $0x2000, $0x38;
	[tilespmem:$0x14A00] =	vst v63  }
0x128: {  	_ =	swait.ge [sflag:s12], $0x2000  }
0x129: {  	s17 =	simm.s32 $0x2A00;
	[sflag:s12] =	ssyncset.done $0x0  }
0x12a: {  	s9 =	simm.s32 $0x580;
	[sflag:s12] =	ssyncadd.s32 $0xFFFFE000;
	s12 =	rddreg [dreg:$0x8]  }
0x12b: {  	[tilespmem:s17], [sflag:$0x2] =	stream.indirect.gather [hbm4b:s6+s30], $0x40, s9, s30, $0xb8;
	[tilespmem:$0x14A00] =	vst v63  }
0x12c: {  	s16 =	sadd.s32 s15, s12  }
0x12d: {  	_ =	swait.ge [sflag:s31], $0x2000;
	s16 =	sshll.u32 s16, $0x3  }
0x12e: {  	[sflag:s31] =	ssyncset.done $0x0;
	s16 =	sand.u32 $0x1FFFFC00, s16  }
0x12f: {  	[sflag:s31] =	ssyncadd.s32 $0xFFFFE000;
	s16 =	sadd.s32 s3, s16  }
0x130: {  	[hbm4b:s16+s4] =	stream.linear.scatter [tilespmem:s13], [sflag:$0x12], $0x2000, $0x38;
	[tilespmem:$0x14A00] =	vst v63  }
0x131: {  	_ =	swait.ge [sflag:s22], $0x2000  }
0x132: {  	s29 =	simm.s32 $0x4A00;
	[sflag:s22] =	ssyncset.done $0x0;
	s2 =	rddreg [dreg:$0x9]  }
0x133: {  	s23 =	simm.s32 $0x600;
	[sflag:s22] =	ssyncadd.s32 $0xFFFFE000;
	s16 =	sadd.s32 s15, s2  }
0x134: {  	[tilespmem:s29], [sflag:$0x3] =	stream.indirect.gather [hbm4b:s6+s30], $0x40, s23, s30, $0xb8;
	[tilespmem:$0x14A00] =	vst v63  }
0x135: {  	s16 =	sshll.u32 s16, $0x3;
	_ =	swait.ge [sflag:s18], $0x2000  }
0x136: {  	s16 =	sand.u32 $0x1FFFF000, s16;
	[sflag:s18] =	ssyncset.done $0x0  }
0x137: {  	s16 =	sadd.s32 s3, s16;
	[sflag:s18] =	ssyncadd.s32 $0xFFFFE000  }
0x138: {  	[hbm4b:s16+s4] =	stream.linear.scatter [tilespmem:s26], [sflag:$0x13], $0x2000, $0x38;
	[tilespmem:$0x14A00] =	vst v63  }
0x139: {  	_ =	swait.ge [sflag:s1], $0x2000  }
0x13a: {  	[sflag:s1] =	ssyncset.done $0x0;
	s12 =	rddreg [dreg:$0xb]  }
0x13b: {  	s9 =	simm.s32 $0x680;
	[sflag:s1] =	ssyncadd.s32 $0xFFFFE000;
	s16 =	sadd.s32 s15, s12  }
0x13c: {  	[tilespmem:s7], [sflag:$0x4] =	stream.indirect.gather [hbm4b:s6+s30], $0x40, s9, s30, $0xb8;
	[tilespmem:$0x14A00] =	vst v63  }
0x13d: {  	s16 =	sshll.u32 s16, $0x3;
	_ =	swait.ge [sflag:s14], $0x2000  }
0x13e: {  	s16 =	sand.u32 $0x1FFFF400, s16;
	[sflag:s14] =	ssyncset.done $0x0  }
0x13f: {  	s9 =	simm.s32 $0x12A00;
	s16 =	sadd.s32 s3, s16;
	[sflag:s14] =	ssyncadd.s32 $0xFFFFE000  }
0x140: {  	[hbm4b:s16+s4] =	stream.linear.scatter [tilespmem:s9], [sflag:$0x14], $0x2000, $0x38;
	[tilespmem:$0x14A00] =	vst v63  }
0x141: {  	p0 =	seq.s32 s20, $0xC3000;
	_ =	swait.ge [sflag:s25], $0x2000  }
0x142: {  	s18 =	simm.s32 $0x700;
	[sflag:s25] =	ssyncset.done $0x0;
	s16 =	rddreg [dreg:$0x18]  }
0x143: {  	s22 =	rddreg [dreg:$0x4];
	[sflag:s25] =	ssyncadd.s32 $0xFFFFE000;
	s5 =	sadd.s32 @!p0 s5, s16  }
0x144: {  	[tilespmem:s8], [sflag:$0x5] =	stream.indirect.gather [hbm4b:s6+s30], $0x40, s18, s30, $0xb8;
	[tilespmem:$0x14A00] =	vst v63  }
0x145: {  	s23 =	sadd.s32 s22, s15;
	s5 =	sshrl.u32 @!p0 s5, $0x3;
	s16 =	rddreg [dreg:$0x0]  }
0x146: {  	s25 =	simm.s32 $0x1;
	s5 =	sadd.s32 @!p0 s16, s5;
	s16 =	simm.s32 @!p0 $0x0  }
0x147: {  	[tilespmem:s16], [sflag:$0x15] =	stream.linear.gather @!p0 [hbm4b:s5+s16], $0x500, $0x38;
	[tilespmem:$0x14A00] =	vst v63  }
0x148: {  	s5 =	sshll.u32 s23, $0x3;
	_ =	swait.ge [sflag:s25], $0x2000  }
0x149: {  	s2 =	simm.s32 $0x1;
	s5 =	sand.u32 $0x1FFFF800, s5;
	[sflag:s25] =	ssyncset.done $0x0  }
0x14a: {  	s16 =	simm.s32 $0xA00;
	s5 =	sadd.s32 s3, s5;
	[sflag:s2] =	ssyncadd.s32 $0xFFFFE000  }
0x14b: {  	[hbm4b:s5+s4] =	stream.linear.scatter [tilespmem:s16], [sflag:$0xB], $0x2000, $0x38;
	[tilespmem:$0x14A00] =	vst v63  }
0x14c: {  	s5 =	simm.s32 $0x10  }
0x14d: {  	_ =	swait.ge [sflag:s5], $0x2000  }
0x14e: {  	s12 =	simm.s32 $0xAA00;
	[sflag:s5] =	ssyncset.done $0x0;
	s18 =	rddreg [dreg:$0xc]  }
0x14f: {  	s14 =	simm.s32 $0x780;
	[sflag:s5] =	ssyncadd.s32 $0xFFFFE000;
	s22 =	sadd.s32 s15, s18  }
0x150: {  	[tilespmem:s12], [sflag:$0x6] =	stream.indirect.gather [hbm4b:s6+s30], $0x40, s14, s30, $0xb8;
	[tilespmem:$0x14A00] =	vst v63  }
0x151: {  	s5 =	sshll.u32 s22, $0x3;
	_ =	swait.ge [sflag:s0], $0x2000  }
0x152: {  	s5 =	sand.u32 $0x1FFFFC00, s5;
	[sflag:s0] =	ssyncset.done $0x0  }
0x153: {  	s23 =	simm.s32 $0x11;
	s5 =	sadd.s32 s3, s5;
	[sflag:s0] =	ssyncadd.s32 $0xFFFFE000  }
0x154: {  	[hbm4b:s5+s4] =	stream.linear.scatter [tilespmem:s17], [sflag:$0xC], $0x2000, $0x38;
	[tilespmem:$0x14A00] =	vst v63  }
0x155: {  	s28 =	sadd.s32 $0x140, s28;
	_ =	swait.ge [sflag:s23], $0x2000  }
0x156: {  	s20 =	sadd.s32 $0x5000, s20;
	[sflag:s23] =	ssyncset.done $0x0;
	s1 =	rddreg [dreg:$0xd]  }
0x157: {  	s25 =	simm.s32 $0x800;
	[sflag:s23] =	ssyncadd.s32 $0xFFFFE000;
	s2 =	sadd.s32 s15, s1  }
0x158: {  	[tilespmem:s11], [sflag:$0x7] =	stream.indirect.gather [hbm4b:s6+s30], $0x40, s25, s30, $0xb8;
	[tilespmem:$0x14A00] =	vst v63  }
0x159: {  	p0 =	sne.s32 s20, $0xC8000;
	s5 =	sshll.u32 s2, $0x3;
	_ =	swait.ge [sflag:s24], $0x2000  }
0x15a: {  	s18 =	simm.s32 $0x13;
	s5 =	sand.u32 $0x1FFFF000, s5;
	[sflag:s24] =	ssyncset.done $0x0  }
0x15b: {  	s11 =	simm.s32 $0x12;
	s5 =	sadd.s32 s3, s5;
	[sflag:s24] =	ssyncadd.s32 $0xFFFFE000  }
0x15c: {  	[hbm4b:s5+s4] =	stream.linear.scatter [tilespmem:s29], [sflag:$0xD], $0x2000, $0x38;
	[tilespmem:$0x14A00] =	vst v63  }
0x15d: {  	s12 =	simm.s32 $0x880;
	s14 =	sadd.s32 s15, s19;
	_ =	swait.ge [sflag:s11], $0x2000  }
0x15e: {  	s19 =	simm.s32 $0xAA00;
	s22 =	simm.s32 $0x900;
	[sflag:s11] =	ssyncset.done $0x0  }
0x15f: {  	s1 =	simm.s32 $0xC;
	s25 =	simm.s32 $0x14;
	[sflag:s11] =	ssyncadd.s32 $0xFFFFE000  }
0x160: {  	[tilespmem:s13], [sflag:$0x8] =	stream.indirect.gather [hbm4b:s6+s30], $0x40, s12, s30, $0xb8;
	[tilespmem:$0x14A00] =	vst v63  }
0x161: {  	s2 =	simm.s32 $0xB;
	s5 =	sshll.u32 s14, $0x3;
	_ =	swait.ge [sflag:s10], $0x2000  }
0x162: {  	s14 =	simm.s32 $0xA;
	s5 =	sand.u32 $0x1FFFF400, s5;
	[sflag:s10] =	ssyncset.done $0x0  }
0x163: {  	s5 =	sadd.s32 s3, s5;
	s11 =	simm.s32 $0xEA00;
	[sflag:s10] =	ssyncadd.s32 $0xFFFFE000  }
0x164: {  	[hbm4b:s5+s4] =	stream.linear.scatter [tilespmem:s7], [sflag:$0xE], $0x2000, $0x38;
	[tilespmem:$0x14A00] =	vst v63  }
0x165: {  	s12 =	simm.s32 $0x500;
	s13 =	simm.s32 $0x10A00;
	_ =	swait.ge [sflag:s18], $0x2000  }
0x166: {  	s10 =	simm.s32 $0xCA00;
	[sflag:s18] =	ssyncset.done $0x0;
	s23 =	rddreg [dreg:$0xf]  }
0x167: {  	s7 =	simm.s32 $0x6A00;
	[sflag:s18] =	ssyncadd.s32 $0xFFFFE000;
	s24 =	sadd.s32 s15, s23  }
0x168: {  	[tilespmem:s26], [sflag:$0x9] =	stream.indirect.gather [hbm4b:s6+s30], $0x40, s22, s30, $0xb8;
	[tilespmem:$0x14A00] =	vst v63  }
0x169: {  	s23 =	simm.s32 $0xD;
	s5 =	sshll.u32 s24, $0x3;
	_ =	swait.ge [sflag:s21], $0x2000  }
0x16a: {  	s18 =	simm.s32 $0xE;
	s5 =	sand.u32 $0x1FFFF800, s5;
	[sflag:s21] =	ssyncset.done $0x0  }
0x16b: {  	s26 =	simm.s32 $0x980;
	s5 =	sadd.s32 s3, s5;
	[sflag:s21] =	ssyncadd.s32 $0xFFFFE000  }
0x16c: {  	[hbm4b:s5+s4] =	stream.linear.scatter [tilespmem:s8], [sflag:$0xF], $0x2000, $0x38;
	[tilespmem:$0x14A00] =	vst v63  }
.Ltmp3:
0x16d: {  	s22 =	simm.s32 $0x8;
	_ =	swait.ge [sflag:s25], $0x2000;
	(pc) =	sbr.rel @!p0 .LBB2_6-.Ltmp3, $4  }
0x16e: {  	s24 =	simm.s32 $0x9;
	s21 =	simm.s32 $0x7;
	[sflag:s25] =	ssyncset.done $0x0  }
0x16f: {  	s8 =	simm.s32 $0x8A00;
	s31 =	rddreg [dreg:$0x1a];
	[sflag:s25] =	ssyncadd.s32 $0xFFFFE000  }
0x170: {  	[tilespmem:s9], [sflag:$0xA] =	stream.indirect.gather [hbm4b:s6+s30], $0x40, s26, s30, $0xb8;
	[tilespmem:$0x14A00] =	vst v63  }
0x171: {  	s31 =	sadd.s32 $0xA00, s31;
	s25 =	simm.s32 $0x12A00;
	s26 =	simm.s32 $0xF  }
.LBB2_2:
0x172: {  	p1 =	seq.s32 s20, $0x0  }
0x173: {  	s5 =	simm.s32 @!p1 $0x15  }
0x174: {  	_ =	swait.ge @!p1 [sflag:s5], $0x500  }
0x175: {  	[sflag:s5] =	ssyncset.done @!p1 $0x0  }
0x176: {  	[sflag:s5] =	ssyncadd.s32 @!p1 $0xFFFFFB00  }
0x177: {  	v1 =	vld [tilespmem:$0x0]  }
0x178: {  	v2 =	vld [tilespmem:$0x10]  }
0x179: {  	v3 =	vld [tilespmem:$0x20]  }
0x17a: {  	v4 =	vld [tilespmem:$0x30]  }
0x17b: {  	v5 =	vld [tilespmem:$0x40]  }
0x17c: {  	v6 =	vld [tilespmem:$0x50];
	v1 =	vadd.s32 v0, v1  }
0x17d: {  	[tilespmem:$0x0] =	vst v1;
	v1 =	vadd.s32 v0, v2;
	v2 =	vld [tilespmem:$0x60]  }
0x17e: {  	[tilespmem:$0x10] =	vst v1;
	v1 =	vadd.s32 v0, v3;
	v3 =	vld [tilespmem:$0x70]  }
0x17f: {  	v20 =	vld [tilespmem:$0x80];
	[tilespmem:$0x20] =	vst v1;
	v1 =	vadd.s32 v0, v4  }
0x180: {  	v21 =	vld [tilespmem:$0x90];
	[tilespmem:$0x30] =	vst v1;
	v1 =	vadd.s32 v0, v5  }
0x181: {  	v22 =	vld [tilespmem:$0xA0];
	[tilespmem:$0x40] =	vst v1;
	v1 =	vadd.s32 v0, v6  }
0x182: {  	[tilespmem:$0x50] =	vst v1;
	v1 =	vadd.s32 v0, v2;
	v2 =	vld [tilespmem:$0xB0]  }
0x183: {  	[tilespmem:$0x60] =	vst v1;
	v1 =	vadd.s32 v0, v3;
	v3 =	vld [tilespmem:$0xC0]  }
0x184: {  	v23 =	vld [tilespmem:$0xD0];
	[tilespmem:$0x70] =	vst v1;
	v1 =	vadd.s32 v0, v20  }
0x185: {  	v24 =	vld [tilespmem:$0xE0];
	[tilespmem:$0x80] =	vst v1;
	v1 =	vadd.s32 v0, v21  }
0x186: {  	v25 =	vld [tilespmem:$0xF0];
	[tilespmem:$0x90] =	vst v1;
	v1 =	vadd.s32 v0, v22  }
0x187: {  	[tilespmem:$0xA0] =	vst v1;
	v1 =	vadd.s32 v0, v2;
	v2 =	vld [tilespmem:$0x100]  }
0x188: {  	[tilespmem:$0xB0] =	vst v1;
	v1 =	vadd.s32 v0, v3;
	v3 =	vld [tilespmem:$0x110]  }
0x189: {  	v26 =	vld [tilespmem:$0x120];
	[tilespmem:$0xC0] =	vst v1;
	v1 =	vadd.s32 v0, v23  }
0x18a: {  	v27 =	vld [tilespmem:$0x130];
	[tilespmem:$0xD0] =	vst v1;
	v1 =	vadd.s32 v0, v24  }
0x18b: {  	v28 =	vld [tilespmem:$0x140];
	[tilespmem:$0xE0] =	vst v1;
	v1 =	vadd.s32 v0, v25  }
0x18c: {  	[tilespmem:$0xF0] =	vst v1;
	v1 =	vadd.s32 v0, v2;
	v2 =	vld [tilespmem:$0x150]  }
0x18d: {  	[tilespmem:$0x100] =	vst v1;
	v1 =	vadd.s32 v0, v3;
	v3 =	vld [tilespmem:$0x160]  }
0x18e: {  	v29 =	vld [tilespmem:$0x170];
	[tilespmem:$0x110] =	vst v1;
	v1 =	vadd.s32 v0, v26  }
0x18f: {  	v30 =	vld [tilespmem:$0x180];
	[tilespmem:$0x120] =	vst v1;
	v1 =	vadd.s32 v0, v27  }
0x190: {  	v31 =	vld [tilespmem:$0x190];
	[tilespmem:$0x130] =	vst v1;
	v1 =	vadd.s32 v0, v28  }
0x191: {  	[tilespmem:$0x140] =	vst v1;
	v1 =	vadd.s32 v0, v2;
	v2 =	vld [tilespmem:$0x1A0]  }
0x192: {  	[tilespmem:$0x150] =	vst v1;
	v1 =	vadd.s32 v0, v3;
	v3 =	vld [tilespmem:$0x1B0]  }
0x193: {  	v32 =	vld [tilespmem:$0x1C0];
	[tilespmem:$0x160] =	vst v1;
	v1 =	vadd.s32 v0, v29  }
0x194: {  	v33 =	vld [tilespmem:$0x1D0];
	[tilespmem:$0x170] =	vst v1;
	v1 =	vadd.s32 v0, v30  }
0x195: {  	v34 =	vld [tilespmem:$0x1E0];
	[tilespmem:$0x180] =	vst v1;
	v1 =	vadd.s32 v0, v31  }
0x196: {  	[tilespmem:$0x190] =	vst v1;
	v1 =	vadd.s32 v0, v2;
	v2 =	vld [tilespmem:$0x1F0]  }
0x197: {  	[tilespmem:$0x1A0] =	vst v1;
	v1 =	vadd.s32 v0, v3;
	v3 =	vld [tilespmem:$0x200]  }
0x198: {  	v35 =	vld [tilespmem:$0x210];
	[tilespmem:$0x1B0] =	vst v1;
	v1 =	vadd.s32 v0, v32  }
0x199: {  	v36 =	vld [tilespmem:$0x220];
	[tilespmem:$0x1C0] =	vst v1;
	v1 =	vadd.s32 v0, v33  }
0x19a: {  	v37 =	vld [tilespmem:$0x230];
	[tilespmem:$0x1D0] =	vst v1;
	v1 =	vadd.s32 v0, v34  }
0x19b: {  	[tilespmem:$0x1E0] =	vst v1;
	v1 =	vadd.s32 v0, v2;
	v2 =	vld [tilespmem:$0x240]  }
0x19c: {  	[tilespmem:$0x1F0] =	vst v1;
	v1 =	vadd.s32 v0, v3;
	v3 =	vld [tilespmem:$0x250]  }
0x19d: {  	v38 =	vld [tilespmem:$0x260];
	[tilespmem:$0x200] =	vst v1;
	v1 =	vadd.s32 v0, v35  }
0x19e: {  	v39 =	vld [tilespmem:$0x270];
	[tilespmem:$0x210] =	vst v1;
	v1 =	vadd.s32 v0, v36  }
0x19f: {  	v40 =	vld [tilespmem:$0x280];
	[tilespmem:$0x220] =	vst v1;
	v1 =	vadd.s32 v0, v37  }
0x1a0: {  	[tilespmem:$0x230] =	vst v1;
	v1 =	vadd.s32 v0, v2;
	v2 =	vld [tilespmem:$0x290]  }
0x1a1: {  	[tilespmem:$0x240] =	vst v1;
	v1 =	vadd.s32 v0, v3;
	v3 =	vld [tilespmem:$0x2A0]  }
0x1a2: {  	v41 =	vld [tilespmem:$0x2B0];
	[tilespmem:$0x250] =	vst v1;
	v1 =	vadd.s32 v0, v38  }
0x1a3: {  	v42 =	vld [tilespmem:$0x2C0];
	[tilespmem:$0x260] =	vst v1;
	v1 =	vadd.s32 v0, v39  }
0x1a4: {  	v43 =	vld [tilespmem:$0x2D0];
	[tilespmem:$0x270] =	vst v1;
	v1 =	vadd.s32 v0, v40  }
0x1a5: {  	[tilespmem:$0x280] =	vst v1;
	v1 =	vadd.s32 v0, v2;
	v2 =	vld [tilespmem:$0x2E0]  }
0x1a6: {  	[tilespmem:$0x290] =	vst v1;
	v1 =	vadd.s32 v0, v3;
	v3 =	vld [tilespmem:$0x2F0]  }
0x1a7: {  	v44 =	vld [tilespmem:$0x300];
	[tilespmem:$0x2A0] =	vst v1;
	v1 =	vadd.s32 v0, v41  }
0x1a8: {  	v45 =	vld [tilespmem:$0x310];
	[tilespmem:$0x2B0] =	vst v1;
	v1 =	vadd.s32 v0, v42  }
0x1a9: {  	v46 =	vld [tilespmem:$0x320];
	[tilespmem:$0x2C0] =	vst v1;
	v1 =	vadd.s32 v0, v43  }
0x1aa: {  	[tilespmem:$0x2D0] =	vst v1;
	v1 =	vadd.s32 v0, v2;
	v2 =	vld [tilespmem:$0x330]  }
0x1ab: {  	[tilespmem:$0x2E0] =	vst v1;
	v1 =	vadd.s32 v0, v3;
	v3 =	vld [tilespmem:$0x340]  }
0x1ac: {  	v47 =	vld [tilespmem:$0x350];
	[tilespmem:$0x2F0] =	vst v1;
	v1 =	vadd.s32 v0, v44  }
0x1ad: {  	v48 =	vld [tilespmem:$0x360];
	[tilespmem:$0x300] =	vst v1;
	v1 =	vadd.s32 v0, v45  }
0x1ae: {  	v49 =	vld [tilespmem:$0x370];
	[tilespmem:$0x310] =	vst v1;
	v1 =	vadd.s32 v0, v46  }
0x1af: {  	[tilespmem:$0x320] =	vst v1;
	v1 =	vadd.s32 v0, v2;
	v2 =	vld [tilespmem:$0x380]  }
0x1b0: {  	[tilespmem:$0x330] =	vst v1;
	v1 =	vadd.s32 v0, v3;
	v3 =	vld [tilespmem:$0x390]  }
0x1b1: {  	v50 =	vld [tilespmem:$0x3A0];
	[tilespmem:$0x340] =	vst v1;
	v1 =	vadd.s32 v0, v47  }
0x1b2: {  	v51 =	vld [tilespmem:$0x3B0];
	[tilespmem:$0x350] =	vst v1;
	v1 =	vadd.s32 v0, v48  }
0x1b3: {  	v52 =	vld [tilespmem:$0x3C0];
	[tilespmem:$0x360] =	vst v1;
	v1 =	vadd.s32 v0, v49  }
0x1b4: {  	[tilespmem:$0x370] =	vst v1;
	v1 =	vadd.s32 v0, v2;
	v2 =	vld [tilespmem:$0x3D0]  }
0x1b5: {  	[tilespmem:$0x380] =	vst v1;
	v1 =	vadd.s32 v0, v3;
	v3 =	vld [tilespmem:$0x3E0]  }
0x1b6: {  	v53 =	vld [tilespmem:$0x3F0];
	[tilespmem:$0x390] =	vst v1;
	v1 =	vadd.s32 v0, v50  }
0x1b7: {  	v54 =	vld [tilespmem:$0x400];
	[tilespmem:$0x3A0] =	vst v1;
	v1 =	vadd.s32 v0, v51  }
0x1b8: {  	v55 =	vld [tilespmem:$0x410];
	[tilespmem:$0x3B0] =	vst v1;
	v1 =	vadd.s32 v0, v52  }
0x1b9: {  	[tilespmem:$0x3C0] =	vst v1;
	v1 =	vadd.s32 v0, v2;
	v2 =	vld [tilespmem:$0x420]  }
0x1ba: {  	[tilespmem:$0x3D0] =	vst v1;
	v1 =	vadd.s32 v0, v3;
	v3 =	vld [tilespmem:$0x430]  }
0x1bb: {  	v56 =	vld [tilespmem:$0x440];
	[tilespmem:$0x3E0] =	vst v1;
	v1 =	vadd.s32 v0, v53  }
0x1bc: {  	v57 =	vld [tilespmem:$0x450];
	[tilespmem:$0x3F0] =	vst v1;
	v1 =	vadd.s32 v0, v54  }
0x1bd: {  	v58 =	vld [tilespmem:$0x460];
	[tilespmem:$0x400] =	vst v1;
	v1 =	vadd.s32 v0, v55  }
0x1be: {  	[tilespmem:$0x410] =	vst v1;
	v1 =	vadd.s32 v0, v2;
	v2 =	vld [tilespmem:$0x470]  }
0x1bf: {  	[tilespmem:$0x420] =	vst v1;
	v1 =	vadd.s32 v0, v3;
	v3 =	vld [tilespmem:$0x480]  }
0x1c0: {  	v59 =	vld [tilespmem:$0x490];
	[tilespmem:$0x430] =	vst v1;
	v1 =	vadd.s32 v0, v56  }
0x1c1: {  	v60 =	vld [tilespmem:$0x4A0];
	[tilespmem:$0x440] =	vst v1;
	v1 =	vadd.s32 v0, v57  }
0x1c2: {  	v61 =	vld [tilespmem:$0x4B0];
	[tilespmem:$0x450] =	vst v1;
	v1 =	vadd.s32 v0, v58  }
0x1c3: {  	[tilespmem:$0x460] =	vst v1;
	v1 =	vadd.s32 v0, v2;
	v2 =	vld [tilespmem:$0x4C0]  }
0x1c4: {  	[tilespmem:$0x470] =	vst v1;
	v1 =	vadd.s32 v0, v3;
	v3 =	vld [tilespmem:$0x4D0]  }
0x1c5: {  	v62 =	vld [tilespmem:$0x4E0];
	[tilespmem:$0x480] =	vst v1;
	v1 =	vadd.s32 v0, v59  }
0x1c6: {  	v63 =	vld [tilespmem:$0x4F0];
	[tilespmem:$0x490] =	vst v1;
	v1 =	vadd.s32 v0, v60  }
0x1c7: {  	p0 =	sne.s32 s20, $0x0;
	[tilespmem:$0x4A0] =	vst v1;
	v1 =	vadd.s32 v0, v61  }
.Ltmp4:
0x1c8: {  	[tilespmem:$0x4B0] =	vst v1;
	v1 =	vadd.s32 v0, v2;
	(pc) =	sbr.rel @p0 .LBB2_4-.Ltmp4, $4  }
0x1c9: {  	[tilespmem:$0x4C0] =	vst v1;
	v1 =	vadd.s32 v0, v3  }
0x1ca: {  	[tilespmem:$0x4D0] =	vst v1;
	v1 =	vadd.s32 v0, v62  }
0x1cb: {  	[tilespmem:$0x4E0] =	vst v1;
	v1 =	vadd.s32 v0, v63  }
0x1cc: {  	[dreg:$0x1a] =	wrdreg s31;
	[tilespmem:$0x4F0] =	vst v1  }
0x1cd: {  	s5 =	simm.s32 $0x0;
	s0 =	simm.s32 $0x100  }
0x1ce: {  	s25 =	simm.s32 $0x180;
	s26 =	simm.s32 $0x200;
	s12 =	simm.s32 $0xC  }
0x1cf: {  	[tilespmem:s16], [sflag:$0x1] =	stream.indirect.gather [hbm4b:s6+s30], $0x40, s5, s30, $0xb8;
	[tilespmem:$0x14A00] =	vst v63  }
0x1d0: {  	s1 =	simm.s32 $0xE;
	s18 =	simm.s32 $0x9;
	s14 =	simm.s32 $0xA  }
0x1d1: {  	[tilespmem:s17], [sflag:$0x2] =	stream.indirect.gather [hbm4b:s6+s30], $0x40, s30, s30, $0xb8;
	[tilespmem:$0x14A00] =	vst v63  }
0x1d2: {  	s31 =	simm.s32 $0x8;
	s22 =	simm.s32 $0xD;
	s23 =	simm.s32 $0x7  }
0x1d3: {  	[tilespmem:s29], [sflag:$0x3] =	stream.indirect.gather [hbm4b:s6+s30], $0x40, s0, s30, $0xb8;
	[tilespmem:$0x14A00] =	vst v63  }
.Ltmp5:
0x1d4: {  	s13 =	simm.s32 $0xEA00;
	s11 =	simm.s32 $0xCA00;
	(pc) =	sbr.rel .LBB2_5-.Ltmp5, $4  }
0x1d5: {  	[tilespmem:s7], [sflag:$0x4] =	stream.indirect.gather [hbm4b:s6+s30], $0x40, s25, s30, $0xb8;
	[tilespmem:$0x14A00] =	vst v63  }
0x1d6: {  	s9 =	simm.s32 $0x6;
	s2 =	simm.s32 $0xB;
	s25 =	simm.s32 $0xF  }
0x1d7: {  	[tilespmem:s8], [sflag:$0x5] =	stream.indirect.gather [hbm4b:s6+s30], $0x40, s26, s30, $0xb8;
	[tilespmem:$0x14A00] =	vst v63  }
0x1d8: {  	s7 =	simm.s32 $0x6A00;
	s8 =	simm.s32 $0x8A00;
	s26 =	simm.s32 $0x10A00  }
.LBB2_7:
0x1d9: {  	_ =	sfence.sel $0x180000  }
0x1da: {  	[bflag:$0x0] =	sbarrier.arrive $0xFFFF  }
0x1db: {  	_ =	strace $0x90000047  }
0x1dc: {  	s0 =	stileid.u32;
	[bflag:$0x2] =	sbarrier.arrive $0xFFFF  }
0x1dd: {  	p0 =	sne.s32 s0, $0x0;
	s0 =	rddreg [dreg:$0x3]  }
0x1de: {  	s0 =	sadd.s32 @!p0 $0x100000, s0  }
0x1df: {  	[sflag:s0] =	ssyncadd.tile.s32 @!p0 $0x1;
	_ =	shalt  }
.Lfunc_end2:
_tile_overlayer_lowered:
.L_overlay_start_2:
0x1e0: {  	(tag) =	ssettag $0x2  }
0x1e1: {  	s0 =	rddreg [dreg:$0x0];
	s2 =	stileid.u32  }
0x1e2: {  	s1 =	rddreg [dreg:$0x1];
	p0 =	sne.s32 s2, $0x0  }
0x1e3: {  	s3 =	rddreg [dreg:$0x2];
	[bflag:$0x3] =	sbarrier.arrive $0xFFFF;
	s2 =	simm.s32 @!p0 $0x1C17  }
0x1e4: {  	[timem:s3], [sflag:s2] =	dma.local @!p0 [hbm:s0], s1  }
0x1e5: {  	s0 =	simm.s32 @!p0 $0x17  }
0x1e6: {  	_ =	swait.ge @!p0 [sflag:s0], s1  }
0x1e7: {  	s1 =	ssub.s32 @!p0 $0x0, s1;
	[sflag:s0] =	ssyncset.done @!p0 $0x0  }
0x1e8: {  	[sflag:s0] =	ssyncadd.s32 @!p0 s1  }
0x1e9: {  	[bflag:$0x3] =	sbarrier.arrive $0xFFFF  }
0x1ea: {  	_ =	shalt  }

// kernel: sparse-core-data-format-call.cloned.1.call-start
scs
called_computation_lowered:
.L_overlay_start_0:
0x0: {  	s2 =	sld [smem:$0x3FD9]  }
0x1: {  	s3 =	sld [smem:$0x3FFE];
	_ =	sdelay $0x1  }
0x2: {  	s1 =	srdreg.scid  }
0x3: {  	s0 =	sand.u32 $0x1, s1  }
0x4: {  	s18 =	sshll.u32 s0, $0xA;
	s2 =	sadd.s32 s3, s2  }
0x5: {  	s2 =	sadd.s32 s2, s18  }
0x6: {  	[smem:$0x3FC6] =	sst s2  }
0x7: {  	_ = 	snop  }
0x8: {  	s2 =	sld [smem:$0x3FD0];
	(tm) =	ssettm $0x1  }
0x9: {  	s19 =	sld [smem:$0x3FFB];
	_ =	sdelay $0x3  }
0xa: {  	_ =	strace s19  }
0xb: {  	s3 =	sld [smem:$0x3FFC];
	_ =	sdelay $0x3  }
0xc: {  	_ =	strace s3  }
0xd: {  	s3 =	sld [smem:$0x3FFD];
	_ =	sdelay $0x3  }
0xe: {  	_ =	strace s3  }
0xf: {  	_ =	strace $0x8FFFFFFF  }
0x10: {  	s20 =	sld [smem:$0x3FDB];
	_ =	sdelay $0x1  }
0x11: {  	s4 =	simm.s32 $_scs_section_size  }
0x12: {  	s5 =	simm.s32 $_size__tile_overlayer_lowered;
	s6 =	simm.s32 $_tile_overlayer_lowered  }
0x13: {  	s23 =	simm.s32 $0x1BFF;
	s22 =	sshll.u32 s6, $0x1;
	s3 =	sadd.s32 s4, s20  }
0x14: {  	s7 =	simm.s32 $0x0;
	s21 =	sshll.u32 s5, $0x1;
	s5 =	sadd.s32 s22, s3  }
0x15: {  	[timem:s7], [sflag:s23] =	dma.local [hbm:s5], s21  }
0x16: {  	_ =	swait.ge [sflag:s23], s21  }
0x17: {  	s4 =	ssub.s32 $0x0, s21;
	[sflag:s23] =	ssyncset.done $0x0  }
0x18: {  	[sflag:s23] =	ssyncadd.s32 s4;
	_ =	sdelay $0x1  }
0x19: {  	s24 =	simm.s32 $0x1B8B  }
0x1a: {  	_ =	swait.ge [sflag:s24], $0x1  }
0x1b: {  	[sflag:s24] =	ssyncset.done $0x0  }
0x1c: {  	s26 =	simm.s32 $0x1B8E;
	s25 =	sld [smem:$0x3FFE];
	[sflag:s24] =	ssyncadd.s32 $0xFFFFFFFF  }
0x1d: {  	s27 =	simm.s32 $execute0_lowered;
	[smem:$0x3FD2] =	sst s26  }
0x1e: {  	s5 =	sshll.u32 s27, $0x1;
	_ =	strace $0x80000049;
	[dreg:$0x1] =	wrdreg $0xFFFFFFFF  }
0x1f: {  	s28 =	simm.s32 $_size_execute0_lowered;
	s3 =	sadd.s32 s3, s5;
	[dreg:$0x0] =	wrdreg $0x0  }
0x20: {  	s5 =	sshll.u32 s28, $0x1;
	[dreg:$0x2] =	wrdreg s3  }
0x21: {  	[dreg:$0x3] =	wrdreg s5  }
0x22: {  	[dreg:$0x4] =	wrdreg $0xC0  }
0x23: {  	_ =	task [dreg:s7], $0x5FFFF  }
0x24: {  	[dreg:$0x1] =	wrdreg $0xFFFFFFFF  }
0x25: {  	[dreg:$0x0] =	wrdreg $0x60  }
0x26: {  	[dreg:$0x2] =	wrdreg s25  }
0x27: {  	[dreg:$0x3] =	wrdreg s2  }
0x28: {  	[dreg:$0x4] =	wrdreg $0x9  }
0x29: {  	_ =	task.clear_ibuf [dreg:s7], $0x5FFFF;
	_ =	strace $0x90000049  }
0x2a: {  	s29 =	simm.s32 $0x9;
	_ =	strace $0x8000004B  }
0x2b: {  	_ =	swait.ge [sflag:s29], $0x1  }
0x2c: {  	[sflag:s29] =	ssyncadd.s32 $0xFFFFFFFF  }
0x2d: {  	_ =	strace $0x9000004B  }
0x2e: {  	_ =	sfence  }
0x2f: {  	s30 =	sld [smem:$0x0];
	_ =	sdelay $0x2  }
0x30: {  	s31 =	sshll.u32 s1, $0xD;
	s1 =	sshrl.u32 s1, $0x2  }
0x31: {  	s3 =	sand.u32 $0x4000, s31;
	s1 =	sadd.s32 s1, s30  }
0x32: {  	s0 =	sor.u32 s3, s0;
	s1 =	sshll.u32 s1, $0x11  }
0x33: {  	s0 =	sor.u32 s1, s0  }
0x34: {  	s0 =	sadd.s32 $0x8F2B, s0  }
0x35: {  	[sflag:s0] =	ssyncadd.remote.s32 $0x1  }
0x36: {  	_ =	sfence.sel $0xFFFF  }
0x37: {  	[dreg:$0x0] =	wrdreg $0xFFFFFFFF;
	(pc) =	sbr.abs _section_cstart, $3  }
0x38: {  	[dreg:$0x1] =	wrdreg $0xFFFFFFFF  }
0x39: {  	_ =	task.clear_ibuf [dreg:s7], $0x2FFFF;
	_ =	strace $0x9FFFFFFF  }
0x3a: {  	(tm) =	ssettm $0x7FFFFFFF  }
0x3b: {  	_ =	shalt  }
tec
execute0_lowered:
.L_overlay_start_1:
0x0: {  	(tag) =	ssettag $0x1  }
0x1: {  	s0 =	srdreg.scid  }
0x2: {  	s1 =	sshll.u32 s0, $0x4  }
0x3: {  	s4 =	rddreg [dreg:$0x0];
	s0 =	stileid.u32;
	s1 =	sand.u32 $0x10, s1  }
0x4: {  	s2 =	rddreg [dreg:$0x1];
	s7 =	simm.s32 $0x1;
	s1 =	sor.u32 s0, s1  }
0x5: {  	s8 =	simm.s32 $0x2;
	s11 =	simm.s32 $0x0;
	s3 =	sshll.u32 s1, $0x7  }
0x6: {  	s10 =	simm.s32 $0x0;
	s4 =	sadd.s32 $0x800, s4;
	s6 =	ssub.s32 $0x320000, s3  }
.Ltmp0:
0x7: {  	s1 =	rddreg [dreg:$0x2];
	s5 =	sand.u32 $0xF80, s6;
	(pc) =	sbr.rel .LBB1_1-.Ltmp0, $4  }
0x8: {  	_ =	strace $0x8000004A;
	s9 =	smov.u32 s3;
	p0 =	sne.s32 s5, $0x0  }
0x9: {  	s6 =	sshrl.u32 s6, $0xC;
	s5 =	simm.s32 $0x1;
	s7 =	simm.s32 @!p0 $0x0  }
0xa: {  	[sflag:s5] =	ssyncpa.u1 $0x0;
	p0 =	por $0x0, $0x0;
	s6 =	sadd.s32 s7, s6  }
0xb: {  	[sflag:s8] =	ssyncpa.u1 $0x0;
	s8 =	simm.s32 $0x1900000;
	s7 =	sadd.s32 $0x1, s6  }
.LBB1_4:
0xc: {  	s14 =	sshll.u32 s11, $0x3  }
0xd: {  	s30 =	sand.u32 $0x7F, s11;
	s15 =	sand.u32 $0xFFFFFC00, s14  }
0xe: {  	s11 =	sor.u32 s30, s15  }
0xf: {  	s15 =	smulhi.u32 $0x51EB851F, s11  }
0x10: {  	s14 =	smulhi.u32 $0x51EB851F, s14  }
0x11: {  	s15 =	sshrl.u32 s15, $0x14  }
0x12: {  	s14 =	sshrl.u32 s14, $0x14;
	s15 =	smul.u32 $0x320000, s15  }
0x13: {  	s14 =	sand.u32 $0x3F, s14  }
0x14: {  	s14 =	smul.u32 $0x64000, s14;
	s11 =	ssub.s32 s11, s15  }
0x15: {  	[tilespmem:s13+$0x810 ss:$0x81] =	vst.msk $0xffff, v2;
	s15 =	sand.u32 $0x7, s11  }
0x16: {  	[tilespmem:s13+$0x1020 ss:$0x81] =	vst.msk $0xffff, v0;
	s14 =	sadd.s32 s2, s14;
	s11 =	sshrl.u32 s11, $0x3;
	s15 =	sshll.u32 s15, $0x12  }
0x17: {  	[tilespmem:s13+$0x0 ss:$0x81] =	vst.msk $0xffff, v1;
	s11 =	sadd.s32 s11, s14;
	s31 =	sor.u32 $0x400, s15  }
0x18: {  	[hbm4b:s11+s31] =	stream.strided.scatter [tilespmem:s12], [sflag:$0x2], $0x2000, s8, s31, $0x20;
	[tilespmem:$0x8080] =	vst v63  }
.LBB1_5:
0x19: {  	s13 =	sadd.s32 $0x1000, s9  }
0x1a: {  	p2 =	sgt.s32 s13, $0x31FFFF  }
0x1b: {  	s13 =	smov.u32 @p2 s3;
	p2 =	sne.s32 s10, s7  }
.Ltmp1:
0x1c: {  	p1 =	slt.u32 s10, $0x2;
	(pc) =	sbr.rel @!p2 .LBB1_6-.Ltmp1, $4  }
0x1d: {  	s12 =	simm.s32 @!p1 $0x2  }
0x1e: {  	s14 =	sadd.s32 $0x1, s10;
	_ =	swait.ge @!p1 [sflag:s12], $0x2000  }
0x1f: {  	s11 =	smov.u32 s9;
	p0 =	por !p0, !p0;
	[sflag:s12] =	ssyncset.done @!p1 $0x0  }
0x20: {  	s10 =	smov.u32 s14;
	s9 =	smov.u32 s13;
	[sflag:s12] =	ssyncadd.s32 @!p1 $0xFFFFE000  }
.LBB1_1:
0x21: {  	p1 =	sge.u32 s10, s6  }
0x22: {  	s12 =	sand.u32 @!p1 $0x1FFFFFF, s9  }
0x23: {  	s13 =	smulhi.u32 @!p1 $0x147AE15, s12;
	_ =	sdelay $0x1  }
0x24: {  	s13 =	sshrl.u32 @!p1 s13, $0xE  }
0x25: {  	s13 =	smul.u32 @!p1 $0x320000, s13;
	_ =	sdelay $0x1  }
0x26: {  	s31 =	sadd.s32 $0xFFFFFFFF, s10;
	s14 =	sxor.u32 @!p1 $0xFFFFFFFF, s10;
	s12 =	ssub.s32 @!p1 s12, s13  }
0x27: {  	s15 =	simm.s32 @!p1 $0x80;
	s14 =	sshll.u32 @!p1 s14, $0xD;
	s12 =	sshll.u32 @!p1 s12, $0x4  }
0x28: {  	s13 =	sand.u32 @!p1 $0x2000, s14;
	s14 =	simm.s32 @!p1 $0x40;
	s12 =	sadd.s32 @!p1 s4, s12  }
0x29: {  	[tilespmem:s13], [sflag:$0x1] =	stream.strided.gather @!p1 [hbm4b:s12+s14], $0x2000, s15, s14, $0x38;
	[tilespmem:$0x8080] =	vst v63  }
0x2a: {  	p1 =	sge.u32 s31, s6  }
.Ltmp2:
0x2b: {  	_ = 	snop;
	(pc) =	sbr.rel @p1 .LBB1_5-.Ltmp2, $1  }
0x2c: {  	_ =	sdelay $0x3  }
0x2d: {  	s12 =	simm.s32 $0x1  }
0x2e: {  	_ =	swait.ge [sflag:s5], $0x2000;
	s12 =	simm.s32 @!p0 $0x0  }
0x2f: {  	[sflag:s5] =	ssyncset.done $0x0;
	s13 =	sshll.u32 s12, $0xD  }
0x30: {  	[sflag:s5] =	ssyncadd.s32 $0xFFFFE000;
	s16 =	sor.u32 $0x20, s13  }
0x31: {  	s12 =	smul.u32 $0x8100, s12;
	v3 =	vld [tilespmem:s16+$0x10]  }
0x32: {  	s30 =	sand.u32 $0x1, s10;
	v2 =	vld [tilespmem:s16+$0xFFFFFFF0]  }
0x33: {  	s13 =	smul.u32 $0x8100, s30;
	s12 =	sshrl.u32 s12, $0x2;
	v0 =	vld [tilespmem:s16+$0x0]  }
0x34: {  	v1 =	vld [tilespmem:s16+$0xFFFFFFE0];
	s14 =	sor.u32 $0x4000, s12  }
0x35: {  	s31 =	sshrl.u32 s13, $0x2;
	s13 =	sadd.s32 $0x0, s14  }
0x36: {  	s15 =	simm.s32 $0x4;
	s16 =	sadd.s32 $0x40, s16;
	s12 =	sor.u32 $0x4000, s31;
	[tilespmem:s13+$0x1830 ss:$0x81] =	vst.msk $0xffff, v3  }
.LBB1_3:
0x37: {  	v3 =	vld [tilespmem:s16+$0x10];
	p1 =	sne.s32 s15, $0x1FC;
	[tilespmem:s13+$0x810 ss:$0x81] =	vst.msk $0xffff, v2;
	s17 =	smov.u32 s15;
	s15 =	sadd.s32 $0x4, s15  }
.Ltmp3:
0x38: {  	v2 =	vld [tilespmem:s16+$0xFFFFFFF0];
	[tilespmem:s13+$0x1020 ss:$0x81] =	vst.msk $0xffff, v0;
	(pc) =	sbr.rel @p1 .LBB1_3-.Ltmp3, $4  }
0x39: {  	v0 =	vld [tilespmem:s16+$0x0];
	[tilespmem:s13+$0x0 ss:$0x81] =	vst.msk $0xffff, v1  }
0x3a: {  	s13 =	sshra.s32 s17, $0x2;
	v1 =	vld [tilespmem:s16+$0xFFFFFFE0]  }
0x3b: {  	s13 =	sadd.s32 s13, s14  }
0x3c: {  	s16 =	sadd.s32 $0x40, s16;
	[tilespmem:s13+$0x1830 ss:$0x81] =	vst.msk $0xffff, v3  }
.Ltmp4:
0x3d: {  	_ = 	snop;
	(pc) =	sbr.rel .LBB1_4-.Ltmp4, $1  }
0x3e: {  	_ =	sdelay $0x3  }
.LBB1_6:
0x3f: {  	_ =	sfence.sel $0x180000  }
0x40: {  	s2 =	simm.s32 $0x1;
	[bflag:$0x0] =	sbarrier.arrive $0xFFFF  }
0x41: {  	s31 =	simm.s32 $0x2;
	[sflag:s2] =	ssyncpa.u1 $0x1  }
0x42: {  	[sflag:s31] =	ssyncpa.u1 $0x1  }
0x43: {  	p0 =	sne.s32 s0, $0x0;
	_ =	strace $0x9000004A  }
0x44: {  	s0 =	sadd.s32 @!p0 $0x100000, s1;
	[bflag:$0x2] =	sbarrier.arrive $0xFFFF  }
0x45: {  	[sflag:s0] =	ssyncadd.tile.s32 @!p0 $0x1;
	_ =	shalt  }
.Lfunc_end1:
_tile_overlayer_lowered:
.L_overlay_start_2:
0x46: {  	(tag) =	ssettag $0x2  }
0x47: {  	s0 =	rddreg [dreg:$0x0];
	s2 =	stileid.u32  }
0x48: {  	s1 =	rddreg [dreg:$0x1];
	p0 =	sne.s32 s2, $0x0  }
0x49: {  	s3 =	rddreg [dreg:$0x2];
	[bflag:$0x3] =	sbarrier.arrive $0xFFFF;
	s2 =	simm.s32 @!p0 $0x1C01  }
0x4a: {  	[timem:s3], [sflag:s2] =	dma.local @!p0 [hbm:s0], s1  }
0x4b: {  	s0 =	simm.s32 @!p0 $0x1  }
0x4c: {  	_ =	swait.ge @!p0 [sflag:s0], s1  }
0x4d: {  	s1 =	ssub.s32 @!p0 $0x0, s1;
	[sflag:s0] =	ssyncset.done @!p0 $0x0  }
0x4e: {  	[sflag:s0] =	ssyncadd.s32 @!p0 s1  }
0x4f: {  	[bflag:$0x3] =	sbarrier.arrive $0xFFFF  }
0x50: {  	_ =	shalt  }

</sc_bundles>
